<compile_context>
chip_gen: v7x
topology: tpu7x:2x2x1
jax: 0.10.2.dev20260603
libtpu: 0.0.44.dev20260713+nightly
codegen_flags: <defaults>
</compile_context>

<pallas_src>
import functools

import jax
import jax.numpy as jnp
from jax import lax
from jax.experimental import pallas as pl
from jax.experimental.pallas import tpu as pltpu
from jax.experimental.pallas import tpu_sc as plsc

N_NODES = 10000
DIM = 128
N_EDGES = 320000

NC = 2
NS = 16
NW = NC * NS
CHUNK = 64
E_PAD = 327680
R_TOT = E_PAD // CHUNK
N_ACC = 10112
ROWS_PER_TILE = N_ACC // NS
IDX_G = 16
NBUF = 4
NCH0 = 304
NCH1 = 16
NCH_D = R_TOT // NW
DEG_W = 128


def _feat_body(x_hbm, src_hbm, dst_hbm, zf_hbm,
               acc_out,
               acc_sh, src_v, dst_v, *bufs_and_sems):
    msgs = bufs_and_sems[:NBUF]
    gsems = bufs_and_sems[NBUF:2 * NBUF]
    ssems = bufs_and_sems[2 * NBUF:3 * NBUF]
    cid = lax.axis_index("c")
    sid = lax.axis_index("s")
    r0 = sid * ROWS_PER_TILE
    pltpu.sync_copy(zf_hbm, acc_sh.at[pl.ds(r0, ROWS_PER_TILE)])
    row0 = jnp.where(cid == 0, sid * NCH0, NS * NCH0 + sid * NCH1)
    ngroups = jnp.where(cid == 0, NCH0 // IDX_G, NCH1 // IDX_G)
    plsc.subcore_barrier()

    depth = NBUF - 1

    def group(g, carry):
        pltpu.sync_copy(src_hbm.at[pl.ds(row0 + g * IDX_G, IDX_G)], src_v)
        pltpu.sync_copy(dst_hbm.at[pl.ds(row0 + g * IDX_G, IDX_G)], dst_v)
        gd, sd = {}, {}
        for j in range(depth):
            gd[j] = pltpu.async_copy(x_hbm.at[src_v.at[j]],
                                     msgs[j % NBUF], gsems[j % NBUF])
        for j in range(IDX_G):
            cur = j % NBUF
            gd[j].wait()
            nj = j + depth
            if nj < IDX_G:
                if j >= 1:
                    sd[j - 1].wait()
                gd[nj] = pltpu.async_copy(x_hbm.at[src_v.at[nj]],
                                          msgs[nj % NBUF], gsems[nj % NBUF])
            sd[j] = pltpu.async_copy(msgs[cur], acc_sh.at[dst_v.at[j]],
                                     ssems[cur], add=True)
        for j in range(IDX_G - depth - 1, IDX_G):
            if j >= 0:
                sd[j].wait()
        return carry

    lax.fori_loop(0, ngroups, group, 0)
    plsc.subcore_barrier()
    pltpu.sync_copy(acc_sh.at[pl.ds(r0, ROWS_PER_TILE)],
                    acc_out.at[cid, pl.ds(r0, ROWS_PER_TILE)])


def _feat_agg(x, src2, dst2, zf):
    mesh = plsc.VectorSubcoreMesh(core_axis_name="c", subcore_axis_name="s")
    return pl.kernel(
        _feat_body,
        out_type=jax.ShapeDtypeStruct((NC, N_ACC, DIM), jnp.float32),
        mesh=mesh,
        scratch_types=[
            pltpu.VMEM_SHARED((N_ACC, DIM), jnp.float32),
            pltpu.VMEM((IDX_G, CHUNK), jnp.int32),
            pltpu.VMEM((IDX_G, CHUNK), jnp.int32),
        ] + [pltpu.VMEM((CHUNK, DIM), jnp.float32) for _ in range(NBUF)]
          + [pltpu.SemaphoreType.DMA for _ in range(2 * NBUF)],
    )(x, src2, dst2, zf)


def _deg_body(dst_hbm, ones_hbm, zf_hbm,
              deg_out,
              deg_sh, dst_v, ones_v, sem):
    cid = lax.axis_index("c")
    sid = lax.axis_index("s")
    wid = cid * NS + sid
    r0 = sid * ROWS_PER_TILE
    pltpu.sync_copy(zf_hbm, deg_sh.at[pl.ds(r0, ROWS_PER_TILE)])
    pltpu.sync_copy(ones_hbm, ones_v)
    row0 = wid * NCH_D
    plsc.subcore_barrier()

    def outer(g, carry):
        pltpu.sync_copy(dst_hbm.at[pl.ds(row0 + g * IDX_G, IDX_G)], dst_v)
        descs = [pltpu.async_copy(ones_v, deg_sh.at[dst_v.at[j]], sem,
                                  add=True)
                 for j in range(IDX_G)]
        for d in descs:
            d.wait()
        return carry

    lax.fori_loop(0, NCH_D // IDX_G, outer, 0)
    plsc.subcore_barrier()
    pltpu.sync_copy(deg_sh.at[pl.ds(r0, ROWS_PER_TILE)],
                    deg_out.at[cid, pl.ds(r0, ROWS_PER_TILE)])


def _deg_sc(dst2, ones, zf):
    mesh = plsc.VectorSubcoreMesh(core_axis_name="c", subcore_axis_name="s")
    return pl.kernel(
        _deg_body,
        out_type=jax.ShapeDtypeStruct((NC, N_ACC, DEG_W), jnp.float32),
        mesh=mesh,
        scratch_types=[
            pltpu.VMEM_SHARED((N_ACC, DEG_W), jnp.float32),
            pltpu.VMEM((IDX_G, CHUNK), jnp.int32),
            pltpu.VMEM((CHUNK, DEG_W), jnp.float32),
            pltpu.SemaphoreType.DMA,
        ],
    )(dst2, ones, zf)


def _tc_layer_body(x_ref, acc_ref, deg_ref, ws_ref, wn_ref, b_ref, o_ref,
                   *, relu):
    agg = acc_ref[0] + acc_ref[1]
    deg = deg_ref[0, :, 0:1] + deg_ref[1, :, 0:1]
    mean = agg * (1.0 / jnp.maximum(deg, 1.0))
    h = (jnp.dot(x_ref[...], ws_ref[...],
                 preferred_element_type=jnp.float32,
                 precision=lax.Precision.HIGHEST)
         + jnp.dot(mean, wn_ref[...],
                   preferred_element_type=jnp.float32,
                   precision=lax.Precision.HIGHEST)
         + b_ref[...])
    o_ref[...] = jnp.maximum(h, 0.0) if relu else h


def _tc_layer(x, acc, deg, w_self, w_neigh, b, relu):
    br = 2000
    grid = (N_NODES // br,)
    return pl.pallas_call(
        functools.partial(_tc_layer_body, relu=relu),
        grid=grid,
        in_specs=[
            pl.BlockSpec((br, DIM), lambda i: (i, 0)),
            pl.BlockSpec((NC, br, DIM), lambda i: (0, i, 0)),
            pl.BlockSpec((NC, br, DEG_W), lambda i: (0, i, 0)),
            pl.BlockSpec((DIM, DIM), lambda i: (0, 0)),
            pl.BlockSpec((DIM, DIM), lambda i: (0, 0)),
            pl.BlockSpec((1, DIM), lambda i: (0, 0)),
        ],
        out_specs=pl.BlockSpec((br, DIM), lambda i: (i, 0)),
        out_shape=jax.ShapeDtypeStruct((N_NODES, DIM), jnp.float32),
    )(x, acc, deg, w_self, w_neigh, b.reshape(1, DIM))


def kernel(x, edge_index, W1_self, W1_neigh, b1, W2_self, W2_neigh, b2):
    ei = edge_index.astype(jnp.int32)
    pad = E_PAD - N_EDGES
    src2 = jnp.concatenate(
        [ei[0], jnp.zeros((pad,), jnp.int32)]).reshape(R_TOT, CHUNK)
    dst_pad = N_NODES + (jnp.arange(pad, dtype=jnp.int32) % (N_ACC - N_NODES))
    dst2 = jnp.concatenate([ei[1], dst_pad]).reshape(R_TOT, CHUNK)
    zf = jnp.zeros((ROWS_PER_TILE, DIM), jnp.float32)
    ones = jnp.ones((CHUNK, DEG_W), jnp.float32)

    deg1 = _deg_sc(dst2, ones, zf)
    deg1, x_seq = lax.optimization_barrier((deg1, x))
    agg1 = _feat_agg(x_seq, src2, dst2, zf)
    h1 = _tc_layer(x, agg1, deg1, W1_self, W1_neigh, b1, relu=True)
    agg2 = _feat_agg(h1, src2, dst2, zf)
    out = _tc_layer(h1, agg2, deg1, W2_self, W2_neigh, b2, relu=False)
    return out

# --- scband reference (transcript-rebuilt; emitter-appended) ---
"""Pipeline reference for scband-link-pred-60103772340328 (READ-ONLY COPY).

The authoritative reference and input builder live on the scoring server;
editing this copy changes nothing except your own understanding.
"""

import jax, jax.numpy as jnp
import numpy as np

N_NODES = 10000
IN_DIM = 128
HID = 128
OUT_DIM = 128
N_EDGES = 320000


def _sage_conv(x, edge_index, W_self, W_neigh, b):
    # DGL-style SAGEConv with 'mean' aggregator:
    # h = fc_self(x) + fc_neigh(mean_{u in N(v)} x_u)
    src = edge_index[0]
    dst = edge_index[1]
    msgs = jnp.take(x, src, axis=0)                      # gather [E, d]
    agg = jax.ops.segment_sum(msgs, dst, num_segments=N_NODES)  # scatter-add
    deg = jax.ops.segment_sum(jnp.ones((src.shape[0], 1), dtype=x.dtype), dst,
                              num_segments=N_NODES)
    h_neigh = agg / jnp.maximum(deg, 1.0)
    return x @ W_self + h_neigh @ W_neigh + b


def setup_inputs(seed: int = 0) -> dict:
    key = jax.random.key(seed)
    k_x, k_e, k1, k2, k3, k4 = jax.random.split(key, 6)
    x = jax.random.normal(k_x, (N_NODES, IN_DIM), dtype=jnp.float32)
    edge_index = jax.random.randint(k_e, (2, N_EDGES), 0, N_NODES, dtype=jnp.int64)
    s1 = 1.0 / np.sqrt(IN_DIM)
    s2 = 1.0 / np.sqrt(HID)
    W1_self = jax.random.uniform(k1, (IN_DIM, HID), jnp.float32, -s1, s1)
    W1_neigh = jax.random.uniform(k2, (IN_DIM, HID), jnp.float32, -s1, s1)
    b1 = jnp.zeros((HID,), dtype=jnp.float32)
    W2_self = jax.random.uniform(k3, (HID, OUT_DIM), jnp.float32, -s2, s2)
    W2_neigh = jax.random.uniform(k4, (HID, OUT_DIM), jnp.float32, -s2, s2)
    b2 = jnp.zeros((OUT_DIM,), dtype=jnp.float32)
    return {"x": x, "edge_index": edge_index,
            "W1_self": W1_self, "W1_neigh": W1_neigh, "b1": b1,
            "W2_self": W2_self, "W2_neigh": W2_neigh, "b2": b2}


def reference(x, edge_index, W1_self, W1_neigh, b1, W2_self, W2_neigh, b2):
    h = _sage_conv(x, edge_index, W1_self, W1_neigh, b1)
    h = jax.nn.relu(h)
    h = _sage_conv(h, edge_index, W2_self, W2_neigh, b2)
    return h

if __name__ == "__main__":
    import jax
    _d = setup_inputs()
    print(jax.jit(kernel)(*tuple(_d.values())))

</pallas_src>

<mosaic_0001>
#map = affine_map<(d0, d1) -> (0, 0)>
#map1 = affine_map<(d0, d1) -> (0, 0, 0)>
module attributes {stable_mosaic.version = 14 : i64} {
  func.func @_deg_body(%arg0: i32, %arg1: i32, %arg2: memref<5120x64xi32, #tpu.memory_space<hbm>>, %arg3: memref<64x128xf32, #tpu.memory_space<hbm>>, %arg4: memref<632x128xf32, #tpu.memory_space<hbm>>, %arg5: memref<2x10112x128xf32, #tpu.memory_space<hbm>>, %arg6: memref<10112x128xf32, #tpu.memory_space<vmem_shared>>, %arg7: memref<16x64xi32, #tpu.memory_space<vmem>>, %arg8: memref<64x128xf32, #tpu.memory_space<vmem>>, %arg9: memref<!tpu.dma_semaphore, #tpu.memory_space<semaphore_mem>>) attributes {dimension_semantics = [#tpu.dimension_semantics<core_parallel>, #tpu.dimension_semantics<subcore_parallel>], iteration_bounds = array<i64: 2, 16>, scalar_prefetch = 0 : i64, scratch_operands = 4 : i64, tpu.core_type = #tpu.core_type<sc_vector_subcore>, window_params = [{transform_indices = #map}, {transform_indices = #map}, {transform_indices = #map}, {transform_indices = #map1}]} {
    %mul3A = arith.constant 16 : i32
    %mul3A_0 = arith.muli %arg0, %mul3A : i32
    %add3A = arith.addi %mul3A_0, %arg1 : i32
    %mul3A_1 = arith.constant 632 : i32
    %mul3A_2 = arith.muli %arg1, %mul3A_1 : i32
    "tpu.region"() ({
      %run_scoped3A = tpu.sem_alloc : memref<!tpu.dma_semaphore, #tpu.memory_space<semaphore_mem>>
      %dma_start3A = arith.constant 0 : i32
      %dma_start3A_11 = tpu.memref_slice %arg6[%mul3A_2, %dma_start3A] : memref<10112x128xf32, #tpu.memory_space<vmem_shared>> -> memref<632x128xf32, #tpu.memory_space<vmem_shared>>
      tpu.enqueue_dma source(%arg4 : memref<632x128xf32, #tpu.memory_space<hbm>>) target(%dma_start3A_11 : memref<632x128xf32, #tpu.memory_space<vmem_shared>>) target_semaphore(%run_scoped3A : memref<!tpu.dma_semaphore, #tpu.memory_space<semaphore_mem>>)
      %dma_wait3A = arith.constant 0 : i32
      %dma_wait3A_12 = tpu.memref_slice %arg6[%mul3A_2, %dma_wait3A] : memref<10112x128xf32, #tpu.memory_space<vmem_shared>> -> memref<632x128xf32, #tpu.memory_space<vmem_shared>>
      tpu.wait_dma2 semaphore(%run_scoped3A : memref<!tpu.dma_semaphore, #tpu.memory_space<semaphore_mem>>) src(%arg4 : memref<632x128xf32, #tpu.memory_space<hbm>>) dst(%dma_wait3A_12 : memref<632x128xf32, #tpu.memory_space<vmem_shared>>)
      tpu.yield
    }) : () -> ()
    "tpu.region"() ({
      %run_scoped3A = tpu.sem_alloc : memref<!tpu.dma_semaphore, #tpu.memory_space<semaphore_mem>>
      tpu.enqueue_dma source(%arg3 : memref<64x128xf32, #tpu.memory_space<hbm>>) target(%arg8 : memref<64x128xf32, #tpu.memory_space<vmem>>) target_semaphore(%run_scoped3A : memref<!tpu.dma_semaphore, #tpu.memory_space<semaphore_mem>>)
      tpu.wait_dma2 semaphore(%run_scoped3A : memref<!tpu.dma_semaphore, #tpu.memory_space<semaphore_mem>>) src(%arg3 : memref<64x128xf32, #tpu.memory_space<hbm>>) dst(%arg8 : memref<64x128xf32, #tpu.memory_space<vmem>>)
      tpu.yield
    }) : () -> ()
    %mul3A_3 = arith.constant 160 : i32
    %mul3A_4 = arith.muli %add3A, %mul3A_3 : i32
    %barrier3A = arith.constant 0 : index
    tpu.barrier barrier_id(%barrier3A)
    %scan3A = arith.constant 0 : i32
    %scan3A_5 = arith.constant 0 : i32
    %scan3A_6 = arith.constant 10 : i32
    %scan3A_7 = arith.addi %scan3A_5, %scan3A_6 : i32
    %scan3A_8 = arith.constant 1 : i32
    scf.for %scan3A_11 = %scan3A_5 to %scan3A_7 step %scan3A_8  : i32 {
      %mul3A_12 = arith.constant 16 : i32
      %mul3A_13 = arith.muli %scan3A_11, %mul3A_12 : i32
      %add3A_14 = arith.addi %mul3A_4, %mul3A_13 : i32
      "tpu.region"() ({
        %run_scoped3A = tpu.sem_alloc : memref<!tpu.dma_semaphore, #tpu.memory_space<semaphore_mem>>
        %dma_start3A_237 = arith.constant 0 : i32
        %dma_start3A_238 = tpu.memref_slice %arg2[%add3A_14, %dma_start3A_237] : memref<5120x64xi32, #tpu.memory_space<hbm>> -> memref<16x64xi32, #tpu.memory_space<hbm>>
        %dma_start3A_239 = arith.constant 0 : i32
        %dma_start3A_240 = tpu.memref_slice %arg2[%add3A_14, %dma_start3A_239] : memref<5120x64xi32, #tpu.memory_space<hbm>> -> memref<16x64xi32, #tpu.memory_space<hbm>>
        tpu.enqueue_dma source(%dma_start3A_240 : memref<16x64xi32, #tpu.memory_space<hbm>>) target(%arg7 : memref<16x64xi32, #tpu.memory_space<vmem>>) target_semaphore(%run_scoped3A : memref<!tpu.dma_semaphore, #tpu.memory_space<semaphore_mem>>)
        %dma_wait3A_241 = arith.constant 0 : i32
        %dma_wait3A_242 = tpu.memref_slice %arg2[%add3A_14, %dma_wait3A_241] : memref<5120x64xi32, #tpu.memory_space<hbm>> -> memref<16x64xi32, #tpu.memory_space<hbm>>
        %dma_wait3A_243 = arith.constant 0 : i32
        %dma_wait3A_244 = tpu.memref_slice %arg2[%add3A_14, %dma_wait3A_243] : memref<5120x64xi32, #tpu.memory_space<hbm>> -> memref<16x64xi32, #tpu.memory_space<hbm>>
        tpu.wait_dma2 semaphore(%run_scoped3A : memref<!tpu.dma_semaphore, #tpu.memory_space<semaphore_mem>>) src(%dma_wait3A_244 : memref<16x64xi32, #tpu.memory_space<hbm>>) dst(%arg7 : memref<16x64xi32, #tpu.memory_space<vmem>>)
        tpu.yield
      }) : () -> ()
      %dma_start3A = arith.constant 0 : i32
      %dma_start3A_15 = arith.constant 0 : i32
      %dma_start3A_16 = tpu.memref_slice %arg7[%dma_start3A, %dma_start3A_15] : memref<16x64xi32, #tpu.memory_space<vmem>> -> memref<1x64xi32, #tpu.memory_space<vmem>>
      %dma_start3A_17 = tpu.memref_squeeze %dma_start3A_16 : memref<1x64xi32, #tpu.memory_space<vmem>> -> memref<64xi32, #tpu.memory_space<vmem>>
      %dma_start3A_18 = arith.constant 0 : i32
      %dma_start3A_19 = arith.constant 0 : i32
      %dma_start3A_20 = tpu.memref_slice %arg6[%dma_start3A_18, %dma_start3A_19] : memref<10112x128xf32, #tpu.memory_space<vmem_shared>> -> memref<10112x128xf32, #tpu.memory_space<vmem_shared>>
      tpu.enqueue_indirect_dma source(%arg8 : memref<64x128xf32, #tpu.memory_space<vmem>>) target(%dma_start3A_20 : memref<10112x128xf32, #tpu.memory_space<vmem_shared>>) offsets(%dma_start3A_17 : memref<64xi32, #tpu.memory_space<vmem>>) semaphore(%arg9 : memref<!tpu.dma_semaphore, #tpu.memory_space<semaphore_mem>>) {add = true}
      %dma_start3A_21 = arith.constant 1 : i32
      %dma_start3A_22 = arith.constant 0 : i32
      %dma_start3A_23 = tpu.memref_slice %arg7[%dma_start3A_21, %dma_start3A_22] : memref<16x64xi32, #tpu.memory_space<vmem>> -> memref<1x64xi32, #tpu.memory_space<vmem>>
      %dma_start3A_24 = tpu.memref_squeeze %dma_start3A_23 : memref<1x64xi32, #tpu.memory_space<vmem>> -> memref<64xi32, #tpu.memory_space<vmem>>
      %dma_start3A_25 = arith.constant 0 : i32
      %dma_start3A_26 = arith.constant 0 : i32
      %dma_start3A_27 = tpu.memref_slice %arg6[%dma_start3A_25, %dma_start3A_26] : memref<10112x128xf32, #tpu.memory_space<vmem_shared>> -> memref<10112x128xf32, #tpu.memory_space<vmem_shared>>
      tpu.enqueue_indirect_dma source(%arg8 : memref<64x128xf32, #tpu.memory_space<vmem>>) target(%dma_start3A_27 : memref<10112x128xf32, #tpu.memory_space<vmem_shared>>) offsets(%dma_start3A_24 : memref<64xi32, #tpu.memory_space<vmem>>) semaphore(%arg9 : memref<!tpu.dma_semaphore, #tpu.memory_space<semaphore_mem>>) {add = true}
      %dma_start3A_28 = arith.constant 2 : i32
      %dma_start3A_29 = arith.constant 0 : i32
      %dma_start3A_30 = tpu.memref_slice %arg7[%dma_start3A_28, %dma_start3A_29] : memref<16x64xi32, #tpu.memory_space<vmem>> -> memref<1x64xi32, #tpu.memory_space<vmem>>
      %dma_start3A_31 = tpu.memref_squeeze %dma_start3A_30 : memref<1x64xi32, #tpu.memory_space<vmem>> -> memref<64xi32, #tpu.memory_space<vmem>>
      %dma_start3A_32 = arith.constant 0 : i32
      %dma_start3A_33 = arith.constant 0 : i32
      %dma_start3A_34 = tpu.memref_slice %arg6[%dma_start3A_32, %dma_start3A_33] : memref<10112x128xf32, #tpu.memory_space<vmem_shared>> -> memref<10112x128xf32, #tpu.memory_space<vmem_shared>>
      tpu.enqueue_indirect_dma source(%arg8 : memref<64x128xf32, #tpu.memory_space<vmem>>) target(%dma_start3A_34 : memref<10112x128xf32, #tpu.memory_space<vmem_shared>>) offsets(%dma_start3A_31 : memref<64xi32, #tpu.memory_space<vmem>>) semaphore(%arg9 : memref<!tpu.dma_semaphore, #tpu.memory_space<semaphore_mem>>) {add = true}
      %dma_start3A_35 = arith.constant 3 : i32
      %dma_start3A_36 = arith.constant 0 : i32
      %dma_start3A_37 = tpu.memref_slice %arg7[%dma_start3A_35, %dma_start3A_36] : memref<16x64xi32, #tpu.memory_space<vmem>> -> memref<1x64xi32, #tpu.memory_space<vmem>>
      %dma_start3A_38 = tpu.memref_squeeze %dma_start3A_37 : memref<1x64xi32, #tpu.memory_space<vmem>> -> memref<64xi32, #tpu.memory_space<vmem>>
      %dma_start3A_39 = arith.constant 0 : i32
      %dma_start3A_40 = arith.constant 0 : i32
      %dma_start3A_41 = tpu.memref_slice %arg6[%dma_start3A_39, %dma_start3A_40] : memref<10112x128xf32, #tpu.memory_space<vmem_shared>> -> memref<10112x128xf32, #tpu.memory_space<vmem_shared>>
      tpu.enqueue_indirect_dma source(%arg8 : memref<64x128xf32, #tpu.memory_space<vmem>>) target(%dma_start3A_41 : memref<10112x128xf32, #tpu.memory_space<vmem_shared>>) offsets(%dma_start3A_38 : memref<64xi32, #tpu.memory_space<vmem>>) semaphore(%arg9 : memref<!tpu.dma_semaphore, #tpu.memory_space<semaphore_mem>>) {add = true}
      %dma_start3A_42 = arith.constant 4 : i32
      %dma_start3A_43 = arith.constant 0 : i32
      %dma_start3A_44 = tpu.memref_slice %arg7[%dma_start3A_42, %dma_start3A_43] : memref<16x64xi32, #tpu.memory_space<vmem>> -> memref<1x64xi32, #tpu.memory_space<vmem>>
      %dma_start3A_45 = tpu.memref_squeeze %dma_start3A_44 : memref<1x64xi32, #tpu.memory_space<vmem>> -> memref<64xi32, #tpu.memory_space<vmem>>
      %dma_start3A_46 = arith.constant 0 : i32
      %dma_start3A_47 = arith.constant 0 : i32
      %dma_start3A_48 = tpu.memref_slice %arg6[%dma_start3A_46, %dma_start3A_47] : memref<10112x128xf32, #tpu.memory_space<vmem_shared>> -> memref<10112x128xf32, #tpu.memory_space<vmem_shared>>
      tpu.enqueue_indirect_dma source(%arg8 : memref<64x128xf32, #tpu.memory_space<vmem>>) target(%dma_start3A_48 : memref<10112x128xf32, #tpu.memory_space<vmem_shared>>) offsets(%dma_start3A_45 : memref<64xi32, #tpu.memory_space<vmem>>) semaphore(%arg9 : memref<!tpu.dma_semaphore, #tpu.memory_space<semaphore_mem>>) {add = true}
      %dma_start3A_49 = arith.constant 5 : i32
      %dma_start3A_50 = arith.constant 0 : i32
      %dma_start3A_51 = tpu.memref_slice %arg7[%dma_start3A_49, %dma_start3A_50] : memref<16x64xi32, #tpu.memory_space<vmem>> -> memref<1x64xi32, #tpu.memory_space<vmem>>
      %dma_start3A_52 = tpu.memref_squeeze %dma_start3A_51 : memref<1x64xi32, #tpu.memory_space<vmem>> -> memref<64xi32, #tpu.memory_space<vmem>>
      %dma_start3A_53 = arith.constant 0 : i32
      %dma_start3A_54 = arith.constant 0 : i32
      %dma_start3A_55 = tpu.memref_slice %arg6[%dma_start3A_53, %dma_start3A_54] : memref<10112x128xf32, #tpu.memory_space<vmem_shared>> -> memref<10112x128xf32, #tpu.memory_space<vmem_shared>>
      tpu.enqueue_indirect_dma source(%arg8 : memref<64x128xf32, #tpu.memory_space<vmem>>) target(%dma_start3A_55 : memref<10112x128xf32, #tpu.memory_space<vmem_shared>>) offsets(%dma_start3A_52 : memref<64xi32, #tpu.memory_space<vmem>>) semaphore(%arg9 : memref<!tpu.dma_semaphore, #tpu.memory_space<semaphore_mem>>) {add = true}
      %dma_start3A_56 = arith.constant 6 : i32
      %dma_start3A_57 = arith.constant 0 : i32
      %dma_start3A_58 = tpu.memref_slice %arg7[%dma_start3A_56, %dma_start3A_57] : memref<16x64xi32, #tpu.memory_space<vmem>> -> memref<1x64xi32, #tpu.memory_space<vmem>>
      %dma_start3A_59 = tpu.memref_squeeze %dma_start3A_58 : memref<1x64xi32, #tpu.memory_space<vmem>> -> memref<64xi32, #tpu.memory_space<vmem>>
      %dma_start3A_60 = arith.constant 0 : i32
      %dma_start3A_61 = arith.constant 0 : i32
      %dma_start3A_62 = tpu.memref_slice %arg6[%dma_start3A_60, %dma_start3A_61] : memref<10112x128xf32, #tpu.memory_space<vmem_shared>> -> memref<10112x128xf32, #tpu.memory_space<vmem_shared>>
      tpu.enqueue_indirect_dma source(%arg8 : memref<64x128xf32, #tpu.memory_space<vmem>>) target(%dma_start3A_62 : memref<10112x128xf32, #tpu.memory_space<vmem_shared>>) offsets(%dma_start3A_59 : memref<64xi32, #tpu.memory_space<vmem>>) semaphore(%arg9 : memref<!tpu.dma_semaphore, #tpu.memory_space<semaphore_mem>>) {add = true}
      %dma_start3A_63 = arith.constant 7 : i32
      %dma_start3A_64 = arith.constant 0 : i32
      %dma_start3A_65 = tpu.memref_slice %arg7[%dma_start3A_63, %dma_start3A_64] : memref<16x64xi32, #tpu.memory_space<vmem>> -> memref<1x64xi32, #tpu.memory_space<vmem>>
      %dma_start3A_66 = tpu.memref_squeeze %dma_start3A_65 : memref<1x64xi32, #tpu.memory_space<vmem>> -> memref<64xi32, #tpu.memory_space<vmem>>
      %dma_start3A_67 = arith.constant 0 : i32
      %dma_start3A_68 = arith.constant 0 : i32
      %dma_start3A_69 = tpu.memref_slice %arg6[%dma_start3A_67, %dma_start3A_68] : memref<10112x128xf32, #tpu.memory_space<vmem_shared>> -> memref<10112x128xf32, #tpu.memory_space<vmem_shared>>
      tpu.enqueue_indirect_dma source(%arg8 : memref<64x128xf32, #tpu.memory_space<vmem>>) target(%dma_start3A_69 : memref<10112x128xf32, #tpu.memory_space<vmem_shared>>) offsets(%dma_start3A_66 : memref<64xi32, #tpu.memory_space<vmem>>) semaphore(%arg9 : memref<!tpu.dma_semaphore, #tpu.memory_space<semaphore_mem>>) {add = true}
      %dma_start3A_70 = arith.constant 8 : i32
      %dma_start3A_71 = arith.constant 0 : i32
      %dma_start3A_72 = tpu.memref_slice %arg7[%dma_start3A_70, %dma_start3A_71] : memref<16x64xi32, #tpu.memory_space<vmem>> -> memref<1x64xi32, #tpu.memory_space<vmem>>
      %dma_start3A_73 = tpu.memref_squeeze %dma_start3A_72 : memref<1x64xi32, #tpu.memory_space<vmem>> -> memref<64xi32, #tpu.memory_space<vmem>>
      %dma_start3A_74 = arith.constant 0 : i32
      %dma_start3A_75 = arith.constant 0 : i32
      %dma_start3A_76 = tpu.memref_slice %arg6[%dma_start3A_74, %dma_start3A_75] : memref<10112x128xf32, #tpu.memory_space<vmem_shared>> -> memref<10112x128xf32, #tpu.memory_space<vmem_shared>>
      tpu.enqueue_indirect_dma source(%arg8 : memref<64x128xf32, #tpu.memory_space<vmem>>) target(%dma_start3A_76 : memref<10112x128xf32, #tpu.memory_space<vmem_shared>>) offsets(%dma_start3A_73 : memref<64xi32, #tpu.memory_space<vmem>>) semaphore(%arg9 : memref<!tpu.dma_semaphore, #tpu.memory_space<semaphore_mem>>) {add = true}
      %dma_start3A_77 = arith.constant 9 : i32
      %dma_start3A_78 = arith.constant 0 : i32
      %dma_start3A_79 = tpu.memref_slice %arg7[%dma_start3A_77, %dma_start3A_78] : memref<16x64xi32, #tpu.memory_space<vmem>> -> memref<1x64xi32, #tpu.memory_space<vmem>>
      %dma_start3A_80 = tpu.memref_squeeze %dma_start3A_79 : memref<1x64xi32, #tpu.memory_space<vmem>> -> memref<64xi32, #tpu.memory_space<vmem>>
      %dma_start3A_81 = arith.constant 0 : i32
      %dma_start3A_82 = arith.constant 0 : i32
      %dma_start3A_83 = tpu.memref_slice %arg6[%dma_start3A_81, %dma_start3A_82] : memref<10112x128xf32, #tpu.memory_space<vmem_shared>> -> memref<10112x128xf32, #tpu.memory_space<vmem_shared>>
      tpu.enqueue_indirect_dma source(%arg8 : memref<64x128xf32, #tpu.memory_space<vmem>>) target(%dma_start3A_83 : memref<10112x128xf32, #tpu.memory_space<vmem_shared>>) offsets(%dma_start3A_80 : memref<64xi32, #tpu.memory_space<vmem>>) semaphore(%arg9 : memref<!tpu.dma_semaphore, #tpu.memory_space<semaphore_mem>>) {add = true}
      %dma_start3A_84 = arith.constant 10 : i32
      %dma_start3A_85 = arith.constant 0 : i32
      %dma_start3A_86 = tpu.memref_slice %arg7[%dma_start3A_84, %dma_start3A_85] : memref<16x64xi32, #tpu.memory_space<vmem>> -> memref<1x64xi32, #tpu.memory_space<vmem>>
      %dma_start3A_87 = tpu.memref_squeeze %dma_start3A_86 : memref<1x64xi32, #tpu.memory_space<vmem>> -> memref<64xi32, #tpu.memory_space<vmem>>
      %dma_start3A_88 = arith.constant 0 : i32
      %dma_start3A_89 = arith.constant 0 : i32
      %dma_start3A_90 = tpu.memref_slice %arg6[%dma_start3A_88, %dma_start3A_89] : memref<10112x128xf32, #tpu.memory_space<vmem_shared>> -> memref<10112x128xf32, #tpu.memory_space<vmem_shared>>
      tpu.enqueue_indirect_dma source(%arg8 : memref<64x128xf32, #tpu.memory_space<vmem>>) target(%dma_start3A_90 : memref<10112x128xf32, #tpu.memory_space<vmem_shared>>) offsets(%dma_start3A_87 : memref<64xi32, #tpu.memory_space<vmem>>) semaphore(%arg9 : memref<!tpu.dma_semaphore, #tpu.memory_space<semaphore_mem>>) {add = true}
      %dma_start3A_91 = arith.constant 11 : i32
      %dma_start3A_92 = arith.constant 0 : i32
      %dma_start3A_93 = tpu.memref_slice %arg7[%dma_start3A_91, %dma_start3A_92] : memref<16x64xi32, #tpu.memory_space<vmem>> -> memref<1x64xi32, #tpu.memory_space<vmem>>
      %dma_start3A_94 = tpu.memref_squeeze %dma_start3A_93 : memref<1x64xi32, #tpu.memory_space<vmem>> -> memref<64xi32, #tpu.memory_space<vmem>>
      %dma_start3A_95 = arith.constant 0 : i32
      %dma_start3A_96 = arith.constant 0 : i32
      %dma_start3A_97 = tpu.memref_slice %arg6[%dma_start3A_95, %dma_start3A_96] : memref<10112x128xf32, #tpu.memory_space<vmem_shared>> -> memref<10112x128xf32, #tpu.memory_space<vmem_shared>>
      tpu.enqueue_indirect_dma source(%arg8 : memref<64x128xf32, #tpu.memory_space<vmem>>) target(%dma_start3A_97 : memref<10112x128xf32, #tpu.memory_space<vmem_shared>>) offsets(%dma_start3A_94 : memref<64xi32, #tpu.memory_space<vmem>>) semaphore(%arg9 : memref<!tpu.dma_semaphore, #tpu.memory_space<semaphore_mem>>) {add = true}
      %dma_start3A_98 = arith.constant 12 : i32
      %dma_start3A_99 = arith.constant 0 : i32
      %dma_start3A_100 = tpu.memref_slice %arg7[%dma_start3A_98, %dma_start3A_99] : memref<16x64xi32, #tpu.memory_space<vmem>> -> memref<1x64xi32, #tpu.memory_space<vmem>>
      %dma_start3A_101 = tpu.memref_squeeze %dma_start3A_100 : memref<1x64xi32, #tpu.memory_space<vmem>> -> memref<64xi32, #tpu.memory_space<vmem>>
      %dma_start3A_102 = arith.constant 0 : i32
      %dma_start3A_103 = arith.constant 0 : i32
      %dma_start3A_104 = tpu.memref_slice %arg6[%dma_start3A_102, %dma_start3A_103] : memref<10112x128xf32, #tpu.memory_space<vmem_shared>> -> memref<10112x128xf32, #tpu.memory_space<vmem_shared>>
      tpu.enqueue_indirect_dma source(%arg8 : memref<64x128xf32, #tpu.memory_space<vmem>>) target(%dma_start3A_104 : memref<10112x128xf32, #tpu.memory_space<vmem_shared>>) offsets(%dma_start3A_101 : memref<64xi32, #tpu.memory_space<vmem>>) semaphore(%arg9 : memref<!tpu.dma_semaphore, #tpu.memory_space<semaphore_mem>>) {add = true}
      %dma_start3A_105 = arith.constant 13 : i32
      %dma_start3A_106 = arith.constant 0 : i32
      %dma_start3A_107 = tpu.memref_slice %arg7[%dma_start3A_105, %dma_start3A_106] : memref<16x64xi32, #tpu.memory_space<vmem>> -> memref<1x64xi32, #tpu.memory_space<vmem>>
      %dma_start3A_108 = tpu.memref_squeeze %dma_start3A_107 : memref<1x64xi32, #tpu.memory_space<vmem>> -> memref<64xi32, #tpu.memory_space<vmem>>
      %dma_start3A_109 = arith.constant 0 : i32
      %dma_start3A_110 = arith.constant 0 : i32
      %dma_start3A_111 = tpu.memref_slice %arg6[%dma_start3A_109, %dma_start3A_110] : memref<10112x128xf32, #tpu.memory_space<vmem_shared>> -> memref<10112x128xf32, #tpu.memory_space<vmem_shared>>
      tpu.enqueue_indirect_dma source(%arg8 : memref<64x128xf32, #tpu.memory_space<vmem>>) target(%dma_start3A_111 : memref<10112x128xf32, #tpu.memory_space<vmem_shared>>) offsets(%dma_start3A_108 : memref<64xi32, #tpu.memory_space<vmem>>) semaphore(%arg9 : memref<!tpu.dma_semaphore, #tpu.memory_space<semaphore_mem>>) {add = true}
      %dma_start3A_112 = arith.constant 14 : i32
      %dma_start3A_113 = arith.constant 0 : i32
      %dma_start3A_114 = tpu.memref_slice %arg7[%dma_start3A_112, %dma_start3A_113] : memref<16x64xi32, #tpu.memory_space<vmem>> -> memref<1x64xi32, #tpu.memory_space<vmem>>
      %dma_start3A_115 = tpu.memref_squeeze %dma_start3A_114 : memref<1x64xi32, #tpu.memory_space<vmem>> -> memref<64xi32, #tpu.memory_space<vmem>>
      %dma_start3A_116 = arith.constant 0 : i32
      %dma_start3A_117 = arith.constant 0 : i32
      %dma_start3A_118 = tpu.memref_slice %arg6[%dma_start3A_116, %dma_start3A_117] : memref<10112x128xf32, #tpu.memory_space<vmem_shared>> -> memref<10112x128xf32, #tpu.memory_space<vmem_shared>>
      tpu.enqueue_indirect_dma source(%arg8 : memref<64x128xf32, #tpu.memory_space<vmem>>) target(%dma_start3A_118 : memref<10112x128xf32, #tpu.memory_space<vmem_shared>>) offsets(%dma_start3A_115 : memref<64xi32, #tpu.memory_space<vmem>>) semaphore(%arg9 : memref<!tpu.dma_semaphore, #tpu.memory_space<semaphore_mem>>) {add = true}
      %dma_start3A_119 = arith.constant 15 : i32
      %dma_start3A_120 = arith.constant 0 : i32
      %dma_start3A_121 = tpu.memref_slice %arg7[%dma_start3A_119, %dma_start3A_120] : memref<16x64xi32, #tpu.memory_space<vmem>> -> memref<1x64xi32, #tpu.memory_space<vmem>>
      %dma_start3A_122 = tpu.memref_squeeze %dma_start3A_121 : memref<1x64xi32, #tpu.memory_space<vmem>> -> memref<64xi32, #tpu.memory_space<vmem>>
      %dma_start3A_123 = arith.constant 0 : i32
      %dma_start3A_124 = arith.constant 0 : i32
      %dma_start3A_125 = tpu.memref_slice %arg6[%dma_start3A_123, %dma_start3A_124] : memref<10112x128xf32, #tpu.memory_space<vmem_shared>> -> memref<10112x128xf32, #tpu.memory_space<vmem_shared>>
      tpu.enqueue_indirect_dma source(%arg8 : memref<64x128xf32, #tpu.memory_space<vmem>>) target(%dma_start3A_125 : memref<10112x128xf32, #tpu.memory_space<vmem_shared>>) offsets(%dma_start3A_122 : memref<64xi32, #tpu.memory_space<vmem>>) semaphore(%arg9 : memref<!tpu.dma_semaphore, #tpu.memory_space<semaphore_mem>>) {add = true}
      %dma_wait3A = arith.constant 0 : i32
      %dma_wait3A_126 = arith.constant 0 : i32
      %dma_wait3A_127 = tpu.memref_slice %arg7[%dma_wait3A, %dma_wait3A_126] : memref<16x64xi32, #tpu.memory_space<vmem>> -> memref<1x64xi32, #tpu.memory_space<vmem>>
      %dma_wait3A_128 = tpu.memref_squeeze %dma_wait3A_127 : memref<1x64xi32, #tpu.memory_space<vmem>> -> memref<64xi32, #tpu.memory_space<vmem>>
      %dma_wait3A_129 = arith.constant 0 : i32
      %dma_wait3A_130 = arith.constant 0 : i32
      %dma_wait3A_131 = tpu.memref_slice %arg6[%dma_wait3A_129, %dma_wait3A_130] : memref<10112x128xf32, #tpu.memory_space<vmem_shared>> -> memref<10112x128xf32, #tpu.memory_space<vmem_shared>>
      tpu.wait_indirect_dma semaphore(%arg9 : memref<!tpu.dma_semaphore, #tpu.memory_space<semaphore_mem>>) src(%arg8 : memref<64x128xf32, #tpu.memory_space<vmem>>) dst(%dma_wait3A_131 : memref<10112x128xf32, #tpu.memory_space<vmem_shared>>)
      %dma_wait3A_132 = arith.constant 1 : i32
      %dma_wait3A_133 = arith.constant 0 : i32
      %dma_wait3A_134 = tpu.memref_slice %arg7[%dma_wait3A_132, %dma_wait3A_133] : memref<16x64xi32, #tpu.memory_space<vmem>> -> memref<1x64xi32, #tpu.memory_space<vmem>>
      %dma_wait3A_135 = tpu.memref_squeeze %dma_wait3A_134 : memref<1x64xi32, #tpu.memory_space<vmem>> -> memref<64xi32, #tpu.memory_space<vmem>>
      %dma_wait3A_136 = arith.constant 0 : i32
      %dma_wait3A_137 = arith.constant 0 : i32
      %dma_wait3A_138 = tpu.memref_slice %arg6[%dma_wait3A_136, %dma_wait3A_137] : memref<10112x128xf32, #tpu.memory_space<vmem_shared>> -> memref<10112x128xf32, #tpu.memory_space<vmem_shared>>
      tpu.wait_indirect_dma semaphore(%arg9 : memref<!tpu.dma_semaphore, #tpu.memory_space<semaphore_mem>>) src(%arg8 : memref<64x128xf32, #tpu.memory_space<vmem>>) dst(%dma_wait3A_138 : memref<10112x128xf32, #tpu.memory_space<vmem_shared>>)
      %dma_wait3A_139 = arith.constant 2 : i32
      %dma_wait3A_140 = arith.constant 0 : i32
      %dma_wait3A_141 = tpu.memref_slice %arg7[%dma_wait3A_139, %dma_wait3A_140] : memref<16x64xi32, #tpu.memory_space<vmem>> -> memref<1x64xi32, #tpu.memory_space<vmem>>
      %dma_wait3A_142 = tpu.memref_squeeze %dma_wait3A_141 : memref<1x64xi32, #tpu.memory_space<vmem>> -> memref<64xi32, #tpu.memory_space<vmem>>
      %dma_wait3A_143 = arith.constant 0 : i32
      %dma_wait3A_144 = arith.constant 0 : i32
      %dma_wait3A_145 = tpu.memref_slice %arg6[%dma_wait3A_143, %dma_wait3A_144] : memref<10112x128xf32, #tpu.memory_space<vmem_shared>> -> memref<10112x128xf32, #tpu.memory_space<vmem_shared>>
      tpu.wait_indirect_dma semaphore(%arg9 : memref<!tpu.dma_semaphore, #tpu.memory_space<semaphore_mem>>) src(%arg8 : memref<64x128xf32, #tpu.memory_space<vmem>>) dst(%dma_wait3A_145 : memref<10112x128xf32, #tpu.memory_space<vmem_shared>>)
      %dma_wait3A_146 = arith.constant 3 : i32
      %dma_wait3A_147 = arith.constant 0 : i32
      %dma_wait3A_148 = tpu.memref_slice %arg7[%dma_wait3A_146, %dma_wait3A_147] : memref<16x64xi32, #tpu.memory_space<vmem>> -> memref<1x64xi32, #tpu.memory_space<vmem>>
      %dma_wait3A_149 = tpu.memref_squeeze %dma_wait3A_148 : memref<1x64xi32, #tpu.memory_space<vmem>> -> memref<64xi32, #tpu.memory_space<vmem>>
      %dma_wait3A_150 = arith.constant 0 : i32
      %dma_wait3A_151 = arith.constant 0 : i32
      %dma_wait3A_152 = tpu.memref_slice %arg6[%dma_wait3A_150, %dma_wait3A_151] : memref<10112x128xf32, #tpu.memory_space<vmem_shared>> -> memref<10112x128xf32, #tpu.memory_space<vmem_shared>>
      tpu.wait_indirect_dma semaphore(%arg9 : memref<!tpu.dma_semaphore, #tpu.memory_space<semaphore_mem>>) src(%arg8 : memref<64x128xf32, #tpu.memory_space<vmem>>) dst(%dma_wait3A_152 : memref<10112x128xf32, #tpu.memory_space<vmem_shared>>)
      %dma_wait3A_153 = arith.constant 4 : i32
      %dma_wait3A_154 = arith.constant 0 : i32
      %dma_wait3A_155 = tpu.memref_slice %arg7[%dma_wait3A_153, %dma_wait3A_154] : memref<16x64xi32, #tpu.memory_space<vmem>> -> memref<1x64xi32, #tpu.memory_space<vmem>>
      %dma_wait3A_156 = tpu.memref_squeeze %dma_wait3A_155 : memref<1x64xi32, #tpu.memory_space<vmem>> -> memref<64xi32, #tpu.memory_space<vmem>>
      %dma_wait3A_157 = arith.constant 0 : i32
      %dma_wait3A_158 = arith.constant 0 : i32
      %dma_wait3A_159 = tpu.memref_slice %arg6[%dma_wait3A_157, %dma_wait3A_158] : memref<10112x128xf32, #tpu.memory_space<vmem_shared>> -> memref<10112x128xf32, #tpu.memory_space<vmem_shared>>
      tpu.wait_indirect_dma semaphore(%arg9 : memref<!tpu.dma_semaphore, #tpu.memory_space<semaphore_mem>>) src(%arg8 : memref<64x128xf32, #tpu.memory_space<vmem>>) dst(%dma_wait3A_159 : memref<10112x128xf32, #tpu.memory_space<vmem_shared>>)
      %dma_wait3A_160 = arith.constant 5 : i32
      %dma_wait3A_161 = arith.constant 0 : i32
      %dma_wait3A_162 = tpu.memref_slice %arg7[%dma_wait3A_160, %dma_wait3A_161] : memref<16x64xi32, #tpu.memory_space<vmem>> -> memref<1x64xi32, #tpu.memory_space<vmem>>
      %dma_wait3A_163 = tpu.memref_squeeze %dma_wait3A_162 : memref<1x64xi32, #tpu.memory_space<vmem>> -> memref<64xi32, #tpu.memory_space<vmem>>
      %dma_wait3A_164 = arith.constant 0 : i32
      %dma_wait3A_165 = arith.constant 0 : i32
      %dma_wait3A_166 = tpu.memref_slice %arg6[%dma_wait3A_164, %dma_wait3A_165] : memref<10112x128xf32, #tpu.memory_space<vmem_shared>> -> memref<10112x128xf32, #tpu.memory_space<vmem_shared>>
      tpu.wait_indirect_dma semaphore(%arg9 : memref<!tpu.dma_semaphore, #tpu.memory_space<semaphore_mem>>) src(%arg8 : memref<64x128xf32, #tpu.memory_space<vmem>>) dst(%dma_wait3A_166 : memref<10112x128xf32, #tpu.memory_space<vmem_shared>>)
      %dma_wait3A_167 = arith.constant 6 : i32
      %dma_wait3A_168 = arith.constant 0 : i32
      %dma_wait3A_169 = tpu.memref_slice %arg7[%dma_wait3A_167, %dma_wait3A_168] : memref<16x64xi32, #tpu.memory_space<vmem>> -> memref<1x64xi32, #tpu.memory_space<vmem>>
      %dma_wait3A_170 = tpu.memref_squeeze %dma_wait3A_169 : memref<1x64xi32, #tpu.memory_space<vmem>> -> memref<64xi32, #tpu.memory_space<vmem>>
      %dma_wait3A_171 = arith.constant 0 : i32
      %dma_wait3A_172 = arith.constant 0 : i32
      %dma_wait3A_173 = tpu.memref_slice %arg6[%dma_wait3A_171, %dma_wait3A_172] : memref<10112x128xf32, #tpu.memory_space<vmem_shared>> -> memref<10112x128xf32, #tpu.memory_space<vmem_shared>>
      tpu.wait_indirect_dma semaphore(%arg9 : memref<!tpu.dma_semaphore, #tpu.memory_space<semaphore_mem>>) src(%arg8 : memref<64x128xf32, #tpu.memory_space<vmem>>) dst(%dma_wait3A_173 : memref<10112x128xf32, #tpu.memory_space<vmem_shared>>)
      %dma_wait3A_174 = arith.constant 7 : i32
      %dma_wait3A_175 = arith.constant 0 : i32
      %dma_wait3A_176 = tpu.memref_slice %arg7[%dma_wait3A_174, %dma_wait3A_175] : memref<16x64xi32, #tpu.memory_space<vmem>> -> memref<1x64xi32, #tpu.memory_space<vmem>>
      %dma_wait3A_177 = tpu.memref_squeeze %dma_wait3A_176 : memref<1x64xi32, #tpu.memory_space<vmem>> -> memref<64xi32, #tpu.memory_space<vmem>>
      %dma_wait3A_178 = arith.constant 0 : i32
      %dma_wait3A_179 = arith.constant 0 : i32
      %dma_wait3A_180 = tpu.memref_slice %arg6[%dma_wait3A_178, %dma_wait3A_179] : memref<10112x128xf32, #tpu.memory_space<vmem_shared>> -> memref<10112x128xf32, #tpu.memory_space<vmem_shared>>
      tpu.wait_indirect_dma semaphore(%arg9 : memref<!tpu.dma_semaphore, #tpu.memory_space<semaphore_mem>>) src(%arg8 : memref<64x128xf32, #tpu.memory_space<vmem>>) dst(%dma_wait3A_180 : memref<10112x128xf32, #tpu.memory_space<vmem_shared>>)
      %dma_wait3A_181 = arith.constant 8 : i32
      %dma_wait3A_182 = arith.constant 0 : i32
      %dma_wait3A_183 = tpu.memref_slice %arg7[%dma_wait3A_181, %dma_wait3A_182] : memref<16x64xi32, #tpu.memory_space<vmem>> -> memref<1x64xi32, #tpu.memory_space<vmem>>
      %dma_wait3A_184 = tpu.memref_squeeze %dma_wait3A_183 : memref<1x64xi32, #tpu.memory_space<vmem>> -> memref<64xi32, #tpu.memory_space<vmem>>
      %dma_wait3A_185 = arith.constant 0 : i32
      %dma_wait3A_186 = arith.constant 0 : i32
      %dma_wait3A_187 = tpu.memref_slice %arg6[%dma_wait3A_185, %dma_wait3A_186] : memref<10112x128xf32, #tpu.memory_space<vmem_shared>> -> memref<10112x128xf32, #tpu.memory_space<vmem_shared>>
      tpu.wait_indirect_dma semaphore(%arg9 : memref<!tpu.dma_semaphore, #tpu.memory_space<semaphore_mem>>) src(%arg8 : memref<64x128xf32, #tpu.memory_space<vmem>>) dst(%dma_wait3A_187 : memref<10112x128xf32, #tpu.memory_space<vmem_shared>>)
      %dma_wait3A_188 = arith.constant 9 : i32
      %dma_wait3A_189 = arith.constant 0 : i32
      %dma_wait3A_190 = tpu.memref_slice %arg7[%dma_wait3A_188, %dma_wait3A_189] : memref<16x64xi32, #tpu.memory_space<vmem>> -> memref<1x64xi32, #tpu.memory_space<vmem>>
      %dma_wait3A_191 = tpu.memref_squeeze %dma_wait3A_190 : memref<1x64xi32, #tpu.memory_space<vmem>> -> memref<64xi32, #tpu.memory_space<vmem>>
      %dma_wait3A_192 = arith.constant 0 : i32
      %dma_wait3A_193 = arith.constant 0 : i32
      %dma_wait3A_194 = tpu.memref_slice %arg6[%dma_wait3A_192, %dma_wait3A_193] : memref<10112x128xf32, #tpu.memory_space<vmem_shared>> -> memref<10112x128xf32, #tpu.memory_space<vmem_shared>>
      tpu.wait_indirect_dma semaphore(%arg9 : memref<!tpu.dma_semaphore, #tpu.memory_space<semaphore_mem>>) src(%arg8 : memref<64x128xf32, #tpu.memory_space<vmem>>) dst(%dma_wait3A_194 : memref<10112x128xf32, #tpu.memory_space<vmem_shared>>)
      %dma_wait3A_195 = arith.constant 10 : i32
      %dma_wait3A_196 = arith.constant 0 : i32
      %dma_wait3A_197 = tpu.memref_slice %arg7[%dma_wait3A_195, %dma_wait3A_196] : memref<16x64xi32, #tpu.memory_space<vmem>> -> memref<1x64xi32, #tpu.memory_space<vmem>>
      %dma_wait3A_198 = tpu.memref_squeeze %dma_wait3A_197 : memref<1x64xi32, #tpu.memory_space<vmem>> -> memref<64xi32, #tpu.memory_space<vmem>>
      %dma_wait3A_199 = arith.constant 0 : i32
      %dma_wait3A_200 = arith.constant 0 : i32
      %dma_wait3A_201 = tpu.memref_slice %arg6[%dma_wait3A_199, %dma_wait3A_200] : memref<10112x128xf32, #tpu.memory_space<vmem_shared>> -> memref<10112x128xf32, #tpu.memory_space<vmem_shared>>
      tpu.wait_indirect_dma semaphore(%arg9 : memref<!tpu.dma_semaphore, #tpu.memory_space<semaphore_mem>>) src(%arg8 : memref<64x128xf32, #tpu.memory_space<vmem>>) dst(%dma_wait3A_201 : memref<10112x128xf32, #tpu.memory_space<vmem_shared>>)
      %dma_wait3A_202 = arith.constant 11 : i32
      %dma_wait3A_203 = arith.constant 0 : i32
      %dma_wait3A_204 = tpu.memref_slice %arg7[%dma_wait3A_202, %dma_wait3A_203] : memref<16x64xi32, #tpu.memory_space<vmem>> -> memref<1x64xi32, #tpu.memory_space<vmem>>
      %dma_wait3A_205 = tpu.memref_squeeze %dma_wait3A_204 : memref<1x64xi32, #tpu.memory_space<vmem>> -> memref<64xi32, #tpu.memory_space<vmem>>
      %dma_wait3A_206 = arith.constant 0 : i32
      %dma_wait3A_207 = arith.constant 0 : i32
      %dma_wait3A_208 = tpu.memref_slice %arg6[%dma_wait3A_206, %dma_wait3A_207] : memref<10112x128xf32, #tpu.memory_space<vmem_shared>> -> memref<10112x128xf32, #tpu.memory_space<vmem_shared>>
      tpu.wait_indirect_dma semaphore(%arg9 : memref<!tpu.dma_semaphore, #tpu.memory_space<semaphore_mem>>) src(%arg8 : memref<64x128xf32, #tpu.memory_space<vmem>>) dst(%dma_wait3A_208 : memref<10112x128xf32, #tpu.memory_space<vmem_shared>>)
      %dma_wait3A_209 = arith.constant 12 : i32
      %dma_wait3A_210 = arith.constant 0 : i32
      %dma_wait3A_211 = tpu.memref_slice %arg7[%dma_wait3A_209, %dma_wait3A_210] : memref<16x64xi32, #tpu.memory_space<vmem>> -> memref<1x64xi32, #tpu.memory_space<vmem>>
      %dma_wait3A_212 = tpu.memref_squeeze %dma_wait3A_211 : memref<1x64xi32, #tpu.memory_space<vmem>> -> memref<64xi32, #tpu.memory_space<vmem>>
      %dma_wait3A_213 = arith.constant 0 : i32
      %dma_wait3A_214 = arith.constant 0 : i32
      %dma_wait3A_215 = tpu.memref_slice %arg6[%dma_wait3A_213, %dma_wait3A_214] : memref<10112x128xf32, #tpu.memory_space<vmem_shared>> -> memref<10112x128xf32, #tpu.memory_space<vmem_shared>>
      tpu.wait_indirect_dma semaphore(%arg9 : memref<!tpu.dma_semaphore, #tpu.memory_space<semaphore_mem>>) src(%arg8 : memref<64x128xf32, #tpu.memory_space<vmem>>) dst(%dma_wait3A_215 : memref<10112x128xf32, #tpu.memory_space<vmem_shared>>)
      %dma_wait3A_216 = arith.constant 13 : i32
      %dma_wait3A_217 = arith.constant 0 : i32
      %dma_wait3A_218 = tpu.memref_slice %arg7[%dma_wait3A_216, %dma_wait3A_217] : memref<16x64xi32, #tpu.memory_space<vmem>> -> memref<1x64xi32, #tpu.memory_space<vmem>>
      %dma_wait3A_219 = tpu.memref_squeeze %dma_wait3A_218 : memref<1x64xi32, #tpu.memory_space<vmem>> -> memref<64xi32, #tpu.memory_space<vmem>>
      %dma_wait3A_220 = arith.constant 0 : i32
      %dma_wait3A_221 = arith.constant 0 : i32
      %dma_wait3A_222 = tpu.memref_slice %arg6[%dma_wait3A_220, %dma_wait3A_221] : memref<10112x128xf32, #tpu.memory_space<vmem_shared>> -> memref<10112x128xf32, #tpu.memory_space<vmem_shared>>
      tpu.wait_indirect_dma semaphore(%arg9 : memref<!tpu.dma_semaphore, #tpu.memory_space<semaphore_mem>>) src(%arg8 : memref<64x128xf32, #tpu.memory_space<vmem>>) dst(%dma_wait3A_222 : memref<10112x128xf32, #tpu.memory_space<vmem_shared>>)
      %dma_wait3A_223 = arith.constant 14 : i32
      %dma_wait3A_224 = arith.constant 0 : i32
      %dma_wait3A_225 = tpu.memref_slice %arg7[%dma_wait3A_223, %dma_wait3A_224] : memref<16x64xi32, #tpu.memory_space<vmem>> -> memref<1x64xi32, #tpu.memory_space<vmem>>
      %dma_wait3A_226 = tpu.memref_squeeze %dma_wait3A_225 : memref<1x64xi32, #tpu.memory_space<vmem>> -> memref<64xi32, #tpu.memory_space<vmem>>
      %dma_wait3A_227 = arith.constant 0 : i32
      %dma_wait3A_228 = arith.constant 0 : i32
      %dma_wait3A_229 = tpu.memref_slice %arg6[%dma_wait3A_227, %dma_wait3A_228] : memref<10112x128xf32, #tpu.memory_space<vmem_shared>> -> memref<10112x128xf32, #tpu.memory_space<vmem_shared>>
      tpu.wait_indirect_dma semaphore(%arg9 : memref<!tpu.dma_semaphore, #tpu.memory_space<semaphore_mem>>) src(%arg8 : memref<64x128xf32, #tpu.memory_space<vmem>>) dst(%dma_wait3A_229 : memref<10112x128xf32, #tpu.memory_space<vmem_shared>>)
      %dma_wait3A_230 = arith.constant 15 : i32
      %dma_wait3A_231 = arith.constant 0 : i32
      %dma_wait3A_232 = tpu.memref_slice %arg7[%dma_wait3A_230, %dma_wait3A_231] : memref<16x64xi32, #tpu.memory_space<vmem>> -> memref<1x64xi32, #tpu.memory_space<vmem>>
      %dma_wait3A_233 = tpu.memref_squeeze %dma_wait3A_232 : memref<1x64xi32, #tpu.memory_space<vmem>> -> memref<64xi32, #tpu.memory_space<vmem>>
      %dma_wait3A_234 = arith.constant 0 : i32
      %dma_wait3A_235 = arith.constant 0 : i32
      %dma_wait3A_236 = tpu.memref_slice %arg6[%dma_wait3A_234, %dma_wait3A_235] : memref<10112x128xf32, #tpu.memory_space<vmem_shared>> -> memref<10112x128xf32, #tpu.memory_space<vmem_shared>>
      tpu.wait_indirect_dma semaphore(%arg9 : memref<!tpu.dma_semaphore, #tpu.memory_space<semaphore_mem>>) src(%arg8 : memref<64x128xf32, #tpu.memory_space<vmem>>) dst(%dma_wait3A_236 : memref<10112x128xf32, #tpu.memory_space<vmem_shared>>)
    }
    %scan3A_9 = arith.constant 10 : i32
    %barrier3A_10 = arith.constant 0 : index
    tpu.barrier barrier_id(%barrier3A_10)
    "tpu.region"() ({
      %run_scoped3A = tpu.sem_alloc : memref<!tpu.dma_semaphore, #tpu.memory_space<semaphore_mem>>
      %dma_start3A = arith.constant 0 : i32
      %dma_start3A_11 = tpu.memref_slice %arg5[%arg0, %mul3A_2, %dma_start3A] : memref<2x10112x128xf32, #tpu.memory_space<hbm>> -> memref<1x632x128xf32, #tpu.memory_space<hbm>>
      %dma_start3A_12 = tpu.memref_squeeze %dma_start3A_11 : memref<1x632x128xf32, #tpu.memory_space<hbm>> -> memref<632x128xf32, #tpu.memory_space<hbm>>
      %dma_start3A_13 = arith.constant 0 : i32
      %dma_start3A_14 = tpu.memref_slice %arg6[%mul3A_2, %dma_start3A_13] : memref<10112x128xf32, #tpu.memory_space<vmem_shared>> -> memref<632x128xf32, #tpu.memory_space<vmem_shared>>
      tpu.enqueue_dma source(%dma_start3A_14 : memref<632x128xf32, #tpu.memory_space<vmem_shared>>) target(%dma_start3A_12 : memref<632x128xf32, #tpu.memory_space<hbm>>) target_semaphore(%run_scoped3A : memref<!tpu.dma_semaphore, #tpu.memory_space<semaphore_mem>>)
      %dma_wait3A = arith.constant 0 : i32
      %dma_wait3A_15 = tpu.memref_slice %arg5[%arg0, %mul3A_2, %dma_wait3A] : memref<2x10112x128xf32, #tpu.memory_space<hbm>> -> memref<1x632x128xf32, #tpu.memory_space<hbm>>
      %dma_wait3A_16 = tpu.memref_squeeze %dma_wait3A_15 : memref<1x632x128xf32, #tpu.memory_space<hbm>> -> memref<632x128xf32, #tpu.memory_space<hbm>>
      %dma_wait3A_17 = arith.constant 0 : i32
      %dma_wait3A_18 = tpu.memref_slice %arg6[%mul3A_2, %dma_wait3A_17] : memref<10112x128xf32, #tpu.memory_space<vmem_shared>> -> memref<632x128xf32, #tpu.memory_space<vmem_shared>>
      tpu.wait_dma2 semaphore(%run_scoped3A : memref<!tpu.dma_semaphore, #tpu.memory_space<semaphore_mem>>) src(%dma_wait3A_18 : memref<632x128xf32, #tpu.memory_space<vmem_shared>>) dst(%dma_wait3A_16 : memref<632x128xf32, #tpu.memory_space<hbm>>)
      tpu.yield
    }) : () -> ()
    return
  }
}

#map = affine_map<(d0, d1) -> (0, 0)>
#map1 = affine_map<(d0, d1) -> (0, 0, 0)>
module attributes {stable_mosaic.version = 14 : i64} {
  func.func @_feat_body(%arg0: i32, %arg1: i32, %arg2: memref<10000x128xf32, #tpu.memory_space<hbm>>, %arg3: memref<5120x64xi32, #tpu.memory_space<hbm>>, %arg4: memref<5120x64xi32, #tpu.memory_space<hbm>>, %arg5: memref<632x128xf32, #tpu.memory_space<hbm>>, %arg6: memref<2x10112x128xf32, #tpu.memory_space<hbm>>, %arg7: memref<10112x128xf32, #tpu.memory_space<vmem_shared>>, %arg8: memref<16x64xi32, #tpu.memory_space<vmem>>, %arg9: memref<16x64xi32, #tpu.memory_space<vmem>>, %arg10: memref<64x128xf32, #tpu.memory_space<vmem>>, %arg11: memref<64x128xf32, #tpu.memory_space<vmem>>, %arg12: memref<64x128xf32, #tpu.memory_space<vmem>>, %arg13: memref<64x128xf32, #tpu.memory_space<vmem>>, %arg14: memref<!tpu.dma_semaphore, #tpu.memory_space<semaphore_mem>>, %arg15: memref<!tpu.dma_semaphore, #tpu.memory_space<semaphore_mem>>, %arg16: memref<!tpu.dma_semaphore, #tpu.memory_space<semaphore_mem>>, %arg17: memref<!tpu.dma_semaphore, #tpu.memory_space<semaphore_mem>>, %arg18: memref<!tpu.dma_semaphore, #tpu.memory_space<semaphore_mem>>, %arg19: memref<!tpu.dma_semaphore, #tpu.memory_space<semaphore_mem>>, %arg20: memref<!tpu.dma_semaphore, #tpu.memory_space<semaphore_mem>>, %arg21: memref<!tpu.dma_semaphore, #tpu.memory_space<semaphore_mem>>) attributes {dimension_semantics = [#tpu.dimension_semantics<core_parallel>, #tpu.dimension_semantics<subcore_parallel>], iteration_bounds = array<i64: 2, 16>, scalar_prefetch = 0 : i64, scratch_operands = 15 : i64, tpu.core_type = #tpu.core_type<sc_vector_subcore>, window_params = [{transform_indices = #map}, {transform_indices = #map}, {transform_indices = #map}, {transform_indices = #map}, {transform_indices = #map1}]} {
    %mul3A = arith.constant 632 : i32
    %mul3A_0 = arith.muli %arg1, %mul3A : i32
    "tpu.region"() ({
      %run_scoped3A = tpu.sem_alloc : memref<!tpu.dma_semaphore, #tpu.memory_space<semaphore_mem>>
      %dma_start3A = arith.constant 0 : i32
      %dma_start3A_21 = tpu.memref_slice %arg7[%mul3A_0, %dma_start3A] : memref<10112x128xf32, #tpu.memory_space<vmem_shared>> -> memref<632x128xf32, #tpu.memory_space<vmem_shared>>
      tpu.enqueue_dma source(%arg5 : memref<632x128xf32, #tpu.memory_space<hbm>>) target(%dma_start3A_21 : memref<632x128xf32, #tpu.memory_space<vmem_shared>>) target_semaphore(%run_scoped3A : memref<!tpu.dma_semaphore, #tpu.memory_space<semaphore_mem>>)
      %dma_wait3A = arith.constant 0 : i32
      %dma_wait3A_22 = tpu.memref_slice %arg7[%mul3A_0, %dma_wait3A] : memref<10112x128xf32, #tpu.memory_space<vmem_shared>> -> memref<632x128xf32, #tpu.memory_space<vmem_shared>>
      tpu.wait_dma2 semaphore(%run_scoped3A : memref<!tpu.dma_semaphore, #tpu.memory_space<semaphore_mem>>) src(%arg5 : memref<632x128xf32, #tpu.memory_space<hbm>>) dst(%dma_wait3A_22 : memref<632x128xf32, #tpu.memory_space<vmem_shared>>)
      tpu.yield
    }) : () -> ()
    %eq3A = arith.constant 0 : i32
    %eq3A_1 = arith.cmpi eq, %arg0, %eq3A : i32
    %mul3A_2 = arith.constant 304 : i32
    %mul3A_3 = arith.muli %arg1, %mul3A_2 : i32
    %mul3A_4 = arith.constant 16 : i32
    %mul3A_5 = arith.muli %arg1, %mul3A_4 : i32
    %add3A = arith.constant 4864 : i32
    %add3A_6 = arith.addi %add3A, %mul3A_5 : i32
    %select_n3A = arith.select %eq3A_1, %mul3A_3, %add3A_6 : i32
    %eq3A_7 = arith.constant 0 : i32
    %eq3A_8 = arith.cmpi eq, %arg0, %eq3A_7 : i32
    %jit3A = arith.constant 19 : i32
    %jit3A_9 = arith.constant 1 : i32
    %select_n3A_10 = arith.select %eq3A_8, %jit3A, %jit3A_9 : i32
    %barrier3A = arith.constant 0 : index
    tpu.barrier barrier_id(%barrier3A)
    %while3A = arith.constant 0 : i32
    %while3A_11 = arith.constant 0 : i32
    %while3A_12 = arith.subi %select_n3A_10, %while3A_11 : i32
    %while3A_13 = arith.addi %while3A_11, %while3A_12 : i32
    %while3A_14 = arith.constant 1 : i32
    %while3A_15 = arith.divsi %while3A_12, %while3A_14 : i32
    %while3A_16 = arith.muli %while3A_15, %while3A_14 : i32
    %while3A_17 = arith.addi %while3A_11, %while3A_16 : i32
    %while3A_18 = arith.constant 1 : i32
    scf.for %while3A_21 = %while3A_11 to %while3A_17 step %while3A_18  : i32 {
      %mul3A_22 = arith.constant 16 : i32
      %mul3A_23 = arith.muli %while3A_21, %mul3A_22 : i32
      %add3A_24 = arith.addi %select_n3A, %mul3A_23 : i32
      "tpu.region"() ({
        %run_scoped3A = tpu.sem_alloc : memref<!tpu.dma_semaphore, #tpu.memory_space<semaphore_mem>>
        %dma_start3A_474 = arith.constant 0 : i32
        %dma_start3A_475 = tpu.memref_slice %arg3[%add3A_24, %dma_start3A_474] : memref<5120x64xi32, #tpu.memory_space<hbm>> -> memref<16x64xi32, #tpu.memory_space<hbm>>
        %dma_start3A_476 = arith.constant 0 : i32
        %dma_start3A_477 = tpu.memref_slice %arg3[%add3A_24, %dma_start3A_476] : memref<5120x64xi32, #tpu.memory_space<hbm>> -> memref<16x64xi32, #tpu.memory_space<hbm>>
        tpu.enqueue_dma source(%dma_start3A_477 : memref<16x64xi32, #tpu.memory_space<hbm>>) target(%arg8 : memref<16x64xi32, #tpu.memory_space<vmem>>) target_semaphore(%run_scoped3A : memref<!tpu.dma_semaphore, #tpu.memory_space<semaphore_mem>>)
        %dma_wait3A_478 = arith.constant 0 : i32
        %dma_wait3A_479 = tpu.memref_slice %arg3[%add3A_24, %dma_wait3A_478] : memref<5120x64xi32, #tpu.memory_space<hbm>> -> memref<16x64xi32, #tpu.memory_space<hbm>>
        %dma_wait3A_480 = arith.constant 0 : i32
        %dma_wait3A_481 = tpu.memref_slice %arg3[%add3A_24, %dma_wait3A_480] : memref<5120x64xi32, #tpu.memory_space<hbm>> -> memref<16x64xi32, #tpu.memory_space<hbm>>
        tpu.wait_dma2 semaphore(%run_scoped3A : memref<!tpu.dma_semaphore, #tpu.memory_space<semaphore_mem>>) src(%dma_wait3A_481 : memref<16x64xi32, #tpu.memory_space<hbm>>) dst(%arg8 : memref<16x64xi32, #tpu.memory_space<vmem>>)
        tpu.yield
      }) : () -> ()
      %mul3A_25 = arith.constant 16 : i32
      %mul3A_26 = arith.muli %while3A_21, %mul3A_25 : i32
      %add3A_27 = arith.addi %select_n3A, %mul3A_26 : i32
      "tpu.region"() ({
        %run_scoped3A = tpu.sem_alloc : memref<!tpu.dma_semaphore, #tpu.memory_space<semaphore_mem>>
        %dma_start3A_474 = arith.constant 0 : i32
        %dma_start3A_475 = tpu.memref_slice %arg4[%add3A_27, %dma_start3A_474] : memref<5120x64xi32, #tpu.memory_space<hbm>> -> memref<16x64xi32, #tpu.memory_space<hbm>>
        %dma_start3A_476 = arith.constant 0 : i32
        %dma_start3A_477 = tpu.memref_slice %arg4[%add3A_27, %dma_start3A_476] : memref<5120x64xi32, #tpu.memory_space<hbm>> -> memref<16x64xi32, #tpu.memory_space<hbm>>
        tpu.enqueue_dma source(%dma_start3A_477 : memref<16x64xi32, #tpu.memory_space<hbm>>) target(%arg9 : memref<16x64xi32, #tpu.memory_space<vmem>>) target_semaphore(%run_scoped3A : memref<!tpu.dma_semaphore, #tpu.memory_space<semaphore_mem>>)
        %dma_wait3A_478 = arith.constant 0 : i32
        %dma_wait3A_479 = tpu.memref_slice %arg4[%add3A_27, %dma_wait3A_478] : memref<5120x64xi32, #tpu.memory_space<hbm>> -> memref<16x64xi32, #tpu.memory_space<hbm>>
        %dma_wait3A_480 = arith.constant 0 : i32
        %dma_wait3A_481 = tpu.memref_slice %arg4[%add3A_27, %dma_wait3A_480] : memref<5120x64xi32, #tpu.memory_space<hbm>> -> memref<16x64xi32, #tpu.memory_space<hbm>>
        tpu.wait_dma2 semaphore(%run_scoped3A : memref<!tpu.dma_semaphore, #tpu.memory_space<semaphore_mem>>) src(%dma_wait3A_481 : memref<16x64xi32, #tpu.memory_space<hbm>>) dst(%arg9 : memref<16x64xi32, #tpu.memory_space<vmem>>)
        tpu.yield
      }) : () -> ()
      %dma_start3A = arith.constant 0 : i32
      %dma_start3A_28 = arith.constant 0 : i32
      %dma_start3A_29 = tpu.memref_slice %arg8[%dma_start3A, %dma_start3A_28] : memref<16x64xi32, #tpu.memory_space<vmem>> -> memref<1x64xi32, #tpu.memory_space<vmem>>
      %dma_start3A_30 = tpu.memref_squeeze %dma_start3A_29 : memref<1x64xi32, #tpu.memory_space<vmem>> -> memref<64xi32, #tpu.memory_space<vmem>>
      %dma_start3A_31 = arith.constant 0 : i32
      %dma_start3A_32 = arith.constant 0 : i32
      %dma_start3A_33 = tpu.memref_slice %arg2[%dma_start3A_31, %dma_start3A_32] : memref<10000x128xf32, #tpu.memory_space<hbm>> -> memref<10000x128xf32, #tpu.memory_space<hbm>>
      tpu.enqueue_indirect_dma source(%dma_start3A_33 : memref<10000x128xf32, #tpu.memory_space<hbm>>) target(%arg10 : memref<64x128xf32, #tpu.memory_space<vmem>>) offsets(%dma_start3A_30 : memref<64xi32, #tpu.memory_space<vmem>>) semaphore(%arg14 : memref<!tpu.dma_semaphore, #tpu.memory_space<semaphore_mem>>)
      %dma_start3A_34 = arith.constant 1 : i32
      %dma_start3A_35 = arith.constant 0 : i32
      %dma_start3A_36 = tpu.memref_slice %arg8[%dma_start3A_34, %dma_start3A_35] : memref<16x64xi32, #tpu.memory_space<vmem>> -> memref<1x64xi32, #tpu.memory_space<vmem>>
      %dma_start3A_37 = tpu.memref_squeeze %dma_start3A_36 : memref<1x64xi32, #tpu.memory_space<vmem>> -> memref<64xi32, #tpu.memory_space<vmem>>
      %dma_start3A_38 = arith.constant 0 : i32
      %dma_start3A_39 = arith.constant 0 : i32
      %dma_start3A_40 = tpu.memref_slice %arg2[%dma_start3A_38, %dma_start3A_39] : memref<10000x128xf32, #tpu.memory_space<hbm>> -> memref<10000x128xf32, #tpu.memory_space<hbm>>
      tpu.enqueue_indirect_dma source(%dma_start3A_40 : memref<10000x128xf32, #tpu.memory_space<hbm>>) target(%arg11 : memref<64x128xf32, #tpu.memory_space<vmem>>) offsets(%dma_start3A_37 : memref<64xi32, #tpu.memory_space<vmem>>) semaphore(%arg15 : memref<!tpu.dma_semaphore, #tpu.memory_space<semaphore_mem>>)
      %dma_start3A_41 = arith.constant 2 : i32
      %dma_start3A_42 = arith.constant 0 : i32
      %dma_start3A_43 = tpu.memref_slice %arg8[%dma_start3A_41, %dma_start3A_42] : memref<16x64xi32, #tpu.memory_space<vmem>> -> memref<1x64xi32, #tpu.memory_space<vmem>>
      %dma_start3A_44 = tpu.memref_squeeze %dma_start3A_43 : memref<1x64xi32, #tpu.memory_space<vmem>> -> memref<64xi32, #tpu.memory_space<vmem>>
      %dma_start3A_45 = arith.constant 0 : i32
      %dma_start3A_46 = arith.constant 0 : i32
      %dma_start3A_47 = tpu.memref_slice %arg2[%dma_start3A_45, %dma_start3A_46] : memref<10000x128xf32, #tpu.memory_space<hbm>> -> memref<10000x128xf32, #tpu.memory_space<hbm>>
      tpu.enqueue_indirect_dma source(%dma_start3A_47 : memref<10000x128xf32, #tpu.memory_space<hbm>>) target(%arg12 : memref<64x128xf32, #tpu.memory_space<vmem>>) offsets(%dma_start3A_44 : memref<64xi32, #tpu.memory_space<vmem>>) semaphore(%arg16 : memref<!tpu.dma_semaphore, #tpu.memory_space<semaphore_mem>>)
      %dma_wait3A = arith.constant 0 : i32
      %dma_wait3A_48 = arith.constant 0 : i32
      %dma_wait3A_49 = tpu.memref_slice %arg8[%dma_wait3A, %dma_wait3A_48] : memref<16x64xi32, #tpu.memory_space<vmem>> -> memref<1x64xi32, #tpu.memory_space<vmem>>
      %dma_wait3A_50 = tpu.memref_squeeze %dma_wait3A_49 : memref<1x64xi32, #tpu.memory_space<vmem>> -> memref<64xi32, #tpu.memory_space<vmem>>
      %dma_wait3A_51 = arith.constant 0 : i32
      %dma_wait3A_52 = arith.constant 0 : i32
      %dma_wait3A_53 = tpu.memref_slice %arg2[%dma_wait3A_51, %dma_wait3A_52] : memref<10000x128xf32, #tpu.memory_space<hbm>> -> memref<10000x128xf32, #tpu.memory_space<hbm>>
      tpu.wait_indirect_dma semaphore(%arg14 : memref<!tpu.dma_semaphore, #tpu.memory_space<semaphore_mem>>) src(%dma_wait3A_53 : memref<10000x128xf32, #tpu.memory_space<hbm>>) dst(%arg10 : memref<64x128xf32, #tpu.memory_space<vmem>>)
      %dma_start3A_54 = arith.constant 3 : i32
      %dma_start3A_55 = arith.constant 0 : i32
      %dma_start3A_56 = tpu.memref_slice %arg8[%dma_start3A_54, %dma_start3A_55] : memref<16x64xi32, #tpu.memory_space<vmem>> -> memref<1x64xi32, #tpu.memory_space<vmem>>
      %dma_start3A_57 = tpu.memref_squeeze %dma_start3A_56 : memref<1x64xi32, #tpu.memory_space<vmem>> -> memref<64xi32, #tpu.memory_space<vmem>>
      %dma_start3A_58 = arith.constant 0 : i32
      %dma_start3A_59 = arith.constant 0 : i32
      %dma_start3A_60 = tpu.memref_slice %arg2[%dma_start3A_58, %dma_start3A_59] : memref<10000x128xf32, #tpu.memory_space<hbm>> -> memref<10000x128xf32, #tpu.memory_space<hbm>>
      tpu.enqueue_indirect_dma source(%dma_start3A_60 : memref<10000x128xf32, #tpu.memory_space<hbm>>) target(%arg13 : memref<64x128xf32, #tpu.memory_space<vmem>>) offsets(%dma_start3A_57 : memref<64xi32, #tpu.memory_space<vmem>>) semaphore(%arg17 : memref<!tpu.dma_semaphore, #tpu.memory_space<semaphore_mem>>)
      %dma_start3A_61 = arith.constant 0 : i32
      %dma_start3A_62 = arith.constant 0 : i32
      %dma_start3A_63 = tpu.memref_slice %arg9[%dma_start3A_61, %dma_start3A_62] : memref<16x64xi32, #tpu.memory_space<vmem>> -> memref<1x64xi32, #tpu.memory_space<vmem>>
      %dma_start3A_64 = tpu.memref_squeeze %dma_start3A_63 : memref<1x64xi32, #tpu.memory_space<vmem>> -> memref<64xi32, #tpu.memory_space<vmem>>
      %dma_start3A_65 = arith.constant 0 : i32
      %dma_start3A_66 = arith.constant 0 : i32
      %dma_start3A_67 = tpu.memref_slice %arg7[%dma_start3A_65, %dma_start3A_66] : memref<10112x128xf32, #tpu.memory_space<vmem_shared>> -> memref<10112x128xf32, #tpu.memory_space<vmem_shared>>
      tpu.enqueue_indirect_dma source(%arg10 : memref<64x128xf32, #tpu.memory_space<vmem>>) target(%dma_start3A_67 : memref<10112x128xf32, #tpu.memory_space<vmem_shared>>) offsets(%dma_start3A_64 : memref<64xi32, #tpu.memory_space<vmem>>) semaphore(%arg18 : memref<!tpu.dma_semaphore, #tpu.memory_space<semaphore_mem>>) {add = true}
      %dma_wait3A_68 = arith.constant 1 : i32
      %dma_wait3A_69 = arith.constant 0 : i32
      %dma_wait3A_70 = tpu.memref_slice %arg8[%dma_wait3A_68, %dma_wait3A_69] : memref<16x64xi32, #tpu.memory_space<vmem>> -> memref<1x64xi32, #tpu.memory_space<vmem>>
      %dma_wait3A_71 = tpu.memref_squeeze %dma_wait3A_70 : memref<1x64xi32, #tpu.memory_space<vmem>> -> memref<64xi32, #tpu.memory_space<vmem>>
      %dma_wait3A_72 = arith.constant 0 : i32
      %dma_wait3A_73 = arith.constant 0 : i32
      %dma_wait3A_74 = tpu.memref_slice %arg2[%dma_wait3A_72, %dma_wait3A_73] : memref<10000x128xf32, #tpu.memory_space<hbm>> -> memref<10000x128xf32, #tpu.memory_space<hbm>>
      tpu.wait_indirect_dma semaphore(%arg15 : memref<!tpu.dma_semaphore, #tpu.memory_space<semaphore_mem>>) src(%dma_wait3A_74 : memref<10000x128xf32, #tpu.memory_space<hbm>>) dst(%arg11 : memref<64x128xf32, #tpu.memory_space<vmem>>)
      %dma_wait3A_75 = arith.constant 0 : i32
      %dma_wait3A_76 = arith.constant 0 : i32
      %dma_wait3A_77 = tpu.memref_slice %arg9[%dma_wait3A_75, %dma_wait3A_76] : memref<16x64xi32, #tpu.memory_space<vmem>> -> memref<1x64xi32, #tpu.memory_space<vmem>>
      %dma_wait3A_78 = tpu.memref_squeeze %dma_wait3A_77 : memref<1x64xi32, #tpu.memory_space<vmem>> -> memref<64xi32, #tpu.memory_space<vmem>>
      %dma_wait3A_79 = arith.constant 0 : i32
      %dma_wait3A_80 = arith.constant 0 : i32
      %dma_wait3A_81 = tpu.memref_slice %arg7[%dma_wait3A_79, %dma_wait3A_80] : memref<10112x128xf32, #tpu.memory_space<vmem_shared>> -> memref<10112x128xf32, #tpu.memory_space<vmem_shared>>
      tpu.wait_indirect_dma semaphore(%arg18 : memref<!tpu.dma_semaphore, #tpu.memory_space<semaphore_mem>>) src(%arg10 : memref<64x128xf32, #tpu.memory_space<vmem>>) dst(%dma_wait3A_81 : memref<10112x128xf32, #tpu.memory_space<vmem_shared>>)
      %dma_start3A_82 = arith.constant 4 : i32
      %dma_start3A_83 = arith.constant 0 : i32
      %dma_start3A_84 = tpu.memref_slice %arg8[%dma_start3A_82, %dma_start3A_83] : memref<16x64xi32, #tpu.memory_space<vmem>> -> memref<1x64xi32, #tpu.memory_space<vmem>>
      %dma_start3A_85 = tpu.memref_squeeze %dma_start3A_84 : memref<1x64xi32, #tpu.memory_space<vmem>> -> memref<64xi32, #tpu.memory_space<vmem>>
      %dma_start3A_86 = arith.constant 0 : i32
      %dma_start3A_87 = arith.constant 0 : i32
      %dma_start3A_88 = tpu.memref_slice %arg2[%dma_start3A_86, %dma_start3A_87] : memref<10000x128xf32, #tpu.memory_space<hbm>> -> memref<10000x128xf32, #tpu.memory_space<hbm>>
      tpu.enqueue_indirect_dma source(%dma_start3A_88 : memref<10000x128xf32, #tpu.memory_space<hbm>>) target(%arg10 : memref<64x128xf32, #tpu.memory_space<vmem>>) offsets(%dma_start3A_85 : memref<64xi32, #tpu.memory_space<vmem>>) semaphore(%arg14 : memref<!tpu.dma_semaphore, #tpu.memory_space<semaphore_mem>>)
      %dma_start3A_89 = arith.constant 1 : i32
      %dma_start3A_90 = arith.constant 0 : i32
      %dma_start3A_91 = tpu.memref_slice %arg9[%dma_start3A_89, %dma_start3A_90] : memref<16x64xi32, #tpu.memory_space<vmem>> -> memref<1x64xi32, #tpu.memory_space<vmem>>
      %dma_start3A_92 = tpu.memref_squeeze %dma_start3A_91 : memref<1x64xi32, #tpu.memory_space<vmem>> -> memref<64xi32, #tpu.memory_space<vmem>>
      %dma_start3A_93 = arith.constant 0 : i32
      %dma_start3A_94 = arith.constant 0 : i32
      %dma_start3A_95 = tpu.memref_slice %arg7[%dma_start3A_93, %dma_start3A_94] : memref<10112x128xf32, #tpu.memory_space<vmem_shared>> -> memref<10112x128xf32, #tpu.memory_space<vmem_shared>>
      tpu.enqueue_indirect_dma source(%arg11 : memref<64x128xf32, #tpu.memory_space<vmem>>) target(%dma_start3A_95 : memref<10112x128xf32, #tpu.memory_space<vmem_shared>>) offsets(%dma_start3A_92 : memref<64xi32, #tpu.memory_space<vmem>>) semaphore(%arg19 : memref<!tpu.dma_semaphore, #tpu.memory_space<semaphore_mem>>) {add = true}
      %dma_wait3A_96 = arith.constant 2 : i32
      %dma_wait3A_97 = arith.constant 0 : i32
      %dma_wait3A_98 = tpu.memref_slice %arg8[%dma_wait3A_96, %dma_wait3A_97] : memref<16x64xi32, #tpu.memory_space<vmem>> -> memref<1x64xi32, #tpu.memory_space<vmem>>
      %dma_wait3A_99 = tpu.memref_squeeze %dma_wait3A_98 : memref<1x64xi32, #tpu.memory_space<vmem>> -> memref<64xi32, #tpu.memory_space<vmem>>
      %dma_wait3A_100 = arith.constant 0 : i32
      %dma_wait3A_101 = arith.constant 0 : i32
      %dma_wait3A_102 = tpu.memref_slice %arg2[%dma_wait3A_100, %dma_wait3A_101] : memref<10000x128xf32, #tpu.memory_space<hbm>> -> memref<10000x128xf32, #tpu.memory_space<hbm>>
      tpu.wait_indirect_dma semaphore(%arg16 : memref<!tpu.dma_semaphore, #tpu.memory_space<semaphore_mem>>) src(%dma_wait3A_102 : memref<10000x128xf32, #tpu.memory_space<hbm>>) dst(%arg12 : memref<64x128xf32, #tpu.memory_space<vmem>>)
      %dma_wait3A_103 = arith.constant 1 : i32
      %dma_wait3A_104 = arith.constant 0 : i32
      %dma_wait3A_105 = tpu.memref_slice %arg9[%dma_wait3A_103, %dma_wait3A_104] : memref<16x64xi32, #tpu.memory_space<vmem>> -> memref<1x64xi32, #tpu.memory_space<vmem>>
      %dma_wait3A_106 = tpu.memref_squeeze %dma_wait3A_105 : memref<1x64xi32, #tpu.memory_space<vmem>> -> memref<64xi32, #tpu.memory_space<vmem>>
      %dma_wait3A_107 = arith.constant 0 : i32
      %dma_wait3A_108 = arith.constant 0 : i32
      %dma_wait3A_109 = tpu.memref_slice %arg7[%dma_wait3A_107, %dma_wait3A_108] : memref<10112x128xf32, #tpu.memory_space<vmem_shared>> -> memref<10112x128xf32, #tpu.memory_space<vmem_shared>>
      tpu.wait_indirect_dma semaphore(%arg19 : memref<!tpu.dma_semaphore, #tpu.memory_space<semaphore_mem>>) src(%arg11 : memref<64x128xf32, #tpu.memory_space<vmem>>) dst(%dma_wait3A_109 : memref<10112x128xf32, #tpu.memory_space<vmem_shared>>)
      %dma_start3A_110 = arith.constant 5 : i32
      %dma_start3A_111 = arith.constant 0 : i32
      %dma_start3A_112 = tpu.memref_slice %arg8[%dma_start3A_110, %dma_start3A_111] : memref<16x64xi32, #tpu.memory_space<vmem>> -> memref<1x64xi32, #tpu.memory_space<vmem>>
      %dma_start3A_113 = tpu.memref_squeeze %dma_start3A_112 : memref<1x64xi32, #tpu.memory_space<vmem>> -> memref<64xi32, #tpu.memory_space<vmem>>
      %dma_start3A_114 = arith.constant 0 : i32
      %dma_start3A_115 = arith.constant 0 : i32
      %dma_start3A_116 = tpu.memref_slice %arg2[%dma_start3A_114, %dma_start3A_115] : memref<10000x128xf32, #tpu.memory_space<hbm>> -> memref<10000x128xf32, #tpu.memory_space<hbm>>
      tpu.enqueue_indirect_dma source(%dma_start3A_116 : memref<10000x128xf32, #tpu.memory_space<hbm>>) target(%arg11 : memref<64x128xf32, #tpu.memory_space<vmem>>) offsets(%dma_start3A_113 : memref<64xi32, #tpu.memory_space<vmem>>) semaphore(%arg15 : memref<!tpu.dma_semaphore, #tpu.memory_space<semaphore_mem>>)
      %dma_start3A_117 = arith.constant 2 : i32
      %dma_start3A_118 = arith.constant 0 : i32
      %dma_start3A_119 = tpu.memref_slice %arg9[%dma_start3A_117, %dma_start3A_118] : memref<16x64xi32, #tpu.memory_space<vmem>> -> memref<1x64xi32, #tpu.memory_space<vmem>>
      %dma_start3A_120 = tpu.memref_squeeze %dma_start3A_119 : memref<1x64xi32, #tpu.memory_space<vmem>> -> memref<64xi32, #tpu.memory_space<vmem>>
      %dma_start3A_121 = arith.constant 0 : i32
      %dma_start3A_122 = arith.constant 0 : i32
      %dma_start3A_123 = tpu.memref_slice %arg7[%dma_start3A_121, %dma_start3A_122] : memref<10112x128xf32, #tpu.memory_space<vmem_shared>> -> memref<10112x128xf32, #tpu.memory_space<vmem_shared>>
      tpu.enqueue_indirect_dma source(%arg12 : memref<64x128xf32, #tpu.memory_space<vmem>>) target(%dma_start3A_123 : memref<10112x128xf32, #tpu.memory_space<vmem_shared>>) offsets(%dma_start3A_120 : memref<64xi32, #tpu.memory_space<vmem>>) semaphore(%arg20 : memref<!tpu.dma_semaphore, #tpu.memory_space<semaphore_mem>>) {add = true}
      %dma_wait3A_124 = arith.constant 3 : i32
      %dma_wait3A_125 = arith.constant 0 : i32
      %dma_wait3A_126 = tpu.memref_slice %arg8[%dma_wait3A_124, %dma_wait3A_125] : memref<16x64xi32, #tpu.memory_space<vmem>> -> memref<1x64xi32, #tpu.memory_space<vmem>>
      %dma_wait3A_127 = tpu.memref_squeeze %dma_wait3A_126 : memref<1x64xi32, #tpu.memory_space<vmem>> -> memref<64xi32, #tpu.memory_space<vmem>>
      %dma_wait3A_128 = arith.constant 0 : i32
      %dma_wait3A_129 = arith.constant 0 : i32
      %dma_wait3A_130 = tpu.memref_slice %arg2[%dma_wait3A_128, %dma_wait3A_129] : memref<10000x128xf32, #tpu.memory_space<hbm>> -> memref<10000x128xf32, #tpu.memory_space<hbm>>
      tpu.wait_indirect_dma semaphore(%arg17 : memref<!tpu.dma_semaphore, #tpu.memory_space<semaphore_mem>>) src(%dma_wait3A_130 : memref<10000x128xf32, #tpu.memory_space<hbm>>) dst(%arg13 : memref<64x128xf32, #tpu.memory_space<vmem>>)
      %dma_wait3A_131 = arith.constant 2 : i32
      %dma_wait3A_132 = arith.constant 0 : i32
      %dma_wait3A_133 = tpu.memref_slice %arg9[%dma_wait3A_131, %dma_wait3A_132] : memref<16x64xi32, #tpu.memory_space<vmem>> -> memref<1x64xi32, #tpu.memory_space<vmem>>
      %dma_wait3A_134 = tpu.memref_squeeze %dma_wait3A_133 : memref<1x64xi32, #tpu.memory_space<vmem>> -> memref<64xi32, #tpu.memory_space<vmem>>
      %dma_wait3A_135 = arith.constant 0 : i32
      %dma_wait3A_136 = arith.constant 0 : i32
      %dma_wait3A_137 = tpu.memref_slice %arg7[%dma_wait3A_135, %dma_wait3A_136] : memref<10112x128xf32, #tpu.memory_space<vmem_shared>> -> memref<10112x128xf32, #tpu.memory_space<vmem_shared>>
      tpu.wait_indirect_dma semaphore(%arg20 : memref<!tpu.dma_semaphore, #tpu.memory_space<semaphore_mem>>) src(%arg12 : memref<64x128xf32, #tpu.memory_space<vmem>>) dst(%dma_wait3A_137 : memref<10112x128xf32, #tpu.memory_space<vmem_shared>>)
      %dma_start3A_138 = arith.constant 6 : i32
      %dma_start3A_139 = arith.constant 0 : i32
      %dma_start3A_140 = tpu.memref_slice %arg8[%dma_start3A_138, %dma_start3A_139] : memref<16x64xi32, #tpu.memory_space<vmem>> -> memref<1x64xi32, #tpu.memory_space<vmem>>
      %dma_start3A_141 = tpu.memref_squeeze %dma_start3A_140 : memref<1x64xi32, #tpu.memory_space<vmem>> -> memref<64xi32, #tpu.memory_space<vmem>>
      %dma_start3A_142 = arith.constant 0 : i32
      %dma_start3A_143 = arith.constant 0 : i32
      %dma_start3A_144 = tpu.memref_slice %arg2[%dma_start3A_142, %dma_start3A_143] : memref<10000x128xf32, #tpu.memory_space<hbm>> -> memref<10000x128xf32, #tpu.memory_space<hbm>>
      tpu.enqueue_indirect_dma source(%dma_start3A_144 : memref<10000x128xf32, #tpu.memory_space<hbm>>) target(%arg12 : memref<64x128xf32, #tpu.memory_space<vmem>>) offsets(%dma_start3A_141 : memref<64xi32, #tpu.memory_space<vmem>>) semaphore(%arg16 : memref<!tpu.dma_semaphore, #tpu.memory_space<semaphore_mem>>)
      %dma_start3A_145 = arith.constant 3 : i32
      %dma_start3A_146 = arith.constant 0 : i32
      %dma_start3A_147 = tpu.memref_slice %arg9[%dma_start3A_145, %dma_start3A_146] : memref<16x64xi32, #tpu.memory_space<vmem>> -> memref<1x64xi32, #tpu.memory_space<vmem>>
      %dma_start3A_148 = tpu.memref_squeeze %dma_start3A_147 : memref<1x64xi32, #tpu.memory_space<vmem>> -> memref<64xi32, #tpu.memory_space<vmem>>
      %dma_start3A_149 = arith.constant 0 : i32
      %dma_start3A_150 = arith.constant 0 : i32
      %dma_start3A_151 = tpu.memref_slice %arg7[%dma_start3A_149, %dma_start3A_150] : memref<10112x128xf32, #tpu.memory_space<vmem_shared>> -> memref<10112x128xf32, #tpu.memory_space<vmem_shared>>
      tpu.enqueue_indirect_dma source(%arg13 : memref<64x128xf32, #tpu.memory_space<vmem>>) target(%dma_start3A_151 : memref<10112x128xf32, #tpu.memory_space<vmem_shared>>) offsets(%dma_start3A_148 : memref<64xi32, #tpu.memory_space<vmem>>) semaphore(%arg21 : memref<!tpu.dma_semaphore, #tpu.memory_space<semaphore_mem>>) {add = true}
      %dma_wait3A_152 = arith.constant 4 : i32
      %dma_wait3A_153 = arith.constant 0 : i32
      %dma_wait3A_154 = tpu.memref_slice %arg8[%dma_wait3A_152, %dma_wait3A_153] : memref<16x64xi32, #tpu.memory_space<vmem>> -> memref<1x64xi32, #tpu.memory_space<vmem>>
      %dma_wait3A_155 = tpu.memref_squeeze %dma_wait3A_154 : memref<1x64xi32, #tpu.memory_space<vmem>> -> memref<64xi32, #tpu.memory_space<vmem>>
      %dma_wait3A_156 = arith.constant 0 : i32
      %dma_wait3A_157 = arith.constant 0 : i32
      %dma_wait3A_158 = tpu.memref_slice %arg2[%dma_wait3A_156, %dma_wait3A_157] : memref<10000x128xf32, #tpu.memory_space<hbm>> -> memref<10000x128xf32, #tpu.memory_space<hbm>>
      tpu.wait_indirect_dma semaphore(%arg14 : memref<!tpu.dma_semaphore, #tpu.memory_space<semaphore_mem>>) src(%dma_wait3A_158 : memref<10000x128xf32, #tpu.memory_space<hbm>>) dst(%arg10 : memref<64x128xf32, #tpu.memory_space<vmem>>)
      %dma_wait3A_159 = arith.constant 3 : i32
      %dma_wait3A_160 = arith.constant 0 : i32
      %dma_wait3A_161 = tpu.memref_slice %arg9[%dma_wait3A_159, %dma_wait3A_160] : memref<16x64xi32, #tpu.memory_space<vmem>> -> memref<1x64xi32, #tpu.memory_space<vmem>>
      %dma_wait3A_162 = tpu.memref_squeeze %dma_wait3A_161 : memref<1x64xi32, #tpu.memory_space<vmem>> -> memref<64xi32, #tpu.memory_space<vmem>>
      %dma_wait3A_163 = arith.constant 0 : i32
      %dma_wait3A_164 = arith.constant 0 : i32
      %dma_wait3A_165 = tpu.memref_slice %arg7[%dma_wait3A_163, %dma_wait3A_164] : memref<10112x128xf32, #tpu.memory_space<vmem_shared>> -> memref<10112x128xf32, #tpu.memory_space<vmem_shared>>
      tpu.wait_indirect_dma semaphore(%arg21 : memref<!tpu.dma_semaphore, #tpu.memory_space<semaphore_mem>>) src(%arg13 : memref<64x128xf32, #tpu.memory_space<vmem>>) dst(%dma_wait3A_165 : memref<10112x128xf32, #tpu.memory_space<vmem_shared>>)
      %dma_start3A_166 = arith.constant 7 : i32
      %dma_start3A_167 = arith.constant 0 : i32
      %dma_start3A_168 = tpu.memref_slice %arg8[%dma_start3A_166, %dma_start3A_167] : memref<16x64xi32, #tpu.memory_space<vmem>> -> memref<1x64xi32, #tpu.memory_space<vmem>>
      %dma_start3A_169 = tpu.memref_squeeze %dma_start3A_168 : memref<1x64xi32, #tpu.memory_space<vmem>> -> memref<64xi32, #tpu.memory_space<vmem>>
      %dma_start3A_170 = arith.constant 0 : i32
      %dma_start3A_171 = arith.constant 0 : i32
      %dma_start3A_172 = tpu.memref_slice %arg2[%dma_start3A_170, %dma_start3A_171] : memref<10000x128xf32, #tpu.memory_space<hbm>> -> memref<10000x128xf32, #tpu.memory_space<hbm>>
      tpu.enqueue_indirect_dma source(%dma_start3A_172 : memref<10000x128xf32, #tpu.memory_space<hbm>>) target(%arg13 : memref<64x128xf32, #tpu.memory_space<vmem>>) offsets(%dma_start3A_169 : memref<64xi32, #tpu.memory_space<vmem>>) semaphore(%arg17 : memref<!tpu.dma_semaphore, #tpu.memory_space<semaphore_mem>>)
      %dma_start3A_173 = arith.constant 4 : i32
      %dma_start3A_174 = arith.constant 0 : i32
      %dma_start3A_175 = tpu.memref_slice %arg9[%dma_start3A_173, %dma_start3A_174] : memref<16x64xi32, #tpu.memory_space<vmem>> -> memref<1x64xi32, #tpu.memory_space<vmem>>
      %dma_start3A_176 = tpu.memref_squeeze %dma_start3A_175 : memref<1x64xi32, #tpu.memory_space<vmem>> -> memref<64xi32, #tpu.memory_space<vmem>>
      %dma_start3A_177 = arith.constant 0 : i32
      %dma_start3A_178 = arith.constant 0 : i32
      %dma_start3A_179 = tpu.memref_slice %arg7[%dma_start3A_177, %dma_start3A_178] : memref<10112x128xf32, #tpu.memory_space<vmem_shared>> -> memref<10112x128xf32, #tpu.memory_space<vmem_shared>>
      tpu.enqueue_indirect_dma source(%arg10 : memref<64x128xf32, #tpu.memory_space<vmem>>) target(%dma_start3A_179 : memref<10112x128xf32, #tpu.memory_space<vmem_shared>>) offsets(%dma_start3A_176 : memref<64xi32, #tpu.memory_space<vmem>>) semaphore(%arg18 : memref<!tpu.dma_semaphore, #tpu.memory_space<semaphore_mem>>) {add = true}
      %dma_wait3A_180 = arith.constant 5 : i32
      %dma_wait3A_181 = arith.constant 0 : i32
      %dma_wait3A_182 = tpu.memref_slice %arg8[%dma_wait3A_180, %dma_wait3A_181] : memref<16x64xi32, #tpu.memory_space<vmem>> -> memref<1x64xi32, #tpu.memory_space<vmem>>
      %dma_wait3A_183 = tpu.memref_squeeze %dma_wait3A_182 : memref<1x64xi32, #tpu.memory_space<vmem>> -> memref<64xi32, #tpu.memory_space<vmem>>
      %dma_wait3A_184 = arith.constant 0 : i32
      %dma_wait3A_185 = arith.constant 0 : i32
      %dma_wait3A_186 = tpu.memref_slice %arg2[%dma_wait3A_184, %dma_wait3A_185] : memref<10000x128xf32, #tpu.memory_space<hbm>> -> memref<10000x128xf32, #tpu.memory_space<hbm>>
      tpu.wait_indirect_dma semaphore(%arg15 : memref<!tpu.dma_semaphore, #tpu.memory_space<semaphore_mem>>) src(%dma_wait3A_186 : memref<10000x128xf32, #tpu.memory_space<hbm>>) dst(%arg11 : memref<64x128xf32, #tpu.memory_space<vmem>>)
      %dma_wait3A_187 = arith.constant 4 : i32
      %dma_wait3A_188 = arith.constant 0 : i32
      %dma_wait3A_189 = tpu.memref_slice %arg9[%dma_wait3A_187, %dma_wait3A_188] : memref<16x64xi32, #tpu.memory_space<vmem>> -> memref<1x64xi32, #tpu.memory_space<vmem>>
      %dma_wait3A_190 = tpu.memref_squeeze %dma_wait3A_189 : memref<1x64xi32, #tpu.memory_space<vmem>> -> memref<64xi32, #tpu.memory_space<vmem>>
      %dma_wait3A_191 = arith.constant 0 : i32
      %dma_wait3A_192 = arith.constant 0 : i32
      %dma_wait3A_193 = tpu.memref_slice %arg7[%dma_wait3A_191, %dma_wait3A_192] : memref<10112x128xf32, #tpu.memory_space<vmem_shared>> -> memref<10112x128xf32, #tpu.memory_space<vmem_shared>>
      tpu.wait_indirect_dma semaphore(%arg18 : memref<!tpu.dma_semaphore, #tpu.memory_space<semaphore_mem>>) src(%arg10 : memref<64x128xf32, #tpu.memory_space<vmem>>) dst(%dma_wait3A_193 : memref<10112x128xf32, #tpu.memory_space<vmem_shared>>)
      %dma_start3A_194 = arith.constant 8 : i32
      %dma_start3A_195 = arith.constant 0 : i32
      %dma_start3A_196 = tpu.memref_slice %arg8[%dma_start3A_194, %dma_start3A_195] : memref<16x64xi32, #tpu.memory_space<vmem>> -> memref<1x64xi32, #tpu.memory_space<vmem>>
      %dma_start3A_197 = tpu.memref_squeeze %dma_start3A_196 : memref<1x64xi32, #tpu.memory_space<vmem>> -> memref<64xi32, #tpu.memory_space<vmem>>
      %dma_start3A_198 = arith.constant 0 : i32
      %dma_start3A_199 = arith.constant 0 : i32
      %dma_start3A_200 = tpu.memref_slice %arg2[%dma_start3A_198, %dma_start3A_199] : memref<10000x128xf32, #tpu.memory_space<hbm>> -> memref<10000x128xf32, #tpu.memory_space<hbm>>
      tpu.enqueue_indirect_dma source(%dma_start3A_200 : memref<10000x128xf32, #tpu.memory_space<hbm>>) target(%arg10 : memref<64x128xf32, #tpu.memory_space<vmem>>) offsets(%dma_start3A_197 : memref<64xi32, #tpu.memory_space<vmem>>) semaphore(%arg14 : memref<!tpu.dma_semaphore, #tpu.memory_space<semaphore_mem>>)
      %dma_start3A_201 = arith.constant 5 : i32
      %dma_start3A_202 = arith.constant 0 : i32
      %dma_start3A_203 = tpu.memref_slice %arg9[%dma_start3A_201, %dma_start3A_202] : memref<16x64xi32, #tpu.memory_space<vmem>> -> memref<1x64xi32, #tpu.memory_space<vmem>>
      %dma_start3A_204 = tpu.memref_squeeze %dma_start3A_203 : memref<1x64xi32, #tpu.memory_space<vmem>> -> memref<64xi32, #tpu.memory_space<vmem>>
      %dma_start3A_205 = arith.constant 0 : i32
      %dma_start3A_206 = arith.constant 0 : i32
      %dma_start3A_207 = tpu.memref_slice %arg7[%dma_start3A_205, %dma_start3A_206] : memref<10112x128xf32, #tpu.memory_space<vmem_shared>> -> memref<10112x128xf32, #tpu.memory_space<vmem_shared>>
      tpu.enqueue_indirect_dma source(%arg11 : memref<64x128xf32, #tpu.memory_space<vmem>>) target(%dma_start3A_207 : memref<10112x128xf32, #tpu.memory_space<vmem_shared>>) offsets(%dma_start3A_204 : memref<64xi32, #tpu.memory_space<vmem>>) semaphore(%arg19 : memref<!tpu.dma_semaphore, #tpu.memory_space<semaphore_mem>>) {add = true}
      %dma_wait3A_208 = arith.constant 6 : i32
      %dma_wait3A_209 = arith.constant 0 : i32
      %dma_wait3A_210 = tpu.memref_slice %arg8[%dma_wait3A_208, %dma_wait3A_209] : memref<16x64xi32, #tpu.memory_space<vmem>> -> memref<1x64xi32, #tpu.memory_space<vmem>>
      %dma_wait3A_211 = tpu.memref_squeeze %dma_wait3A_210 : memref<1x64xi32, #tpu.memory_space<vmem>> -> memref<64xi32, #tpu.memory_space<vmem>>
      %dma_wait3A_212 = arith.constant 0 : i32
      %dma_wait3A_213 = arith.constant 0 : i32
      %dma_wait3A_214 = tpu.memref_slice %arg2[%dma_wait3A_212, %dma_wait3A_213] : memref<10000x128xf32, #tpu.memory_space<hbm>> -> memref<10000x128xf32, #tpu.memory_space<hbm>>
      tpu.wait_indirect_dma semaphore(%arg16 : memref<!tpu.dma_semaphore, #tpu.memory_space<semaphore_mem>>) src(%dma_wait3A_214 : memref<10000x128xf32, #tpu.memory_space<hbm>>) dst(%arg12 : memref<64x128xf32, #tpu.memory_space<vmem>>)
      %dma_wait3A_215 = arith.constant 5 : i32
      %dma_wait3A_216 = arith.constant 0 : i32
      %dma_wait3A_217 = tpu.memref_slice %arg9[%dma_wait3A_215, %dma_wait3A_216] : memref<16x64xi32, #tpu.memory_space<vmem>> -> memref<1x64xi32, #tpu.memory_space<vmem>>
      %dma_wait3A_218 = tpu.memref_squeeze %dma_wait3A_217 : memref<1x64xi32, #tpu.memory_space<vmem>> -> memref<64xi32, #tpu.memory_space<vmem>>
      %dma_wait3A_219 = arith.constant 0 : i32
      %dma_wait3A_220 = arith.constant 0 : i32
      %dma_wait3A_221 = tpu.memref_slice %arg7[%dma_wait3A_219, %dma_wait3A_220] : memref<10112x128xf32, #tpu.memory_space<vmem_shared>> -> memref<10112x128xf32, #tpu.memory_space<vmem_shared>>
      tpu.wait_indirect_dma semaphore(%arg19 : memref<!tpu.dma_semaphore, #tpu.memory_space<semaphore_mem>>) src(%arg11 : memref<64x128xf32, #tpu.memory_space<vmem>>) dst(%dma_wait3A_221 : memref<10112x128xf32, #tpu.memory_space<vmem_shared>>)
      %dma_start3A_222 = arith.constant 9 : i32
      %dma_start3A_223 = arith.constant 0 : i32
      %dma_start3A_224 = tpu.memref_slice %arg8[%dma_start3A_222, %dma_start3A_223] : memref<16x64xi32, #tpu.memory_space<vmem>> -> memref<1x64xi32, #tpu.memory_space<vmem>>
      %dma_start3A_225 = tpu.memref_squeeze %dma_start3A_224 : memref<1x64xi32, #tpu.memory_space<vmem>> -> memref<64xi32, #tpu.memory_space<vmem>>
      %dma_start3A_226 = arith.constant 0 : i32
      %dma_start3A_227 = arith.constant 0 : i32
      %dma_start3A_228 = tpu.memref_slice %arg2[%dma_start3A_226, %dma_start3A_227] : memref<10000x128xf32, #tpu.memory_space<hbm>> -> memref<10000x128xf32, #tpu.memory_space<hbm>>
      tpu.enqueue_indirect_dma source(%dma_start3A_228 : memref<10000x128xf32, #tpu.memory_space<hbm>>) target(%arg11 : memref<64x128xf32, #tpu.memory_space<vmem>>) offsets(%dma_start3A_225 : memref<64xi32, #tpu.memory_space<vmem>>) semaphore(%arg15 : memref<!tpu.dma_semaphore, #tpu.memory_space<semaphore_mem>>)
      %dma_start3A_229 = arith.constant 6 : i32
      %dma_start3A_230 = arith.constant 0 : i32
      %dma_start3A_231 = tpu.memref_slice %arg9[%dma_start3A_229, %dma_start3A_230] : memref<16x64xi32, #tpu.memory_space<vmem>> -> memref<1x64xi32, #tpu.memory_space<vmem>>
      %dma_start3A_232 = tpu.memref_squeeze %dma_start3A_231 : memref<1x64xi32, #tpu.memory_space<vmem>> -> memref<64xi32, #tpu.memory_space<vmem>>
      %dma_start3A_233 = arith.constant 0 : i32
      %dma_start3A_234 = arith.constant 0 : i32
      %dma_start3A_235 = tpu.memref_slice %arg7[%dma_start3A_233, %dma_start3A_234] : memref<10112x128xf32, #tpu.memory_space<vmem_shared>> -> memref<10112x128xf32, #tpu.memory_space<vmem_shared>>
      tpu.enqueue_indirect_dma source(%arg12 : memref<64x128xf32, #tpu.memory_space<vmem>>) target(%dma_start3A_235 : memref<10112x128xf32, #tpu.memory_space<vmem_shared>>) offsets(%dma_start3A_232 : memref<64xi32, #tpu.memory_space<vmem>>) semaphore(%arg20 : memref<!tpu.dma_semaphore, #tpu.memory_space<semaphore_mem>>) {add = true}
      %dma_wait3A_236 = arith.constant 7 : i32
      %dma_wait3A_237 = arith.constant 0 : i32
      %dma_wait3A_238 = tpu.memref_slice %arg8[%dma_wait3A_236, %dma_wait3A_237] : memref<16x64xi32, #tpu.memory_space<vmem>> -> memref<1x64xi32, #tpu.memory_space<vmem>>
      %dma_wait3A_239 = tpu.memref_squeeze %dma_wait3A_238 : memref<1x64xi32, #tpu.memory_space<vmem>> -> memref<64xi32, #tpu.memory_space<vmem>>
      %dma_wait3A_240 = arith.constant 0 : i32
      %dma_wait3A_241 = arith.constant 0 : i32
      %dma_wait3A_242 = tpu.memref_slice %arg2[%dma_wait3A_240, %dma_wait3A_241] : memref<10000x128xf32, #tpu.memory_space<hbm>> -> memref<10000x128xf32, #tpu.memory_space<hbm>>
      tpu.wait_indirect_dma semaphore(%arg17 : memref<!tpu.dma_semaphore, #tpu.memory_space<semaphore_mem>>) src(%dma_wait3A_242 : memref<10000x128xf32, #tpu.memory_space<hbm>>) dst(%arg13 : memref<64x128xf32, #tpu.memory_space<vmem>>)
      %dma_wait3A_243 = arith.constant 6 : i32
      %dma_wait3A_244 = arith.constant 0 : i32
      %dma_wait3A_245 = tpu.memref_slice %arg9[%dma_wait3A_243, %dma_wait3A_244] : memref<16x64xi32, #tpu.memory_space<vmem>> -> memref<1x64xi32, #tpu.memory_space<vmem>>
      %dma_wait3A_246 = tpu.memref_squeeze %dma_wait3A_245 : memref<1x64xi32, #tpu.memory_space<vmem>> -> memref<64xi32, #tpu.memory_space<vmem>>
      %dma_wait3A_247 = arith.constant 0 : i32
      %dma_wait3A_248 = arith.constant 0 : i32
      %dma_wait3A_249 = tpu.memref_slice %arg7[%dma_wait3A_247, %dma_wait3A_248] : memref<10112x128xf32, #tpu.memory_space<vmem_shared>> -> memref<10112x128xf32, #tpu.memory_space<vmem_shared>>
      tpu.wait_indirect_dma semaphore(%arg20 : memref<!tpu.dma_semaphore, #tpu.memory_space<semaphore_mem>>) src(%arg12 : memref<64x128xf32, #tpu.memory_space<vmem>>) dst(%dma_wait3A_249 : memref<10112x128xf32, #tpu.memory_space<vmem_shared>>)
      %dma_start3A_250 = arith.constant 10 : i32
      %dma_start3A_251 = arith.constant 0 : i32
      %dma_start3A_252 = tpu.memref_slice %arg8[%dma_start3A_250, %dma_start3A_251] : memref<16x64xi32, #tpu.memory_space<vmem>> -> memref<1x64xi32, #tpu.memory_space<vmem>>
      %dma_start3A_253 = tpu.memref_squeeze %dma_start3A_252 : memref<1x64xi32, #tpu.memory_space<vmem>> -> memref<64xi32, #tpu.memory_space<vmem>>
      %dma_start3A_254 = arith.constant 0 : i32
      %dma_start3A_255 = arith.constant 0 : i32
      %dma_start3A_256 = tpu.memref_slice %arg2[%dma_start3A_254, %dma_start3A_255] : memref<10000x128xf32, #tpu.memory_space<hbm>> -> memref<10000x128xf32, #tpu.memory_space<hbm>>
      tpu.enqueue_indirect_dma source(%dma_start3A_256 : memref<10000x128xf32, #tpu.memory_space<hbm>>) target(%arg12 : memref<64x128xf32, #tpu.memory_space<vmem>>) offsets(%dma_start3A_253 : memref<64xi32, #tpu.memory_space<vmem>>) semaphore(%arg16 : memref<!tpu.dma_semaphore, #tpu.memory_space<semaphore_mem>>)
      %dma_start3A_257 = arith.constant 7 : i32
      %dma_start3A_258 = arith.constant 0 : i32
      %dma_start3A_259 = tpu.memref_slice %arg9[%dma_start3A_257, %dma_start3A_258] : memref<16x64xi32, #tpu.memory_space<vmem>> -> memref<1x64xi32, #tpu.memory_space<vmem>>
      %dma_start3A_260 = tpu.memref_squeeze %dma_start3A_259 : memref<1x64xi32, #tpu.memory_space<vmem>> -> memref<64xi32, #tpu.memory_space<vmem>>
      %dma_start3A_261 = arith.constant 0 : i32
      %dma_start3A_262 = arith.constant 0 : i32
      %dma_start3A_263 = tpu.memref_slice %arg7[%dma_start3A_261, %dma_start3A_262] : memref<10112x128xf32, #tpu.memory_space<vmem_shared>> -> memref<10112x128xf32, #tpu.memory_space<vmem_shared>>
      tpu.enqueue_indirect_dma source(%arg13 : memref<64x128xf32, #tpu.memory_space<vmem>>) target(%dma_start3A_263 : memref<10112x128xf32, #tpu.memory_space<vmem_shared>>) offsets(%dma_start3A_260 : memref<64xi32, #tpu.memory_space<vmem>>) semaphore(%arg21 : memref<!tpu.dma_semaphore, #tpu.memory_space<semaphore_mem>>) {add = true}
      %dma_wait3A_264 = arith.constant 8 : i32
      %dma_wait3A_265 = arith.constant 0 : i32
      %dma_wait3A_266 = tpu.memref_slice %arg8[%dma_wait3A_264, %dma_wait3A_265] : memref<16x64xi32, #tpu.memory_space<vmem>> -> memref<1x64xi32, #tpu.memory_space<vmem>>
      %dma_wait3A_267 = tpu.memref_squeeze %dma_wait3A_266 : memref<1x64xi32, #tpu.memory_space<vmem>> -> memref<64xi32, #tpu.memory_space<vmem>>
      %dma_wait3A_268 = arith.constant 0 : i32
      %dma_wait3A_269 = arith.constant 0 : i32
      %dma_wait3A_270 = tpu.memref_slice %arg2[%dma_wait3A_268, %dma_wait3A_269] : memref<10000x128xf32, #tpu.memory_space<hbm>> -> memref<10000x128xf32, #tpu.memory_space<hbm>>
      tpu.wait_indirect_dma semaphore(%arg14 : memref<!tpu.dma_semaphore, #tpu.memory_space<semaphore_mem>>) src(%dma_wait3A_270 : memref<10000x128xf32, #tpu.memory_space<hbm>>) dst(%arg10 : memref<64x128xf32, #tpu.memory_space<vmem>>)
      %dma_wait3A_271 = arith.constant 7 : i32
      %dma_wait3A_272 = arith.constant 0 : i32
      %dma_wait3A_273 = tpu.memref_slice %arg9[%dma_wait3A_271, %dma_wait3A_272] : memref<16x64xi32, #tpu.memory_space<vmem>> -> memref<1x64xi32, #tpu.memory_space<vmem>>
      %dma_wait3A_274 = tpu.memref_squeeze %dma_wait3A_273 : memref<1x64xi32, #tpu.memory_space<vmem>> -> memref<64xi32, #tpu.memory_space<vmem>>
      %dma_wait3A_275 = arith.constant 0 : i32
      %dma_wait3A_276 = arith.constant 0 : i32
      %dma_wait3A_277 = tpu.memref_slice %arg7[%dma_wait3A_275, %dma_wait3A_276] : memref<10112x128xf32, #tpu.memory_space<vmem_shared>> -> memref<10112x128xf32, #tpu.memory_space<vmem_shared>>
      tpu.wait_indirect_dma semaphore(%arg21 : memref<!tpu.dma_semaphore, #tpu.memory_space<semaphore_mem>>) src(%arg13 : memref<64x128xf32, #tpu.memory_space<vmem>>) dst(%dma_wait3A_277 : memref<10112x128xf32, #tpu.memory_space<vmem_shared>>)
      %dma_start3A_278 = arith.constant 11 : i32
      %dma_start3A_279 = arith.constant 0 : i32
      %dma_start3A_280 = tpu.memref_slice %arg8[%dma_start3A_278, %dma_start3A_279] : memref<16x64xi32, #tpu.memory_space<vmem>> -> memref<1x64xi32, #tpu.memory_space<vmem>>
      %dma_start3A_281 = tpu.memref_squeeze %dma_start3A_280 : memref<1x64xi32, #tpu.memory_space<vmem>> -> memref<64xi32, #tpu.memory_space<vmem>>
      %dma_start3A_282 = arith.constant 0 : i32
      %dma_start3A_283 = arith.constant 0 : i32
      %dma_start3A_284 = tpu.memref_slice %arg2[%dma_start3A_282, %dma_start3A_283] : memref<10000x128xf32, #tpu.memory_space<hbm>> -> memref<10000x128xf32, #tpu.memory_space<hbm>>
      tpu.enqueue_indirect_dma source(%dma_start3A_284 : memref<10000x128xf32, #tpu.memory_space<hbm>>) target(%arg13 : memref<64x128xf32, #tpu.memory_space<vmem>>) offsets(%dma_start3A_281 : memref<64xi32, #tpu.memory_space<vmem>>) semaphore(%arg17 : memref<!tpu.dma_semaphore, #tpu.memory_space<semaphore_mem>>)
      %dma_start3A_285 = arith.constant 8 : i32
      %dma_start3A_286 = arith.constant 0 : i32
      %dma_start3A_287 = tpu.memref_slice %arg9[%dma_start3A_285, %dma_start3A_286] : memref<16x64xi32, #tpu.memory_space<vmem>> -> memref<1x64xi32, #tpu.memory_space<vmem>>
      %dma_start3A_288 = tpu.memref_squeeze %dma_start3A_287 : memref<1x64xi32, #tpu.memory_space<vmem>> -> memref<64xi32, #tpu.memory_space<vmem>>
      %dma_start3A_289 = arith.constant 0 : i32
      %dma_start3A_290 = arith.constant 0 : i32
      %dma_start3A_291 = tpu.memref_slice %arg7[%dma_start3A_289, %dma_start3A_290] : memref<10112x128xf32, #tpu.memory_space<vmem_shared>> -> memref<10112x128xf32, #tpu.memory_space<vmem_shared>>
      tpu.enqueue_indirect_dma source(%arg10 : memref<64x128xf32, #tpu.memory_space<vmem>>) target(%dma_start3A_291 : memref<10112x128xf32, #tpu.memory_space<vmem_shared>>) offsets(%dma_start3A_288 : memref<64xi32, #tpu.memory_space<vmem>>) semaphore(%arg18 : memref<!tpu.dma_semaphore, #tpu.memory_space<semaphore_mem>>) {add = true}
      %dma_wait3A_292 = arith.constant 9 : i32
      %dma_wait3A_293 = arith.constant 0 : i32
      %dma_wait3A_294 = tpu.memref_slice %arg8[%dma_wait3A_292, %dma_wait3A_293] : memref<16x64xi32, #tpu.memory_space<vmem>> -> memref<1x64xi32, #tpu.memory_space<vmem>>
      %dma_wait3A_295 = tpu.memref_squeeze %dma_wait3A_294 : memref<1x64xi32, #tpu.memory_space<vmem>> -> memref<64xi32, #tpu.memory_space<vmem>>
      %dma_wait3A_296 = arith.constant 0 : i32
      %dma_wait3A_297 = arith.constant 0 : i32
      %dma_wait3A_298 = tpu.memref_slice %arg2[%dma_wait3A_296, %dma_wait3A_297] : memref<10000x128xf32, #tpu.memory_space<hbm>> -> memref<10000x128xf32, #tpu.memory_space<hbm>>
      tpu.wait_indirect_dma semaphore(%arg15 : memref<!tpu.dma_semaphore, #tpu.memory_space<semaphore_mem>>) src(%dma_wait3A_298 : memref<10000x128xf32, #tpu.memory_space<hbm>>) dst(%arg11 : memref<64x128xf32, #tpu.memory_space<vmem>>)
      %dma_wait3A_299 = arith.constant 8 : i32
      %dma_wait3A_300 = arith.constant 0 : i32
      %dma_wait3A_301 = tpu.memref_slice %arg9[%dma_wait3A_299, %dma_wait3A_300] : memref<16x64xi32, #tpu.memory_space<vmem>> -> memref<1x64xi32, #tpu.memory_space<vmem>>
      %dma_wait3A_302 = tpu.memref_squeeze %dma_wait3A_301 : memref<1x64xi32, #tpu.memory_space<vmem>> -> memref<64xi32, #tpu.memory_space<vmem>>
      %dma_wait3A_303 = arith.constant 0 : i32
      %dma_wait3A_304 = arith.constant 0 : i32
      %dma_wait3A_305 = tpu.memref_slice %arg7[%dma_wait3A_303, %dma_wait3A_304] : memref<10112x128xf32, #tpu.memory_space<vmem_shared>> -> memref<10112x128xf32, #tpu.memory_space<vmem_shared>>
      tpu.wait_indirect_dma semaphore(%arg18 : memref<!tpu.dma_semaphore, #tpu.memory_space<semaphore_mem>>) src(%arg10 : memref<64x128xf32, #tpu.memory_space<vmem>>) dst(%dma_wait3A_305 : memref<10112x128xf32, #tpu.memory_space<vmem_shared>>)
      %dma_start3A_306 = arith.constant 12 : i32
      %dma_start3A_307 = arith.constant 0 : i32
      %dma_start3A_308 = tpu.memref_slice %arg8[%dma_start3A_306, %dma_start3A_307] : memref<16x64xi32, #tpu.memory_space<vmem>> -> memref<1x64xi32, #tpu.memory_space<vmem>>
      %dma_start3A_309 = tpu.memref_squeeze %dma_start3A_308 : memref<1x64xi32, #tpu.memory_space<vmem>> -> memref<64xi32, #tpu.memory_space<vmem>>
      %dma_start3A_310 = arith.constant 0 : i32
      %dma_start3A_311 = arith.constant 0 : i32
      %dma_start3A_312 = tpu.memref_slice %arg2[%dma_start3A_310, %dma_start3A_311] : memref<10000x128xf32, #tpu.memory_space<hbm>> -> memref<10000x128xf32, #tpu.memory_space<hbm>>
      tpu.enqueue_indirect_dma source(%dma_start3A_312 : memref<10000x128xf32, #tpu.memory_space<hbm>>) target(%arg10 : memref<64x128xf32, #tpu.memory_space<vmem>>) offsets(%dma_start3A_309 : memref<64xi32, #tpu.memory_space<vmem>>) semaphore(%arg14 : memref<!tpu.dma_semaphore, #tpu.memory_space<semaphore_mem>>)
      %dma_start3A_313 = arith.constant 9 : i32
      %dma_start3A_314 = arith.constant 0 : i32
      %dma_start3A_315 = tpu.memref_slice %arg9[%dma_start3A_313, %dma_start3A_314] : memref<16x64xi32, #tpu.memory_space<vmem>> -> memref<1x64xi32, #tpu.memory_space<vmem>>
      %dma_start3A_316 = tpu.memref_squeeze %dma_start3A_315 : memref<1x64xi32, #tpu.memory_space<vmem>> -> memref<64xi32, #tpu.memory_space<vmem>>
      %dma_start3A_317 = arith.constant 0 : i32
      %dma_start3A_318 = arith.constant 0 : i32
      %dma_start3A_319 = tpu.memref_slice %arg7[%dma_start3A_317, %dma_start3A_318] : memref<10112x128xf32, #tpu.memory_space<vmem_shared>> -> memref<10112x128xf32, #tpu.memory_space<vmem_shared>>
      tpu.enqueue_indirect_dma source(%arg11 : memref<64x128xf32, #tpu.memory_space<vmem>>) target(%dma_start3A_319 : memref<10112x128xf32, #tpu.memory_space<vmem_shared>>) offsets(%dma_start3A_316 : memref<64xi32, #tpu.memory_space<vmem>>) semaphore(%arg19 : memref<!tpu.dma_semaphore, #tpu.memory_space<semaphore_mem>>) {add = true}
      %dma_wait3A_320 = arith.constant 10 : i32
      %dma_wait3A_321 = arith.constant 0 : i32
      %dma_wait3A_322 = tpu.memref_slice %arg8[%dma_wait3A_320, %dma_wait3A_321] : memref<16x64xi32, #tpu.memory_space<vmem>> -> memref<1x64xi32, #tpu.memory_space<vmem>>
      %dma_wait3A_323 = tpu.memref_squeeze %dma_wait3A_322 : memref<1x64xi32, #tpu.memory_space<vmem>> -> memref<64xi32, #tpu.memory_space<vmem>>
      %dma_wait3A_324 = arith.constant 0 : i32
      %dma_wait3A_325 = arith.constant 0 : i32
      %dma_wait3A_326 = tpu.memref_slice %arg2[%dma_wait3A_324, %dma_wait3A_325] : memref<10000x128xf32, #tpu.memory_space<hbm>> -> memref<10000x128xf32, #tpu.memory_space<hbm>>
      tpu.wait_indirect_dma semaphore(%arg16 : memref<!tpu.dma_semaphore, #tpu.memory_space<semaphore_mem>>) src(%dma_wait3A_326 : memref<10000x128xf32, #tpu.memory_space<hbm>>) dst(%arg12 : memref<64x128xf32, #tpu.memory_space<vmem>>)
      %dma_wait3A_327 = arith.constant 9 : i32
      %dma_wait3A_328 = arith.constant 0 : i32
      %dma_wait3A_329 = tpu.memref_slice %arg9[%dma_wait3A_327, %dma_wait3A_328] : memref<16x64xi32, #tpu.memory_space<vmem>> -> memref<1x64xi32, #tpu.memory_space<vmem>>
      %dma_wait3A_330 = tpu.memref_squeeze %dma_wait3A_329 : memref<1x64xi32, #tpu.memory_space<vmem>> -> memref<64xi32, #tpu.memory_space<vmem>>
      %dma_wait3A_331 = arith.constant 0 : i32
      %dma_wait3A_332 = arith.constant 0 : i32
      %dma_wait3A_333 = tpu.memref_slice %arg7[%dma_wait3A_331, %dma_wait3A_332] : memref<10112x128xf32, #tpu.memory_space<vmem_shared>> -> memref<10112x128xf32, #tpu.memory_space<vmem_shared>>
      tpu.wait_indirect_dma semaphore(%arg19 : memref<!tpu.dma_semaphore, #tpu.memory_space<semaphore_mem>>) src(%arg11 : memref<64x128xf32, #tpu.memory_space<vmem>>) dst(%dma_wait3A_333 : memref<10112x128xf32, #tpu.memory_space<vmem_shared>>)
      %dma_start3A_334 = arith.constant 13 : i32
      %dma_start3A_335 = arith.constant 0 : i32
      %dma_start3A_336 = tpu.memref_slice %arg8[%dma_start3A_334, %dma_start3A_335] : memref<16x64xi32, #tpu.memory_space<vmem>> -> memref<1x64xi32, #tpu.memory_space<vmem>>
      %dma_start3A_337 = tpu.memref_squeeze %dma_start3A_336 : memref<1x64xi32, #tpu.memory_space<vmem>> -> memref<64xi32, #tpu.memory_space<vmem>>
      %dma_start3A_338 = arith.constant 0 : i32
      %dma_start3A_339 = arith.constant 0 : i32
      %dma_start3A_340 = tpu.memref_slice %arg2[%dma_start3A_338, %dma_start3A_339] : memref<10000x128xf32, #tpu.memory_space<hbm>> -> memref<10000x128xf32, #tpu.memory_space<hbm>>
      tpu.enqueue_indirect_dma source(%dma_start3A_340 : memref<10000x128xf32, #tpu.memory_space<hbm>>) target(%arg11 : memref<64x128xf32, #tpu.memory_space<vmem>>) offsets(%dma_start3A_337 : memref<64xi32, #tpu.memory_space<vmem>>) semaphore(%arg15 : memref<!tpu.dma_semaphore, #tpu.memory_space<semaphore_mem>>)
      %dma_start3A_341 = arith.constant 10 : i32
      %dma_start3A_342 = arith.constant 0 : i32
      %dma_start3A_343 = tpu.memref_slice %arg9[%dma_start3A_341, %dma_start3A_342] : memref<16x64xi32, #tpu.memory_space<vmem>> -> memref<1x64xi32, #tpu.memory_space<vmem>>
      %dma_start3A_344 = tpu.memref_squeeze %dma_start3A_343 : memref<1x64xi32, #tpu.memory_space<vmem>> -> memref<64xi32, #tpu.memory_space<vmem>>
      %dma_start3A_345 = arith.constant 0 : i32
      %dma_start3A_346 = arith.constant 0 : i32
      %dma_start3A_347 = tpu.memref_slice %arg7[%dma_start3A_345, %dma_start3A_346] : memref<10112x128xf32, #tpu.memory_space<vmem_shared>> -> memref<10112x128xf32, #tpu.memory_space<vmem_shared>>
      tpu.enqueue_indirect_dma source(%arg12 : memref<64x128xf32, #tpu.memory_space<vmem>>) target(%dma_start3A_347 : memref<10112x128xf32, #tpu.memory_space<vmem_shared>>) offsets(%dma_start3A_344 : memref<64xi32, #tpu.memory_space<vmem>>) semaphore(%arg20 : memref<!tpu.dma_semaphore, #tpu.memory_space<semaphore_mem>>) {add = true}
      %dma_wait3A_348 = arith.constant 11 : i32
      %dma_wait3A_349 = arith.constant 0 : i32
      %dma_wait3A_350 = tpu.memref_slice %arg8[%dma_wait3A_348, %dma_wait3A_349] : memref<16x64xi32, #tpu.memory_space<vmem>> -> memref<1x64xi32, #tpu.memory_space<vmem>>
      %dma_wait3A_351 = tpu.memref_squeeze %dma_wait3A_350 : memref<1x64xi32, #tpu.memory_space<vmem>> -> memref<64xi32, #tpu.memory_space<vmem>>
      %dma_wait3A_352 = arith.constant 0 : i32
      %dma_wait3A_353 = arith.constant 0 : i32
      %dma_wait3A_354 = tpu.memref_slice %arg2[%dma_wait3A_352, %dma_wait3A_353] : memref<10000x128xf32, #tpu.memory_space<hbm>> -> memref<10000x128xf32, #tpu.memory_space<hbm>>
      tpu.wait_indirect_dma semaphore(%arg17 : memref<!tpu.dma_semaphore, #tpu.memory_space<semaphore_mem>>) src(%dma_wait3A_354 : memref<10000x128xf32, #tpu.memory_space<hbm>>) dst(%arg13 : memref<64x128xf32, #tpu.memory_space<vmem>>)
      %dma_wait3A_355 = arith.constant 10 : i32
      %dma_wait3A_356 = arith.constant 0 : i32
      %dma_wait3A_357 = tpu.memref_slice %arg9[%dma_wait3A_355, %dma_wait3A_356] : memref<16x64xi32, #tpu.memory_space<vmem>> -> memref<1x64xi32, #tpu.memory_space<vmem>>
      %dma_wait3A_358 = tpu.memref_squeeze %dma_wait3A_357 : memref<1x64xi32, #tpu.memory_space<vmem>> -> memref<64xi32, #tpu.memory_space<vmem>>
      %dma_wait3A_359 = arith.constant 0 : i32
      %dma_wait3A_360 = arith.constant 0 : i32
      %dma_wait3A_361 = tpu.memref_slice %arg7[%dma_wait3A_359, %dma_wait3A_360] : memref<10112x128xf32, #tpu.memory_space<vmem_shared>> -> memref<10112x128xf32, #tpu.memory_space<vmem_shared>>
      tpu.wait_indirect_dma semaphore(%arg20 : memref<!tpu.dma_semaphore, #tpu.memory_space<semaphore_mem>>) src(%arg12 : memref<64x128xf32, #tpu.memory_space<vmem>>) dst(%dma_wait3A_361 : memref<10112x128xf32, #tpu.memory_space<vmem_shared>>)
      %dma_start3A_362 = arith.constant 14 : i32
      %dma_start3A_363 = arith.constant 0 : i32
      %dma_start3A_364 = tpu.memref_slice %arg8[%dma_start3A_362, %dma_start3A_363] : memref<16x64xi32, #tpu.memory_space<vmem>> -> memref<1x64xi32, #tpu.memory_space<vmem>>
      %dma_start3A_365 = tpu.memref_squeeze %dma_start3A_364 : memref<1x64xi32, #tpu.memory_space<vmem>> -> memref<64xi32, #tpu.memory_space<vmem>>
      %dma_start3A_366 = arith.constant 0 : i32
      %dma_start3A_367 = arith.constant 0 : i32
      %dma_start3A_368 = tpu.memref_slice %arg2[%dma_start3A_366, %dma_start3A_367] : memref<10000x128xf32, #tpu.memory_space<hbm>> -> memref<10000x128xf32, #tpu.memory_space<hbm>>
      tpu.enqueue_indirect_dma source(%dma_start3A_368 : memref<10000x128xf32, #tpu.memory_space<hbm>>) target(%arg12 : memref<64x128xf32, #tpu.memory_space<vmem>>) offsets(%dma_start3A_365 : memref<64xi32, #tpu.memory_space<vmem>>) semaphore(%arg16 : memref<!tpu.dma_semaphore, #tpu.memory_space<semaphore_mem>>)
      %dma_start3A_369 = arith.constant 11 : i32
      %dma_start3A_370 = arith.constant 0 : i32
      %dma_start3A_371 = tpu.memref_slice %arg9[%dma_start3A_369, %dma_start3A_370] : memref<16x64xi32, #tpu.memory_space<vmem>> -> memref<1x64xi32, #tpu.memory_space<vmem>>
      %dma_start3A_372 = tpu.memref_squeeze %dma_start3A_371 : memref<1x64xi32, #tpu.memory_space<vmem>> -> memref<64xi32, #tpu.memory_space<vmem>>
      %dma_start3A_373 = arith.constant 0 : i32
      %dma_start3A_374 = arith.constant 0 : i32
      %dma_start3A_375 = tpu.memref_slice %arg7[%dma_start3A_373, %dma_start3A_374] : memref<10112x128xf32, #tpu.memory_space<vmem_shared>> -> memref<10112x128xf32, #tpu.memory_space<vmem_shared>>
      tpu.enqueue_indirect_dma source(%arg13 : memref<64x128xf32, #tpu.memory_space<vmem>>) target(%dma_start3A_375 : memref<10112x128xf32, #tpu.memory_space<vmem_shared>>) offsets(%dma_start3A_372 : memref<64xi32, #tpu.memory_space<vmem>>) semaphore(%arg21 : memref<!tpu.dma_semaphore, #tpu.memory_space<semaphore_mem>>) {add = true}
      %dma_wait3A_376 = arith.constant 12 : i32
      %dma_wait3A_377 = arith.constant 0 : i32
      %dma_wait3A_378 = tpu.memref_slice %arg8[%dma_wait3A_376, %dma_wait3A_377] : memref<16x64xi32, #tpu.memory_space<vmem>> -> memref<1x64xi32, #tpu.memory_space<vmem>>
      %dma_wait3A_379 = tpu.memref_squeeze %dma_wait3A_378 : memref<1x64xi32, #tpu.memory_space<vmem>> -> memref<64xi32, #tpu.memory_space<vmem>>
      %dma_wait3A_380 = arith.constant 0 : i32
      %dma_wait3A_381 = arith.constant 0 : i32
      %dma_wait3A_382 = tpu.memref_slice %arg2[%dma_wait3A_380, %dma_wait3A_381] : memref<10000x128xf32, #tpu.memory_space<hbm>> -> memref<10000x128xf32, #tpu.memory_space<hbm>>
      tpu.wait_indirect_dma semaphore(%arg14 : memref<!tpu.dma_semaphore, #tpu.memory_space<semaphore_mem>>) src(%dma_wait3A_382 : memref<10000x128xf32, #tpu.memory_space<hbm>>) dst(%arg10 : memref<64x128xf32, #tpu.memory_space<vmem>>)
      %dma_wait3A_383 = arith.constant 11 : i32
      %dma_wait3A_384 = arith.constant 0 : i32
      %dma_wait3A_385 = tpu.memref_slice %arg9[%dma_wait3A_383, %dma_wait3A_384] : memref<16x64xi32, #tpu.memory_space<vmem>> -> memref<1x64xi32, #tpu.memory_space<vmem>>
      %dma_wait3A_386 = tpu.memref_squeeze %dma_wait3A_385 : memref<1x64xi32, #tpu.memory_space<vmem>> -> memref<64xi32, #tpu.memory_space<vmem>>
      %dma_wait3A_387 = arith.constant 0 : i32
      %dma_wait3A_388 = arith.constant 0 : i32
      %dma_wait3A_389 = tpu.memref_slice %arg7[%dma_wait3A_387, %dma_wait3A_388] : memref<10112x128xf32, #tpu.memory_space<vmem_shared>> -> memref<10112x128xf32, #tpu.memory_space<vmem_shared>>
      tpu.wait_indirect_dma semaphore(%arg21 : memref<!tpu.dma_semaphore, #tpu.memory_space<semaphore_mem>>) src(%arg13 : memref<64x128xf32, #tpu.memory_space<vmem>>) dst(%dma_wait3A_389 : memref<10112x128xf32, #tpu.memory_space<vmem_shared>>)
      %dma_start3A_390 = arith.constant 15 : i32
      %dma_start3A_391 = arith.constant 0 : i32
      %dma_start3A_392 = tpu.memref_slice %arg8[%dma_start3A_390, %dma_start3A_391] : memref<16x64xi32, #tpu.memory_space<vmem>> -> memref<1x64xi32, #tpu.memory_space<vmem>>
      %dma_start3A_393 = tpu.memref_squeeze %dma_start3A_392 : memref<1x64xi32, #tpu.memory_space<vmem>> -> memref<64xi32, #tpu.memory_space<vmem>>
      %dma_start3A_394 = arith.constant 0 : i32
      %dma_start3A_395 = arith.constant 0 : i32
      %dma_start3A_396 = tpu.memref_slice %arg2[%dma_start3A_394, %dma_start3A_395] : memref<10000x128xf32, #tpu.memory_space<hbm>> -> memref<10000x128xf32, #tpu.memory_space<hbm>>
      tpu.enqueue_indirect_dma source(%dma_start3A_396 : memref<10000x128xf32, #tpu.memory_space<hbm>>) target(%arg13 : memref<64x128xf32, #tpu.memory_space<vmem>>) offsets(%dma_start3A_393 : memref<64xi32, #tpu.memory_space<vmem>>) semaphore(%arg17 : memref<!tpu.dma_semaphore, #tpu.memory_space<semaphore_mem>>)
      %dma_start3A_397 = arith.constant 12 : i32
      %dma_start3A_398 = arith.constant 0 : i32
      %dma_start3A_399 = tpu.memref_slice %arg9[%dma_start3A_397, %dma_start3A_398] : memref<16x64xi32, #tpu.memory_space<vmem>> -> memref<1x64xi32, #tpu.memory_space<vmem>>
      %dma_start3A_400 = tpu.memref_squeeze %dma_start3A_399 : memref<1x64xi32, #tpu.memory_space<vmem>> -> memref<64xi32, #tpu.memory_space<vmem>>
      %dma_start3A_401 = arith.constant 0 : i32
      %dma_start3A_402 = arith.constant 0 : i32
      %dma_start3A_403 = tpu.memref_slice %arg7[%dma_start3A_401, %dma_start3A_402] : memref<10112x128xf32, #tpu.memory_space<vmem_shared>> -> memref<10112x128xf32, #tpu.memory_space<vmem_shared>>
      tpu.enqueue_indirect_dma source(%arg10 : memref<64x128xf32, #tpu.memory_space<vmem>>) target(%dma_start3A_403 : memref<10112x128xf32, #tpu.memory_space<vmem_shared>>) offsets(%dma_start3A_400 : memref<64xi32, #tpu.memory_space<vmem>>) semaphore(%arg18 : memref<!tpu.dma_semaphore, #tpu.memory_space<semaphore_mem>>) {add = true}
      %dma_wait3A_404 = arith.constant 13 : i32
      %dma_wait3A_405 = arith.constant 0 : i32
      %dma_wait3A_406 = tpu.memref_slice %arg8[%dma_wait3A_404, %dma_wait3A_405] : memref<16x64xi32, #tpu.memory_space<vmem>> -> memref<1x64xi32, #tpu.memory_space<vmem>>
      %dma_wait3A_407 = tpu.memref_squeeze %dma_wait3A_406 : memref<1x64xi32, #tpu.memory_space<vmem>> -> memref<64xi32, #tpu.memory_space<vmem>>
      %dma_wait3A_408 = arith.constant 0 : i32
      %dma_wait3A_409 = arith.constant 0 : i32
      %dma_wait3A_410 = tpu.memref_slice %arg2[%dma_wait3A_408, %dma_wait3A_409] : memref<10000x128xf32, #tpu.memory_space<hbm>> -> memref<10000x128xf32, #tpu.memory_space<hbm>>
      tpu.wait_indirect_dma semaphore(%arg15 : memref<!tpu.dma_semaphore, #tpu.memory_space<semaphore_mem>>) src(%dma_wait3A_410 : memref<10000x128xf32, #tpu.memory_space<hbm>>) dst(%arg11 : memref<64x128xf32, #tpu.memory_space<vmem>>)
      %dma_start3A_411 = arith.constant 13 : i32
      %dma_start3A_412 = arith.constant 0 : i32
      %dma_start3A_413 = tpu.memref_slice %arg9[%dma_start3A_411, %dma_start3A_412] : memref<16x64xi32, #tpu.memory_space<vmem>> -> memref<1x64xi32, #tpu.memory_space<vmem>>
      %dma_start3A_414 = tpu.memref_squeeze %dma_start3A_413 : memref<1x64xi32, #tpu.memory_space<vmem>> -> memref<64xi32, #tpu.memory_space<vmem>>
      %dma_start3A_415 = arith.constant 0 : i32
      %dma_start3A_416 = arith.constant 0 : i32
      %dma_start3A_417 = tpu.memref_slice %arg7[%dma_start3A_415, %dma_start3A_416] : memref<10112x128xf32, #tpu.memory_space<vmem_shared>> -> memref<10112x128xf32, #tpu.memory_space<vmem_shared>>
      tpu.enqueue_indirect_dma source(%arg11 : memref<64x128xf32, #tpu.memory_space<vmem>>) target(%dma_start3A_417 : memref<10112x128xf32, #tpu.memory_space<vmem_shared>>) offsets(%dma_start3A_414 : memref<64xi32, #tpu.memory_space<vmem>>) semaphore(%arg19 : memref<!tpu.dma_semaphore, #tpu.memory_space<semaphore_mem>>) {add = true}
      %dma_wait3A_418 = arith.constant 14 : i32
      %dma_wait3A_419 = arith.constant 0 : i32
      %dma_wait3A_420 = tpu.memref_slice %arg8[%dma_wait3A_418, %dma_wait3A_419] : memref<16x64xi32, #tpu.memory_space<vmem>> -> memref<1x64xi32, #tpu.memory_space<vmem>>
      %dma_wait3A_421 = tpu.memref_squeeze %dma_wait3A_420 : memref<1x64xi32, #tpu.memory_space<vmem>> -> memref<64xi32, #tpu.memory_space<vmem>>
      %dma_wait3A_422 = arith.constant 0 : i32
      %dma_wait3A_423 = arith.constant 0 : i32
      %dma_wait3A_424 = tpu.memref_slice %arg2[%dma_wait3A_422, %dma_wait3A_423] : memref<10000x128xf32, #tpu.memory_space<hbm>> -> memref<10000x128xf32, #tpu.memory_space<hbm>>
      tpu.wait_indirect_dma semaphore(%arg16 : memref<!tpu.dma_semaphore, #tpu.memory_space<semaphore_mem>>) src(%dma_wait3A_424 : memref<10000x128xf32, #tpu.memory_space<hbm>>) dst(%arg12 : memref<64x128xf32, #tpu.memory_space<vmem>>)
      %dma_start3A_425 = arith.constant 14 : i32
      %dma_start3A_426 = arith.constant 0 : i32
      %dma_start3A_427 = tpu.memref_slice %arg9[%dma_start3A_425, %dma_start3A_426] : memref<16x64xi32, #tpu.memory_space<vmem>> -> memref<1x64xi32, #tpu.memory_space<vmem>>
      %dma_start3A_428 = tpu.memref_squeeze %dma_start3A_427 : memref<1x64xi32, #tpu.memory_space<vmem>> -> memref<64xi32, #tpu.memory_space<vmem>>
      %dma_start3A_429 = arith.constant 0 : i32
      %dma_start3A_430 = arith.constant 0 : i32
      %dma_start3A_431 = tpu.memref_slice %arg7[%dma_start3A_429, %dma_start3A_430] : memref<10112x128xf32, #tpu.memory_space<vmem_shared>> -> memref<10112x128xf32, #tpu.memory_space<vmem_shared>>
      tpu.enqueue_indirect_dma source(%arg12 : memref<64x128xf32, #tpu.memory_space<vmem>>) target(%dma_start3A_431 : memref<10112x128xf32, #tpu.memory_space<vmem_shared>>) offsets(%dma_start3A_428 : memref<64xi32, #tpu.memory_space<vmem>>) semaphore(%arg20 : memref<!tpu.dma_semaphore, #tpu.memory_space<semaphore_mem>>) {add = true}
      %dma_wait3A_432 = arith.constant 15 : i32
      %dma_wait3A_433 = arith.constant 0 : i32
      %dma_wait3A_434 = tpu.memref_slice %arg8[%dma_wait3A_432, %dma_wait3A_433] : memref<16x64xi32, #tpu.memory_space<vmem>> -> memref<1x64xi32, #tpu.memory_space<vmem>>
      %dma_wait3A_435 = tpu.memref_squeeze %dma_wait3A_434 : memref<1x64xi32, #tpu.memory_space<vmem>> -> memref<64xi32, #tpu.memory_space<vmem>>
      %dma_wait3A_436 = arith.constant 0 : i32
      %dma_wait3A_437 = arith.constant 0 : i32
      %dma_wait3A_438 = tpu.memref_slice %arg2[%dma_wait3A_436, %dma_wait3A_437] : memref<10000x128xf32, #tpu.memory_space<hbm>> -> memref<10000x128xf32, #tpu.memory_space<hbm>>
      tpu.wait_indirect_dma semaphore(%arg17 : memref<!tpu.dma_semaphore, #tpu.memory_space<semaphore_mem>>) src(%dma_wait3A_438 : memref<10000x128xf32, #tpu.memory_space<hbm>>) dst(%arg13 : memref<64x128xf32, #tpu.memory_space<vmem>>)
      %dma_start3A_439 = arith.constant 15 : i32
      %dma_start3A_440 = arith.constant 0 : i32
      %dma_start3A_441 = tpu.memref_slice %arg9[%dma_start3A_439, %dma_start3A_440] : memref<16x64xi32, #tpu.memory_space<vmem>> -> memref<1x64xi32, #tpu.memory_space<vmem>>
      %dma_start3A_442 = tpu.memref_squeeze %dma_start3A_441 : memref<1x64xi32, #tpu.memory_space<vmem>> -> memref<64xi32, #tpu.memory_space<vmem>>
      %dma_start3A_443 = arith.constant 0 : i32
      %dma_start3A_444 = arith.constant 0 : i32
      %dma_start3A_445 = tpu.memref_slice %arg7[%dma_start3A_443, %dma_start3A_444] : memref<10112x128xf32, #tpu.memory_space<vmem_shared>> -> memref<10112x128xf32, #tpu.memory_space<vmem_shared>>
      tpu.enqueue_indirect_dma source(%arg13 : memref<64x128xf32, #tpu.memory_space<vmem>>) target(%dma_start3A_445 : memref<10112x128xf32, #tpu.memory_space<vmem_shared>>) offsets(%dma_start3A_442 : memref<64xi32, #tpu.memory_space<vmem>>) semaphore(%arg21 : memref<!tpu.dma_semaphore, #tpu.memory_space<semaphore_mem>>) {add = true}
      %dma_wait3A_446 = arith.constant 12 : i32
      %dma_wait3A_447 = arith.constant 0 : i32
      %dma_wait3A_448 = tpu.memref_slice %arg9[%dma_wait3A_446, %dma_wait3A_447] : memref<16x64xi32, #tpu.memory_space<vmem>> -> memref<1x64xi32, #tpu.memory_space<vmem>>
      %dma_wait3A_449 = tpu.memref_squeeze %dma_wait3A_448 : memref<1x64xi32, #tpu.memory_space<vmem>> -> memref<64xi32, #tpu.memory_space<vmem>>
      %dma_wait3A_450 = arith.constant 0 : i32
      %dma_wait3A_451 = arith.constant 0 : i32
      %dma_wait3A_452 = tpu.memref_slice %arg7[%dma_wait3A_450, %dma_wait3A_451] : memref<10112x128xf32, #tpu.memory_space<vmem_shared>> -> memref<10112x128xf32, #tpu.memory_space<vmem_shared>>
      tpu.wait_indirect_dma semaphore(%arg18 : memref<!tpu.dma_semaphore, #tpu.memory_space<semaphore_mem>>) src(%arg10 : memref<64x128xf32, #tpu.memory_space<vmem>>) dst(%dma_wait3A_452 : memref<10112x128xf32, #tpu.memory_space<vmem_shared>>)
      %dma_wait3A_453 = arith.constant 13 : i32
      %dma_wait3A_454 = arith.constant 0 : i32
      %dma_wait3A_455 = tpu.memref_slice %arg9[%dma_wait3A_453, %dma_wait3A_454] : memref<16x64xi32, #tpu.memory_space<vmem>> -> memref<1x64xi32, #tpu.memory_space<vmem>>
      %dma_wait3A_456 = tpu.memref_squeeze %dma_wait3A_455 : memref<1x64xi32, #tpu.memory_space<vmem>> -> memref<64xi32, #tpu.memory_space<vmem>>
      %dma_wait3A_457 = arith.constant 0 : i32
      %dma_wait3A_458 = arith.constant 0 : i32
      %dma_wait3A_459 = tpu.memref_slice %arg7[%dma_wait3A_457, %dma_wait3A_458] : memref<10112x128xf32, #tpu.memory_space<vmem_shared>> -> memref<10112x128xf32, #tpu.memory_space<vmem_shared>>
      tpu.wait_indirect_dma semaphore(%arg19 : memref<!tpu.dma_semaphore, #tpu.memory_space<semaphore_mem>>) src(%arg11 : memref<64x128xf32, #tpu.memory_space<vmem>>) dst(%dma_wait3A_459 : memref<10112x128xf32, #tpu.memory_space<vmem_shared>>)
      %dma_wait3A_460 = arith.constant 14 : i32
      %dma_wait3A_461 = arith.constant 0 : i32
      %dma_wait3A_462 = tpu.memref_slice %arg9[%dma_wait3A_460, %dma_wait3A_461] : memref<16x64xi32, #tpu.memory_space<vmem>> -> memref<1x64xi32, #tpu.memory_space<vmem>>
      %dma_wait3A_463 = tpu.memref_squeeze %dma_wait3A_462 : memref<1x64xi32, #tpu.memory_space<vmem>> -> memref<64xi32, #tpu.memory_space<vmem>>
      %dma_wait3A_464 = arith.constant 0 : i32
      %dma_wait3A_465 = arith.constant 0 : i32
      %dma_wait3A_466 = tpu.memref_slice %arg7[%dma_wait3A_464, %dma_wait3A_465] : memref<10112x128xf32, #tpu.memory_space<vmem_shared>> -> memref<10112x128xf32, #tpu.memory_space<vmem_shared>>
      tpu.wait_indirect_dma semaphore(%arg20 : memref<!tpu.dma_semaphore, #tpu.memory_space<semaphore_mem>>) src(%arg12 : memref<64x128xf32, #tpu.memory_space<vmem>>) dst(%dma_wait3A_466 : memref<10112x128xf32, #tpu.memory_space<vmem_shared>>)
      %dma_wait3A_467 = arith.constant 15 : i32
      %dma_wait3A_468 = arith.constant 0 : i32
      %dma_wait3A_469 = tpu.memref_slice %arg9[%dma_wait3A_467, %dma_wait3A_468] : memref<16x64xi32, #tpu.memory_space<vmem>> -> memref<1x64xi32, #tpu.memory_space<vmem>>
      %dma_wait3A_470 = tpu.memref_squeeze %dma_wait3A_469 : memref<1x64xi32, #tpu.memory_space<vmem>> -> memref<64xi32, #tpu.memory_space<vmem>>
      %dma_wait3A_471 = arith.constant 0 : i32
      %dma_wait3A_472 = arith.constant 0 : i32
      %dma_wait3A_473 = tpu.memref_slice %arg7[%dma_wait3A_471, %dma_wait3A_472] : memref<10112x128xf32, #tpu.memory_space<vmem_shared>> -> memref<10112x128xf32, #tpu.memory_space<vmem_shared>>
      tpu.wait_indirect_dma semaphore(%arg21 : memref<!tpu.dma_semaphore, #tpu.memory_space<semaphore_mem>>) src(%arg13 : memref<64x128xf32, #tpu.memory_space<vmem>>) dst(%dma_wait3A_473 : memref<10112x128xf32, #tpu.memory_space<vmem_shared>>)
    }
    %while3A_19 = arith.constant 1 : i32
    scf.for %while3A_21 = %while3A_17 to %while3A_13 step %while3A_19  : i32 {
      %mul3A_22 = arith.constant 16 : i32
      %mul3A_23 = arith.muli %while3A_21, %mul3A_22 : i32
      %add3A_24 = arith.addi %select_n3A, %mul3A_23 : i32
      "tpu.region"() ({
        %run_scoped3A = tpu.sem_alloc : memref<!tpu.dma_semaphore, #tpu.memory_space<semaphore_mem>>
        %dma_start3A_474 = arith.constant 0 : i32
        %dma_start3A_475 = tpu.memref_slice %arg3[%add3A_24, %dma_start3A_474] : memref<5120x64xi32, #tpu.memory_space<hbm>> -> memref<16x64xi32, #tpu.memory_space<hbm>>
        %dma_start3A_476 = arith.constant 0 : i32
        %dma_start3A_477 = tpu.memref_slice %arg3[%add3A_24, %dma_start3A_476] : memref<5120x64xi32, #tpu.memory_space<hbm>> -> memref<16x64xi32, #tpu.memory_space<hbm>>
        tpu.enqueue_dma source(%dma_start3A_477 : memref<16x64xi32, #tpu.memory_space<hbm>>) target(%arg8 : memref<16x64xi32, #tpu.memory_space<vmem>>) target_semaphore(%run_scoped3A : memref<!tpu.dma_semaphore, #tpu.memory_space<semaphore_mem>>)
        %dma_wait3A_478 = arith.constant 0 : i32
        %dma_wait3A_479 = tpu.memref_slice %arg3[%add3A_24, %dma_wait3A_478] : memref<5120x64xi32, #tpu.memory_space<hbm>> -> memref<16x64xi32, #tpu.memory_space<hbm>>
        %dma_wait3A_480 = arith.constant 0 : i32
        %dma_wait3A_481 = tpu.memref_slice %arg3[%add3A_24, %dma_wait3A_480] : memref<5120x64xi32, #tpu.memory_space<hbm>> -> memref<16x64xi32, #tpu.memory_space<hbm>>
        tpu.wait_dma2 semaphore(%run_scoped3A : memref<!tpu.dma_semaphore, #tpu.memory_space<semaphore_mem>>) src(%dma_wait3A_481 : memref<16x64xi32, #tpu.memory_space<hbm>>) dst(%arg8 : memref<16x64xi32, #tpu.memory_space<vmem>>)
        tpu.yield
      }) : () -> ()
      %mul3A_25 = arith.constant 16 : i32
      %mul3A_26 = arith.muli %while3A_21, %mul3A_25 : i32
      %add3A_27 = arith.addi %select_n3A, %mul3A_26 : i32
      "tpu.region"() ({
        %run_scoped3A = tpu.sem_alloc : memref<!tpu.dma_semaphore, #tpu.memory_space<semaphore_mem>>
        %dma_start3A_474 = arith.constant 0 : i32
        %dma_start3A_475 = tpu.memref_slice %arg4[%add3A_27, %dma_start3A_474] : memref<5120x64xi32, #tpu.memory_space<hbm>> -> memref<16x64xi32, #tpu.memory_space<hbm>>
        %dma_start3A_476 = arith.constant 0 : i32
        %dma_start3A_477 = tpu.memref_slice %arg4[%add3A_27, %dma_start3A_476] : memref<5120x64xi32, #tpu.memory_space<hbm>> -> memref<16x64xi32, #tpu.memory_space<hbm>>
        tpu.enqueue_dma source(%dma_start3A_477 : memref<16x64xi32, #tpu.memory_space<hbm>>) target(%arg9 : memref<16x64xi32, #tpu.memory_space<vmem>>) target_semaphore(%run_scoped3A : memref<!tpu.dma_semaphore, #tpu.memory_space<semaphore_mem>>)
        %dma_wait3A_478 = arith.constant 0 : i32
        %dma_wait3A_479 = tpu.memref_slice %arg4[%add3A_27, %dma_wait3A_478] : memref<5120x64xi32, #tpu.memory_space<hbm>> -> memref<16x64xi32, #tpu.memory_space<hbm>>
        %dma_wait3A_480 = arith.constant 0 : i32
        %dma_wait3A_481 = tpu.memref_slice %arg4[%add3A_27, %dma_wait3A_480] : memref<5120x64xi32, #tpu.memory_space<hbm>> -> memref<16x64xi32, #tpu.memory_space<hbm>>
        tpu.wait_dma2 semaphore(%run_scoped3A : memref<!tpu.dma_semaphore, #tpu.memory_space<semaphore_mem>>) src(%dma_wait3A_481 : memref<16x64xi32, #tpu.memory_space<hbm>>) dst(%arg9 : memref<16x64xi32, #tpu.memory_space<vmem>>)
        tpu.yield
      }) : () -> ()
      %dma_start3A = arith.constant 0 : i32
      %dma_start3A_28 = arith.constant 0 : i32
      %dma_start3A_29 = tpu.memref_slice %arg8[%dma_start3A, %dma_start3A_28] : memref<16x64xi32, #tpu.memory_space<vmem>> -> memref<1x64xi32, #tpu.memory_space<vmem>>
      %dma_start3A_30 = tpu.memref_squeeze %dma_start3A_29 : memref<1x64xi32, #tpu.memory_space<vmem>> -> memref<64xi32, #tpu.memory_space<vmem>>
      %dma_start3A_31 = arith.constant 0 : i32
      %dma_start3A_32 = arith.constant 0 : i32
      %dma_start3A_33 = tpu.memref_slice %arg2[%dma_start3A_31, %dma_start3A_32] : memref<10000x128xf32, #tpu.memory_space<hbm>> -> memref<10000x128xf32, #tpu.memory_space<hbm>>
      tpu.enqueue_indirect_dma source(%dma_start3A_33 : memref<10000x128xf32, #tpu.memory_space<hbm>>) target(%arg10 : memref<64x128xf32, #tpu.memory_space<vmem>>) offsets(%dma_start3A_30 : memref<64xi32, #tpu.memory_space<vmem>>) semaphore(%arg14 : memref<!tpu.dma_semaphore, #tpu.memory_space<semaphore_mem>>)
      %dma_start3A_34 = arith.constant 1 : i32
      %dma_start3A_35 = arith.constant 0 : i32
      %dma_start3A_36 = tpu.memref_slice %arg8[%dma_start3A_34, %dma_start3A_35] : memref<16x64xi32, #tpu.memory_space<vmem>> -> memref<1x64xi32, #tpu.memory_space<vmem>>
      %dma_start3A_37 = tpu.memref_squeeze %dma_start3A_36 : memref<1x64xi32, #tpu.memory_space<vmem>> -> memref<64xi32, #tpu.memory_space<vmem>>
      %dma_start3A_38 = arith.constant 0 : i32
      %dma_start3A_39 = arith.constant 0 : i32
      %dma_start3A_40 = tpu.memref_slice %arg2[%dma_start3A_38, %dma_start3A_39] : memref<10000x128xf32, #tpu.memory_space<hbm>> -> memref<10000x128xf32, #tpu.memory_space<hbm>>
      tpu.enqueue_indirect_dma source(%dma_start3A_40 : memref<10000x128xf32, #tpu.memory_space<hbm>>) target(%arg11 : memref<64x128xf32, #tpu.memory_space<vmem>>) offsets(%dma_start3A_37 : memref<64xi32, #tpu.memory_space<vmem>>) semaphore(%arg15 : memref<!tpu.dma_semaphore, #tpu.memory_space<semaphore_mem>>)
      %dma_start3A_41 = arith.constant 2 : i32
      %dma_start3A_42 = arith.constant 0 : i32
      %dma_start3A_43 = tpu.memref_slice %arg8[%dma_start3A_41, %dma_start3A_42] : memref<16x64xi32, #tpu.memory_space<vmem>> -> memref<1x64xi32, #tpu.memory_space<vmem>>
      %dma_start3A_44 = tpu.memref_squeeze %dma_start3A_43 : memref<1x64xi32, #tpu.memory_space<vmem>> -> memref<64xi32, #tpu.memory_space<vmem>>
      %dma_start3A_45 = arith.constant 0 : i32
      %dma_start3A_46 = arith.constant 0 : i32
      %dma_start3A_47 = tpu.memref_slice %arg2[%dma_start3A_45, %dma_start3A_46] : memref<10000x128xf32, #tpu.memory_space<hbm>> -> memref<10000x128xf32, #tpu.memory_space<hbm>>
      tpu.enqueue_indirect_dma source(%dma_start3A_47 : memref<10000x128xf32, #tpu.memory_space<hbm>>) target(%arg12 : memref<64x128xf32, #tpu.memory_space<vmem>>) offsets(%dma_start3A_44 : memref<64xi32, #tpu.memory_space<vmem>>) semaphore(%arg16 : memref<!tpu.dma_semaphore, #tpu.memory_space<semaphore_mem>>)
      %dma_wait3A = arith.constant 0 : i32
      %dma_wait3A_48 = arith.constant 0 : i32
      %dma_wait3A_49 = tpu.memref_slice %arg8[%dma_wait3A, %dma_wait3A_48] : memref<16x64xi32, #tpu.memory_space<vmem>> -> memref<1x64xi32, #tpu.memory_space<vmem>>
      %dma_wait3A_50 = tpu.memref_squeeze %dma_wait3A_49 : memref<1x64xi32, #tpu.memory_space<vmem>> -> memref<64xi32, #tpu.memory_space<vmem>>
      %dma_wait3A_51 = arith.constant 0 : i32
      %dma_wait3A_52 = arith.constant 0 : i32
      %dma_wait3A_53 = tpu.memref_slice %arg2[%dma_wait3A_51, %dma_wait3A_52] : memref<10000x128xf32, #tpu.memory_space<hbm>> -> memref<10000x128xf32, #tpu.memory_space<hbm>>
      tpu.wait_indirect_dma semaphore(%arg14 : memref<!tpu.dma_semaphore, #tpu.memory_space<semaphore_mem>>) src(%dma_wait3A_53 : memref<10000x128xf32, #tpu.memory_space<hbm>>) dst(%arg10 : memref<64x128xf32, #tpu.memory_space<vmem>>)
      %dma_start3A_54 = arith.constant 3 : i32
      %dma_start3A_55 = arith.constant 0 : i32
      %dma_start3A_56 = tpu.memref_slice %arg8[%dma_start3A_54, %dma_start3A_55] : memref<16x64xi32, #tpu.memory_space<vmem>> -> memref<1x64xi32, #tpu.memory_space<vmem>>
      %dma_start3A_57 = tpu.memref_squeeze %dma_start3A_56 : memref<1x64xi32, #tpu.memory_space<vmem>> -> memref<64xi32, #tpu.memory_space<vmem>>
      %dma_start3A_58 = arith.constant 0 : i32
      %dma_start3A_59 = arith.constant 0 : i32
      %dma_start3A_60 = tpu.memref_slice %arg2[%dma_start3A_58, %dma_start3A_59] : memref<10000x128xf32, #tpu.memory_space<hbm>> -> memref<10000x128xf32, #tpu.memory_space<hbm>>
      tpu.enqueue_indirect_dma source(%dma_start3A_60 : memref<10000x128xf32, #tpu.memory_space<hbm>>) target(%arg13 : memref<64x128xf32, #tpu.memory_space<vmem>>) offsets(%dma_start3A_57 : memref<64xi32, #tpu.memory_space<vmem>>) semaphore(%arg17 : memref<!tpu.dma_semaphore, #tpu.memory_space<semaphore_mem>>)
      %dma_start3A_61 = arith.constant 0 : i32
      %dma_start3A_62 = arith.constant 0 : i32
      %dma_start3A_63 = tpu.memref_slice %arg9[%dma_start3A_61, %dma_start3A_62] : memref<16x64xi32, #tpu.memory_space<vmem>> -> memref<1x64xi32, #tpu.memory_space<vmem>>
      %dma_start3A_64 = tpu.memref_squeeze %dma_start3A_63 : memref<1x64xi32, #tpu.memory_space<vmem>> -> memref<64xi32, #tpu.memory_space<vmem>>
      %dma_start3A_65 = arith.constant 0 : i32
      %dma_start3A_66 = arith.constant 0 : i32
      %dma_start3A_67 = tpu.memref_slice %arg7[%dma_start3A_65, %dma_start3A_66] : memref<10112x128xf32, #tpu.memory_space<vmem_shared>> -> memref<10112x128xf32, #tpu.memory_space<vmem_shared>>
      tpu.enqueue_indirect_dma source(%arg10 : memref<64x128xf32, #tpu.memory_space<vmem>>) target(%dma_start3A_67 : memref<10112x128xf32, #tpu.memory_space<vmem_shared>>) offsets(%dma_start3A_64 : memref<64xi32, #tpu.memory_space<vmem>>) semaphore(%arg18 : memref<!tpu.dma_semaphore, #tpu.memory_space<semaphore_mem>>) {add = true}
      %dma_wait3A_68 = arith.constant 1 : i32
      %dma_wait3A_69 = arith.constant 0 : i32
      %dma_wait3A_70 = tpu.memref_slice %arg8[%dma_wait3A_68, %dma_wait3A_69] : memref<16x64xi32, #tpu.memory_space<vmem>> -> memref<1x64xi32, #tpu.memory_space<vmem>>
      %dma_wait3A_71 = tpu.memref_squeeze %dma_wait3A_70 : memref<1x64xi32, #tpu.memory_space<vmem>> -> memref<64xi32, #tpu.memory_space<vmem>>
      %dma_wait3A_72 = arith.constant 0 : i32
      %dma_wait3A_73 = arith.constant 0 : i32
      %dma_wait3A_74 = tpu.memref_slice %arg2[%dma_wait3A_72, %dma_wait3A_73] : memref<10000x128xf32, #tpu.memory_space<hbm>> -> memref<10000x128xf32, #tpu.memory_space<hbm>>
      tpu.wait_indirect_dma semaphore(%arg15 : memref<!tpu.dma_semaphore, #tpu.memory_space<semaphore_mem>>) src(%dma_wait3A_74 : memref<10000x128xf32, #tpu.memory_space<hbm>>) dst(%arg11 : memref<64x128xf32, #tpu.memory_space<vmem>>)
      %dma_wait3A_75 = arith.constant 0 : i32
      %dma_wait3A_76 = arith.constant 0 : i32
      %dma_wait3A_77 = tpu.memref_slice %arg9[%dma_wait3A_75, %dma_wait3A_76] : memref<16x64xi32, #tpu.memory_space<vmem>> -> memref<1x64xi32, #tpu.memory_space<vmem>>
      %dma_wait3A_78 = tpu.memref_squeeze %dma_wait3A_77 : memref<1x64xi32, #tpu.memory_space<vmem>> -> memref<64xi32, #tpu.memory_space<vmem>>
      %dma_wait3A_79 = arith.constant 0 : i32
      %dma_wait3A_80 = arith.constant 0 : i32
      %dma_wait3A_81 = tpu.memref_slice %arg7[%dma_wait3A_79, %dma_wait3A_80] : memref<10112x128xf32, #tpu.memory_space<vmem_shared>> -> memref<10112x128xf32, #tpu.memory_space<vmem_shared>>
      tpu.wait_indirect_dma semaphore(%arg18 : memref<!tpu.dma_semaphore, #tpu.memory_space<semaphore_mem>>) src(%arg10 : memref<64x128xf32, #tpu.memory_space<vmem>>) dst(%dma_wait3A_81 : memref<10112x128xf32, #tpu.memory_space<vmem_shared>>)
      %dma_start3A_82 = arith.constant 4 : i32
      %dma_start3A_83 = arith.constant 0 : i32
      %dma_start3A_84 = tpu.memref_slice %arg8[%dma_start3A_82, %dma_start3A_83] : memref<16x64xi32, #tpu.memory_space<vmem>> -> memref<1x64xi32, #tpu.memory_space<vmem>>
      %dma_start3A_85 = tpu.memref_squeeze %dma_start3A_84 : memref<1x64xi32, #tpu.memory_space<vmem>> -> memref<64xi32, #tpu.memory_space<vmem>>
      %dma_start3A_86 = arith.constant 0 : i32
      %dma_start3A_87 = arith.constant 0 : i32
      %dma_start3A_88 = tpu.memref_slice %arg2[%dma_start3A_86, %dma_start3A_87] : memref<10000x128xf32, #tpu.memory_space<hbm>> -> memref<10000x128xf32, #tpu.memory_space<hbm>>
      tpu.enqueue_indirect_dma source(%dma_start3A_88 : memref<10000x128xf32, #tpu.memory_space<hbm>>) target(%arg10 : memref<64x128xf32, #tpu.memory_space<vmem>>) offsets(%dma_start3A_85 : memref<64xi32, #tpu.memory_space<vmem>>) semaphore(%arg14 : memref<!tpu.dma_semaphore, #tpu.memory_space<semaphore_mem>>)
      %dma_start3A_89 = arith.constant 1 : i32
      %dma_start3A_90 = arith.constant 0 : i32
      %dma_start3A_91 = tpu.memref_slice %arg9[%dma_start3A_89, %dma_start3A_90] : memref<16x64xi32, #tpu.memory_space<vmem>> -> memref<1x64xi32, #tpu.memory_space<vmem>>
      %dma_start3A_92 = tpu.memref_squeeze %dma_start3A_91 : memref<1x64xi32, #tpu.memory_space<vmem>> -> memref<64xi32, #tpu.memory_space<vmem>>
      %dma_start3A_93 = arith.constant 0 : i32
      %dma_start3A_94 = arith.constant 0 : i32
      %dma_start3A_95 = tpu.memref_slice %arg7[%dma_start3A_93, %dma_start3A_94] : memref<10112x128xf32, #tpu.memory_space<vmem_shared>> -> memref<10112x128xf32, #tpu.memory_space<vmem_shared>>
      tpu.enqueue_indirect_dma source(%arg11 : memref<64x128xf32, #tpu.memory_space<vmem>>) target(%dma_start3A_95 : memref<10112x128xf32, #tpu.memory_space<vmem_shared>>) offsets(%dma_start3A_92 : memref<64xi32, #tpu.memory_space<vmem>>) semaphore(%arg19 : memref<!tpu.dma_semaphore, #tpu.memory_space<semaphore_mem>>) {add = true}
      %dma_wait3A_96 = arith.constant 2 : i32
      %dma_wait3A_97 = arith.constant 0 : i32
      %dma_wait3A_98 = tpu.memref_slice %arg8[%dma_wait3A_96, %dma_wait3A_97] : memref<16x64xi32, #tpu.memory_space<vmem>> -> memref<1x64xi32, #tpu.memory_space<vmem>>
      %dma_wait3A_99 = tpu.memref_squeeze %dma_wait3A_98 : memref<1x64xi32, #tpu.memory_space<vmem>> -> memref<64xi32, #tpu.memory_space<vmem>>
      %dma_wait3A_100 = arith.constant 0 : i32
      %dma_wait3A_101 = arith.constant 0 : i32
      %dma_wait3A_102 = tpu.memref_slice %arg2[%dma_wait3A_100, %dma_wait3A_101] : memref<10000x128xf32, #tpu.memory_space<hbm>> -> memref<10000x128xf32, #tpu.memory_space<hbm>>
      tpu.wait_indirect_dma semaphore(%arg16 : memref<!tpu.dma_semaphore, #tpu.memory_space<semaphore_mem>>) src(%dma_wait3A_102 : memref<10000x128xf32, #tpu.memory_space<hbm>>) dst(%arg12 : memref<64x128xf32, #tpu.memory_space<vmem>>)
      %dma_wait3A_103 = arith.constant 1 : i32
      %dma_wait3A_104 = arith.constant 0 : i32
      %dma_wait3A_105 = tpu.memref_slice %arg9[%dma_wait3A_103, %dma_wait3A_104] : memref<16x64xi32, #tpu.memory_space<vmem>> -> memref<1x64xi32, #tpu.memory_space<vmem>>
      %dma_wait3A_106 = tpu.memref_squeeze %dma_wait3A_105 : memref<1x64xi32, #tpu.memory_space<vmem>> -> memref<64xi32, #tpu.memory_space<vmem>>
      %dma_wait3A_107 = arith.constant 0 : i32
      %dma_wait3A_108 = arith.constant 0 : i32
      %dma_wait3A_109 = tpu.memref_slice %arg7[%dma_wait3A_107, %dma_wait3A_108] : memref<10112x128xf32, #tpu.memory_space<vmem_shared>> -> memref<10112x128xf32, #tpu.memory_space<vmem_shared>>
      tpu.wait_indirect_dma semaphore(%arg19 : memref<!tpu.dma_semaphore, #tpu.memory_space<semaphore_mem>>) src(%arg11 : memref<64x128xf32, #tpu.memory_space<vmem>>) dst(%dma_wait3A_109 : memref<10112x128xf32, #tpu.memory_space<vmem_shared>>)
      %dma_start3A_110 = arith.constant 5 : i32
      %dma_start3A_111 = arith.constant 0 : i32
      %dma_start3A_112 = tpu.memref_slice %arg8[%dma_start3A_110, %dma_start3A_111] : memref<16x64xi32, #tpu.memory_space<vmem>> -> memref<1x64xi32, #tpu.memory_space<vmem>>
      %dma_start3A_113 = tpu.memref_squeeze %dma_start3A_112 : memref<1x64xi32, #tpu.memory_space<vmem>> -> memref<64xi32, #tpu.memory_space<vmem>>
      %dma_start3A_114 = arith.constant 0 : i32
      %dma_start3A_115 = arith.constant 0 : i32
      %dma_start3A_116 = tpu.memref_slice %arg2[%dma_start3A_114, %dma_start3A_115] : memref<10000x128xf32, #tpu.memory_space<hbm>> -> memref<10000x128xf32, #tpu.memory_space<hbm>>
      tpu.enqueue_indirect_dma source(%dma_start3A_116 : memref<10000x128xf32, #tpu.memory_space<hbm>>) target(%arg11 : memref<64x128xf32, #tpu.memory_space<vmem>>) offsets(%dma_start3A_113 : memref<64xi32, #tpu.memory_space<vmem>>) semaphore(%arg15 : memref<!tpu.dma_semaphore, #tpu.memory_space<semaphore_mem>>)
      %dma_start3A_117 = arith.constant 2 : i32
      %dma_start3A_118 = arith.constant 0 : i32
      %dma_start3A_119 = tpu.memref_slice %arg9[%dma_start3A_117, %dma_start3A_118] : memref<16x64xi32, #tpu.memory_space<vmem>> -> memref<1x64xi32, #tpu.memory_space<vmem>>
      %dma_start3A_120 = tpu.memref_squeeze %dma_start3A_119 : memref<1x64xi32, #tpu.memory_space<vmem>> -> memref<64xi32, #tpu.memory_space<vmem>>
      %dma_start3A_121 = arith.constant 0 : i32
      %dma_start3A_122 = arith.constant 0 : i32
      %dma_start3A_123 = tpu.memref_slice %arg7[%dma_start3A_121, %dma_start3A_122] : memref<10112x128xf32, #tpu.memory_space<vmem_shared>> -> memref<10112x128xf32, #tpu.memory_space<vmem_shared>>
      tpu.enqueue_indirect_dma source(%arg12 : memref<64x128xf32, #tpu.memory_space<vmem>>) target(%dma_start3A_123 : memref<10112x128xf32, #tpu.memory_space<vmem_shared>>) offsets(%dma_start3A_120 : memref<64xi32, #tpu.memory_space<vmem>>) semaphore(%arg20 : memref<!tpu.dma_semaphore, #tpu.memory_space<semaphore_mem>>) {add = true}
      %dma_wait3A_124 = arith.constant 3 : i32
      %dma_wait3A_125 = arith.constant 0 : i32
      %dma_wait3A_126 = tpu.memref_slice %arg8[%dma_wait3A_124, %dma_wait3A_125] : memref<16x64xi32, #tpu.memory_space<vmem>> -> memref<1x64xi32, #tpu.memory_space<vmem>>
      %dma_wait3A_127 = tpu.memref_squeeze %dma_wait3A_126 : memref<1x64xi32, #tpu.memory_space<vmem>> -> memref<64xi32, #tpu.memory_space<vmem>>
      %dma_wait3A_128 = arith.constant 0 : i32
      %dma_wait3A_129 = arith.constant 0 : i32
      %dma_wait3A_130 = tpu.memref_slice %arg2[%dma_wait3A_128, %dma_wait3A_129] : memref<10000x128xf32, #tpu.memory_space<hbm>> -> memref<10000x128xf32, #tpu.memory_space<hbm>>
      tpu.wait_indirect_dma semaphore(%arg17 : memref<!tpu.dma_semaphore, #tpu.memory_space<semaphore_mem>>) src(%dma_wait3A_130 : memref<10000x128xf32, #tpu.memory_space<hbm>>) dst(%arg13 : memref<64x128xf32, #tpu.memory_space<vmem>>)
      %dma_wait3A_131 = arith.constant 2 : i32
      %dma_wait3A_132 = arith.constant 0 : i32
      %dma_wait3A_133 = tpu.memref_slice %arg9[%dma_wait3A_131, %dma_wait3A_132] : memref<16x64xi32, #tpu.memory_space<vmem>> -> memref<1x64xi32, #tpu.memory_space<vmem>>
      %dma_wait3A_134 = tpu.memref_squeeze %dma_wait3A_133 : memref<1x64xi32, #tpu.memory_space<vmem>> -> memref<64xi32, #tpu.memory_space<vmem>>
      %dma_wait3A_135 = arith.constant 0 : i32
      %dma_wait3A_136 = arith.constant 0 : i32
      %dma_wait3A_137 = tpu.memref_slice %arg7[%dma_wait3A_135, %dma_wait3A_136] : memref<10112x128xf32, #tpu.memory_space<vmem_shared>> -> memref<10112x128xf32, #tpu.memory_space<vmem_shared>>
      tpu.wait_indirect_dma semaphore(%arg20 : memref<!tpu.dma_semaphore, #tpu.memory_space<semaphore_mem>>) src(%arg12 : memref<64x128xf32, #tpu.memory_space<vmem>>) dst(%dma_wait3A_137 : memref<10112x128xf32, #tpu.memory_space<vmem_shared>>)
      %dma_start3A_138 = arith.constant 6 : i32
      %dma_start3A_139 = arith.constant 0 : i32
      %dma_start3A_140 = tpu.memref_slice %arg8[%dma_start3A_138, %dma_start3A_139] : memref<16x64xi32, #tpu.memory_space<vmem>> -> memref<1x64xi32, #tpu.memory_space<vmem>>
      %dma_start3A_141 = tpu.memref_squeeze %dma_start3A_140 : memref<1x64xi32, #tpu.memory_space<vmem>> -> memref<64xi32, #tpu.memory_space<vmem>>
      %dma_start3A_142 = arith.constant 0 : i32
      %dma_start3A_143 = arith.constant 0 : i32
      %dma_start3A_144 = tpu.memref_slice %arg2[%dma_start3A_142, %dma_start3A_143] : memref<10000x128xf32, #tpu.memory_space<hbm>> -> memref<10000x128xf32, #tpu.memory_space<hbm>>
      tpu.enqueue_indirect_dma source(%dma_start3A_144 : memref<10000x128xf32, #tpu.memory_space<hbm>>) target(%arg12 : memref<64x128xf32, #tpu.memory_space<vmem>>) offsets(%dma_start3A_141 : memref<64xi32, #tpu.memory_space<vmem>>) semaphore(%arg16 : memref<!tpu.dma_semaphore, #tpu.memory_space<semaphore_mem>>)
      %dma_start3A_145 = arith.constant 3 : i32
      %dma_start3A_146 = arith.constant 0 : i32
      %dma_start3A_147 = tpu.memref_slice %arg9[%dma_start3A_145, %dma_start3A_146] : memref<16x64xi32, #tpu.memory_space<vmem>> -> memref<1x64xi32, #tpu.memory_space<vmem>>
      %dma_start3A_148 = tpu.memref_squeeze %dma_start3A_147 : memref<1x64xi32, #tpu.memory_space<vmem>> -> memref<64xi32, #tpu.memory_space<vmem>>
      %dma_start3A_149 = arith.constant 0 : i32
      %dma_start3A_150 = arith.constant 0 : i32
      %dma_start3A_151 = tpu.memref_slice %arg7[%dma_start3A_149, %dma_start3A_150] : memref<10112x128xf32, #tpu.memory_space<vmem_shared>> -> memref<10112x128xf32, #tpu.memory_space<vmem_shared>>
      tpu.enqueue_indirect_dma source(%arg13 : memref<64x128xf32, #tpu.memory_space<vmem>>) target(%dma_start3A_151 : memref<10112x128xf32, #tpu.memory_space<vmem_shared>>) offsets(%dma_start3A_148 : memref<64xi32, #tpu.memory_space<vmem>>) semaphore(%arg21 : memref<!tpu.dma_semaphore, #tpu.memory_space<semaphore_mem>>) {add = true}
      %dma_wait3A_152 = arith.constant 4 : i32
      %dma_wait3A_153 = arith.constant 0 : i32
      %dma_wait3A_154 = tpu.memref_slice %arg8[%dma_wait3A_152, %dma_wait3A_153] : memref<16x64xi32, #tpu.memory_space<vmem>> -> memref<1x64xi32, #tpu.memory_space<vmem>>
      %dma_wait3A_155 = tpu.memref_squeeze %dma_wait3A_154 : memref<1x64xi32, #tpu.memory_space<vmem>> -> memref<64xi32, #tpu.memory_space<vmem>>
      %dma_wait3A_156 = arith.constant 0 : i32
      %dma_wait3A_157 = arith.constant 0 : i32
      %dma_wait3A_158 = tpu.memref_slice %arg2[%dma_wait3A_156, %dma_wait3A_157] : memref<10000x128xf32, #tpu.memory_space<hbm>> -> memref<10000x128xf32, #tpu.memory_space<hbm>>
      tpu.wait_indirect_dma semaphore(%arg14 : memref<!tpu.dma_semaphore, #tpu.memory_space<semaphore_mem>>) src(%dma_wait3A_158 : memref<10000x128xf32, #tpu.memory_space<hbm>>) dst(%arg10 : memref<64x128xf32, #tpu.memory_space<vmem>>)
      %dma_wait3A_159 = arith.constant 3 : i32
      %dma_wait3A_160 = arith.constant 0 : i32
      %dma_wait3A_161 = tpu.memref_slice %arg9[%dma_wait3A_159, %dma_wait3A_160] : memref<16x64xi32, #tpu.memory_space<vmem>> -> memref<1x64xi32, #tpu.memory_space<vmem>>
      %dma_wait3A_162 = tpu.memref_squeeze %dma_wait3A_161 : memref<1x64xi32, #tpu.memory_space<vmem>> -> memref<64xi32, #tpu.memory_space<vmem>>
      %dma_wait3A_163 = arith.constant 0 : i32
      %dma_wait3A_164 = arith.constant 0 : i32
      %dma_wait3A_165 = tpu.memref_slice %arg7[%dma_wait3A_163, %dma_wait3A_164] : memref<10112x128xf32, #tpu.memory_space<vmem_shared>> -> memref<10112x128xf32, #tpu.memory_space<vmem_shared>>
      tpu.wait_indirect_dma semaphore(%arg21 : memref<!tpu.dma_semaphore, #tpu.memory_space<semaphore_mem>>) src(%arg13 : memref<64x128xf32, #tpu.memory_space<vmem>>) dst(%dma_wait3A_165 : memref<10112x128xf32, #tpu.memory_space<vmem_shared>>)
      %dma_start3A_166 = arith.constant 7 : i32
      %dma_start3A_167 = arith.constant 0 : i32
      %dma_start3A_168 = tpu.memref_slice %arg8[%dma_start3A_166, %dma_start3A_167] : memref<16x64xi32, #tpu.memory_space<vmem>> -> memref<1x64xi32, #tpu.memory_space<vmem>>
      %dma_start3A_169 = tpu.memref_squeeze %dma_start3A_168 : memref<1x64xi32, #tpu.memory_space<vmem>> -> memref<64xi32, #tpu.memory_space<vmem>>
      %dma_start3A_170 = arith.constant 0 : i32
      %dma_start3A_171 = arith.constant 0 : i32
      %dma_start3A_172 = tpu.memref_slice %arg2[%dma_start3A_170, %dma_start3A_171] : memref<10000x128xf32, #tpu.memory_space<hbm>> -> memref<10000x128xf32, #tpu.memory_space<hbm>>
      tpu.enqueue_indirect_dma source(%dma_start3A_172 : memref<10000x128xf32, #tpu.memory_space<hbm>>) target(%arg13 : memref<64x128xf32, #tpu.memory_space<vmem>>) offsets(%dma_start3A_169 : memref<64xi32, #tpu.memory_space<vmem>>) semaphore(%arg17 : memref<!tpu.dma_semaphore, #tpu.memory_space<semaphore_mem>>)
      %dma_start3A_173 = arith.constant 4 : i32
      %dma_start3A_174 = arith.constant 0 : i32
      %dma_start3A_175 = tpu.memref_slice %arg9[%dma_start3A_173, %dma_start3A_174] : memref<16x64xi32, #tpu.memory_space<vmem>> -> memref<1x64xi32, #tpu.memory_space<vmem>>
      %dma_start3A_176 = tpu.memref_squeeze %dma_start3A_175 : memref<1x64xi32, #tpu.memory_space<vmem>> -> memref<64xi32, #tpu.memory_space<vmem>>
      %dma_start3A_177 = arith.constant 0 : i32
      %dma_start3A_178 = arith.constant 0 : i32
      %dma_start3A_179 = tpu.memref_slice %arg7[%dma_start3A_177, %dma_start3A_178] : memref<10112x128xf32, #tpu.memory_space<vmem_shared>> -> memref<10112x128xf32, #tpu.memory_space<vmem_shared>>
      tpu.enqueue_indirect_dma source(%arg10 : memref<64x128xf32, #tpu.memory_space<vmem>>) target(%dma_start3A_179 : memref<10112x128xf32, #tpu.memory_space<vmem_shared>>) offsets(%dma_start3A_176 : memref<64xi32, #tpu.memory_space<vmem>>) semaphore(%arg18 : memref<!tpu.dma_semaphore, #tpu.memory_space<semaphore_mem>>) {add = true}
      %dma_wait3A_180 = arith.constant 5 : i32
      %dma_wait3A_181 = arith.constant 0 : i32
      %dma_wait3A_182 = tpu.memref_slice %arg8[%dma_wait3A_180, %dma_wait3A_181] : memref<16x64xi32, #tpu.memory_space<vmem>> -> memref<1x64xi32, #tpu.memory_space<vmem>>
      %dma_wait3A_183 = tpu.memref_squeeze %dma_wait3A_182 : memref<1x64xi32, #tpu.memory_space<vmem>> -> memref<64xi32, #tpu.memory_space<vmem>>
      %dma_wait3A_184 = arith.constant 0 : i32
      %dma_wait3A_185 = arith.constant 0 : i32
      %dma_wait3A_186 = tpu.memref_slice %arg2[%dma_wait3A_184, %dma_wait3A_185] : memref<10000x128xf32, #tpu.memory_space<hbm>> -> memref<10000x128xf32, #tpu.memory_space<hbm>>
      tpu.wait_indirect_dma semaphore(%arg15 : memref<!tpu.dma_semaphore, #tpu.memory_space<semaphore_mem>>) src(%dma_wait3A_186 : memref<10000x128xf32, #tpu.memory_space<hbm>>) dst(%arg11 : memref<64x128xf32, #tpu.memory_space<vmem>>)
      %dma_wait3A_187 = arith.constant 4 : i32
      %dma_wait3A_188 = arith.constant 0 : i32
      %dma_wait3A_189 = tpu.memref_slice %arg9[%dma_wait3A_187, %dma_wait3A_188] : memref<16x64xi32, #tpu.memory_space<vmem>> -> memref<1x64xi32, #tpu.memory_space<vmem>>
      %dma_wait3A_190 = tpu.memref_squeeze %dma_wait3A_189 : memref<1x64xi32, #tpu.memory_space<vmem>> -> memref<64xi32, #tpu.memory_space<vmem>>
      %dma_wait3A_191 = arith.constant 0 : i32
      %dma_wait3A_192 = arith.constant 0 : i32
      %dma_wait3A_193 = tpu.memref_slice %arg7[%dma_wait3A_191, %dma_wait3A_192] : memref<10112x128xf32, #tpu.memory_space<vmem_shared>> -> memref<10112x128xf32, #tpu.memory_space<vmem_shared>>
      tpu.wait_indirect_dma semaphore(%arg18 : memref<!tpu.dma_semaphore, #tpu.memory_space<semaphore_mem>>) src(%arg10 : memref<64x128xf32, #tpu.memory_space<vmem>>) dst(%dma_wait3A_193 : memref<10112x128xf32, #tpu.memory_space<vmem_shared>>)
      %dma_start3A_194 = arith.constant 8 : i32
      %dma_start3A_195 = arith.constant 0 : i32
      %dma_start3A_196 = tpu.memref_slice %arg8[%dma_start3A_194, %dma_start3A_195] : memref<16x64xi32, #tpu.memory_space<vmem>> -> memref<1x64xi32, #tpu.memory_space<vmem>>
      %dma_start3A_197 = tpu.memref_squeeze %dma_start3A_196 : memref<1x64xi32, #tpu.memory_space<vmem>> -> memref<64xi32, #tpu.memory_space<vmem>>
      %dma_start3A_198 = arith.constant 0 : i32
      %dma_start3A_199 = arith.constant 0 : i32
      %dma_start3A_200 = tpu.memref_slice %arg2[%dma_start3A_198, %dma_start3A_199] : memref<10000x128xf32, #tpu.memory_space<hbm>> -> memref<10000x128xf32, #tpu.memory_space<hbm>>
      tpu.enqueue_indirect_dma source(%dma_start3A_200 : memref<10000x128xf32, #tpu.memory_space<hbm>>) target(%arg10 : memref<64x128xf32, #tpu.memory_space<vmem>>) offsets(%dma_start3A_197 : memref<64xi32, #tpu.memory_space<vmem>>) semaphore(%arg14 : memref<!tpu.dma_semaphore, #tpu.memory_space<semaphore_mem>>)
      %dma_start3A_201 = arith.constant 5 : i32
      %dma_start3A_202 = arith.constant 0 : i32
      %dma_start3A_203 = tpu.memref_slice %arg9[%dma_start3A_201, %dma_start3A_202] : memref<16x64xi32, #tpu.memory_space<vmem>> -> memref<1x64xi32, #tpu.memory_space<vmem>>
      %dma_start3A_204 = tpu.memref_squeeze %dma_start3A_203 : memref<1x64xi32, #tpu.memory_space<vmem>> -> memref<64xi32, #tpu.memory_space<vmem>>
      %dma_start3A_205 = arith.constant 0 : i32
      %dma_start3A_206 = arith.constant 0 : i32
      %dma_start3A_207 = tpu.memref_slice %arg7[%dma_start3A_205, %dma_start3A_206] : memref<10112x128xf32, #tpu.memory_space<vmem_shared>> -> memref<10112x128xf32, #tpu.memory_space<vmem_shared>>
      tpu.enqueue_indirect_dma source(%arg11 : memref<64x128xf32, #tpu.memory_space<vmem>>) target(%dma_start3A_207 : memref<10112x128xf32, #tpu.memory_space<vmem_shared>>) offsets(%dma_start3A_204 : memref<64xi32, #tpu.memory_space<vmem>>) semaphore(%arg19 : memref<!tpu.dma_semaphore, #tpu.memory_space<semaphore_mem>>) {add = true}
      %dma_wait3A_208 = arith.constant 6 : i32
      %dma_wait3A_209 = arith.constant 0 : i32
      %dma_wait3A_210 = tpu.memref_slice %arg8[%dma_wait3A_208, %dma_wait3A_209] : memref<16x64xi32, #tpu.memory_space<vmem>> -> memref<1x64xi32, #tpu.memory_space<vmem>>
      %dma_wait3A_211 = tpu.memref_squeeze %dma_wait3A_210 : memref<1x64xi32, #tpu.memory_space<vmem>> -> memref<64xi32, #tpu.memory_space<vmem>>
      %dma_wait3A_212 = arith.constant 0 : i32
      %dma_wait3A_213 = arith.constant 0 : i32
      %dma_wait3A_214 = tpu.memref_slice %arg2[%dma_wait3A_212, %dma_wait3A_213] : memref<10000x128xf32, #tpu.memory_space<hbm>> -> memref<10000x128xf32, #tpu.memory_space<hbm>>
      tpu.wait_indirect_dma semaphore(%arg16 : memref<!tpu.dma_semaphore, #tpu.memory_space<semaphore_mem>>) src(%dma_wait3A_214 : memref<10000x128xf32, #tpu.memory_space<hbm>>) dst(%arg12 : memref<64x128xf32, #tpu.memory_space<vmem>>)
      %dma_wait3A_215 = arith.constant 5 : i32
      %dma_wait3A_216 = arith.constant 0 : i32
      %dma_wait3A_217 = tpu.memref_slice %arg9[%dma_wait3A_215, %dma_wait3A_216] : memref<16x64xi32, #tpu.memory_space<vmem>> -> memref<1x64xi32, #tpu.memory_space<vmem>>
      %dma_wait3A_218 = tpu.memref_squeeze %dma_wait3A_217 : memref<1x64xi32, #tpu.memory_space<vmem>> -> memref<64xi32, #tpu.memory_space<vmem>>
      %dma_wait3A_219 = arith.constant 0 : i32
      %dma_wait3A_220 = arith.constant 0 : i32
      %dma_wait3A_221 = tpu.memref_slice %arg7[%dma_wait3A_219, %dma_wait3A_220] : memref<10112x128xf32, #tpu.memory_space<vmem_shared>> -> memref<10112x128xf32, #tpu.memory_space<vmem_shared>>
      tpu.wait_indirect_dma semaphore(%arg19 : memref<!tpu.dma_semaphore, #tpu.memory_space<semaphore_mem>>) src(%arg11 : memref<64x128xf32, #tpu.memory_space<vmem>>) dst(%dma_wait3A_221 : memref<10112x128xf32, #tpu.memory_space<vmem_shared>>)
      %dma_start3A_222 = arith.constant 9 : i32
      %dma_start3A_223 = arith.constant 0 : i32
      %dma_start3A_224 = tpu.memref_slice %arg8[%dma_start3A_222, %dma_start3A_223] : memref<16x64xi32, #tpu.memory_space<vmem>> -> memref<1x64xi32, #tpu.memory_space<vmem>>
      %dma_start3A_225 = tpu.memref_squeeze %dma_start3A_224 : memref<1x64xi32, #tpu.memory_space<vmem>> -> memref<64xi32, #tpu.memory_space<vmem>>
      %dma_start3A_226 = arith.constant 0 : i32
      %dma_start3A_227 = arith.constant 0 : i32
      %dma_start3A_228 = tpu.memref_slice %arg2[%dma_start3A_226, %dma_start3A_227] : memref<10000x128xf32, #tpu.memory_space<hbm>> -> memref<10000x128xf32, #tpu.memory_space<hbm>>
      tpu.enqueue_indirect_dma source(%dma_start3A_228 : memref<10000x128xf32, #tpu.memory_space<hbm>>) target(%arg11 : memref<64x128xf32, #tpu.memory_space<vmem>>) offsets(%dma_start3A_225 : memref<64xi32, #tpu.memory_space<vmem>>) semaphore(%arg15 : memref<!tpu.dma_semaphore, #tpu.memory_space<semaphore_mem>>)
      %dma_start3A_229 = arith.constant 6 : i32
      %dma_start3A_230 = arith.constant 0 : i32
      %dma_start3A_231 = tpu.memref_slice %arg9[%dma_start3A_229, %dma_start3A_230] : memref<16x64xi32, #tpu.memory_space<vmem>> -> memref<1x64xi32, #tpu.memory_space<vmem>>
      %dma_start3A_232 = tpu.memref_squeeze %dma_start3A_231 : memref<1x64xi32, #tpu.memory_space<vmem>> -> memref<64xi32, #tpu.memory_space<vmem>>
      %dma_start3A_233 = arith.constant 0 : i32
      %dma_start3A_234 = arith.constant 0 : i32
      %dma_start3A_235 = tpu.memref_slice %arg7[%dma_start3A_233, %dma_start3A_234] : memref<10112x128xf32, #tpu.memory_space<vmem_shared>> -> memref<10112x128xf32, #tpu.memory_space<vmem_shared>>
      tpu.enqueue_indirect_dma source(%arg12 : memref<64x128xf32, #tpu.memory_space<vmem>>) target(%dma_start3A_235 : memref<10112x128xf32, #tpu.memory_space<vmem_shared>>) offsets(%dma_start3A_232 : memref<64xi32, #tpu.memory_space<vmem>>) semaphore(%arg20 : memref<!tpu.dma_semaphore, #tpu.memory_space<semaphore_mem>>) {add = true}
      %dma_wait3A_236 = arith.constant 7 : i32
      %dma_wait3A_237 = arith.constant 0 : i32
      %dma_wait3A_238 = tpu.memref_slice %arg8[%dma_wait3A_236, %dma_wait3A_237] : memref<16x64xi32, #tpu.memory_space<vmem>> -> memref<1x64xi32, #tpu.memory_space<vmem>>
      %dma_wait3A_239 = tpu.memref_squeeze %dma_wait3A_238 : memref<1x64xi32, #tpu.memory_space<vmem>> -> memref<64xi32, #tpu.memory_space<vmem>>
      %dma_wait3A_240 = arith.constant 0 : i32
      %dma_wait3A_241 = arith.constant 0 : i32
      %dma_wait3A_242 = tpu.memref_slice %arg2[%dma_wait3A_240, %dma_wait3A_241] : memref<10000x128xf32, #tpu.memory_space<hbm>> -> memref<10000x128xf32, #tpu.memory_space<hbm>>
      tpu.wait_indirect_dma semaphore(%arg17 : memref<!tpu.dma_semaphore, #tpu.memory_space<semaphore_mem>>) src(%dma_wait3A_242 : memref<10000x128xf32, #tpu.memory_space<hbm>>) dst(%arg13 : memref<64x128xf32, #tpu.memory_space<vmem>>)
      %dma_wait3A_243 = arith.constant 6 : i32
      %dma_wait3A_244 = arith.constant 0 : i32
      %dma_wait3A_245 = tpu.memref_slice %arg9[%dma_wait3A_243, %dma_wait3A_244] : memref<16x64xi32, #tpu.memory_space<vmem>> -> memref<1x64xi32, #tpu.memory_space<vmem>>
      %dma_wait3A_246 = tpu.memref_squeeze %dma_wait3A_245 : memref<1x64xi32, #tpu.memory_space<vmem>> -> memref<64xi32, #tpu.memory_space<vmem>>
      %dma_wait3A_247 = arith.constant 0 : i32
      %dma_wait3A_248 = arith.constant 0 : i32
      %dma_wait3A_249 = tpu.memref_slice %arg7[%dma_wait3A_247, %dma_wait3A_248] : memref<10112x128xf32, #tpu.memory_space<vmem_shared>> -> memref<10112x128xf32, #tpu.memory_space<vmem_shared>>
      tpu.wait_indirect_dma semaphore(%arg20 : memref<!tpu.dma_semaphore, #tpu.memory_space<semaphore_mem>>) src(%arg12 : memref<64x128xf32, #tpu.memory_space<vmem>>) dst(%dma_wait3A_249 : memref<10112x128xf32, #tpu.memory_space<vmem_shared>>)
      %dma_start3A_250 = arith.constant 10 : i32
      %dma_start3A_251 = arith.constant 0 : i32
      %dma_start3A_252 = tpu.memref_slice %arg8[%dma_start3A_250, %dma_start3A_251] : memref<16x64xi32, #tpu.memory_space<vmem>> -> memref<1x64xi32, #tpu.memory_space<vmem>>
      %dma_start3A_253 = tpu.memref_squeeze %dma_start3A_252 : memref<1x64xi32, #tpu.memory_space<vmem>> -> memref<64xi32, #tpu.memory_space<vmem>>
      %dma_start3A_254 = arith.constant 0 : i32
      %dma_start3A_255 = arith.constant 0 : i32
      %dma_start3A_256 = tpu.memref_slice %arg2[%dma_start3A_254, %dma_start3A_255] : memref<10000x128xf32, #tpu.memory_space<hbm>> -> memref<10000x128xf32, #tpu.memory_space<hbm>>
      tpu.enqueue_indirect_dma source(%dma_start3A_256 : memref<10000x128xf32, #tpu.memory_space<hbm>>) target(%arg12 : memref<64x128xf32, #tpu.memory_space<vmem>>) offsets(%dma_start3A_253 : memref<64xi32, #tpu.memory_space<vmem>>) semaphore(%arg16 : memref<!tpu.dma_semaphore, #tpu.memory_space<semaphore_mem>>)
      %dma_start3A_257 = arith.constant 7 : i32
      %dma_start3A_258 = arith.constant 0 : i32
      %dma_start3A_259 = tpu.memref_slice %arg9[%dma_start3A_257, %dma_start3A_258] : memref<16x64xi32, #tpu.memory_space<vmem>> -> memref<1x64xi32, #tpu.memory_space<vmem>>
      %dma_start3A_260 = tpu.memref_squeeze %dma_start3A_259 : memref<1x64xi32, #tpu.memory_space<vmem>> -> memref<64xi32, #tpu.memory_space<vmem>>
      %dma_start3A_261 = arith.constant 0 : i32
      %dma_start3A_262 = arith.constant 0 : i32
      %dma_start3A_263 = tpu.memref_slice %arg7[%dma_start3A_261, %dma_start3A_262] : memref<10112x128xf32, #tpu.memory_space<vmem_shared>> -> memref<10112x128xf32, #tpu.memory_space<vmem_shared>>
      tpu.enqueue_indirect_dma source(%arg13 : memref<64x128xf32, #tpu.memory_space<vmem>>) target(%dma_start3A_263 : memref<10112x128xf32, #tpu.memory_space<vmem_shared>>) offsets(%dma_start3A_260 : memref<64xi32, #tpu.memory_space<vmem>>) semaphore(%arg21 : memref<!tpu.dma_semaphore, #tpu.memory_space<semaphore_mem>>) {add = true}
      %dma_wait3A_264 = arith.constant 8 : i32
      %dma_wait3A_265 = arith.constant 0 : i32
      %dma_wait3A_266 = tpu.memref_slice %arg8[%dma_wait3A_264, %dma_wait3A_265] : memref<16x64xi32, #tpu.memory_space<vmem>> -> memref<1x64xi32, #tpu.memory_space<vmem>>
      %dma_wait3A_267 = tpu.memref_squeeze %dma_wait3A_266 : memref<1x64xi32, #tpu.memory_space<vmem>> -> memref<64xi32, #tpu.memory_space<vmem>>
      %dma_wait3A_268 = arith.constant 0 : i32
      %dma_wait3A_269 = arith.constant 0 : i32
      %dma_wait3A_270 = tpu.memref_slice %arg2[%dma_wait3A_268, %dma_wait3A_269] : memref<10000x128xf32, #tpu.memory_space<hbm>> -> memref<10000x128xf32, #tpu.memory_space<hbm>>
      tpu.wait_indirect_dma semaphore(%arg14 : memref<!tpu.dma_semaphore, #tpu.memory_space<semaphore_mem>>) src(%dma_wait3A_270 : memref<10000x128xf32, #tpu.memory_space<hbm>>) dst(%arg10 : memref<64x128xf32, #tpu.memory_space<vmem>>)
      %dma_wait3A_271 = arith.constant 7 : i32
      %dma_wait3A_272 = arith.constant 0 : i32
      %dma_wait3A_273 = tpu.memref_slice %arg9[%dma_wait3A_271, %dma_wait3A_272] : memref<16x64xi32, #tpu.memory_space<vmem>> -> memref<1x64xi32, #tpu.memory_space<vmem>>
      %dma_wait3A_274 = tpu.memref_squeeze %dma_wait3A_273 : memref<1x64xi32, #tpu.memory_space<vmem>> -> memref<64xi32, #tpu.memory_space<vmem>>
      %dma_wait3A_275 = arith.constant 0 : i32
      %dma_wait3A_276 = arith.constant 0 : i32
      %dma_wait3A_277 = tpu.memref_slice %arg7[%dma_wait3A_275, %dma_wait3A_276] : memref<10112x128xf32, #tpu.memory_space<vmem_shared>> -> memref<10112x128xf32, #tpu.memory_space<vmem_shared>>
      tpu.wait_indirect_dma semaphore(%arg21 : memref<!tpu.dma_semaphore, #tpu.memory_space<semaphore_mem>>) src(%arg13 : memref<64x128xf32, #tpu.memory_space<vmem>>) dst(%dma_wait3A_277 : memref<10112x128xf32, #tpu.memory_space<vmem_shared>>)
      %dma_start3A_278 = arith.constant 11 : i32
      %dma_start3A_279 = arith.constant 0 : i32
      %dma_start3A_280 = tpu.memref_slice %arg8[%dma_start3A_278, %dma_start3A_279] : memref<16x64xi32, #tpu.memory_space<vmem>> -> memref<1x64xi32, #tpu.memory_space<vmem>>
      %dma_start3A_281 = tpu.memref_squeeze %dma_start3A_280 : memref<1x64xi32, #tpu.memory_space<vmem>> -> memref<64xi32, #tpu.memory_space<vmem>>
      %dma_start3A_282 = arith.constant 0 : i32
      %dma_start3A_283 = arith.constant 0 : i32
      %dma_start3A_284 = tpu.memref_slice %arg2[%dma_start3A_282, %dma_start3A_283] : memref<10000x128xf32, #tpu.memory_space<hbm>> -> memref<10000x128xf32, #tpu.memory_space<hbm>>
      tpu.enqueue_indirect_dma source(%dma_start3A_284 : memref<10000x128xf32, #tpu.memory_space<hbm>>) target(%arg13 : memref<64x128xf32, #tpu.memory_space<vmem>>) offsets(%dma_start3A_281 : memref<64xi32, #tpu.memory_space<vmem>>) semaphore(%arg17 : memref<!tpu.dma_semaphore, #tpu.memory_space<semaphore_mem>>)
      %dma_start3A_285 = arith.constant 8 : i32
      %dma_start3A_286 = arith.constant 0 : i32
      %dma_start3A_287 = tpu.memref_slice %arg9[%dma_start3A_285, %dma_start3A_286] : memref<16x64xi32, #tpu.memory_space<vmem>> -> memref<1x64xi32, #tpu.memory_space<vmem>>
      %dma_start3A_288 = tpu.memref_squeeze %dma_start3A_287 : memref<1x64xi32, #tpu.memory_space<vmem>> -> memref<64xi32, #tpu.memory_space<vmem>>
      %dma_start3A_289 = arith.constant 0 : i32
      %dma_start3A_290 = arith.constant 0 : i32
      %dma_start3A_291 = tpu.memref_slice %arg7[%dma_start3A_289, %dma_start3A_290] : memref<10112x128xf32, #tpu.memory_space<vmem_shared>> -> memref<10112x128xf32, #tpu.memory_space<vmem_shared>>
      tpu.enqueue_indirect_dma source(%arg10 : memref<64x128xf32, #tpu.memory_space<vmem>>) target(%dma_start3A_291 : memref<10112x128xf32, #tpu.memory_space<vmem_shared>>) offsets(%dma_start3A_288 : memref<64xi32, #tpu.memory_space<vmem>>) semaphore(%arg18 : memref<!tpu.dma_semaphore, #tpu.memory_space<semaphore_mem>>) {add = true}
      %dma_wait3A_292 = arith.constant 9 : i32
      %dma_wait3A_293 = arith.constant 0 : i32
      %dma_wait3A_294 = tpu.memref_slice %arg8[%dma_wait3A_292, %dma_wait3A_293] : memref<16x64xi32, #tpu.memory_space<vmem>> -> memref<1x64xi32, #tpu.memory_space<vmem>>
      %dma_wait3A_295 = tpu.memref_squeeze %dma_wait3A_294 : memref<1x64xi32, #tpu.memory_space<vmem>> -> memref<64xi32, #tpu.memory_space<vmem>>
      %dma_wait3A_296 = arith.constant 0 : i32
      %dma_wait3A_297 = arith.constant 0 : i32
      %dma_wait3A_298 = tpu.memref_slice %arg2[%dma_wait3A_296, %dma_wait3A_297] : memref<10000x128xf32, #tpu.memory_space<hbm>> -> memref<10000x128xf32, #tpu.memory_space<hbm>>
      tpu.wait_indirect_dma semaphore(%arg15 : memref<!tpu.dma_semaphore, #tpu.memory_space<semaphore_mem>>) src(%dma_wait3A_298 : memref<10000x128xf32, #tpu.memory_space<hbm>>) dst(%arg11 : memref<64x128xf32, #tpu.memory_space<vmem>>)
      %dma_wait3A_299 = arith.constant 8 : i32
      %dma_wait3A_300 = arith.constant 0 : i32
      %dma_wait3A_301 = tpu.memref_slice %arg9[%dma_wait3A_299, %dma_wait3A_300] : memref<16x64xi32, #tpu.memory_space<vmem>> -> memref<1x64xi32, #tpu.memory_space<vmem>>
      %dma_wait3A_302 = tpu.memref_squeeze %dma_wait3A_301 : memref<1x64xi32, #tpu.memory_space<vmem>> -> memref<64xi32, #tpu.memory_space<vmem>>
      %dma_wait3A_303 = arith.constant 0 : i32
      %dma_wait3A_304 = arith.constant 0 : i32
      %dma_wait3A_305 = tpu.memref_slice %arg7[%dma_wait3A_303, %dma_wait3A_304] : memref<10112x128xf32, #tpu.memory_space<vmem_shared>> -> memref<10112x128xf32, #tpu.memory_space<vmem_shared>>
      tpu.wait_indirect_dma semaphore(%arg18 : memref<!tpu.dma_semaphore, #tpu.memory_space<semaphore_mem>>) src(%arg10 : memref<64x128xf32, #tpu.memory_space<vmem>>) dst(%dma_wait3A_305 : memref<10112x128xf32, #tpu.memory_space<vmem_shared>>)
      %dma_start3A_306 = arith.constant 12 : i32
      %dma_start3A_307 = arith.constant 0 : i32
      %dma_start3A_308 = tpu.memref_slice %arg8[%dma_start3A_306, %dma_start3A_307] : memref<16x64xi32, #tpu.memory_space<vmem>> -> memref<1x64xi32, #tpu.memory_space<vmem>>
      %dma_start3A_309 = tpu.memref_squeeze %dma_start3A_308 : memref<1x64xi32, #tpu.memory_space<vmem>> -> memref<64xi32, #tpu.memory_space<vmem>>
      %dma_start3A_310 = arith.constant 0 : i32
      %dma_start3A_311 = arith.constant 0 : i32
      %dma_start3A_312 = tpu.memref_slice %arg2[%dma_start3A_310, %dma_start3A_311] : memref<10000x128xf32, #tpu.memory_space<hbm>> -> memref<10000x128xf32, #tpu.memory_space<hbm>>
      tpu.enqueue_indirect_dma source(%dma_start3A_312 : memref<10000x128xf32, #tpu.memory_space<hbm>>) target(%arg10 : memref<64x128xf32, #tpu.memory_space<vmem>>) offsets(%dma_start3A_309 : memref<64xi32, #tpu.memory_space<vmem>>) semaphore(%arg14 : memref<!tpu.dma_semaphore, #tpu.memory_space<semaphore_mem>>)
      %dma_start3A_313 = arith.constant 9 : i32
      %dma_start3A_314 = arith.constant 0 : i32
      %dma_start3A_315 = tpu.memref_slice %arg9[%dma_start3A_313, %dma_start3A_314] : memref<16x64xi32, #tpu.memory_space<vmem>> -> memref<1x64xi32, #tpu.memory_space<vmem>>
      %dma_start3A_316 = tpu.memref_squeeze %dma_start3A_315 : memref<1x64xi32, #tpu.memory_space<vmem>> -> memref<64xi32, #tpu.memory_space<vmem>>
      %dma_start3A_317 = arith.constant 0 : i32
      %dma_start3A_318 = arith.constant 0 : i32
      %dma_start3A_319 = tpu.memref_slice %arg7[%dma_start3A_317, %dma_start3A_318] : memref<10112x128xf32, #tpu.memory_space<vmem_shared>> -> memref<10112x128xf32, #tpu.memory_space<vmem_shared>>
      tpu.enqueue_indirect_dma source(%arg11 : memref<64x128xf32, #tpu.memory_space<vmem>>) target(%dma_start3A_319 : memref<10112x128xf32, #tpu.memory_space<vmem_shared>>) offsets(%dma_start3A_316 : memref<64xi32, #tpu.memory_space<vmem>>) semaphore(%arg19 : memref<!tpu.dma_semaphore, #tpu.memory_space<semaphore_mem>>) {add = true}
      %dma_wait3A_320 = arith.constant 10 : i32
      %dma_wait3A_321 = arith.constant 0 : i32
      %dma_wait3A_322 = tpu.memref_slice %arg8[%dma_wait3A_320, %dma_wait3A_321] : memref<16x64xi32, #tpu.memory_space<vmem>> -> memref<1x64xi32, #tpu.memory_space<vmem>>
      %dma_wait3A_323 = tpu.memref_squeeze %dma_wait3A_322 : memref<1x64xi32, #tpu.memory_space<vmem>> -> memref<64xi32, #tpu.memory_space<vmem>>
      %dma_wait3A_324 = arith.constant 0 : i32
      %dma_wait3A_325 = arith.constant 0 : i32
      %dma_wait3A_326 = tpu.memref_slice %arg2[%dma_wait3A_324, %dma_wait3A_325] : memref<10000x128xf32, #tpu.memory_space<hbm>> -> memref<10000x128xf32, #tpu.memory_space<hbm>>
      tpu.wait_indirect_dma semaphore(%arg16 : memref<!tpu.dma_semaphore, #tpu.memory_space<semaphore_mem>>) src(%dma_wait3A_326 : memref<10000x128xf32, #tpu.memory_space<hbm>>) dst(%arg12 : memref<64x128xf32, #tpu.memory_space<vmem>>)
      %dma_wait3A_327 = arith.constant 9 : i32
      %dma_wait3A_328 = arith.constant 0 : i32
      %dma_wait3A_329 = tpu.memref_slice %arg9[%dma_wait3A_327, %dma_wait3A_328] : memref<16x64xi32, #tpu.memory_space<vmem>> -> memref<1x64xi32, #tpu.memory_space<vmem>>
      %dma_wait3A_330 = tpu.memref_squeeze %dma_wait3A_329 : memref<1x64xi32, #tpu.memory_space<vmem>> -> memref<64xi32, #tpu.memory_space<vmem>>
      %dma_wait3A_331 = arith.constant 0 : i32
      %dma_wait3A_332 = arith.constant 0 : i32
      %dma_wait3A_333 = tpu.memref_slice %arg7[%dma_wait3A_331, %dma_wait3A_332] : memref<10112x128xf32, #tpu.memory_space<vmem_shared>> -> memref<10112x128xf32, #tpu.memory_space<vmem_shared>>
      tpu.wait_indirect_dma semaphore(%arg19 : memref<!tpu.dma_semaphore, #tpu.memory_space<semaphore_mem>>) src(%arg11 : memref<64x128xf32, #tpu.memory_space<vmem>>) dst(%dma_wait3A_333 : memref<10112x128xf32, #tpu.memory_space<vmem_shared>>)
      %dma_start3A_334 = arith.constant 13 : i32
      %dma_start3A_335 = arith.constant 0 : i32
      %dma_start3A_336 = tpu.memref_slice %arg8[%dma_start3A_334, %dma_start3A_335] : memref<16x64xi32, #tpu.memory_space<vmem>> -> memref<1x64xi32, #tpu.memory_space<vmem>>
      %dma_start3A_337 = tpu.memref_squeeze %dma_start3A_336 : memref<1x64xi32, #tpu.memory_space<vmem>> -> memref<64xi32, #tpu.memory_space<vmem>>
      %dma_start3A_338 = arith.constant 0 : i32
      %dma_start3A_339 = arith.constant 0 : i32
      %dma_start3A_340 = tpu.memref_slice %arg2[%dma_start3A_338, %dma_start3A_339] : memref<10000x128xf32, #tpu.memory_space<hbm>> -> memref<10000x128xf32, #tpu.memory_space<hbm>>
      tpu.enqueue_indirect_dma source(%dma_start3A_340 : memref<10000x128xf32, #tpu.memory_space<hbm>>) target(%arg11 : memref<64x128xf32, #tpu.memory_space<vmem>>) offsets(%dma_start3A_337 : memref<64xi32, #tpu.memory_space<vmem>>) semaphore(%arg15 : memref<!tpu.dma_semaphore, #tpu.memory_space<semaphore_mem>>)
      %dma_start3A_341 = arith.constant 10 : i32
      %dma_start3A_342 = arith.constant 0 : i32
      %dma_start3A_343 = tpu.memref_slice %arg9[%dma_start3A_341, %dma_start3A_342] : memref<16x64xi32, #tpu.memory_space<vmem>> -> memref<1x64xi32, #tpu.memory_space<vmem>>
      %dma_start3A_344 = tpu.memref_squeeze %dma_start3A_343 : memref<1x64xi32, #tpu.memory_space<vmem>> -> memref<64xi32, #tpu.memory_space<vmem>>
      %dma_start3A_345 = arith.constant 0 : i32
      %dma_start3A_346 = arith.constant 0 : i32
      %dma_start3A_347 = tpu.memref_slice %arg7[%dma_start3A_345, %dma_start3A_346] : memref<10112x128xf32, #tpu.memory_space<vmem_shared>> -> memref<10112x128xf32, #tpu.memory_space<vmem_shared>>
      tpu.enqueue_indirect_dma source(%arg12 : memref<64x128xf32, #tpu.memory_space<vmem>>) target(%dma_start3A_347 : memref<10112x128xf32, #tpu.memory_space<vmem_shared>>) offsets(%dma_start3A_344 : memref<64xi32, #tpu.memory_space<vmem>>) semaphore(%arg20 : memref<!tpu.dma_semaphore, #tpu.memory_space<semaphore_mem>>) {add = true}
      %dma_wait3A_348 = arith.constant 11 : i32
      %dma_wait3A_349 = arith.constant 0 : i32
      %dma_wait3A_350 = tpu.memref_slice %arg8[%dma_wait3A_348, %dma_wait3A_349] : memref<16x64xi32, #tpu.memory_space<vmem>> -> memref<1x64xi32, #tpu.memory_space<vmem>>
      %dma_wait3A_351 = tpu.memref_squeeze %dma_wait3A_350 : memref<1x64xi32, #tpu.memory_space<vmem>> -> memref<64xi32, #tpu.memory_space<vmem>>
      %dma_wait3A_352 = arith.constant 0 : i32
      %dma_wait3A_353 = arith.constant 0 : i32
      %dma_wait3A_354 = tpu.memref_slice %arg2[%dma_wait3A_352, %dma_wait3A_353] : memref<10000x128xf32, #tpu.memory_space<hbm>> -> memref<10000x128xf32, #tpu.memory_space<hbm>>
      tpu.wait_indirect_dma semaphore(%arg17 : memref<!tpu.dma_semaphore, #tpu.memory_space<semaphore_mem>>) src(%dma_wait3A_354 : memref<10000x128xf32, #tpu.memory_space<hbm>>) dst(%arg13 : memref<64x128xf32, #tpu.memory_space<vmem>>)
      %dma_wait3A_355 = arith.constant 10 : i32
      %dma_wait3A_356 = arith.constant 0 : i32
      %dma_wait3A_357 = tpu.memref_slice %arg9[%dma_wait3A_355, %dma_wait3A_356] : memref<16x64xi32, #tpu.memory_space<vmem>> -> memref<1x64xi32, #tpu.memory_space<vmem>>
      %dma_wait3A_358 = tpu.memref_squeeze %dma_wait3A_357 : memref<1x64xi32, #tpu.memory_space<vmem>> -> memref<64xi32, #tpu.memory_space<vmem>>
      %dma_wait3A_359 = arith.constant 0 : i32
      %dma_wait3A_360 = arith.constant 0 : i32
      %dma_wait3A_361 = tpu.memref_slice %arg7[%dma_wait3A_359, %dma_wait3A_360] : memref<10112x128xf32, #tpu.memory_space<vmem_shared>> -> memref<10112x128xf32, #tpu.memory_space<vmem_shared>>
      tpu.wait_indirect_dma semaphore(%arg20 : memref<!tpu.dma_semaphore, #tpu.memory_space<semaphore_mem>>) src(%arg12 : memref<64x128xf32, #tpu.memory_space<vmem>>) dst(%dma_wait3A_361 : memref<10112x128xf32, #tpu.memory_space<vmem_shared>>)
      %dma_start3A_362 = arith.constant 14 : i32
      %dma_start3A_363 = arith.constant 0 : i32
      %dma_start3A_364 = tpu.memref_slice %arg8[%dma_start3A_362, %dma_start3A_363] : memref<16x64xi32, #tpu.memory_space<vmem>> -> memref<1x64xi32, #tpu.memory_space<vmem>>
      %dma_start3A_365 = tpu.memref_squeeze %dma_start3A_364 : memref<1x64xi32, #tpu.memory_space<vmem>> -> memref<64xi32, #tpu.memory_space<vmem>>
      %dma_start3A_366 = arith.constant 0 : i32
      %dma_start3A_367 = arith.constant 0 : i32
      %dma_start3A_368 = tpu.memref_slice %arg2[%dma_start3A_366, %dma_start3A_367] : memref<10000x128xf32, #tpu.memory_space<hbm>> -> memref<10000x128xf32, #tpu.memory_space<hbm>>
      tpu.enqueue_indirect_dma source(%dma_start3A_368 : memref<10000x128xf32, #tpu.memory_space<hbm>>) target(%arg12 : memref<64x128xf32, #tpu.memory_space<vmem>>) offsets(%dma_start3A_365 : memref<64xi32, #tpu.memory_space<vmem>>) semaphore(%arg16 : memref<!tpu.dma_semaphore, #tpu.memory_space<semaphore_mem>>)
      %dma_start3A_369 = arith.constant 11 : i32
      %dma_start3A_370 = arith.constant 0 : i32
      %dma_start3A_371 = tpu.memref_slice %arg9[%dma_start3A_369, %dma_start3A_370] : memref<16x64xi32, #tpu.memory_space<vmem>> -> memref<1x64xi32, #tpu.memory_space<vmem>>
      %dma_start3A_372 = tpu.memref_squeeze %dma_start3A_371 : memref<1x64xi32, #tpu.memory_space<vmem>> -> memref<64xi32, #tpu.memory_space<vmem>>
      %dma_start3A_373 = arith.constant 0 : i32
      %dma_start3A_374 = arith.constant 0 : i32
      %dma_start3A_375 = tpu.memref_slice %arg7[%dma_start3A_373, %dma_start3A_374] : memref<10112x128xf32, #tpu.memory_space<vmem_shared>> -> memref<10112x128xf32, #tpu.memory_space<vmem_shared>>
      tpu.enqueue_indirect_dma source(%arg13 : memref<64x128xf32, #tpu.memory_space<vmem>>) target(%dma_start3A_375 : memref<10112x128xf32, #tpu.memory_space<vmem_shared>>) offsets(%dma_start3A_372 : memref<64xi32, #tpu.memory_space<vmem>>) semaphore(%arg21 : memref<!tpu.dma_semaphore, #tpu.memory_space<semaphore_mem>>) {add = true}
      %dma_wait3A_376 = arith.constant 12 : i32
      %dma_wait3A_377 = arith.constant 0 : i32
      %dma_wait3A_378 = tpu.memref_slice %arg8[%dma_wait3A_376, %dma_wait3A_377] : memref<16x64xi32, #tpu.memory_space<vmem>> -> memref<1x64xi32, #tpu.memory_space<vmem>>
      %dma_wait3A_379 = tpu.memref_squeeze %dma_wait3A_378 : memref<1x64xi32, #tpu.memory_space<vmem>> -> memref<64xi32, #tpu.memory_space<vmem>>
      %dma_wait3A_380 = arith.constant 0 : i32
      %dma_wait3A_381 = arith.constant 0 : i32
      %dma_wait3A_382 = tpu.memref_slice %arg2[%dma_wait3A_380, %dma_wait3A_381] : memref<10000x128xf32, #tpu.memory_space<hbm>> -> memref<10000x128xf32, #tpu.memory_space<hbm>>
      tpu.wait_indirect_dma semaphore(%arg14 : memref<!tpu.dma_semaphore, #tpu.memory_space<semaphore_mem>>) src(%dma_wait3A_382 : memref<10000x128xf32, #tpu.memory_space<hbm>>) dst(%arg10 : memref<64x128xf32, #tpu.memory_space<vmem>>)
      %dma_wait3A_383 = arith.constant 11 : i32
      %dma_wait3A_384 = arith.constant 0 : i32
      %dma_wait3A_385 = tpu.memref_slice %arg9[%dma_wait3A_383, %dma_wait3A_384] : memref<16x64xi32, #tpu.memory_space<vmem>> -> memref<1x64xi32, #tpu.memory_space<vmem>>
      %dma_wait3A_386 = tpu.memref_squeeze %dma_wait3A_385 : memref<1x64xi32, #tpu.memory_space<vmem>> -> memref<64xi32, #tpu.memory_space<vmem>>
      %dma_wait3A_387 = arith.constant 0 : i32
      %dma_wait3A_388 = arith.constant 0 : i32
      %dma_wait3A_389 = tpu.memref_slice %arg7[%dma_wait3A_387, %dma_wait3A_388] : memref<10112x128xf32, #tpu.memory_space<vmem_shared>> -> memref<10112x128xf32, #tpu.memory_space<vmem_shared>>
      tpu.wait_indirect_dma semaphore(%arg21 : memref<!tpu.dma_semaphore, #tpu.memory_space<semaphore_mem>>) src(%arg13 : memref<64x128xf32, #tpu.memory_space<vmem>>) dst(%dma_wait3A_389 : memref<10112x128xf32, #tpu.memory_space<vmem_shared>>)
      %dma_start3A_390 = arith.constant 15 : i32
      %dma_start3A_391 = arith.constant 0 : i32
      %dma_start3A_392 = tpu.memref_slice %arg8[%dma_start3A_390, %dma_start3A_391] : memref<16x64xi32, #tpu.memory_space<vmem>> -> memref<1x64xi32, #tpu.memory_space<vmem>>
      %dma_start3A_393 = tpu.memref_squeeze %dma_start3A_392 : memref<1x64xi32, #tpu.memory_space<vmem>> -> memref<64xi32, #tpu.memory_space<vmem>>
      %dma_start3A_394 = arith.constant 0 : i32
      %dma_start3A_395 = arith.constant 0 : i32
      %dma_start3A_396 = tpu.memref_slice %arg2[%dma_start3A_394, %dma_start3A_395] : memref<10000x128xf32, #tpu.memory_space<hbm>> -> memref<10000x128xf32, #tpu.memory_space<hbm>>
      tpu.enqueue_indirect_dma source(%dma_start3A_396 : memref<10000x128xf32, #tpu.memory_space<hbm>>) target(%arg13 : memref<64x128xf32, #tpu.memory_space<vmem>>) offsets(%dma_start3A_393 : memref<64xi32, #tpu.memory_space<vmem>>) semaphore(%arg17 : memref<!tpu.dma_semaphore, #tpu.memory_space<semaphore_mem>>)
      %dma_start3A_397 = arith.constant 12 : i32
      %dma_start3A_398 = arith.constant 0 : i32
      %dma_start3A_399 = tpu.memref_slice %arg9[%dma_start3A_397, %dma_start3A_398] : memref<16x64xi32, #tpu.memory_space<vmem>> -> memref<1x64xi32, #tpu.memory_space<vmem>>
      %dma_start3A_400 = tpu.memref_squeeze %dma_start3A_399 : memref<1x64xi32, #tpu.memory_space<vmem>> -> memref<64xi32, #tpu.memory_space<vmem>>
      %dma_start3A_401 = arith.constant 0 : i32
      %dma_start3A_402 = arith.constant 0 : i32
      %dma_start3A_403 = tpu.memref_slice %arg7[%dma_start3A_401, %dma_start3A_402] : memref<10112x128xf32, #tpu.memory_space<vmem_shared>> -> memref<10112x128xf32, #tpu.memory_space<vmem_shared>>
      tpu.enqueue_indirect_dma source(%arg10 : memref<64x128xf32, #tpu.memory_space<vmem>>) target(%dma_start3A_403 : memref<10112x128xf32, #tpu.memory_space<vmem_shared>>) offsets(%dma_start3A_400 : memref<64xi32, #tpu.memory_space<vmem>>) semaphore(%arg18 : memref<!tpu.dma_semaphore, #tpu.memory_space<semaphore_mem>>) {add = true}
      %dma_wait3A_404 = arith.constant 13 : i32
      %dma_wait3A_405 = arith.constant 0 : i32
      %dma_wait3A_406 = tpu.memref_slice %arg8[%dma_wait3A_404, %dma_wait3A_405] : memref<16x64xi32, #tpu.memory_space<vmem>> -> memref<1x64xi32, #tpu.memory_space<vmem>>
      %dma_wait3A_407 = tpu.memref_squeeze %dma_wait3A_406 : memref<1x64xi32, #tpu.memory_space<vmem>> -> memref<64xi32, #tpu.memory_space<vmem>>
      %dma_wait3A_408 = arith.constant 0 : i32
      %dma_wait3A_409 = arith.constant 0 : i32
      %dma_wait3A_410 = tpu.memref_slice %arg2[%dma_wait3A_408, %dma_wait3A_409] : memref<10000x128xf32, #tpu.memory_space<hbm>> -> memref<10000x128xf32, #tpu.memory_space<hbm>>
      tpu.wait_indirect_dma semaphore(%arg15 : memref<!tpu.dma_semaphore, #tpu.memory_space<semaphore_mem>>) src(%dma_wait3A_410 : memref<10000x128xf32, #tpu.memory_space<hbm>>) dst(%arg11 : memref<64x128xf32, #tpu.memory_space<vmem>>)
      %dma_start3A_411 = arith.constant 13 : i32
      %dma_start3A_412 = arith.constant 0 : i32
      %dma_start3A_413 = tpu.memref_slice %arg9[%dma_start3A_411, %dma_start3A_412] : memref<16x64xi32, #tpu.memory_space<vmem>> -> memref<1x64xi32, #tpu.memory_space<vmem>>
      %dma_start3A_414 = tpu.memref_squeeze %dma_start3A_413 : memref<1x64xi32, #tpu.memory_space<vmem>> -> memref<64xi32, #tpu.memory_space<vmem>>
      %dma_start3A_415 = arith.constant 0 : i32
      %dma_start3A_416 = arith.constant 0 : i32
      %dma_start3A_417 = tpu.memref_slice %arg7[%dma_start3A_415, %dma_start3A_416] : memref<10112x128xf32, #tpu.memory_space<vmem_shared>> -> memref<10112x128xf32, #tpu.memory_space<vmem_shared>>
      tpu.enqueue_indirect_dma source(%arg11 : memref<64x128xf32, #tpu.memory_space<vmem>>) target(%dma_start3A_417 : memref<10112x128xf32, #tpu.memory_space<vmem_shared>>) offsets(%dma_start3A_414 : memref<64xi32, #tpu.memory_space<vmem>>) semaphore(%arg19 : memref<!tpu.dma_semaphore, #tpu.memory_space<semaphore_mem>>) {add = true}
      %dma_wait3A_418 = arith.constant 14 : i32
      %dma_wait3A_419 = arith.constant 0 : i32
      %dma_wait3A_420 = tpu.memref_slice %arg8[%dma_wait3A_418, %dma_wait3A_419] : memref<16x64xi32, #tpu.memory_space<vmem>> -> memref<1x64xi32, #tpu.memory_space<vmem>>
      %dma_wait3A_421 = tpu.memref_squeeze %dma_wait3A_420 : memref<1x64xi32, #tpu.memory_space<vmem>> -> memref<64xi32, #tpu.memory_space<vmem>>
      %dma_wait3A_422 = arith.constant 0 : i32
      %dma_wait3A_423 = arith.constant 0 : i32
      %dma_wait3A_424 = tpu.memref_slice %arg2[%dma_wait3A_422, %dma_wait3A_423] : memref<10000x128xf32, #tpu.memory_space<hbm>> -> memref<10000x128xf32, #tpu.memory_space<hbm>>
      tpu.wait_indirect_dma semaphore(%arg16 : memref<!tpu.dma_semaphore, #tpu.memory_space<semaphore_mem>>) src(%dma_wait3A_424 : memref<10000x128xf32, #tpu.memory_space<hbm>>) dst(%arg12 : memref<64x128xf32, #tpu.memory_space<vmem>>)
      %dma_start3A_425 = arith.constant 14 : i32
      %dma_start3A_426 = arith.constant 0 : i32
      %dma_start3A_427 = tpu.memref_slice %arg9[%dma_start3A_425, %dma_start3A_426] : memref<16x64xi32, #tpu.memory_space<vmem>> -> memref<1x64xi32, #tpu.memory_space<vmem>>
      %dma_start3A_428 = tpu.memref_squeeze %dma_start3A_427 : memref<1x64xi32, #tpu.memory_space<vmem>> -> memref<64xi32, #tpu.memory_space<vmem>>
      %dma_start3A_429 = arith.constant 0 : i32
      %dma_start3A_430 = arith.constant 0 : i32
      %dma_start3A_431 = tpu.memref_slice %arg7[%dma_start3A_429, %dma_start3A_430] : memref<10112x128xf32, #tpu.memory_space<vmem_shared>> -> memref<10112x128xf32, #tpu.memory_space<vmem_shared>>
      tpu.enqueue_indirect_dma source(%arg12 : memref<64x128xf32, #tpu.memory_space<vmem>>) target(%dma_start3A_431 : memref<10112x128xf32, #tpu.memory_space<vmem_shared>>) offsets(%dma_start3A_428 : memref<64xi32, #tpu.memory_space<vmem>>) semaphore(%arg20 : memref<!tpu.dma_semaphore, #tpu.memory_space<semaphore_mem>>) {add = true}
      %dma_wait3A_432 = arith.constant 15 : i32
      %dma_wait3A_433 = arith.constant 0 : i32
      %dma_wait3A_434 = tpu.memref_slice %arg8[%dma_wait3A_432, %dma_wait3A_433] : memref<16x64xi32, #tpu.memory_space<vmem>> -> memref<1x64xi32, #tpu.memory_space<vmem>>
      %dma_wait3A_435 = tpu.memref_squeeze %dma_wait3A_434 : memref<1x64xi32, #tpu.memory_space<vmem>> -> memref<64xi32, #tpu.memory_space<vmem>>
      %dma_wait3A_436 = arith.constant 0 : i32
      %dma_wait3A_437 = arith.constant 0 : i32
      %dma_wait3A_438 = tpu.memref_slice %arg2[%dma_wait3A_436, %dma_wait3A_437] : memref<10000x128xf32, #tpu.memory_space<hbm>> -> memref<10000x128xf32, #tpu.memory_space<hbm>>
      tpu.wait_indirect_dma semaphore(%arg17 : memref<!tpu.dma_semaphore, #tpu.memory_space<semaphore_mem>>) src(%dma_wait3A_438 : memref<10000x128xf32, #tpu.memory_space<hbm>>) dst(%arg13 : memref<64x128xf32, #tpu.memory_space<vmem>>)
      %dma_start3A_439 = arith.constant 15 : i32
      %dma_start3A_440 = arith.constant 0 : i32
      %dma_start3A_441 = tpu.memref_slice %arg9[%dma_start3A_439, %dma_start3A_440] : memref<16x64xi32, #tpu.memory_space<vmem>> -> memref<1x64xi32, #tpu.memory_space<vmem>>
      %dma_start3A_442 = tpu.memref_squeeze %dma_start3A_441 : memref<1x64xi32, #tpu.memory_space<vmem>> -> memref<64xi32, #tpu.memory_space<vmem>>
      %dma_start3A_443 = arith.constant 0 : i32
      %dma_start3A_444 = arith.constant 0 : i32
      %dma_start3A_445 = tpu.memref_slice %arg7[%dma_start3A_443, %dma_start3A_444] : memref<10112x128xf32, #tpu.memory_space<vmem_shared>> -> memref<10112x128xf32, #tpu.memory_space<vmem_shared>>
      tpu.enqueue_indirect_dma source(%arg13 : memref<64x128xf32, #tpu.memory_space<vmem>>) target(%dma_start3A_445 : memref<10112x128xf32, #tpu.memory_space<vmem_shared>>) offsets(%dma_start3A_442 : memref<64xi32, #tpu.memory_space<vmem>>) semaphore(%arg21 : memref<!tpu.dma_semaphore, #tpu.memory_space<semaphore_mem>>) {add = true}
      %dma_wait3A_446 = arith.constant 12 : i32
      %dma_wait3A_447 = arith.constant 0 : i32
      %dma_wait3A_448 = tpu.memref_slice %arg9[%dma_wait3A_446, %dma_wait3A_447] : memref<16x64xi32, #tpu.memory_space<vmem>> -> memref<1x64xi32, #tpu.memory_space<vmem>>
      %dma_wait3A_449 = tpu.memref_squeeze %dma_wait3A_448 : memref<1x64xi32, #tpu.memory_space<vmem>> -> memref<64xi32, #tpu.memory_space<vmem>>
      %dma_wait3A_450 = arith.constant 0 : i32
      %dma_wait3A_451 = arith.constant 0 : i32
      %dma_wait3A_452 = tpu.memref_slice %arg7[%dma_wait3A_450, %dma_wait3A_451] : memref<10112x128xf32, #tpu.memory_space<vmem_shared>> -> memref<10112x128xf32, #tpu.memory_space<vmem_shared>>
      tpu.wait_indirect_dma semaphore(%arg18 : memref<!tpu.dma_semaphore, #tpu.memory_space<semaphore_mem>>) src(%arg10 : memref<64x128xf32, #tpu.memory_space<vmem>>) dst(%dma_wait3A_452 : memref<10112x128xf32, #tpu.memory_space<vmem_shared>>)
      %dma_wait3A_453 = arith.constant 13 : i32
      %dma_wait3A_454 = arith.constant 0 : i32
      %dma_wait3A_455 = tpu.memref_slice %arg9[%dma_wait3A_453, %dma_wait3A_454] : memref<16x64xi32, #tpu.memory_space<vmem>> -> memref<1x64xi32, #tpu.memory_space<vmem>>
      %dma_wait3A_456 = tpu.memref_squeeze %dma_wait3A_455 : memref<1x64xi32, #tpu.memory_space<vmem>> -> memref<64xi32, #tpu.memory_space<vmem>>
      %dma_wait3A_457 = arith.constant 0 : i32
      %dma_wait3A_458 = arith.constant 0 : i32
      %dma_wait3A_459 = tpu.memref_slice %arg7[%dma_wait3A_457, %dma_wait3A_458] : memref<10112x128xf32, #tpu.memory_space<vmem_shared>> -> memref<10112x128xf32, #tpu.memory_space<vmem_shared>>
      tpu.wait_indirect_dma semaphore(%arg19 : memref<!tpu.dma_semaphore, #tpu.memory_space<semaphore_mem>>) src(%arg11 : memref<64x128xf32, #tpu.memory_space<vmem>>) dst(%dma_wait3A_459 : memref<10112x128xf32, #tpu.memory_space<vmem_shared>>)
      %dma_wait3A_460 = arith.constant 14 : i32
      %dma_wait3A_461 = arith.constant 0 : i32
      %dma_wait3A_462 = tpu.memref_slice %arg9[%dma_wait3A_460, %dma_wait3A_461] : memref<16x64xi32, #tpu.memory_space<vmem>> -> memref<1x64xi32, #tpu.memory_space<vmem>>
      %dma_wait3A_463 = tpu.memref_squeeze %dma_wait3A_462 : memref<1x64xi32, #tpu.memory_space<vmem>> -> memref<64xi32, #tpu.memory_space<vmem>>
      %dma_wait3A_464 = arith.constant 0 : i32
      %dma_wait3A_465 = arith.constant 0 : i32
      %dma_wait3A_466 = tpu.memref_slice %arg7[%dma_wait3A_464, %dma_wait3A_465] : memref<10112x128xf32, #tpu.memory_space<vmem_shared>> -> memref<10112x128xf32, #tpu.memory_space<vmem_shared>>
      tpu.wait_indirect_dma semaphore(%arg20 : memref<!tpu.dma_semaphore, #tpu.memory_space<semaphore_mem>>) src(%arg12 : memref<64x128xf32, #tpu.memory_space<vmem>>) dst(%dma_wait3A_466 : memref<10112x128xf32, #tpu.memory_space<vmem_shared>>)
      %dma_wait3A_467 = arith.constant 15 : i32
      %dma_wait3A_468 = arith.constant 0 : i32
      %dma_wait3A_469 = tpu.memref_slice %arg9[%dma_wait3A_467, %dma_wait3A_468] : memref<16x64xi32, #tpu.memory_space<vmem>> -> memref<1x64xi32, #tpu.memory_space<vmem>>
      %dma_wait3A_470 = tpu.memref_squeeze %dma_wait3A_469 : memref<1x64xi32, #tpu.memory_space<vmem>> -> memref<64xi32, #tpu.memory_space<vmem>>
      %dma_wait3A_471 = arith.constant 0 : i32
      %dma_wait3A_472 = arith.constant 0 : i32
      %dma_wait3A_473 = tpu.memref_slice %arg7[%dma_wait3A_471, %dma_wait3A_472] : memref<10112x128xf32, #tpu.memory_space<vmem_shared>> -> memref<10112x128xf32, #tpu.memory_space<vmem_shared>>
      tpu.wait_indirect_dma semaphore(%arg21 : memref<!tpu.dma_semaphore, #tpu.memory_space<semaphore_mem>>) src(%arg13 : memref<64x128xf32, #tpu.memory_space<vmem>>) dst(%dma_wait3A_473 : memref<10112x128xf32, #tpu.memory_space<vmem_shared>>)
    }
    %barrier3A_20 = arith.constant 0 : index
    tpu.barrier barrier_id(%barrier3A_20)
    "tpu.region"() ({
      %run_scoped3A = tpu.sem_alloc : memref<!tpu.dma_semaphore, #tpu.memory_space<semaphore_mem>>
      %dma_start3A = arith.constant 0 : i32
      %dma_start3A_21 = tpu.memref_slice %arg6[%arg0, %mul3A_0, %dma_start3A] : memref<2x10112x128xf32, #tpu.memory_space<hbm>> -> memref<1x632x128xf32, #tpu.memory_space<hbm>>
      %dma_start3A_22 = tpu.memref_squeeze %dma_start3A_21 : memref<1x632x128xf32, #tpu.memory_space<hbm>> -> memref<632x128xf32, #tpu.memory_space<hbm>>
      %dma_start3A_23 = arith.constant 0 : i32
      %dma_start3A_24 = tpu.memref_slice %arg7[%mul3A_0, %dma_start3A_23] : memref<10112x128xf32, #tpu.memory_space<vmem_shared>> -> memref<632x128xf32, #tpu.memory_space<vmem_shared>>
      tpu.enqueue_dma source(%dma_start3A_24 : memref<632x128xf32, #tpu.memory_space<vmem_shared>>) target(%dma_start3A_22 : memref<632x128xf32, #tpu.memory_space<hbm>>) target_semaphore(%run_scoped3A : memref<!tpu.dma_semaphore, #tpu.memory_space<semaphore_mem>>)
      %dma_wait3A = arith.constant 0 : i32
      %dma_wait3A_25 = tpu.memref_slice %arg6[%arg0, %mul3A_0, %dma_wait3A] : memref<2x10112x128xf32, #tpu.memory_space<hbm>> -> memref<1x632x128xf32, #tpu.memory_space<hbm>>
      %dma_wait3A_26 = tpu.memref_squeeze %dma_wait3A_25 : memref<1x632x128xf32, #tpu.memory_space<hbm>> -> memref<632x128xf32, #tpu.memory_space<hbm>>
      %dma_wait3A_27 = arith.constant 0 : i32
      %dma_wait3A_28 = tpu.memref_slice %arg7[%mul3A_0, %dma_wait3A_27] : memref<10112x128xf32, #tpu.memory_space<vmem_shared>> -> memref<632x128xf32, #tpu.memory_space<vmem_shared>>
      tpu.wait_dma2 semaphore(%run_scoped3A : memref<!tpu.dma_semaphore, #tpu.memory_space<semaphore_mem>>) src(%dma_wait3A_28 : memref<632x128xf32, #tpu.memory_space<vmem_shared>>) dst(%dma_wait3A_26 : memref<632x128xf32, #tpu.memory_space<hbm>>)
      tpu.yield
    }) : () -> ()
    return
  }
}

#map = affine_map<(d0, d1) -> (0, 0)>
#map1 = affine_map<(d0, d1) -> (0, 0, 0)>
module attributes {stable_mosaic.version = 14 : i64} {
  func.func @_feat_body(%arg0: i32, %arg1: i32, %arg2: memref<10000x128xf32, #tpu.memory_space<hbm>>, %arg3: memref<5120x64xi32, #tpu.memory_space<hbm>>, %arg4: memref<5120x64xi32, #tpu.memory_space<hbm>>, %arg5: memref<632x128xf32, #tpu.memory_space<hbm>>, %arg6: memref<2x10112x128xf32, #tpu.memory_space<hbm>>, %arg7: memref<10112x128xf32, #tpu.memory_space<vmem_shared>>, %arg8: memref<16x64xi32, #tpu.memory_space<vmem>>, %arg9: memref<16x64xi32, #tpu.memory_space<vmem>>, %arg10: memref<64x128xf32, #tpu.memory_space<vmem>>, %arg11: memref<64x128xf32, #tpu.memory_space<vmem>>, %arg12: memref<64x128xf32, #tpu.memory_space<vmem>>, %arg13: memref<64x128xf32, #tpu.memory_space<vmem>>, %arg14: memref<!tpu.dma_semaphore, #tpu.memory_space<semaphore_mem>>, %arg15: memref<!tpu.dma_semaphore, #tpu.memory_space<semaphore_mem>>, %arg16: memref<!tpu.dma_semaphore, #tpu.memory_space<semaphore_mem>>, %arg17: memref<!tpu.dma_semaphore, #tpu.memory_space<semaphore_mem>>, %arg18: memref<!tpu.dma_semaphore, #tpu.memory_space<semaphore_mem>>, %arg19: memref<!tpu.dma_semaphore, #tpu.memory_space<semaphore_mem>>, %arg20: memref<!tpu.dma_semaphore, #tpu.memory_space<semaphore_mem>>, %arg21: memref<!tpu.dma_semaphore, #tpu.memory_space<semaphore_mem>>) attributes {dimension_semantics = [#tpu.dimension_semantics<core_parallel>, #tpu.dimension_semantics<subcore_parallel>], iteration_bounds = array<i64: 2, 16>, scalar_prefetch = 0 : i64, scratch_operands = 15 : i64, tpu.core_type = #tpu.core_type<sc_vector_subcore>, window_params = [{transform_indices = #map}, {transform_indices = #map}, {transform_indices = #map}, {transform_indices = #map}, {transform_indices = #map1}]} {
    %mul3A = arith.constant 632 : i32
    %mul3A_0 = arith.muli %arg1, %mul3A : i32
    "tpu.region"() ({
      %run_scoped3A = tpu.sem_alloc : memref<!tpu.dma_semaphore, #tpu.memory_space<semaphore_mem>>
      %dma_start3A = arith.constant 0 : i32
      %dma_start3A_21 = tpu.memref_slice %arg7[%mul3A_0, %dma_start3A] : memref<10112x128xf32, #tpu.memory_space<vmem_shared>> -> memref<632x128xf32, #tpu.memory_space<vmem_shared>>
      tpu.enqueue_dma source(%arg5 : memref<632x128xf32, #tpu.memory_space<hbm>>) target(%dma_start3A_21 : memref<632x128xf32, #tpu.memory_space<vmem_shared>>) target_semaphore(%run_scoped3A : memref<!tpu.dma_semaphore, #tpu.memory_space<semaphore_mem>>)
      %dma_wait3A = arith.constant 0 : i32
      %dma_wait3A_22 = tpu.memref_slice %arg7[%mul3A_0, %dma_wait3A] : memref<10112x128xf32, #tpu.memory_space<vmem_shared>> -> memref<632x128xf32, #tpu.memory_space<vmem_shared>>
      tpu.wait_dma2 semaphore(%run_scoped3A : memref<!tpu.dma_semaphore, #tpu.memory_space<semaphore_mem>>) src(%arg5 : memref<632x128xf32, #tpu.memory_space<hbm>>) dst(%dma_wait3A_22 : memref<632x128xf32, #tpu.memory_space<vmem_shared>>)
      tpu.yield
    }) : () -> ()
    %eq3A = arith.constant 0 : i32
    %eq3A_1 = arith.cmpi eq, %arg0, %eq3A : i32
    %mul3A_2 = arith.constant 304 : i32
    %mul3A_3 = arith.muli %arg1, %mul3A_2 : i32
    %mul3A_4 = arith.constant 16 : i32
    %mul3A_5 = arith.muli %arg1, %mul3A_4 : i32
    %add3A = arith.constant 4864 : i32
    %add3A_6 = arith.addi %add3A, %mul3A_5 : i32
    %select_n3A = arith.select %eq3A_1, %mul3A_3, %add3A_6 : i32
    %eq3A_7 = arith.constant 0 : i32
    %eq3A_8 = arith.cmpi eq, %arg0, %eq3A_7 : i32
    %jit3A = arith.constant 19 : i32
    %jit3A_9 = arith.constant 1 : i32
    %select_n3A_10 = arith.select %eq3A_8, %jit3A, %jit3A_9 : i32
    %barrier3A = arith.constant 0 : index
    tpu.barrier barrier_id(%barrier3A)
    %while3A = arith.constant 0 : i32
    %while3A_11 = arith.constant 0 : i32
    %while3A_12 = arith.subi %select_n3A_10, %while3A_11 : i32
    %while3A_13 = arith.addi %while3A_11, %while3A_12 : i32
    %while3A_14 = arith.constant 1 : i32
    %while3A_15 = arith.divsi %while3A_12, %while3A_14 : i32
    %while3A_16 = arith.muli %while3A_15, %while3A_14 : i32
    %while3A_17 = arith.addi %while3A_11, %while3A_16 : i32
    %while3A_18 = arith.constant 1 : i32
    scf.for %while3A_21 = %while3A_11 to %while3A_17 step %while3A_18  : i32 {
      %mul3A_22 = arith.constant 16 : i32
      %mul3A_23 = arith.muli %while3A_21, %mul3A_22 : i32
      %add3A_24 = arith.addi %select_n3A, %mul3A_23 : i32
      "tpu.region"() ({
        %run_scoped3A = tpu.sem_alloc : memref<!tpu.dma_semaphore, #tpu.memory_space<semaphore_mem>>
        %dma_start3A_474 = arith.constant 0 : i32
        %dma_start3A_475 = tpu.memref_slice %arg3[%add3A_24, %dma_start3A_474] : memref<5120x64xi32, #tpu.memory_space<hbm>> -> memref<16x64xi32, #tpu.memory_space<hbm>>
        %dma_start3A_476 = arith.constant 0 : i32
        %dma_start3A_477 = tpu.memref_slice %arg3[%add3A_24, %dma_start3A_476] : memref<5120x64xi32, #tpu.memory_space<hbm>> -> memref<16x64xi32, #tpu.memory_space<hbm>>
        tpu.enqueue_dma source(%dma_start3A_477 : memref<16x64xi32, #tpu.memory_space<hbm>>) target(%arg8 : memref<16x64xi32, #tpu.memory_space<vmem>>) target_semaphore(%run_scoped3A : memref<!tpu.dma_semaphore, #tpu.memory_space<semaphore_mem>>)
        %dma_wait3A_478 = arith.constant 0 : i32
        %dma_wait3A_479 = tpu.memref_slice %arg3[%add3A_24, %dma_wait3A_478] : memref<5120x64xi32, #tpu.memory_space<hbm>> -> memref<16x64xi32, #tpu.memory_space<hbm>>
        %dma_wait3A_480 = arith.constant 0 : i32
        %dma_wait3A_481 = tpu.memref_slice %arg3[%add3A_24, %dma_wait3A_480] : memref<5120x64xi32, #tpu.memory_space<hbm>> -> memref<16x64xi32, #tpu.memory_space<hbm>>
        tpu.wait_dma2 semaphore(%run_scoped3A : memref<!tpu.dma_semaphore, #tpu.memory_space<semaphore_mem>>) src(%dma_wait3A_481 : memref<16x64xi32, #tpu.memory_space<hbm>>) dst(%arg8 : memref<16x64xi32, #tpu.memory_space<vmem>>)
        tpu.yield
      }) : () -> ()
      %mul3A_25 = arith.constant 16 : i32
      %mul3A_26 = arith.muli %while3A_21, %mul3A_25 : i32
      %add3A_27 = arith.addi %select_n3A, %mul3A_26 : i32
      "tpu.region"() ({
        %run_scoped3A = tpu.sem_alloc : memref<!tpu.dma_semaphore, #tpu.memory_space<semaphore_mem>>
        %dma_start3A_474 = arith.constant 0 : i32
        %dma_start3A_475 = tpu.memref_slice %arg4[%add3A_27, %dma_start3A_474] : memref<5120x64xi32, #tpu.memory_space<hbm>> -> memref<16x64xi32, #tpu.memory_space<hbm>>
        %dma_start3A_476 = arith.constant 0 : i32
        %dma_start3A_477 = tpu.memref_slice %arg4[%add3A_27, %dma_start3A_476] : memref<5120x64xi32, #tpu.memory_space<hbm>> -> memref<16x64xi32, #tpu.memory_space<hbm>>
        tpu.enqueue_dma source(%dma_start3A_477 : memref<16x64xi32, #tpu.memory_space<hbm>>) target(%arg9 : memref<16x64xi32, #tpu.memory_space<vmem>>) target_semaphore(%run_scoped3A : memref<!tpu.dma_semaphore, #tpu.memory_space<semaphore_mem>>)
        %dma_wait3A_478 = arith.constant 0 : i32
        %dma_wait3A_479 = tpu.memref_slice %arg4[%add3A_27, %dma_wait3A_478] : memref<5120x64xi32, #tpu.memory_space<hbm>> -> memref<16x64xi32, #tpu.memory_space<hbm>>
        %dma_wait3A_480 = arith.constant 0 : i32
        %dma_wait3A_481 = tpu.memref_slice %arg4[%add3A_27, %dma_wait3A_480] : memref<5120x64xi32, #tpu.memory_space<hbm>> -> memref<16x64xi32, #tpu.memory_space<hbm>>
        tpu.wait_dma2 semaphore(%run_scoped3A : memref<!tpu.dma_semaphore, #tpu.memory_space<semaphore_mem>>) src(%dma_wait3A_481 : memref<16x64xi32, #tpu.memory_space<hbm>>) dst(%arg9 : memref<16x64xi32, #tpu.memory_space<vmem>>)
        tpu.yield
      }) : () -> ()
      %dma_start3A = arith.constant 0 : i32
      %dma_start3A_28 = arith.constant 0 : i32
      %dma_start3A_29 = tpu.memref_slice %arg8[%dma_start3A, %dma_start3A_28] : memref<16x64xi32, #tpu.memory_space<vmem>> -> memref<1x64xi32, #tpu.memory_space<vmem>>
      %dma_start3A_30 = tpu.memref_squeeze %dma_start3A_29 : memref<1x64xi32, #tpu.memory_space<vmem>> -> memref<64xi32, #tpu.memory_space<vmem>>
      %dma_start3A_31 = arith.constant 0 : i32
      %dma_start3A_32 = arith.constant 0 : i32
      %dma_start3A_33 = tpu.memref_slice %arg2[%dma_start3A_31, %dma_start3A_32] : memref<10000x128xf32, #tpu.memory_space<hbm>> -> memref<10000x128xf32, #tpu.memory_space<hbm>>
      tpu.enqueue_indirect_dma source(%dma_start3A_33 : memref<10000x128xf32, #tpu.memory_space<hbm>>) target(%arg10 : memref<64x128xf32, #tpu.memory_space<vmem>>) offsets(%dma_start3A_30 : memref<64xi32, #tpu.memory_space<vmem>>) semaphore(%arg14 : memref<!tpu.dma_semaphore, #tpu.memory_space<semaphore_mem>>)
      %dma_start3A_34 = arith.constant 1 : i32
      %dma_start3A_35 = arith.constant 0 : i32
      %dma_start3A_36 = tpu.memref_slice %arg8[%dma_start3A_34, %dma_start3A_35] : memref<16x64xi32, #tpu.memory_space<vmem>> -> memref<1x64xi32, #tpu.memory_space<vmem>>
      %dma_start3A_37 = tpu.memref_squeeze %dma_start3A_36 : memref<1x64xi32, #tpu.memory_space<vmem>> -> memref<64xi32, #tpu.memory_space<vmem>>
      %dma_start3A_38 = arith.constant 0 : i32
      %dma_start3A_39 = arith.constant 0 : i32
      %dma_start3A_40 = tpu.memref_slice %arg2[%dma_start3A_38, %dma_start3A_39] : memref<10000x128xf32, #tpu.memory_space<hbm>> -> memref<10000x128xf32, #tpu.memory_space<hbm>>
      tpu.enqueue_indirect_dma source(%dma_start3A_40 : memref<10000x128xf32, #tpu.memory_space<hbm>>) target(%arg11 : memref<64x128xf32, #tpu.memory_space<vmem>>) offsets(%dma_start3A_37 : memref<64xi32, #tpu.memory_space<vmem>>) semaphore(%arg15 : memref<!tpu.dma_semaphore, #tpu.memory_space<semaphore_mem>>)
      %dma_start3A_41 = arith.constant 2 : i32
      %dma_start3A_42 = arith.constant 0 : i32
      %dma_start3A_43 = tpu.memref_slice %arg8[%dma_start3A_41, %dma_start3A_42] : memref<16x64xi32, #tpu.memory_space<vmem>> -> memref<1x64xi32, #tpu.memory_space<vmem>>
      %dma_start3A_44 = tpu.memref_squeeze %dma_start3A_43 : memref<1x64xi32, #tpu.memory_space<vmem>> -> memref<64xi32, #tpu.memory_space<vmem>>
      %dma_start3A_45 = arith.constant 0 : i32
      %dma_start3A_46 = arith.constant 0 : i32
      %dma_start3A_47 = tpu.memref_slice %arg2[%dma_start3A_45, %dma_start3A_46] : memref<10000x128xf32, #tpu.memory_space<hbm>> -> memref<10000x128xf32, #tpu.memory_space<hbm>>
      tpu.enqueue_indirect_dma source(%dma_start3A_47 : memref<10000x128xf32, #tpu.memory_space<hbm>>) target(%arg12 : memref<64x128xf32, #tpu.memory_space<vmem>>) offsets(%dma_start3A_44 : memref<64xi32, #tpu.memory_space<vmem>>) semaphore(%arg16 : memref<!tpu.dma_semaphore, #tpu.memory_space<semaphore_mem>>)
      %dma_wait3A = arith.constant 0 : i32
      %dma_wait3A_48 = arith.constant 0 : i32
      %dma_wait3A_49 = tpu.memref_slice %arg8[%dma_wait3A, %dma_wait3A_48] : memref<16x64xi32, #tpu.memory_space<vmem>> -> memref<1x64xi32, #tpu.memory_space<vmem>>
      %dma_wait3A_50 = tpu.memref_squeeze %dma_wait3A_49 : memref<1x64xi32, #tpu.memory_space<vmem>> -> memref<64xi32, #tpu.memory_space<vmem>>
      %dma_wait3A_51 = arith.constant 0 : i32
      %dma_wait3A_52 = arith.constant 0 : i32
      %dma_wait3A_53 = tpu.memref_slice %arg2[%dma_wait3A_51, %dma_wait3A_52] : memref<10000x128xf32, #tpu.memory_space<hbm>> -> memref<10000x128xf32, #tpu.memory_space<hbm>>
      tpu.wait_indirect_dma semaphore(%arg14 : memref<!tpu.dma_semaphore, #tpu.memory_space<semaphore_mem>>) src(%dma_wait3A_53 : memref<10000x128xf32, #tpu.memory_space<hbm>>) dst(%arg10 : memref<64x128xf32, #tpu.memory_space<vmem>>)
      %dma_start3A_54 = arith.constant 3 : i32
      %dma_start3A_55 = arith.constant 0 : i32
      %dma_start3A_56 = tpu.memref_slice %arg8[%dma_start3A_54, %dma_start3A_55] : memref<16x64xi32, #tpu.memory_space<vmem>> -> memref<1x64xi32, #tpu.memory_space<vmem>>
      %dma_start3A_57 = tpu.memref_squeeze %dma_start3A_56 : memref<1x64xi32, #tpu.memory_space<vmem>> -> memref<64xi32, #tpu.memory_space<vmem>>
      %dma_start3A_58 = arith.constant 0 : i32
      %dma_start3A_59 = arith.constant 0 : i32
      %dma_start3A_60 = tpu.memref_slice %arg2[%dma_start3A_58, %dma_start3A_59] : memref<10000x128xf32, #tpu.memory_space<hbm>> -> memref<10000x128xf32, #tpu.memory_space<hbm>>
      tpu.enqueue_indirect_dma source(%dma_start3A_60 : memref<10000x128xf32, #tpu.memory_space<hbm>>) target(%arg13 : memref<64x128xf32, #tpu.memory_space<vmem>>) offsets(%dma_start3A_57 : memref<64xi32, #tpu.memory_space<vmem>>) semaphore(%arg17 : memref<!tpu.dma_semaphore, #tpu.memory_space<semaphore_mem>>)
      %dma_start3A_61 = arith.constant 0 : i32
      %dma_start3A_62 = arith.constant 0 : i32
      %dma_start3A_63 = tpu.memref_slice %arg9[%dma_start3A_61, %dma_start3A_62] : memref<16x64xi32, #tpu.memory_space<vmem>> -> memref<1x64xi32, #tpu.memory_space<vmem>>
      %dma_start3A_64 = tpu.memref_squeeze %dma_start3A_63 : memref<1x64xi32, #tpu.memory_space<vmem>> -> memref<64xi32, #tpu.memory_space<vmem>>
      %dma_start3A_65 = arith.constant 0 : i32
      %dma_start3A_66 = arith.constant 0 : i32
      %dma_start3A_67 = tpu.memref_slice %arg7[%dma_start3A_65, %dma_start3A_66] : memref<10112x128xf32, #tpu.memory_space<vmem_shared>> -> memref<10112x128xf32, #tpu.memory_space<vmem_shared>>
      tpu.enqueue_indirect_dma source(%arg10 : memref<64x128xf32, #tpu.memory_space<vmem>>) target(%dma_start3A_67 : memref<10112x128xf32, #tpu.memory_space<vmem_shared>>) offsets(%dma_start3A_64 : memref<64xi32, #tpu.memory_space<vmem>>) semaphore(%arg18 : memref<!tpu.dma_semaphore, #tpu.memory_space<semaphore_mem>>) {add = true}
      %dma_wait3A_68 = arith.constant 1 : i32
      %dma_wait3A_69 = arith.constant 0 : i32
      %dma_wait3A_70 = tpu.memref_slice %arg8[%dma_wait3A_68, %dma_wait3A_69] : memref<16x64xi32, #tpu.memory_space<vmem>> -> memref<1x64xi32, #tpu.memory_space<vmem>>
      %dma_wait3A_71 = tpu.memref_squeeze %dma_wait3A_70 : memref<1x64xi32, #tpu.memory_space<vmem>> -> memref<64xi32, #tpu.memory_space<vmem>>
      %dma_wait3A_72 = arith.constant 0 : i32
      %dma_wait3A_73 = arith.constant 0 : i32
      %dma_wait3A_74 = tpu.memref_slice %arg2[%dma_wait3A_72, %dma_wait3A_73] : memref<10000x128xf32, #tpu.memory_space<hbm>> -> memref<10000x128xf32, #tpu.memory_space<hbm>>
      tpu.wait_indirect_dma semaphore(%arg15 : memref<!tpu.dma_semaphore, #tpu.memory_space<semaphore_mem>>) src(%dma_wait3A_74 : memref<10000x128xf32, #tpu.memory_space<hbm>>) dst(%arg11 : memref<64x128xf32, #tpu.memory_space<vmem>>)
      %dma_wait3A_75 = arith.constant 0 : i32
      %dma_wait3A_76 = arith.constant 0 : i32
      %dma_wait3A_77 = tpu.memref_slice %arg9[%dma_wait3A_75, %dma_wait3A_76] : memref<16x64xi32, #tpu.memory_space<vmem>> -> memref<1x64xi32, #tpu.memory_space<vmem>>
      %dma_wait3A_78 = tpu.memref_squeeze %dma_wait3A_77 : memref<1x64xi32, #tpu.memory_space<vmem>> -> memref<64xi32, #tpu.memory_space<vmem>>
      %dma_wait3A_79 = arith.constant 0 : i32
      %dma_wait3A_80 = arith.constant 0 : i32
      %dma_wait3A_81 = tpu.memref_slice %arg7[%dma_wait3A_79, %dma_wait3A_80] : memref<10112x128xf32, #tpu.memory_space<vmem_shared>> -> memref<10112x128xf32, #tpu.memory_space<vmem_shared>>
      tpu.wait_indirect_dma semaphore(%arg18 : memref<!tpu.dma_semaphore, #tpu.memory_space<semaphore_mem>>) src(%arg10 : memref<64x128xf32, #tpu.memory_space<vmem>>) dst(%dma_wait3A_81 : memref<10112x128xf32, #tpu.memory_space<vmem_shared>>)
      %dma_start3A_82 = arith.constant 4 : i32
      %dma_start3A_83 = arith.constant 0 : i32
      %dma_start3A_84 = tpu.memref_slice %arg8[%dma_start3A_82, %dma_start3A_83] : memref<16x64xi32, #tpu.memory_space<vmem>> -> memref<1x64xi32, #tpu.memory_space<vmem>>
      %dma_start3A_85 = tpu.memref_squeeze %dma_start3A_84 : memref<1x64xi32, #tpu.memory_space<vmem>> -> memref<64xi32, #tpu.memory_space<vmem>>
      %dma_start3A_86 = arith.constant 0 : i32
      %dma_start3A_87 = arith.constant 0 : i32
      %dma_start3A_88 = tpu.memref_slice %arg2[%dma_start3A_86, %dma_start3A_87] : memref<10000x128xf32, #tpu.memory_space<hbm>> -> memref<10000x128xf32, #tpu.memory_space<hbm>>
      tpu.enqueue_indirect_dma source(%dma_start3A_88 : memref<10000x128xf32, #tpu.memory_space<hbm>>) target(%arg10 : memref<64x128xf32, #tpu.memory_space<vmem>>) offsets(%dma_start3A_85 : memref<64xi32, #tpu.memory_space<vmem>>) semaphore(%arg14 : memref<!tpu.dma_semaphore, #tpu.memory_space<semaphore_mem>>)
      %dma_start3A_89 = arith.constant 1 : i32
      %dma_start3A_90 = arith.constant 0 : i32
      %dma_start3A_91 = tpu.memref_slice %arg9[%dma_start3A_89, %dma_start3A_90] : memref<16x64xi32, #tpu.memory_space<vmem>> -> memref<1x64xi32, #tpu.memory_space<vmem>>
      %dma_start3A_92 = tpu.memref_squeeze %dma_start3A_91 : memref<1x64xi32, #tpu.memory_space<vmem>> -> memref<64xi32, #tpu.memory_space<vmem>>
      %dma_start3A_93 = arith.constant 0 : i32
      %dma_start3A_94 = arith.constant 0 : i32
      %dma_start3A_95 = tpu.memref_slice %arg7[%dma_start3A_93, %dma_start3A_94] : memref<10112x128xf32, #tpu.memory_space<vmem_shared>> -> memref<10112x128xf32, #tpu.memory_space<vmem_shared>>
      tpu.enqueue_indirect_dma source(%arg11 : memref<64x128xf32, #tpu.memory_space<vmem>>) target(%dma_start3A_95 : memref<10112x128xf32, #tpu.memory_space<vmem_shared>>) offsets(%dma_start3A_92 : memref<64xi32, #tpu.memory_space<vmem>>) semaphore(%arg19 : memref<!tpu.dma_semaphore, #tpu.memory_space<semaphore_mem>>) {add = true}
      %dma_wait3A_96 = arith.constant 2 : i32
      %dma_wait3A_97 = arith.constant 0 : i32
      %dma_wait3A_98 = tpu.memref_slice %arg8[%dma_wait3A_96, %dma_wait3A_97] : memref<16x64xi32, #tpu.memory_space<vmem>> -> memref<1x64xi32, #tpu.memory_space<vmem>>
      %dma_wait3A_99 = tpu.memref_squeeze %dma_wait3A_98 : memref<1x64xi32, #tpu.memory_space<vmem>> -> memref<64xi32, #tpu.memory_space<vmem>>
      %dma_wait3A_100 = arith.constant 0 : i32
      %dma_wait3A_101 = arith.constant 0 : i32
      %dma_wait3A_102 = tpu.memref_slice %arg2[%dma_wait3A_100, %dma_wait3A_101] : memref<10000x128xf32, #tpu.memory_space<hbm>> -> memref<10000x128xf32, #tpu.memory_space<hbm>>
      tpu.wait_indirect_dma semaphore(%arg16 : memref<!tpu.dma_semaphore, #tpu.memory_space<semaphore_mem>>) src(%dma_wait3A_102 : memref<10000x128xf32, #tpu.memory_space<hbm>>) dst(%arg12 : memref<64x128xf32, #tpu.memory_space<vmem>>)
      %dma_wait3A_103 = arith.constant 1 : i32
      %dma_wait3A_104 = arith.constant 0 : i32
      %dma_wait3A_105 = tpu.memref_slice %arg9[%dma_wait3A_103, %dma_wait3A_104] : memref<16x64xi32, #tpu.memory_space<vmem>> -> memref<1x64xi32, #tpu.memory_space<vmem>>
      %dma_wait3A_106 = tpu.memref_squeeze %dma_wait3A_105 : memref<1x64xi32, #tpu.memory_space<vmem>> -> memref<64xi32, #tpu.memory_space<vmem>>
      %dma_wait3A_107 = arith.constant 0 : i32
      %dma_wait3A_108 = arith.constant 0 : i32
      %dma_wait3A_109 = tpu.memref_slice %arg7[%dma_wait3A_107, %dma_wait3A_108] : memref<10112x128xf32, #tpu.memory_space<vmem_shared>> -> memref<10112x128xf32, #tpu.memory_space<vmem_shared>>
      tpu.wait_indirect_dma semaphore(%arg19 : memref<!tpu.dma_semaphore, #tpu.memory_space<semaphore_mem>>) src(%arg11 : memref<64x128xf32, #tpu.memory_space<vmem>>) dst(%dma_wait3A_109 : memref<10112x128xf32, #tpu.memory_space<vmem_shared>>)
      %dma_start3A_110 = arith.constant 5 : i32
      %dma_start3A_111 = arith.constant 0 : i32
      %dma_start3A_112 = tpu.memref_slice %arg8[%dma_start3A_110, %dma_start3A_111] : memref<16x64xi32, #tpu.memory_space<vmem>> -> memref<1x64xi32, #tpu.memory_space<vmem>>
      %dma_start3A_113 = tpu.memref_squeeze %dma_start3A_112 : memref<1x64xi32, #tpu.memory_space<vmem>> -> memref<64xi32, #tpu.memory_space<vmem>>
      %dma_start3A_114 = arith.constant 0 : i32
      %dma_start3A_115 = arith.constant 0 : i32
      %dma_start3A_116 = tpu.memref_slice %arg2[%dma_start3A_114, %dma_start3A_115] : memref<10000x128xf32, #tpu.memory_space<hbm>> -> memref<10000x128xf32, #tpu.memory_space<hbm>>
      tpu.enqueue_indirect_dma source(%dma_start3A_116 : memref<10000x128xf32, #tpu.memory_space<hbm>>) target(%arg11 : memref<64x128xf32, #tpu.memory_space<vmem>>) offsets(%dma_start3A_113 : memref<64xi32, #tpu.memory_space<vmem>>) semaphore(%arg15 : memref<!tpu.dma_semaphore, #tpu.memory_space<semaphore_mem>>)
      %dma_start3A_117 = arith.constant 2 : i32
      %dma_start3A_118 = arith.constant 0 : i32
      %dma_start3A_119 = tpu.memref_slice %arg9[%dma_start3A_117, %dma_start3A_118] : memref<16x64xi32, #tpu.memory_space<vmem>> -> memref<1x64xi32, #tpu.memory_space<vmem>>
      %dma_start3A_120 = tpu.memref_squeeze %dma_start3A_119 : memref<1x64xi32, #tpu.memory_space<vmem>> -> memref<64xi32, #tpu.memory_space<vmem>>
      %dma_start3A_121 = arith.constant 0 : i32
      %dma_start3A_122 = arith.constant 0 : i32
      %dma_start3A_123 = tpu.memref_slice %arg7[%dma_start3A_121, %dma_start3A_122] : memref<10112x128xf32, #tpu.memory_space<vmem_shared>> -> memref<10112x128xf32, #tpu.memory_space<vmem_shared>>
      tpu.enqueue_indirect_dma source(%arg12 : memref<64x128xf32, #tpu.memory_space<vmem>>) target(%dma_start3A_123 : memref<10112x128xf32, #tpu.memory_space<vmem_shared>>) offsets(%dma_start3A_120 : memref<64xi32, #tpu.memory_space<vmem>>) semaphore(%arg20 : memref<!tpu.dma_semaphore, #tpu.memory_space<semaphore_mem>>) {add = true}
      %dma_wait3A_124 = arith.constant 3 : i32
      %dma_wait3A_125 = arith.constant 0 : i32
      %dma_wait3A_126 = tpu.memref_slice %arg8[%dma_wait3A_124, %dma_wait3A_125] : memref<16x64xi32, #tpu.memory_space<vmem>> -> memref<1x64xi32, #tpu.memory_space<vmem>>
      %dma_wait3A_127 = tpu.memref_squeeze %dma_wait3A_126 : memref<1x64xi32, #tpu.memory_space<vmem>> -> memref<64xi32, #tpu.memory_space<vmem>>
      %dma_wait3A_128 = arith.constant 0 : i32
      %dma_wait3A_129 = arith.constant 0 : i32
      %dma_wait3A_130 = tpu.memref_slice %arg2[%dma_wait3A_128, %dma_wait3A_129] : memref<10000x128xf32, #tpu.memory_space<hbm>> -> memref<10000x128xf32, #tpu.memory_space<hbm>>
      tpu.wait_indirect_dma semaphore(%arg17 : memref<!tpu.dma_semaphore, #tpu.memory_space<semaphore_mem>>) src(%dma_wait3A_130 : memref<10000x128xf32, #tpu.memory_space<hbm>>) dst(%arg13 : memref<64x128xf32, #tpu.memory_space<vmem>>)
      %dma_wait3A_131 = arith.constant 2 : i32
      %dma_wait3A_132 = arith.constant 0 : i32
      %dma_wait3A_133 = tpu.memref_slice %arg9[%dma_wait3A_131, %dma_wait3A_132] : memref<16x64xi32, #tpu.memory_space<vmem>> -> memref<1x64xi32, #tpu.memory_space<vmem>>
      %dma_wait3A_134 = tpu.memref_squeeze %dma_wait3A_133 : memref<1x64xi32, #tpu.memory_space<vmem>> -> memref<64xi32, #tpu.memory_space<vmem>>
      %dma_wait3A_135 = arith.constant 0 : i32
      %dma_wait3A_136 = arith.constant 0 : i32
      %dma_wait3A_137 = tpu.memref_slice %arg7[%dma_wait3A_135, %dma_wait3A_136] : memref<10112x128xf32, #tpu.memory_space<vmem_shared>> -> memref<10112x128xf32, #tpu.memory_space<vmem_shared>>
      tpu.wait_indirect_dma semaphore(%arg20 : memref<!tpu.dma_semaphore, #tpu.memory_space<semaphore_mem>>) src(%arg12 : memref<64x128xf32, #tpu.memory_space<vmem>>) dst(%dma_wait3A_137 : memref<10112x128xf32, #tpu.memory_space<vmem_shared>>)
      %dma_start3A_138 = arith.constant 6 : i32
      %dma_start3A_139 = arith.constant 0 : i32
      %dma_start3A_140 = tpu.memref_slice %arg8[%dma_start3A_138, %dma_start3A_139] : memref<16x64xi32, #tpu.memory_space<vmem>> -> memref<1x64xi32, #tpu.memory_space<vmem>>
      %dma_start3A_141 = tpu.memref_squeeze %dma_start3A_140 : memref<1x64xi32, #tpu.memory_space<vmem>> -> memref<64xi32, #tpu.memory_space<vmem>>
      %dma_start3A_142 = arith.constant 0 : i32
      %dma_start3A_143 = arith.constant 0 : i32
      %dma_start3A_144 = tpu.memref_slice %arg2[%dma_start3A_142, %dma_start3A_143] : memref<10000x128xf32, #tpu.memory_space<hbm>> -> memref<10000x128xf32, #tpu.memory_space<hbm>>
      tpu.enqueue_indirect_dma source(%dma_start3A_144 : memref<10000x128xf32, #tpu.memory_space<hbm>>) target(%arg12 : memref<64x128xf32, #tpu.memory_space<vmem>>) offsets(%dma_start3A_141 : memref<64xi32, #tpu.memory_space<vmem>>) semaphore(%arg16 : memref<!tpu.dma_semaphore, #tpu.memory_space<semaphore_mem>>)
      %dma_start3A_145 = arith.constant 3 : i32
      %dma_start3A_146 = arith.constant 0 : i32
      %dma_start3A_147 = tpu.memref_slice %arg9[%dma_start3A_145, %dma_start3A_146] : memref<16x64xi32, #tpu.memory_space<vmem>> -> memref<1x64xi32, #tpu.memory_space<vmem>>
      %dma_start3A_148 = tpu.memref_squeeze %dma_start3A_147 : memref<1x64xi32, #tpu.memory_space<vmem>> -> memref<64xi32, #tpu.memory_space<vmem>>
      %dma_start3A_149 = arith.constant 0 : i32
      %dma_start3A_150 = arith.constant 0 : i32
      %dma_start3A_151 = tpu.memref_slice %arg7[%dma_start3A_149, %dma_start3A_150] : memref<10112x128xf32, #tpu.memory_space<vmem_shared>> -> memref<10112x128xf32, #tpu.memory_space<vmem_shared>>
      tpu.enqueue_indirect_dma source(%arg13 : memref<64x128xf32, #tpu.memory_space<vmem>>) target(%dma_start3A_151 : memref<10112x128xf32, #tpu.memory_space<vmem_shared>>) offsets(%dma_start3A_148 : memref<64xi32, #tpu.memory_space<vmem>>) semaphore(%arg21 : memref<!tpu.dma_semaphore, #tpu.memory_space<semaphore_mem>>) {add = true}
      %dma_wait3A_152 = arith.constant 4 : i32
      %dma_wait3A_153 = arith.constant 0 : i32
      %dma_wait3A_154 = tpu.memref_slice %arg8[%dma_wait3A_152, %dma_wait3A_153] : memref<16x64xi32, #tpu.memory_space<vmem>> -> memref<1x64xi32, #tpu.memory_space<vmem>>
      %dma_wait3A_155 = tpu.memref_squeeze %dma_wait3A_154 : memref<1x64xi32, #tpu.memory_space<vmem>> -> memref<64xi32, #tpu.memory_space<vmem>>
      %dma_wait3A_156 = arith.constant 0 : i32
      %dma_wait3A_157 = arith.constant 0 : i32
      %dma_wait3A_158 = tpu.memref_slice %arg2[%dma_wait3A_156, %dma_wait3A_157] : memref<10000x128xf32, #tpu.memory_space<hbm>> -> memref<10000x128xf32, #tpu.memory_space<hbm>>
      tpu.wait_indirect_dma semaphore(%arg14 : memref<!tpu.dma_semaphore, #tpu.memory_space<semaphore_mem>>) src(%dma_wait3A_158 : memref<10000x128xf32, #tpu.memory_space<hbm>>) dst(%arg10 : memref<64x128xf32, #tpu.memory_space<vmem>>)
      %dma_wait3A_159 = arith.constant 3 : i32
      %dma_wait3A_160 = arith.constant 0 : i32
      %dma_wait3A_161 = tpu.memref_slice %arg9[%dma_wait3A_159, %dma_wait3A_160] : memref<16x64xi32, #tpu.memory_space<vmem>> -> memref<1x64xi32, #tpu.memory_space<vmem>>
      %dma_wait3A_162 = tpu.memref_squeeze %dma_wait3A_161 : memref<1x64xi32, #tpu.memory_space<vmem>> -> memref<64xi32, #tpu.memory_space<vmem>>
      %dma_wait3A_163 = arith.constant 0 : i32
      %dma_wait3A_164 = arith.constant 0 : i32
      %dma_wait3A_165 = tpu.memref_slice %arg7[%dma_wait3A_163, %dma_wait3A_164] : memref<10112x128xf32, #tpu.memory_space<vmem_shared>> -> memref<10112x128xf32, #tpu.memory_space<vmem_shared>>
      tpu.wait_indirect_dma semaphore(%arg21 : memref<!tpu.dma_semaphore, #tpu.memory_space<semaphore_mem>>) src(%arg13 : memref<64x128xf32, #tpu.memory_space<vmem>>) dst(%dma_wait3A_165 : memref<10112x128xf32, #tpu.memory_space<vmem_shared>>)
      %dma_start3A_166 = arith.constant 7 : i32
      %dma_start3A_167 = arith.constant 0 : i32
      %dma_start3A_168 = tpu.memref_slice %arg8[%dma_start3A_166, %dma_start3A_167] : memref<16x64xi32, #tpu.memory_space<vmem>> -> memref<1x64xi32, #tpu.memory_space<vmem>>
      %dma_start3A_169 = tpu.memref_squeeze %dma_start3A_168 : memref<1x64xi32, #tpu.memory_space<vmem>> -> memref<64xi32, #tpu.memory_space<vmem>>
      %dma_start3A_170 = arith.constant 0 : i32
      %dma_start3A_171 = arith.constant 0 : i32
      %dma_start3A_172 = tpu.memref_slice %arg2[%dma_start3A_170, %dma_start3A_171] : memref<10000x128xf32, #tpu.memory_space<hbm>> -> memref<10000x128xf32, #tpu.memory_space<hbm>>
      tpu.enqueue_indirect_dma source(%dma_start3A_172 : memref<10000x128xf32, #tpu.memory_space<hbm>>) target(%arg13 : memref<64x128xf32, #tpu.memory_space<vmem>>) offsets(%dma_start3A_169 : memref<64xi32, #tpu.memory_space<vmem>>) semaphore(%arg17 : memref<!tpu.dma_semaphore, #tpu.memory_space<semaphore_mem>>)
      %dma_start3A_173 = arith.constant 4 : i32
      %dma_start3A_174 = arith.constant 0 : i32
      %dma_start3A_175 = tpu.memref_slice %arg9[%dma_start3A_173, %dma_start3A_174] : memref<16x64xi32, #tpu.memory_space<vmem>> -> memref<1x64xi32, #tpu.memory_space<vmem>>
      %dma_start3A_176 = tpu.memref_squeeze %dma_start3A_175 : memref<1x64xi32, #tpu.memory_space<vmem>> -> memref<64xi32, #tpu.memory_space<vmem>>
      %dma_start3A_177 = arith.constant 0 : i32
      %dma_start3A_178 = arith.constant 0 : i32
      %dma_start3A_179 = tpu.memref_slice %arg7[%dma_start3A_177, %dma_start3A_178] : memref<10112x128xf32, #tpu.memory_space<vmem_shared>> -> memref<10112x128xf32, #tpu.memory_space<vmem_shared>>
      tpu.enqueue_indirect_dma source(%arg10 : memref<64x128xf32, #tpu.memory_space<vmem>>) target(%dma_start3A_179 : memref<10112x128xf32, #tpu.memory_space<vmem_shared>>) offsets(%dma_start3A_176 : memref<64xi32, #tpu.memory_space<vmem>>) semaphore(%arg18 : memref<!tpu.dma_semaphore, #tpu.memory_space<semaphore_mem>>) {add = true}
      %dma_wait3A_180 = arith.constant 5 : i32
      %dma_wait3A_181 = arith.constant 0 : i32
      %dma_wait3A_182 = tpu.memref_slice %arg8[%dma_wait3A_180, %dma_wait3A_181] : memref<16x64xi32, #tpu.memory_space<vmem>> -> memref<1x64xi32, #tpu.memory_space<vmem>>
      %dma_wait3A_183 = tpu.memref_squeeze %dma_wait3A_182 : memref<1x64xi32, #tpu.memory_space<vmem>> -> memref<64xi32, #tpu.memory_space<vmem>>
      %dma_wait3A_184 = arith.constant 0 : i32
      %dma_wait3A_185 = arith.constant 0 : i32
      %dma_wait3A_186 = tpu.memref_slice %arg2[%dma_wait3A_184, %dma_wait3A_185] : memref<10000x128xf32, #tpu.memory_space<hbm>> -> memref<10000x128xf32, #tpu.memory_space<hbm>>
      tpu.wait_indirect_dma semaphore(%arg15 : memref<!tpu.dma_semaphore, #tpu.memory_space<semaphore_mem>>) src(%dma_wait3A_186 : memref<10000x128xf32, #tpu.memory_space<hbm>>) dst(%arg11 : memref<64x128xf32, #tpu.memory_space<vmem>>)
      %dma_wait3A_187 = arith.constant 4 : i32
      %dma_wait3A_188 = arith.constant 0 : i32
      %dma_wait3A_189 = tpu.memref_slice %arg9[%dma_wait3A_187, %dma_wait3A_188] : memref<16x64xi32, #tpu.memory_space<vmem>> -> memref<1x64xi32, #tpu.memory_space<vmem>>
      %dma_wait3A_190 = tpu.memref_squeeze %dma_wait3A_189 : memref<1x64xi32, #tpu.memory_space<vmem>> -> memref<64xi32, #tpu.memory_space<vmem>>
      %dma_wait3A_191 = arith.constant 0 : i32
      %dma_wait3A_192 = arith.constant 0 : i32
      %dma_wait3A_193 = tpu.memref_slice %arg7[%dma_wait3A_191, %dma_wait3A_192] : memref<10112x128xf32, #tpu.memory_space<vmem_shared>> -> memref<10112x128xf32, #tpu.memory_space<vmem_shared>>
      tpu.wait_indirect_dma semaphore(%arg18 : memref<!tpu.dma_semaphore, #tpu.memory_space<semaphore_mem>>) src(%arg10 : memref<64x128xf32, #tpu.memory_space<vmem>>) dst(%dma_wait3A_193 : memref<10112x128xf32, #tpu.memory_space<vmem_shared>>)
      %dma_start3A_194 = arith.constant 8 : i32
      %dma_start3A_195 = arith.constant 0 : i32
      %dma_start3A_196 = tpu.memref_slice %arg8[%dma_start3A_194, %dma_start3A_195] : memref<16x64xi32, #tpu.memory_space<vmem>> -> memref<1x64xi32, #tpu.memory_space<vmem>>
      %dma_start3A_197 = tpu.memref_squeeze %dma_start3A_196 : memref<1x64xi32, #tpu.memory_space<vmem>> -> memref<64xi32, #tpu.memory_space<vmem>>
      %dma_start3A_198 = arith.constant 0 : i32
      %dma_start3A_199 = arith.constant 0 : i32
      %dma_start3A_200 = tpu.memref_slice %arg2[%dma_start3A_198, %dma_start3A_199] : memref<10000x128xf32, #tpu.memory_space<hbm>> -> memref<10000x128xf32, #tpu.memory_space<hbm>>
      tpu.enqueue_indirect_dma source(%dma_start3A_200 : memref<10000x128xf32, #tpu.memory_space<hbm>>) target(%arg10 : memref<64x128xf32, #tpu.memory_space<vmem>>) offsets(%dma_start3A_197 : memref<64xi32, #tpu.memory_space<vmem>>) semaphore(%arg14 : memref<!tpu.dma_semaphore, #tpu.memory_space<semaphore_mem>>)
      %dma_start3A_201 = arith.constant 5 : i32
      %dma_start3A_202 = arith.constant 0 : i32
      %dma_start3A_203 = tpu.memref_slice %arg9[%dma_start3A_201, %dma_start3A_202] : memref<16x64xi32, #tpu.memory_space<vmem>> -> memref<1x64xi32, #tpu.memory_space<vmem>>
      %dma_start3A_204 = tpu.memref_squeeze %dma_start3A_203 : memref<1x64xi32, #tpu.memory_space<vmem>> -> memref<64xi32, #tpu.memory_space<vmem>>
      %dma_start3A_205 = arith.constant 0 : i32
      %dma_start3A_206 = arith.constant 0 : i32
      %dma_start3A_207 = tpu.memref_slice %arg7[%dma_start3A_205, %dma_start3A_206] : memref<10112x128xf32, #tpu.memory_space<vmem_shared>> -> memref<10112x128xf32, #tpu.memory_space<vmem_shared>>
      tpu.enqueue_indirect_dma source(%arg11 : memref<64x128xf32, #tpu.memory_space<vmem>>) target(%dma_start3A_207 : memref<10112x128xf32, #tpu.memory_space<vmem_shared>>) offsets(%dma_start3A_204 : memref<64xi32, #tpu.memory_space<vmem>>) semaphore(%arg19 : memref<!tpu.dma_semaphore, #tpu.memory_space<semaphore_mem>>) {add = true}
      %dma_wait3A_208 = arith.constant 6 : i32
      %dma_wait3A_209 = arith.constant 0 : i32
      %dma_wait3A_210 = tpu.memref_slice %arg8[%dma_wait3A_208, %dma_wait3A_209] : memref<16x64xi32, #tpu.memory_space<vmem>> -> memref<1x64xi32, #tpu.memory_space<vmem>>
      %dma_wait3A_211 = tpu.memref_squeeze %dma_wait3A_210 : memref<1x64xi32, #tpu.memory_space<vmem>> -> memref<64xi32, #tpu.memory_space<vmem>>
      %dma_wait3A_212 = arith.constant 0 : i32
      %dma_wait3A_213 = arith.constant 0 : i32
      %dma_wait3A_214 = tpu.memref_slice %arg2[%dma_wait3A_212, %dma_wait3A_213] : memref<10000x128xf32, #tpu.memory_space<hbm>> -> memref<10000x128xf32, #tpu.memory_space<hbm>>
      tpu.wait_indirect_dma semaphore(%arg16 : memref<!tpu.dma_semaphore, #tpu.memory_space<semaphore_mem>>) src(%dma_wait3A_214 : memref<10000x128xf32, #tpu.memory_space<hbm>>) dst(%arg12 : memref<64x128xf32, #tpu.memory_space<vmem>>)
      %dma_wait3A_215 = arith.constant 5 : i32
      %dma_wait3A_216 = arith.constant 0 : i32
      %dma_wait3A_217 = tpu.memref_slice %arg9[%dma_wait3A_215, %dma_wait3A_216] : memref<16x64xi32, #tpu.memory_space<vmem>> -> memref<1x64xi32, #tpu.memory_space<vmem>>
      %dma_wait3A_218 = tpu.memref_squeeze %dma_wait3A_217 : memref<1x64xi32, #tpu.memory_space<vmem>> -> memref<64xi32, #tpu.memory_space<vmem>>
      %dma_wait3A_219 = arith.constant 0 : i32
      %dma_wait3A_220 = arith.constant 0 : i32
      %dma_wait3A_221 = tpu.memref_slice %arg7[%dma_wait3A_219, %dma_wait3A_220] : memref<10112x128xf32, #tpu.memory_space<vmem_shared>> -> memref<10112x128xf32, #tpu.memory_space<vmem_shared>>
      tpu.wait_indirect_dma semaphore(%arg19 : memref<!tpu.dma_semaphore, #tpu.memory_space<semaphore_mem>>) src(%arg11 : memref<64x128xf32, #tpu.memory_space<vmem>>) dst(%dma_wait3A_221 : memref<10112x128xf32, #tpu.memory_space<vmem_shared>>)
      %dma_start3A_222 = arith.constant 9 : i32
      %dma_start3A_223 = arith.constant 0 : i32
      %dma_start3A_224 = tpu.memref_slice %arg8[%dma_start3A_222, %dma_start3A_223] : memref<16x64xi32, #tpu.memory_space<vmem>> -> memref<1x64xi32, #tpu.memory_space<vmem>>
      %dma_start3A_225 = tpu.memref_squeeze %dma_start3A_224 : memref<1x64xi32, #tpu.memory_space<vmem>> -> memref<64xi32, #tpu.memory_space<vmem>>
      %dma_start3A_226 = arith.constant 0 : i32
      %dma_start3A_227 = arith.constant 0 : i32
      %dma_start3A_228 = tpu.memref_slice %arg2[%dma_start3A_226, %dma_start3A_227] : memref<10000x128xf32, #tpu.memory_space<hbm>> -> memref<10000x128xf32, #tpu.memory_space<hbm>>
      tpu.enqueue_indirect_dma source(%dma_start3A_228 : memref<10000x128xf32, #tpu.memory_space<hbm>>) target(%arg11 : memref<64x128xf32, #tpu.memory_space<vmem>>) offsets(%dma_start3A_225 : memref<64xi32, #tpu.memory_space<vmem>>) semaphore(%arg15 : memref<!tpu.dma_semaphore, #tpu.memory_space<semaphore_mem>>)
      %dma_start3A_229 = arith.constant 6 : i32
      %dma_start3A_230 = arith.constant 0 : i32
      %dma_start3A_231 = tpu.memref_slice %arg9[%dma_start3A_229, %dma_start3A_230] : memref<16x64xi32, #tpu.memory_space<vmem>> -> memref<1x64xi32, #tpu.memory_space<vmem>>
      %dma_start3A_232 = tpu.memref_squeeze %dma_start3A_231 : memref<1x64xi32, #tpu.memory_space<vmem>> -> memref<64xi32, #tpu.memory_space<vmem>>
      %dma_start3A_233 = arith.constant 0 : i32
      %dma_start3A_234 = arith.constant 0 : i32
      %dma_start3A_235 = tpu.memref_slice %arg7[%dma_start3A_233, %dma_start3A_234] : memref<10112x128xf32, #tpu.memory_space<vmem_shared>> -> memref<10112x128xf32, #tpu.memory_space<vmem_shared>>
      tpu.enqueue_indirect_dma source(%arg12 : memref<64x128xf32, #tpu.memory_space<vmem>>) target(%dma_start3A_235 : memref<10112x128xf32, #tpu.memory_space<vmem_shared>>) offsets(%dma_start3A_232 : memref<64xi32, #tpu.memory_space<vmem>>) semaphore(%arg20 : memref<!tpu.dma_semaphore, #tpu.memory_space<semaphore_mem>>) {add = true}
      %dma_wait3A_236 = arith.constant 7 : i32
      %dma_wait3A_237 = arith.constant 0 : i32
      %dma_wait3A_238 = tpu.memref_slice %arg8[%dma_wait3A_236, %dma_wait3A_237] : memref<16x64xi32, #tpu.memory_space<vmem>> -> memref<1x64xi32, #tpu.memory_space<vmem>>
      %dma_wait3A_239 = tpu.memref_squeeze %dma_wait3A_238 : memref<1x64xi32, #tpu.memory_space<vmem>> -> memref<64xi32, #tpu.memory_space<vmem>>
      %dma_wait3A_240 = arith.constant 0 : i32
      %dma_wait3A_241 = arith.constant 0 : i32
      %dma_wait3A_242 = tpu.memref_slice %arg2[%dma_wait3A_240, %dma_wait3A_241] : memref<10000x128xf32, #tpu.memory_space<hbm>> -> memref<10000x128xf32, #tpu.memory_space<hbm>>
      tpu.wait_indirect_dma semaphore(%arg17 : memref<!tpu.dma_semaphore, #tpu.memory_space<semaphore_mem>>) src(%dma_wait3A_242 : memref<10000x128xf32, #tpu.memory_space<hbm>>) dst(%arg13 : memref<64x128xf32, #tpu.memory_space<vmem>>)
      %dma_wait3A_243 = arith.constant 6 : i32
      %dma_wait3A_244 = arith.constant 0 : i32
      %dma_wait3A_245 = tpu.memref_slice %arg9[%dma_wait3A_243, %dma_wait3A_244] : memref<16x64xi32, #tpu.memory_space<vmem>> -> memref<1x64xi32, #tpu.memory_space<vmem>>
      %dma_wait3A_246 = tpu.memref_squeeze %dma_wait3A_245 : memref<1x64xi32, #tpu.memory_space<vmem>> -> memref<64xi32, #tpu.memory_space<vmem>>
      %dma_wait3A_247 = arith.constant 0 : i32
      %dma_wait3A_248 = arith.constant 0 : i32
      %dma_wait3A_249 = tpu.memref_slice %arg7[%dma_wait3A_247, %dma_wait3A_248] : memref<10112x128xf32, #tpu.memory_space<vmem_shared>> -> memref<10112x128xf32, #tpu.memory_space<vmem_shared>>
      tpu.wait_indirect_dma semaphore(%arg20 : memref<!tpu.dma_semaphore, #tpu.memory_space<semaphore_mem>>) src(%arg12 : memref<64x128xf32, #tpu.memory_space<vmem>>) dst(%dma_wait3A_249 : memref<10112x128xf32, #tpu.memory_space<vmem_shared>>)
      %dma_start3A_250 = arith.constant 10 : i32
      %dma_start3A_251 = arith.constant 0 : i32
      %dma_start3A_252 = tpu.memref_slice %arg8[%dma_start3A_250, %dma_start3A_251] : memref<16x64xi32, #tpu.memory_space<vmem>> -> memref<1x64xi32, #tpu.memory_space<vmem>>
      %dma_start3A_253 = tpu.memref_squeeze %dma_start3A_252 : memref<1x64xi32, #tpu.memory_space<vmem>> -> memref<64xi32, #tpu.memory_space<vmem>>
      %dma_start3A_254 = arith.constant 0 : i32
      %dma_start3A_255 = arith.constant 0 : i32
      %dma_start3A_256 = tpu.memref_slice %arg2[%dma_start3A_254, %dma_start3A_255] : memref<10000x128xf32, #tpu.memory_space<hbm>> -> memref<10000x128xf32, #tpu.memory_space<hbm>>
      tpu.enqueue_indirect_dma source(%dma_start3A_256 : memref<10000x128xf32, #tpu.memory_space<hbm>>) target(%arg12 : memref<64x128xf32, #tpu.memory_space<vmem>>) offsets(%dma_start3A_253 : memref<64xi32, #tpu.memory_space<vmem>>) semaphore(%arg16 : memref<!tpu.dma_semaphore, #tpu.memory_space<semaphore_mem>>)
      %dma_start3A_257 = arith.constant 7 : i32
      %dma_start3A_258 = arith.constant 0 : i32
      %dma_start3A_259 = tpu.memref_slice %arg9[%dma_start3A_257, %dma_start3A_258] : memref<16x64xi32, #tpu.memory_space<vmem>> -> memref<1x64xi32, #tpu.memory_space<vmem>>
      %dma_start3A_260 = tpu.memref_squeeze %dma_start3A_259 : memref<1x64xi32, #tpu.memory_space<vmem>> -> memref<64xi32, #tpu.memory_space<vmem>>
      %dma_start3A_261 = arith.constant 0 : i32
      %dma_start3A_262 = arith.constant 0 : i32
      %dma_start3A_263 = tpu.memref_slice %arg7[%dma_start3A_261, %dma_start3A_262] : memref<10112x128xf32, #tpu.memory_space<vmem_shared>> -> memref<10112x128xf32, #tpu.memory_space<vmem_shared>>
      tpu.enqueue_indirect_dma source(%arg13 : memref<64x128xf32, #tpu.memory_space<vmem>>) target(%dma_start3A_263 : memref<10112x128xf32, #tpu.memory_space<vmem_shared>>) offsets(%dma_start3A_260 : memref<64xi32, #tpu.memory_space<vmem>>) semaphore(%arg21 : memref<!tpu.dma_semaphore, #tpu.memory_space<semaphore_mem>>) {add = true}
      %dma_wait3A_264 = arith.constant 8 : i32
      %dma_wait3A_265 = arith.constant 0 : i32
      %dma_wait3A_266 = tpu.memref_slice %arg8[%dma_wait3A_264, %dma_wait3A_265] : memref<16x64xi32, #tpu.memory_space<vmem>> -> memref<1x64xi32, #tpu.memory_space<vmem>>
      %dma_wait3A_267 = tpu.memref_squeeze %dma_wait3A_266 : memref<1x64xi32, #tpu.memory_space<vmem>> -> memref<64xi32, #tpu.memory_space<vmem>>
      %dma_wait3A_268 = arith.constant 0 : i32
      %dma_wait3A_269 = arith.constant 0 : i32
      %dma_wait3A_270 = tpu.memref_slice %arg2[%dma_wait3A_268, %dma_wait3A_269] : memref<10000x128xf32, #tpu.memory_space<hbm>> -> memref<10000x128xf32, #tpu.memory_space<hbm>>
      tpu.wait_indirect_dma semaphore(%arg14 : memref<!tpu.dma_semaphore, #tpu.memory_space<semaphore_mem>>) src(%dma_wait3A_270 : memref<10000x128xf32, #tpu.memory_space<hbm>>) dst(%arg10 : memref<64x128xf32, #tpu.memory_space<vmem>>)
      %dma_wait3A_271 = arith.constant 7 : i32
      %dma_wait3A_272 = arith.constant 0 : i32
      %dma_wait3A_273 = tpu.memref_slice %arg9[%dma_wait3A_271, %dma_wait3A_272] : memref<16x64xi32, #tpu.memory_space<vmem>> -> memref<1x64xi32, #tpu.memory_space<vmem>>
      %dma_wait3A_274 = tpu.memref_squeeze %dma_wait3A_273 : memref<1x64xi32, #tpu.memory_space<vmem>> -> memref<64xi32, #tpu.memory_space<vmem>>
      %dma_wait3A_275 = arith.constant 0 : i32
      %dma_wait3A_276 = arith.constant 0 : i32
      %dma_wait3A_277 = tpu.memref_slice %arg7[%dma_wait3A_275, %dma_wait3A_276] : memref<10112x128xf32, #tpu.memory_space<vmem_shared>> -> memref<10112x128xf32, #tpu.memory_space<vmem_shared>>
      tpu.wait_indirect_dma semaphore(%arg21 : memref<!tpu.dma_semaphore, #tpu.memory_space<semaphore_mem>>) src(%arg13 : memref<64x128xf32, #tpu.memory_space<vmem>>) dst(%dma_wait3A_277 : memref<10112x128xf32, #tpu.memory_space<vmem_shared>>)
      %dma_start3A_278 = arith.constant 11 : i32
      %dma_start3A_279 = arith.constant 0 : i32
      %dma_start3A_280 = tpu.memref_slice %arg8[%dma_start3A_278, %dma_start3A_279] : memref<16x64xi32, #tpu.memory_space<vmem>> -> memref<1x64xi32, #tpu.memory_space<vmem>>
      %dma_start3A_281 = tpu.memref_squeeze %dma_start3A_280 : memref<1x64xi32, #tpu.memory_space<vmem>> -> memref<64xi32, #tpu.memory_space<vmem>>
      %dma_start3A_282 = arith.constant 0 : i32
      %dma_start3A_283 = arith.constant 0 : i32
      %dma_start3A_284 = tpu.memref_slice %arg2[%dma_start3A_282, %dma_start3A_283] : memref<10000x128xf32, #tpu.memory_space<hbm>> -> memref<10000x128xf32, #tpu.memory_space<hbm>>
      tpu.enqueue_indirect_dma source(%dma_start3A_284 : memref<10000x128xf32, #tpu.memory_space<hbm>>) target(%arg13 : memref<64x128xf32, #tpu.memory_space<vmem>>) offsets(%dma_start3A_281 : memref<64xi32, #tpu.memory_space<vmem>>) semaphore(%arg17 : memref<!tpu.dma_semaphore, #tpu.memory_space<semaphore_mem>>)
      %dma_start3A_285 = arith.constant 8 : i32
      %dma_start3A_286 = arith.constant 0 : i32
      %dma_start3A_287 = tpu.memref_slice %arg9[%dma_start3A_285, %dma_start3A_286] : memref<16x64xi32, #tpu.memory_space<vmem>> -> memref<1x64xi32, #tpu.memory_space<vmem>>
      %dma_start3A_288 = tpu.memref_squeeze %dma_start3A_287 : memref<1x64xi32, #tpu.memory_space<vmem>> -> memref<64xi32, #tpu.memory_space<vmem>>
      %dma_start3A_289 = arith.constant 0 : i32
      %dma_start3A_290 = arith.constant 0 : i32
      %dma_start3A_291 = tpu.memref_slice %arg7[%dma_start3A_289, %dma_start3A_290] : memref<10112x128xf32, #tpu.memory_space<vmem_shared>> -> memref<10112x128xf32, #tpu.memory_space<vmem_shared>>
      tpu.enqueue_indirect_dma source(%arg10 : memref<64x128xf32, #tpu.memory_space<vmem>>) target(%dma_start3A_291 : memref<10112x128xf32, #tpu.memory_space<vmem_shared>>) offsets(%dma_start3A_288 : memref<64xi32, #tpu.memory_space<vmem>>) semaphore(%arg18 : memref<!tpu.dma_semaphore, #tpu.memory_space<semaphore_mem>>) {add = true}
      %dma_wait3A_292 = arith.constant 9 : i32
      %dma_wait3A_293 = arith.constant 0 : i32
      %dma_wait3A_294 = tpu.memref_slice %arg8[%dma_wait3A_292, %dma_wait3A_293] : memref<16x64xi32, #tpu.memory_space<vmem>> -> memref<1x64xi32, #tpu.memory_space<vmem>>
      %dma_wait3A_295 = tpu.memref_squeeze %dma_wait3A_294 : memref<1x64xi32, #tpu.memory_space<vmem>> -> memref<64xi32, #tpu.memory_space<vmem>>
      %dma_wait3A_296 = arith.constant 0 : i32
      %dma_wait3A_297 = arith.constant 0 : i32
      %dma_wait3A_298 = tpu.memref_slice %arg2[%dma_wait3A_296, %dma_wait3A_297] : memref<10000x128xf32, #tpu.memory_space<hbm>> -> memref<10000x128xf32, #tpu.memory_space<hbm>>
      tpu.wait_indirect_dma semaphore(%arg15 : memref<!tpu.dma_semaphore, #tpu.memory_space<semaphore_mem>>) src(%dma_wait3A_298 : memref<10000x128xf32, #tpu.memory_space<hbm>>) dst(%arg11 : memref<64x128xf32, #tpu.memory_space<vmem>>)
      %dma_wait3A_299 = arith.constant 8 : i32
      %dma_wait3A_300 = arith.constant 0 : i32
      %dma_wait3A_301 = tpu.memref_slice %arg9[%dma_wait3A_299, %dma_wait3A_300] : memref<16x64xi32, #tpu.memory_space<vmem>> -> memref<1x64xi32, #tpu.memory_space<vmem>>
      %dma_wait3A_302 = tpu.memref_squeeze %dma_wait3A_301 : memref<1x64xi32, #tpu.memory_space<vmem>> -> memref<64xi32, #tpu.memory_space<vmem>>
      %dma_wait3A_303 = arith.constant 0 : i32
      %dma_wait3A_304 = arith.constant 0 : i32
      %dma_wait3A_305 = tpu.memref_slice %arg7[%dma_wait3A_303, %dma_wait3A_304] : memref<10112x128xf32, #tpu.memory_space<vmem_shared>> -> memref<10112x128xf32, #tpu.memory_space<vmem_shared>>
      tpu.wait_indirect_dma semaphore(%arg18 : memref<!tpu.dma_semaphore, #tpu.memory_space<semaphore_mem>>) src(%arg10 : memref<64x128xf32, #tpu.memory_space<vmem>>) dst(%dma_wait3A_305 : memref<10112x128xf32, #tpu.memory_space<vmem_shared>>)
      %dma_start3A_306 = arith.constant 12 : i32
      %dma_start3A_307 = arith.constant 0 : i32
      %dma_start3A_308 = tpu.memref_slice %arg8[%dma_start3A_306, %dma_start3A_307] : memref<16x64xi32, #tpu.memory_space<vmem>> -> memref<1x64xi32, #tpu.memory_space<vmem>>
      %dma_start3A_309 = tpu.memref_squeeze %dma_start3A_308 : memref<1x64xi32, #tpu.memory_space<vmem>> -> memref<64xi32, #tpu.memory_space<vmem>>
      %dma_start3A_310 = arith.constant 0 : i32
      %dma_start3A_311 = arith.constant 0 : i32
      %dma_start3A_312 = tpu.memref_slice %arg2[%dma_start3A_310, %dma_start3A_311] : memref<10000x128xf32, #tpu.memory_space<hbm>> -> memref<10000x128xf32, #tpu.memory_space<hbm>>
      tpu.enqueue_indirect_dma source(%dma_start3A_312 : memref<10000x128xf32, #tpu.memory_space<hbm>>) target(%arg10 : memref<64x128xf32, #tpu.memory_space<vmem>>) offsets(%dma_start3A_309 : memref<64xi32, #tpu.memory_space<vmem>>) semaphore(%arg14 : memref<!tpu.dma_semaphore, #tpu.memory_space<semaphore_mem>>)
      %dma_start3A_313 = arith.constant 9 : i32
      %dma_start3A_314 = arith.constant 0 : i32
      %dma_start3A_315 = tpu.memref_slice %arg9[%dma_start3A_313, %dma_start3A_314] : memref<16x64xi32, #tpu.memory_space<vmem>> -> memref<1x64xi32, #tpu.memory_space<vmem>>
      %dma_start3A_316 = tpu.memref_squeeze %dma_start3A_315 : memref<1x64xi32, #tpu.memory_space<vmem>> -> memref<64xi32, #tpu.memory_space<vmem>>
      %dma_start3A_317 = arith.constant 0 : i32
      %dma_start3A_318 = arith.constant 0 : i32
      %dma_start3A_319 = tpu.memref_slice %arg7[%dma_start3A_317, %dma_start3A_318] : memref<10112x128xf32, #tpu.memory_space<vmem_shared>> -> memref<10112x128xf32, #tpu.memory_space<vmem_shared>>
      tpu.enqueue_indirect_dma source(%arg11 : memref<64x128xf32, #tpu.memory_space<vmem>>) target(%dma_start3A_319 : memref<10112x128xf32, #tpu.memory_space<vmem_shared>>) offsets(%dma_start3A_316 : memref<64xi32, #tpu.memory_space<vmem>>) semaphore(%arg19 : memref<!tpu.dma_semaphore, #tpu.memory_space<semaphore_mem>>) {add = true}
      %dma_wait3A_320 = arith.constant 10 : i32
      %dma_wait3A_321 = arith.constant 0 : i32
      %dma_wait3A_322 = tpu.memref_slice %arg8[%dma_wait3A_320, %dma_wait3A_321] : memref<16x64xi32, #tpu.memory_space<vmem>> -> memref<1x64xi32, #tpu.memory_space<vmem>>
      %dma_wait3A_323 = tpu.memref_squeeze %dma_wait3A_322 : memref<1x64xi32, #tpu.memory_space<vmem>> -> memref<64xi32, #tpu.memory_space<vmem>>
      %dma_wait3A_324 = arith.constant 0 : i32
      %dma_wait3A_325 = arith.constant 0 : i32
      %dma_wait3A_326 = tpu.memref_slice %arg2[%dma_wait3A_324, %dma_wait3A_325] : memref<10000x128xf32, #tpu.memory_space<hbm>> -> memref<10000x128xf32, #tpu.memory_space<hbm>>
      tpu.wait_indirect_dma semaphore(%arg16 : memref<!tpu.dma_semaphore, #tpu.memory_space<semaphore_mem>>) src(%dma_wait3A_326 : memref<10000x128xf32, #tpu.memory_space<hbm>>) dst(%arg12 : memref<64x128xf32, #tpu.memory_space<vmem>>)
      %dma_wait3A_327 = arith.constant 9 : i32
      %dma_wait3A_328 = arith.constant 0 : i32
      %dma_wait3A_329 = tpu.memref_slice %arg9[%dma_wait3A_327, %dma_wait3A_328] : memref<16x64xi32, #tpu.memory_space<vmem>> -> memref<1x64xi32, #tpu.memory_space<vmem>>
      %dma_wait3A_330 = tpu.memref_squeeze %dma_wait3A_329 : memref<1x64xi32, #tpu.memory_space<vmem>> -> memref<64xi32, #tpu.memory_space<vmem>>
      %dma_wait3A_331 = arith.constant 0 : i32
      %dma_wait3A_332 = arith.constant 0 : i32
      %dma_wait3A_333 = tpu.memref_slice %arg7[%dma_wait3A_331, %dma_wait3A_332] : memref<10112x128xf32, #tpu.memory_space<vmem_shared>> -> memref<10112x128xf32, #tpu.memory_space<vmem_shared>>
      tpu.wait_indirect_dma semaphore(%arg19 : memref<!tpu.dma_semaphore, #tpu.memory_space<semaphore_mem>>) src(%arg11 : memref<64x128xf32, #tpu.memory_space<vmem>>) dst(%dma_wait3A_333 : memref<10112x128xf32, #tpu.memory_space<vmem_shared>>)
      %dma_start3A_334 = arith.constant 13 : i32
      %dma_start3A_335 = arith.constant 0 : i32
      %dma_start3A_336 = tpu.memref_slice %arg8[%dma_start3A_334, %dma_start3A_335] : memref<16x64xi32, #tpu.memory_space<vmem>> -> memref<1x64xi32, #tpu.memory_space<vmem>>
      %dma_start3A_337 = tpu.memref_squeeze %dma_start3A_336 : memref<1x64xi32, #tpu.memory_space<vmem>> -> memref<64xi32, #tpu.memory_space<vmem>>
      %dma_start3A_338 = arith.constant 0 : i32
      %dma_start3A_339 = arith.constant 0 : i32
      %dma_start3A_340 = tpu.memref_slice %arg2[%dma_start3A_338, %dma_start3A_339] : memref<10000x128xf32, #tpu.memory_space<hbm>> -> memref<10000x128xf32, #tpu.memory_space<hbm>>
      tpu.enqueue_indirect_dma source(%dma_start3A_340 : memref<10000x128xf32, #tpu.memory_space<hbm>>) target(%arg11 : memref<64x128xf32, #tpu.memory_space<vmem>>) offsets(%dma_start3A_337 : memref<64xi32, #tpu.memory_space<vmem>>) semaphore(%arg15 : memref<!tpu.dma_semaphore, #tpu.memory_space<semaphore_mem>>)
      %dma_start3A_341 = arith.constant 10 : i32
      %dma_start3A_342 = arith.constant 0 : i32
      %dma_start3A_343 = tpu.memref_slice %arg9[%dma_start3A_341, %dma_start3A_342] : memref<16x64xi32, #tpu.memory_space<vmem>> -> memref<1x64xi32, #tpu.memory_space<vmem>>
      %dma_start3A_344 = tpu.memref_squeeze %dma_start3A_343 : memref<1x64xi32, #tpu.memory_space<vmem>> -> memref<64xi32, #tpu.memory_space<vmem>>
      %dma_start3A_345 = arith.constant 0 : i32
      %dma_start3A_346 = arith.constant 0 : i32
      %dma_start3A_347 = tpu.memref_slice %arg7[%dma_start3A_345, %dma_start3A_346] : memref<10112x128xf32, #tpu.memory_space<vmem_shared>> -> memref<10112x128xf32, #tpu.memory_space<vmem_shared>>
      tpu.enqueue_indirect_dma source(%arg12 : memref<64x128xf32, #tpu.memory_space<vmem>>) target(%dma_start3A_347 : memref<10112x128xf32, #tpu.memory_space<vmem_shared>>) offsets(%dma_start3A_344 : memref<64xi32, #tpu.memory_space<vmem>>) semaphore(%arg20 : memref<!tpu.dma_semaphore, #tpu.memory_space<semaphore_mem>>) {add = true}
      %dma_wait3A_348 = arith.constant 11 : i32
      %dma_wait3A_349 = arith.constant 0 : i32
      %dma_wait3A_350 = tpu.memref_slice %arg8[%dma_wait3A_348, %dma_wait3A_349] : memref<16x64xi32, #tpu.memory_space<vmem>> -> memref<1x64xi32, #tpu.memory_space<vmem>>
      %dma_wait3A_351 = tpu.memref_squeeze %dma_wait3A_350 : memref<1x64xi32, #tpu.memory_space<vmem>> -> memref<64xi32, #tpu.memory_space<vmem>>
      %dma_wait3A_352 = arith.constant 0 : i32
      %dma_wait3A_353 = arith.constant 0 : i32
      %dma_wait3A_354 = tpu.memref_slice %arg2[%dma_wait3A_352, %dma_wait3A_353] : memref<10000x128xf32, #tpu.memory_space<hbm>> -> memref<10000x128xf32, #tpu.memory_space<hbm>>
      tpu.wait_indirect_dma semaphore(%arg17 : memref<!tpu.dma_semaphore, #tpu.memory_space<semaphore_mem>>) src(%dma_wait3A_354 : memref<10000x128xf32, #tpu.memory_space<hbm>>) dst(%arg13 : memref<64x128xf32, #tpu.memory_space<vmem>>)
      %dma_wait3A_355 = arith.constant 10 : i32
      %dma_wait3A_356 = arith.constant 0 : i32
      %dma_wait3A_357 = tpu.memref_slice %arg9[%dma_wait3A_355, %dma_wait3A_356] : memref<16x64xi32, #tpu.memory_space<vmem>> -> memref<1x64xi32, #tpu.memory_space<vmem>>
      %dma_wait3A_358 = tpu.memref_squeeze %dma_wait3A_357 : memref<1x64xi32, #tpu.memory_space<vmem>> -> memref<64xi32, #tpu.memory_space<vmem>>
      %dma_wait3A_359 = arith.constant 0 : i32
      %dma_wait3A_360 = arith.constant 0 : i32
      %dma_wait3A_361 = tpu.memref_slice %arg7[%dma_wait3A_359, %dma_wait3A_360] : memref<10112x128xf32, #tpu.memory_space<vmem_shared>> -> memref<10112x128xf32, #tpu.memory_space<vmem_shared>>
      tpu.wait_indirect_dma semaphore(%arg20 : memref<!tpu.dma_semaphore, #tpu.memory_space<semaphore_mem>>) src(%arg12 : memref<64x128xf32, #tpu.memory_space<vmem>>) dst(%dma_wait3A_361 : memref<10112x128xf32, #tpu.memory_space<vmem_shared>>)
      %dma_start3A_362 = arith.constant 14 : i32
      %dma_start3A_363 = arith.constant 0 : i32
      %dma_start3A_364 = tpu.memref_slice %arg8[%dma_start3A_362, %dma_start3A_363] : memref<16x64xi32, #tpu.memory_space<vmem>> -> memref<1x64xi32, #tpu.memory_space<vmem>>
      %dma_start3A_365 = tpu.memref_squeeze %dma_start3A_364 : memref<1x64xi32, #tpu.memory_space<vmem>> -> memref<64xi32, #tpu.memory_space<vmem>>
      %dma_start3A_366 = arith.constant 0 : i32
      %dma_start3A_367 = arith.constant 0 : i32
      %dma_start3A_368 = tpu.memref_slice %arg2[%dma_start3A_366, %dma_start3A_367] : memref<10000x128xf32, #tpu.memory_space<hbm>> -> memref<10000x128xf32, #tpu.memory_space<hbm>>
      tpu.enqueue_indirect_dma source(%dma_start3A_368 : memref<10000x128xf32, #tpu.memory_space<hbm>>) target(%arg12 : memref<64x128xf32, #tpu.memory_space<vmem>>) offsets(%dma_start3A_365 : memref<64xi32, #tpu.memory_space<vmem>>) semaphore(%arg16 : memref<!tpu.dma_semaphore, #tpu.memory_space<semaphore_mem>>)
      %dma_start3A_369 = arith.constant 11 : i32
      %dma_start3A_370 = arith.constant 0 : i32
      %dma_start3A_371 = tpu.memref_slice %arg9[%dma_start3A_369, %dma_start3A_370] : memref<16x64xi32, #tpu.memory_space<vmem>> -> memref<1x64xi32, #tpu.memory_space<vmem>>
      %dma_start3A_372 = tpu.memref_squeeze %dma_start3A_371 : memref<1x64xi32, #tpu.memory_space<vmem>> -> memref<64xi32, #tpu.memory_space<vmem>>
      %dma_start3A_373 = arith.constant 0 : i32
      %dma_start3A_374 = arith.constant 0 : i32
      %dma_start3A_375 = tpu.memref_slice %arg7[%dma_start3A_373, %dma_start3A_374] : memref<10112x128xf32, #tpu.memory_space<vmem_shared>> -> memref<10112x128xf32, #tpu.memory_space<vmem_shared>>
      tpu.enqueue_indirect_dma source(%arg13 : memref<64x128xf32, #tpu.memory_space<vmem>>) target(%dma_start3A_375 : memref<10112x128xf32, #tpu.memory_space<vmem_shared>>) offsets(%dma_start3A_372 : memref<64xi32, #tpu.memory_space<vmem>>) semaphore(%arg21 : memref<!tpu.dma_semaphore, #tpu.memory_space<semaphore_mem>>) {add = true}
      %dma_wait3A_376 = arith.constant 12 : i32
      %dma_wait3A_377 = arith.constant 0 : i32
      %dma_wait3A_378 = tpu.memref_slice %arg8[%dma_wait3A_376, %dma_wait3A_377] : memref<16x64xi32, #tpu.memory_space<vmem>> -> memref<1x64xi32, #tpu.memory_space<vmem>>
      %dma_wait3A_379 = tpu.memref_squeeze %dma_wait3A_378 : memref<1x64xi32, #tpu.memory_space<vmem>> -> memref<64xi32, #tpu.memory_space<vmem>>
      %dma_wait3A_380 = arith.constant 0 : i32
      %dma_wait3A_381 = arith.constant 0 : i32
      %dma_wait3A_382 = tpu.memref_slice %arg2[%dma_wait3A_380, %dma_wait3A_381] : memref<10000x128xf32, #tpu.memory_space<hbm>> -> memref<10000x128xf32, #tpu.memory_space<hbm>>
      tpu.wait_indirect_dma semaphore(%arg14 : memref<!tpu.dma_semaphore, #tpu.memory_space<semaphore_mem>>) src(%dma_wait3A_382 : memref<10000x128xf32, #tpu.memory_space<hbm>>) dst(%arg10 : memref<64x128xf32, #tpu.memory_space<vmem>>)
      %dma_wait3A_383 = arith.constant 11 : i32
      %dma_wait3A_384 = arith.constant 0 : i32
      %dma_wait3A_385 = tpu.memref_slice %arg9[%dma_wait3A_383, %dma_wait3A_384] : memref<16x64xi32, #tpu.memory_space<vmem>> -> memref<1x64xi32, #tpu.memory_space<vmem>>
      %dma_wait3A_386 = tpu.memref_squeeze %dma_wait3A_385 : memref<1x64xi32, #tpu.memory_space<vmem>> -> memref<64xi32, #tpu.memory_space<vmem>>
      %dma_wait3A_387 = arith.constant 0 : i32
      %dma_wait3A_388 = arith.constant 0 : i32
      %dma_wait3A_389 = tpu.memref_slice %arg7[%dma_wait3A_387, %dma_wait3A_388] : memref<10112x128xf32, #tpu.memory_space<vmem_shared>> -> memref<10112x128xf32, #tpu.memory_space<vmem_shared>>
      tpu.wait_indirect_dma semaphore(%arg21 : memref<!tpu.dma_semaphore, #tpu.memory_space<semaphore_mem>>) src(%arg13 : memref<64x128xf32, #tpu.memory_space<vmem>>) dst(%dma_wait3A_389 : memref<10112x128xf32, #tpu.memory_space<vmem_shared>>)
      %dma_start3A_390 = arith.constant 15 : i32
      %dma_start3A_391 = arith.constant 0 : i32
      %dma_start3A_392 = tpu.memref_slice %arg8[%dma_start3A_390, %dma_start3A_391] : memref<16x64xi32, #tpu.memory_space<vmem>> -> memref<1x64xi32, #tpu.memory_space<vmem>>
      %dma_start3A_393 = tpu.memref_squeeze %dma_start3A_392 : memref<1x64xi32, #tpu.memory_space<vmem>> -> memref<64xi32, #tpu.memory_space<vmem>>
      %dma_start3A_394 = arith.constant 0 : i32
      %dma_start3A_395 = arith.constant 0 : i32
      %dma_start3A_396 = tpu.memref_slice %arg2[%dma_start3A_394, %dma_start3A_395] : memref<10000x128xf32, #tpu.memory_space<hbm>> -> memref<10000x128xf32, #tpu.memory_space<hbm>>
      tpu.enqueue_indirect_dma source(%dma_start3A_396 : memref<10000x128xf32, #tpu.memory_space<hbm>>) target(%arg13 : memref<64x128xf32, #tpu.memory_space<vmem>>) offsets(%dma_start3A_393 : memref<64xi32, #tpu.memory_space<vmem>>) semaphore(%arg17 : memref<!tpu.dma_semaphore, #tpu.memory_space<semaphore_mem>>)
      %dma_start3A_397 = arith.constant 12 : i32
      %dma_start3A_398 = arith.constant 0 : i32
      %dma_start3A_399 = tpu.memref_slice %arg9[%dma_start3A_397, %dma_start3A_398] : memref<16x64xi32, #tpu.memory_space<vmem>> -> memref<1x64xi32, #tpu.memory_space<vmem>>
      %dma_start3A_400 = tpu.memref_squeeze %dma_start3A_399 : memref<1x64xi32, #tpu.memory_space<vmem>> -> memref<64xi32, #tpu.memory_space<vmem>>
      %dma_start3A_401 = arith.constant 0 : i32
      %dma_start3A_402 = arith.constant 0 : i32
      %dma_start3A_403 = tpu.memref_slice %arg7[%dma_start3A_401, %dma_start3A_402] : memref<10112x128xf32, #tpu.memory_space<vmem_shared>> -> memref<10112x128xf32, #tpu.memory_space<vmem_shared>>
      tpu.enqueue_indirect_dma source(%arg10 : memref<64x128xf32, #tpu.memory_space<vmem>>) target(%dma_start3A_403 : memref<10112x128xf32, #tpu.memory_space<vmem_shared>>) offsets(%dma_start3A_400 : memref<64xi32, #tpu.memory_space<vmem>>) semaphore(%arg18 : memref<!tpu.dma_semaphore, #tpu.memory_space<semaphore_mem>>) {add = true}
      %dma_wait3A_404 = arith.constant 13 : i32
      %dma_wait3A_405 = arith.constant 0 : i32
      %dma_wait3A_406 = tpu.memref_slice %arg8[%dma_wait3A_404, %dma_wait3A_405] : memref<16x64xi32, #tpu.memory_space<vmem>> -> memref<1x64xi32, #tpu.memory_space<vmem>>
      %dma_wait3A_407 = tpu.memref_squeeze %dma_wait3A_406 : memref<1x64xi32, #tpu.memory_space<vmem>> -> memref<64xi32, #tpu.memory_space<vmem>>
      %dma_wait3A_408 = arith.constant 0 : i32
      %dma_wait3A_409 = arith.constant 0 : i32
      %dma_wait3A_410 = tpu.memref_slice %arg2[%dma_wait3A_408, %dma_wait3A_409] : memref<10000x128xf32, #tpu.memory_space<hbm>> -> memref<10000x128xf32, #tpu.memory_space<hbm>>
      tpu.wait_indirect_dma semaphore(%arg15 : memref<!tpu.dma_semaphore, #tpu.memory_space<semaphore_mem>>) src(%dma_wait3A_410 : memref<10000x128xf32, #tpu.memory_space<hbm>>) dst(%arg11 : memref<64x128xf32, #tpu.memory_space<vmem>>)
      %dma_start3A_411 = arith.constant 13 : i32
      %dma_start3A_412 = arith.constant 0 : i32
      %dma_start3A_413 = tpu.memref_slice %arg9[%dma_start3A_411, %dma_start3A_412] : memref<16x64xi32, #tpu.memory_space<vmem>> -> memref<1x64xi32, #tpu.memory_space<vmem>>
      %dma_start3A_414 = tpu.memref_squeeze %dma_start3A_413 : memref<1x64xi32, #tpu.memory_space<vmem>> -> memref<64xi32, #tpu.memory_space<vmem>>
      %dma_start3A_415 = arith.constant 0 : i32
      %dma_start3A_416 = arith.constant 0 : i32
      %dma_start3A_417 = tpu.memref_slice %arg7[%dma_start3A_415, %dma_start3A_416] : memref<10112x128xf32, #tpu.memory_space<vmem_shared>> -> memref<10112x128xf32, #tpu.memory_space<vmem_shared>>
      tpu.enqueue_indirect_dma source(%arg11 : memref<64x128xf32, #tpu.memory_space<vmem>>) target(%dma_start3A_417 : memref<10112x128xf32, #tpu.memory_space<vmem_shared>>) offsets(%dma_start3A_414 : memref<64xi32, #tpu.memory_space<vmem>>) semaphore(%arg19 : memref<!tpu.dma_semaphore, #tpu.memory_space<semaphore_mem>>) {add = true}
      %dma_wait3A_418 = arith.constant 14 : i32
      %dma_wait3A_419 = arith.constant 0 : i32
      %dma_wait3A_420 = tpu.memref_slice %arg8[%dma_wait3A_418, %dma_wait3A_419] : memref<16x64xi32, #tpu.memory_space<vmem>> -> memref<1x64xi32, #tpu.memory_space<vmem>>
      %dma_wait3A_421 = tpu.memref_squeeze %dma_wait3A_420 : memref<1x64xi32, #tpu.memory_space<vmem>> -> memref<64xi32, #tpu.memory_space<vmem>>
      %dma_wait3A_422 = arith.constant 0 : i32
      %dma_wait3A_423 = arith.constant 0 : i32
      %dma_wait3A_424 = tpu.memref_slice %arg2[%dma_wait3A_422, %dma_wait3A_423] : memref<10000x128xf32, #tpu.memory_space<hbm>> -> memref<10000x128xf32, #tpu.memory_space<hbm>>
      tpu.wait_indirect_dma semaphore(%arg16 : memref<!tpu.dma_semaphore, #tpu.memory_space<semaphore_mem>>) src(%dma_wait3A_424 : memref<10000x128xf32, #tpu.memory_space<hbm>>) dst(%arg12 : memref<64x128xf32, #tpu.memory_space<vmem>>)
      %dma_start3A_425 = arith.constant 14 : i32
      %dma_start3A_426 = arith.constant 0 : i32
      %dma_start3A_427 = tpu.memref_slice %arg9[%dma_start3A_425, %dma_start3A_426] : memref<16x64xi32, #tpu.memory_space<vmem>> -> memref<1x64xi32, #tpu.memory_space<vmem>>
      %dma_start3A_428 = tpu.memref_squeeze %dma_start3A_427 : memref<1x64xi32, #tpu.memory_space<vmem>> -> memref<64xi32, #tpu.memory_space<vmem>>
      %dma_start3A_429 = arith.constant 0 : i32
      %dma_start3A_430 = arith.constant 0 : i32
      %dma_start3A_431 = tpu.memref_slice %arg7[%dma_start3A_429, %dma_start3A_430] : memref<10112x128xf32, #tpu.memory_space<vmem_shared>> -> memref<10112x128xf32, #tpu.memory_space<vmem_shared>>
      tpu.enqueue_indirect_dma source(%arg12 : memref<64x128xf32, #tpu.memory_space<vmem>>) target(%dma_start3A_431 : memref<10112x128xf32, #tpu.memory_space<vmem_shared>>) offsets(%dma_start3A_428 : memref<64xi32, #tpu.memory_space<vmem>>) semaphore(%arg20 : memref<!tpu.dma_semaphore, #tpu.memory_space<semaphore_mem>>) {add = true}
      %dma_wait3A_432 = arith.constant 15 : i32
      %dma_wait3A_433 = arith.constant 0 : i32
      %dma_wait3A_434 = tpu.memref_slice %arg8[%dma_wait3A_432, %dma_wait3A_433] : memref<16x64xi32, #tpu.memory_space<vmem>> -> memref<1x64xi32, #tpu.memory_space<vmem>>
      %dma_wait3A_435 = tpu.memref_squeeze %dma_wait3A_434 : memref<1x64xi32, #tpu.memory_space<vmem>> -> memref<64xi32, #tpu.memory_space<vmem>>
      %dma_wait3A_436 = arith.constant 0 : i32
      %dma_wait3A_437 = arith.constant 0 : i32
      %dma_wait3A_438 = tpu.memref_slice %arg2[%dma_wait3A_436, %dma_wait3A_437] : memref<10000x128xf32, #tpu.memory_space<hbm>> -> memref<10000x128xf32, #tpu.memory_space<hbm>>
      tpu.wait_indirect_dma semaphore(%arg17 : memref<!tpu.dma_semaphore, #tpu.memory_space<semaphore_mem>>) src(%dma_wait3A_438 : memref<10000x128xf32, #tpu.memory_space<hbm>>) dst(%arg13 : memref<64x128xf32, #tpu.memory_space<vmem>>)
      %dma_start3A_439 = arith.constant 15 : i32
      %dma_start3A_440 = arith.constant 0 : i32
      %dma_start3A_441 = tpu.memref_slice %arg9[%dma_start3A_439, %dma_start3A_440] : memref<16x64xi32, #tpu.memory_space<vmem>> -> memref<1x64xi32, #tpu.memory_space<vmem>>
      %dma_start3A_442 = tpu.memref_squeeze %dma_start3A_441 : memref<1x64xi32, #tpu.memory_space<vmem>> -> memref<64xi32, #tpu.memory_space<vmem>>
      %dma_start3A_443 = arith.constant 0 : i32
      %dma_start3A_444 = arith.constant 0 : i32
      %dma_start3A_445 = tpu.memref_slice %arg7[%dma_start3A_443, %dma_start3A_444] : memref<10112x128xf32, #tpu.memory_space<vmem_shared>> -> memref<10112x128xf32, #tpu.memory_space<vmem_shared>>
      tpu.enqueue_indirect_dma source(%arg13 : memref<64x128xf32, #tpu.memory_space<vmem>>) target(%dma_start3A_445 : memref<10112x128xf32, #tpu.memory_space<vmem_shared>>) offsets(%dma_start3A_442 : memref<64xi32, #tpu.memory_space<vmem>>) semaphore(%arg21 : memref<!tpu.dma_semaphore, #tpu.memory_space<semaphore_mem>>) {add = true}
      %dma_wait3A_446 = arith.constant 12 : i32
      %dma_wait3A_447 = arith.constant 0 : i32
      %dma_wait3A_448 = tpu.memref_slice %arg9[%dma_wait3A_446, %dma_wait3A_447] : memref<16x64xi32, #tpu.memory_space<vmem>> -> memref<1x64xi32, #tpu.memory_space<vmem>>
      %dma_wait3A_449 = tpu.memref_squeeze %dma_wait3A_448 : memref<1x64xi32, #tpu.memory_space<vmem>> -> memref<64xi32, #tpu.memory_space<vmem>>
      %dma_wait3A_450 = arith.constant 0 : i32
      %dma_wait3A_451 = arith.constant 0 : i32
      %dma_wait3A_452 = tpu.memref_slice %arg7[%dma_wait3A_450, %dma_wait3A_451] : memref<10112x128xf32, #tpu.memory_space<vmem_shared>> -> memref<10112x128xf32, #tpu.memory_space<vmem_shared>>
      tpu.wait_indirect_dma semaphore(%arg18 : memref<!tpu.dma_semaphore, #tpu.memory_space<semaphore_mem>>) src(%arg10 : memref<64x128xf32, #tpu.memory_space<vmem>>) dst(%dma_wait3A_452 : memref<10112x128xf32, #tpu.memory_space<vmem_shared>>)
      %dma_wait3A_453 = arith.constant 13 : i32
      %dma_wait3A_454 = arith.constant 0 : i32
      %dma_wait3A_455 = tpu.memref_slice %arg9[%dma_wait3A_453, %dma_wait3A_454] : memref<16x64xi32, #tpu.memory_space<vmem>> -> memref<1x64xi32, #tpu.memory_space<vmem>>
      %dma_wait3A_456 = tpu.memref_squeeze %dma_wait3A_455 : memref<1x64xi32, #tpu.memory_space<vmem>> -> memref<64xi32, #tpu.memory_space<vmem>>
      %dma_wait3A_457 = arith.constant 0 : i32
      %dma_wait3A_458 = arith.constant 0 : i32
      %dma_wait3A_459 = tpu.memref_slice %arg7[%dma_wait3A_457, %dma_wait3A_458] : memref<10112x128xf32, #tpu.memory_space<vmem_shared>> -> memref<10112x128xf32, #tpu.memory_space<vmem_shared>>
      tpu.wait_indirect_dma semaphore(%arg19 : memref<!tpu.dma_semaphore, #tpu.memory_space<semaphore_mem>>) src(%arg11 : memref<64x128xf32, #tpu.memory_space<vmem>>) dst(%dma_wait3A_459 : memref<10112x128xf32, #tpu.memory_space<vmem_shared>>)
      %dma_wait3A_460 = arith.constant 14 : i32
      %dma_wait3A_461 = arith.constant 0 : i32
      %dma_wait3A_462 = tpu.memref_slice %arg9[%dma_wait3A_460, %dma_wait3A_461] : memref<16x64xi32, #tpu.memory_space<vmem>> -> memref<1x64xi32, #tpu.memory_space<vmem>>
      %dma_wait3A_463 = tpu.memref_squeeze %dma_wait3A_462 : memref<1x64xi32, #tpu.memory_space<vmem>> -> memref<64xi32, #tpu.memory_space<vmem>>
      %dma_wait3A_464 = arith.constant 0 : i32
      %dma_wait3A_465 = arith.constant 0 : i32
      %dma_wait3A_466 = tpu.memref_slice %arg7[%dma_wait3A_464, %dma_wait3A_465] : memref<10112x128xf32, #tpu.memory_space<vmem_shared>> -> memref<10112x128xf32, #tpu.memory_space<vmem_shared>>
      tpu.wait_indirect_dma semaphore(%arg20 : memref<!tpu.dma_semaphore, #tpu.memory_space<semaphore_mem>>) src(%arg12 : memref<64x128xf32, #tpu.memory_space<vmem>>) dst(%dma_wait3A_466 : memref<10112x128xf32, #tpu.memory_space<vmem_shared>>)
      %dma_wait3A_467 = arith.constant 15 : i32
      %dma_wait3A_468 = arith.constant 0 : i32
      %dma_wait3A_469 = tpu.memref_slice %arg9[%dma_wait3A_467, %dma_wait3A_468] : memref<16x64xi32, #tpu.memory_space<vmem>> -> memref<1x64xi32, #tpu.memory_space<vmem>>
      %dma_wait3A_470 = tpu.memref_squeeze %dma_wait3A_469 : memref<1x64xi32, #tpu.memory_space<vmem>> -> memref<64xi32, #tpu.memory_space<vmem>>
      %dma_wait3A_471 = arith.constant 0 : i32
      %dma_wait3A_472 = arith.constant 0 : i32
      %dma_wait3A_473 = tpu.memref_slice %arg7[%dma_wait3A_471, %dma_wait3A_472] : memref<10112x128xf32, #tpu.memory_space<vmem_shared>> -> memref<10112x128xf32, #tpu.memory_space<vmem_shared>>
      tpu.wait_indirect_dma semaphore(%arg21 : memref<!tpu.dma_semaphore, #tpu.memory_space<semaphore_mem>>) src(%arg13 : memref<64x128xf32, #tpu.memory_space<vmem>>) dst(%dma_wait3A_473 : memref<10112x128xf32, #tpu.memory_space<vmem_shared>>)
    }
    %while3A_19 = arith.constant 1 : i32
    scf.for %while3A_21 = %while3A_17 to %while3A_13 step %while3A_19  : i32 {
      %mul3A_22 = arith.constant 16 : i32
      %mul3A_23 = arith.muli %while3A_21, %mul3A_22 : i32
      %add3A_24 = arith.addi %select_n3A, %mul3A_23 : i32
      "tpu.region"() ({
        %run_scoped3A = tpu.sem_alloc : memref<!tpu.dma_semaphore, #tpu.memory_space<semaphore_mem>>
        %dma_start3A_474 = arith.constant 0 : i32
        %dma_start3A_475 = tpu.memref_slice %arg3[%add3A_24, %dma_start3A_474] : memref<5120x64xi32, #tpu.memory_space<hbm>> -> memref<16x64xi32, #tpu.memory_space<hbm>>
        %dma_start3A_476 = arith.constant 0 : i32
        %dma_start3A_477 = tpu.memref_slice %arg3[%add3A_24, %dma_start3A_476] : memref<5120x64xi32, #tpu.memory_space<hbm>> -> memref<16x64xi32, #tpu.memory_space<hbm>>
        tpu.enqueue_dma source(%dma_start3A_477 : memref<16x64xi32, #tpu.memory_space<hbm>>) target(%arg8 : memref<16x64xi32, #tpu.memory_space<vmem>>) target_semaphore(%run_scoped3A : memref<!tpu.dma_semaphore, #tpu.memory_space<semaphore_mem>>)
        %dma_wait3A_478 = arith.constant 0 : i32
        %dma_wait3A_479 = tpu.memref_slice %arg3[%add3A_24, %dma_wait3A_478] : memref<5120x64xi32, #tpu.memory_space<hbm>> -> memref<16x64xi32, #tpu.memory_space<hbm>>
        %dma_wait3A_480 = arith.constant 0 : i32
        %dma_wait3A_481 = tpu.memref_slice %arg3[%add3A_24, %dma_wait3A_480] : memref<5120x64xi32, #tpu.memory_space<hbm>> -> memref<16x64xi32, #tpu.memory_space<hbm>>
        tpu.wait_dma2 semaphore(%run_scoped3A : memref<!tpu.dma_semaphore, #tpu.memory_space<semaphore_mem>>) src(%dma_wait3A_481 : memref<16x64xi32, #tpu.memory_space<hbm>>) dst(%arg8 : memref<16x64xi32, #tpu.memory_space<vmem>>)
        tpu.yield
      }) : () -> ()
      %mul3A_25 = arith.constant 16 : i32
      %mul3A_26 = arith.muli %while3A_21, %mul3A_25 : i32
      %add3A_27 = arith.addi %select_n3A, %mul3A_26 : i32
      "tpu.region"() ({
        %run_scoped3A = tpu.sem_alloc : memref<!tpu.dma_semaphore, #tpu.memory_space<semaphore_mem>>
        %dma_start3A_474 = arith.constant 0 : i32
        %dma_start3A_475 = tpu.memref_slice %arg4[%add3A_27, %dma_start3A_474] : memref<5120x64xi32, #tpu.memory_space<hbm>> -> memref<16x64xi32, #tpu.memory_space<hbm>>
        %dma_start3A_476 = arith.constant 0 : i32
        %dma_start3A_477 = tpu.memref_slice %arg4[%add3A_27, %dma_start3A_476] : memref<5120x64xi32, #tpu.memory_space<hbm>> -> memref<16x64xi32, #tpu.memory_space<hbm>>
        tpu.enqueue_dma source(%dma_start3A_477 : memref<16x64xi32, #tpu.memory_space<hbm>>) target(%arg9 : memref<16x64xi32, #tpu.memory_space<vmem>>) target_semaphore(%run_scoped3A : memref<!tpu.dma_semaphore, #tpu.memory_space<semaphore_mem>>)
        %dma_wait3A_478 = arith.constant 0 : i32
        %dma_wait3A_479 = tpu.memref_slice %arg4[%add3A_27, %dma_wait3A_478] : memref<5120x64xi32, #tpu.memory_space<hbm>> -> memref<16x64xi32, #tpu.memory_space<hbm>>
        %dma_wait3A_480 = arith.constant 0 : i32
        %dma_wait3A_481 = tpu.memref_slice %arg4[%add3A_27, %dma_wait3A_480] : memref<5120x64xi32, #tpu.memory_space<hbm>> -> memref<16x64xi32, #tpu.memory_space<hbm>>
        tpu.wait_dma2 semaphore(%run_scoped3A : memref<!tpu.dma_semaphore, #tpu.memory_space<semaphore_mem>>) src(%dma_wait3A_481 : memref<16x64xi32, #tpu.memory_space<hbm>>) dst(%arg9 : memref<16x64xi32, #tpu.memory_space<vmem>>)
        tpu.yield
      }) : () -> ()
      %dma_start3A = arith.constant 0 : i32
      %dma_start3A_28 = arith.constant 0 : i32
      %dma_start3A_29 = tpu.memref_slice %arg8[%dma_start3A, %dma_start3A_28] : memref<16x64xi32, #tpu.memory_space<vmem>> -> memref<1x64xi32, #tpu.memory_space<vmem>>
      %dma_start3A_30 = tpu.memref_squeeze %dma_start3A_29 : memref<1x64xi32, #tpu.memory_space<vmem>> -> memref<64xi32, #tpu.memory_space<vmem>>
      %dma_start3A_31 = arith.constant 0 : i32
      %dma_start3A_32 = arith.constant 0 : i32
      %dma_start3A_33 = tpu.memref_slice %arg2[%dma_start3A_31, %dma_start3A_32] : memref<10000x128xf32, #tpu.memory_space<hbm>> -> memref<10000x128xf32, #tpu.memory_space<hbm>>
      tpu.enqueue_indirect_dma source(%dma_start3A_33 : memref<10000x128xf32, #tpu.memory_space<hbm>>) target(%arg10 : memref<64x128xf32, #tpu.memory_space<vmem>>) offsets(%dma_start3A_30 : memref<64xi32, #tpu.memory_space<vmem>>) semaphore(%arg14 : memref<!tpu.dma_semaphore, #tpu.memory_space<semaphore_mem>>)
      %dma_start3A_34 = arith.constant 1 : i32
      %dma_start3A_35 = arith.constant 0 : i32
      %dma_start3A_36 = tpu.memref_slice %arg8[%dma_start3A_34, %dma_start3A_35] : memref<16x64xi32, #tpu.memory_space<vmem>> -> memref<1x64xi32, #tpu.memory_space<vmem>>
      %dma_start3A_37 = tpu.memref_squeeze %dma_start3A_36 : memref<1x64xi32, #tpu.memory_space<vmem>> -> memref<64xi32, #tpu.memory_space<vmem>>
      %dma_start3A_38 = arith.constant 0 : i32
      %dma_start3A_39 = arith.constant 0 : i32
      %dma_start3A_40 = tpu.memref_slice %arg2[%dma_start3A_38, %dma_start3A_39] : memref<10000x128xf32, #tpu.memory_space<hbm>> -> memref<10000x128xf32, #tpu.memory_space<hbm>>
      tpu.enqueue_indirect_dma source(%dma_start3A_40 : memref<10000x128xf32, #tpu.memory_space<hbm>>) target(%arg11 : memref<64x128xf32, #tpu.memory_space<vmem>>) offsets(%dma_start3A_37 : memref<64xi32, #tpu.memory_space<vmem>>) semaphore(%arg15 : memref<!tpu.dma_semaphore, #tpu.memory_space<semaphore_mem>>)
      %dma_start3A_41 = arith.constant 2 : i32
      %dma_start3A_42 = arith.constant 0 : i32
      %dma_start3A_43 = tpu.memref_slice %arg8[%dma_start3A_41, %dma_start3A_42] : memref<16x64xi32, #tpu.memory_space<vmem>> -> memref<1x64xi32, #tpu.memory_space<vmem>>
      %dma_start3A_44 = tpu.memref_squeeze %dma_start3A_43 : memref<1x64xi32, #tpu.memory_space<vmem>> -> memref<64xi32, #tpu.memory_space<vmem>>
      %dma_start3A_45 = arith.constant 0 : i32
      %dma_start3A_46 = arith.constant 0 : i32
      %dma_start3A_47 = tpu.memref_slice %arg2[%dma_start3A_45, %dma_start3A_46] : memref<10000x128xf32, #tpu.memory_space<hbm>> -> memref<10000x128xf32, #tpu.memory_space<hbm>>
      tpu.enqueue_indirect_dma source(%dma_start3A_47 : memref<10000x128xf32, #tpu.memory_space<hbm>>) target(%arg12 : memref<64x128xf32, #tpu.memory_space<vmem>>) offsets(%dma_start3A_44 : memref<64xi32, #tpu.memory_space<vmem>>) semaphore(%arg16 : memref<!tpu.dma_semaphore, #tpu.memory_space<semaphore_mem>>)
      %dma_wait3A = arith.constant 0 : i32
      %dma_wait3A_48 = arith.constant 0 : i32
      %dma_wait3A_49 = tpu.memref_slice %arg8[%dma_wait3A, %dma_wait3A_48] : memref<16x64xi32, #tpu.memory_space<vmem>> -> memref<1x64xi32, #tpu.memory_space<vmem>>
      %dma_wait3A_50 = tpu.memref_squeeze %dma_wait3A_49 : memref<1x64xi32, #tpu.memory_space<vmem>> -> memref<64xi32, #tpu.memory_space<vmem>>
      %dma_wait3A_51 = arith.constant 0 : i32
      %dma_wait3A_52 = arith.constant 0 : i32
      %dma_wait3A_53 = tpu.memref_slice %arg2[%dma_wait3A_51, %dma_wait3A_52] : memref<10000x128xf32, #tpu.memory_space<hbm>> -> memref<10000x128xf32, #tpu.memory_space<hbm>>
      tpu.wait_indirect_dma semaphore(%arg14 : memref<!tpu.dma_semaphore, #tpu.memory_space<semaphore_mem>>) src(%dma_wait3A_53 : memref<10000x128xf32, #tpu.memory_space<hbm>>) dst(%arg10 : memref<64x128xf32, #tpu.memory_space<vmem>>)
      %dma_start3A_54 = arith.constant 3 : i32
      %dma_start3A_55 = arith.constant 0 : i32
      %dma_start3A_56 = tpu.memref_slice %arg8[%dma_start3A_54, %dma_start3A_55] : memref<16x64xi32, #tpu.memory_space<vmem>> -> memref<1x64xi32, #tpu.memory_space<vmem>>
      %dma_start3A_57 = tpu.memref_squeeze %dma_start3A_56 : memref<1x64xi32, #tpu.memory_space<vmem>> -> memref<64xi32, #tpu.memory_space<vmem>>
      %dma_start3A_58 = arith.constant 0 : i32
      %dma_start3A_59 = arith.constant 0 : i32
      %dma_start3A_60 = tpu.memref_slice %arg2[%dma_start3A_58, %dma_start3A_59] : memref<10000x128xf32, #tpu.memory_space<hbm>> -> memref<10000x128xf32, #tpu.memory_space<hbm>>
      tpu.enqueue_indirect_dma source(%dma_start3A_60 : memref<10000x128xf32, #tpu.memory_space<hbm>>) target(%arg13 : memref<64x128xf32, #tpu.memory_space<vmem>>) offsets(%dma_start3A_57 : memref<64xi32, #tpu.memory_space<vmem>>) semaphore(%arg17 : memref<!tpu.dma_semaphore, #tpu.memory_space<semaphore_mem>>)
      %dma_start3A_61 = arith.constant 0 : i32
      %dma_start3A_62 = arith.constant 0 : i32
      %dma_start3A_63 = tpu.memref_slice %arg9[%dma_start3A_61, %dma_start3A_62] : memref<16x64xi32, #tpu.memory_space<vmem>> -> memref<1x64xi32, #tpu.memory_space<vmem>>
      %dma_start3A_64 = tpu.memref_squeeze %dma_start3A_63 : memref<1x64xi32, #tpu.memory_space<vmem>> -> memref<64xi32, #tpu.memory_space<vmem>>
      %dma_start3A_65 = arith.constant 0 : i32
      %dma_start3A_66 = arith.constant 0 : i32
      %dma_start3A_67 = tpu.memref_slice %arg7[%dma_start3A_65, %dma_start3A_66] : memref<10112x128xf32, #tpu.memory_space<vmem_shared>> -> memref<10112x128xf32, #tpu.memory_space<vmem_shared>>
      tpu.enqueue_indirect_dma source(%arg10 : memref<64x128xf32, #tpu.memory_space<vmem>>) target(%dma_start3A_67 : memref<10112x128xf32, #tpu.memory_space<vmem_shared>>) offsets(%dma_start3A_64 : memref<64xi32, #tpu.memory_space<vmem>>) semaphore(%arg18 : memref<!tpu.dma_semaphore, #tpu.memory_space<semaphore_mem>>) {add = true}
      %dma_wait3A_68 = arith.constant 1 : i32
      %dma_wait3A_69 = arith.constant 0 : i32
      %dma_wait3A_70 = tpu.memref_slice %arg8[%dma_wait3A_68, %dma_wait3A_69] : memref<16x64xi32, #tpu.memory_space<vmem>> -> memref<1x64xi32, #tpu.memory_space<vmem>>
      %dma_wait3A_71 = tpu.memref_squeeze %dma_wait3A_70 : memref<1x64xi32, #tpu.memory_space<vmem>> -> memref<64xi32, #tpu.memory_space<vmem>>
      %dma_wait3A_72 = arith.constant 0 : i32
      %dma_wait3A_73 = arith.constant 0 : i32
      %dma_wait3A_74 = tpu.memref_slice %arg2[%dma_wait3A_72, %dma_wait3A_73] : memref<10000x128xf32, #tpu.memory_space<hbm>> -> memref<10000x128xf32, #tpu.memory_space<hbm>>
      tpu.wait_indirect_dma semaphore(%arg15 : memref<!tpu.dma_semaphore, #tpu.memory_space<semaphore_mem>>) src(%dma_wait3A_74 : memref<10000x128xf32, #tpu.memory_space<hbm>>) dst(%arg11 : memref<64x128xf32, #tpu.memory_space<vmem>>)
      %dma_wait3A_75 = arith.constant 0 : i32
      %dma_wait3A_76 = arith.constant 0 : i32
      %dma_wait3A_77 = tpu.memref_slice %arg9[%dma_wait3A_75, %dma_wait3A_76] : memref<16x64xi32, #tpu.memory_space<vmem>> -> memref<1x64xi32, #tpu.memory_space<vmem>>
      %dma_wait3A_78 = tpu.memref_squeeze %dma_wait3A_77 : memref<1x64xi32, #tpu.memory_space<vmem>> -> memref<64xi32, #tpu.memory_space<vmem>>
      %dma_wait3A_79 = arith.constant 0 : i32
      %dma_wait3A_80 = arith.constant 0 : i32
      %dma_wait3A_81 = tpu.memref_slice %arg7[%dma_wait3A_79, %dma_wait3A_80] : memref<10112x128xf32, #tpu.memory_space<vmem_shared>> -> memref<10112x128xf32, #tpu.memory_space<vmem_shared>>
      tpu.wait_indirect_dma semaphore(%arg18 : memref<!tpu.dma_semaphore, #tpu.memory_space<semaphore_mem>>) src(%arg10 : memref<64x128xf32, #tpu.memory_space<vmem>>) dst(%dma_wait3A_81 : memref<10112x128xf32, #tpu.memory_space<vmem_shared>>)
      %dma_start3A_82 = arith.constant 4 : i32
      %dma_start3A_83 = arith.constant 0 : i32
      %dma_start3A_84 = tpu.memref_slice %arg8[%dma_start3A_82, %dma_start3A_83] : memref<16x64xi32, #tpu.memory_space<vmem>> -> memref<1x64xi32, #tpu.memory_space<vmem>>
      %dma_start3A_85 = tpu.memref_squeeze %dma_start3A_84 : memref<1x64xi32, #tpu.memory_space<vmem>> -> memref<64xi32, #tpu.memory_space<vmem>>
      %dma_start3A_86 = arith.constant 0 : i32
      %dma_start3A_87 = arith.constant 0 : i32
      %dma_start3A_88 = tpu.memref_slice %arg2[%dma_start3A_86, %dma_start3A_87] : memref<10000x128xf32, #tpu.memory_space<hbm>> -> memref<10000x128xf32, #tpu.memory_space<hbm>>
      tpu.enqueue_indirect_dma source(%dma_start3A_88 : memref<10000x128xf32, #tpu.memory_space<hbm>>) target(%arg10 : memref<64x128xf32, #tpu.memory_space<vmem>>) offsets(%dma_start3A_85 : memref<64xi32, #tpu.memory_space<vmem>>) semaphore(%arg14 : memref<!tpu.dma_semaphore, #tpu.memory_space<semaphore_mem>>)
      %dma_start3A_89 = arith.constant 1 : i32
      %dma_start3A_90 = arith.constant 0 : i32
      %dma_start3A_91 = tpu.memref_slice %arg9[%dma_start3A_89, %dma_start3A_90] : memref<16x64xi32, #tpu.memory_space<vmem>> -> memref<1x64xi32, #tpu.memory_space<vmem>>
      %dma_start3A_92 = tpu.memref_squeeze %dma_start3A_91 : memref<1x64xi32, #tpu.memory_space<vmem>> -> memref<64xi32, #tpu.memory_space<vmem>>
      %dma_start3A_93 = arith.constant 0 : i32
      %dma_start3A_94 = arith.constant 0 : i32
      %dma_start3A_95 = tpu.memref_slice %arg7[%dma_start3A_93, %dma_start3A_94] : memref<10112x128xf32, #tpu.memory_space<vmem_shared>> -> memref<10112x128xf32, #tpu.memory_space<vmem_shared>>
      tpu.enqueue_indirect_dma source(%arg11 : memref<64x128xf32, #tpu.memory_space<vmem>>) target(%dma_start3A_95 : memref<10112x128xf32, #tpu.memory_space<vmem_shared>>) offsets(%dma_start3A_92 : memref<64xi32, #tpu.memory_space<vmem>>) semaphore(%arg19 : memref<!tpu.dma_semaphore, #tpu.memory_space<semaphore_mem>>) {add = true}
      %dma_wait3A_96 = arith.constant 2 : i32
      %dma_wait3A_97 = arith.constant 0 : i32
      %dma_wait3A_98 = tpu.memref_slice %arg8[%dma_wait3A_96, %dma_wait3A_97] : memref<16x64xi32, #tpu.memory_space<vmem>> -> memref<1x64xi32, #tpu.memory_space<vmem>>
      %dma_wait3A_99 = tpu.memref_squeeze %dma_wait3A_98 : memref<1x64xi32, #tpu.memory_space<vmem>> -> memref<64xi32, #tpu.memory_space<vmem>>
      %dma_wait3A_100 = arith.constant 0 : i32
      %dma_wait3A_101 = arith.constant 0 : i32
      %dma_wait3A_102 = tpu.memref_slice %arg2[%dma_wait3A_100, %dma_wait3A_101] : memref<10000x128xf32, #tpu.memory_space<hbm>> -> memref<10000x128xf32, #tpu.memory_space<hbm>>
      tpu.wait_indirect_dma semaphore(%arg16 : memref<!tpu.dma_semaphore, #tpu.memory_space<semaphore_mem>>) src(%dma_wait3A_102 : memref<10000x128xf32, #tpu.memory_space<hbm>>) dst(%arg12 : memref<64x128xf32, #tpu.memory_space<vmem>>)
      %dma_wait3A_103 = arith.constant 1 : i32
      %dma_wait3A_104 = arith.constant 0 : i32
      %dma_wait3A_105 = tpu.memref_slice %arg9[%dma_wait3A_103, %dma_wait3A_104] : memref<16x64xi32, #tpu.memory_space<vmem>> -> memref<1x64xi32, #tpu.memory_space<vmem>>
      %dma_wait3A_106 = tpu.memref_squeeze %dma_wait3A_105 : memref<1x64xi32, #tpu.memory_space<vmem>> -> memref<64xi32, #tpu.memory_space<vmem>>
      %dma_wait3A_107 = arith.constant 0 : i32
      %dma_wait3A_108 = arith.constant 0 : i32
      %dma_wait3A_109 = tpu.memref_slice %arg7[%dma_wait3A_107, %dma_wait3A_108] : memref<10112x128xf32, #tpu.memory_space<vmem_shared>> -> memref<10112x128xf32, #tpu.memory_space<vmem_shared>>
      tpu.wait_indirect_dma semaphore(%arg19 : memref<!tpu.dma_semaphore, #tpu.memory_space<semaphore_mem>>) src(%arg11 : memref<64x128xf32, #tpu.memory_space<vmem>>) dst(%dma_wait3A_109 : memref<10112x128xf32, #tpu.memory_space<vmem_shared>>)
      %dma_start3A_110 = arith.constant 5 : i32
      %dma_start3A_111 = arith.constant 0 : i32
      %dma_start3A_112 = tpu.memref_slice %arg8[%dma_start3A_110, %dma_start3A_111] : memref<16x64xi32, #tpu.memory_space<vmem>> -> memref<1x64xi32, #tpu.memory_space<vmem>>
      %dma_start3A_113 = tpu.memref_squeeze %dma_start3A_112 : memref<1x64xi32, #tpu.memory_space<vmem>> -> memref<64xi32, #tpu.memory_space<vmem>>
      %dma_start3A_114 = arith.constant 0 : i32
      %dma_start3A_115 = arith.constant 0 : i32
      %dma_start3A_116 = tpu.memref_slice %arg2[%dma_start3A_114, %dma_start3A_115] : memref<10000x128xf32, #tpu.memory_space<hbm>> -> memref<10000x128xf32, #tpu.memory_space<hbm>>
      tpu.enqueue_indirect_dma source(%dma_start3A_116 : memref<10000x128xf32, #tpu.memory_space<hbm>>) target(%arg11 : memref<64x128xf32, #tpu.memory_space<vmem>>) offsets(%dma_start3A_113 : memref<64xi32, #tpu.memory_space<vmem>>) semaphore(%arg15 : memref<!tpu.dma_semaphore, #tpu.memory_space<semaphore_mem>>)
      %dma_start3A_117 = arith.constant 2 : i32
      %dma_start3A_118 = arith.constant 0 : i32
      %dma_start3A_119 = tpu.memref_slice %arg9[%dma_start3A_117, %dma_start3A_118] : memref<16x64xi32, #tpu.memory_space<vmem>> -> memref<1x64xi32, #tpu.memory_space<vmem>>
      %dma_start3A_120 = tpu.memref_squeeze %dma_start3A_119 : memref<1x64xi32, #tpu.memory_space<vmem>> -> memref<64xi32, #tpu.memory_space<vmem>>
      %dma_start3A_121 = arith.constant 0 : i32
      %dma_start3A_122 = arith.constant 0 : i32
      %dma_start3A_123 = tpu.memref_slice %arg7[%dma_start3A_121, %dma_start3A_122] : memref<10112x128xf32, #tpu.memory_space<vmem_shared>> -> memref<10112x128xf32, #tpu.memory_space<vmem_shared>>
      tpu.enqueue_indirect_dma source(%arg12 : memref<64x128xf32, #tpu.memory_space<vmem>>) target(%dma_start3A_123 : memref<10112x128xf32, #tpu.memory_space<vmem_shared>>) offsets(%dma_start3A_120 : memref<64xi32, #tpu.memory_space<vmem>>) semaphore(%arg20 : memref<!tpu.dma_semaphore, #tpu.memory_space<semaphore_mem>>) {add = true}
      %dma_wait3A_124 = arith.constant 3 : i32
      %dma_wait3A_125 = arith.constant 0 : i32
      %dma_wait3A_126 = tpu.memref_slice %arg8[%dma_wait3A_124, %dma_wait3A_125] : memref<16x64xi32, #tpu.memory_space<vmem>> -> memref<1x64xi32, #tpu.memory_space<vmem>>
      %dma_wait3A_127 = tpu.memref_squeeze %dma_wait3A_126 : memref<1x64xi32, #tpu.memory_space<vmem>> -> memref<64xi32, #tpu.memory_space<vmem>>
      %dma_wait3A_128 = arith.constant 0 : i32
      %dma_wait3A_129 = arith.constant 0 : i32
      %dma_wait3A_130 = tpu.memref_slice %arg2[%dma_wait3A_128, %dma_wait3A_129] : memref<10000x128xf32, #tpu.memory_space<hbm>> -> memref<10000x128xf32, #tpu.memory_space<hbm>>
      tpu.wait_indirect_dma semaphore(%arg17 : memref<!tpu.dma_semaphore, #tpu.memory_space<semaphore_mem>>) src(%dma_wait3A_130 : memref<10000x128xf32, #tpu.memory_space<hbm>>) dst(%arg13 : memref<64x128xf32, #tpu.memory_space<vmem>>)
      %dma_wait3A_131 = arith.constant 2 : i32
      %dma_wait3A_132 = arith.constant 0 : i32
      %dma_wait3A_133 = tpu.memref_slice %arg9[%dma_wait3A_131, %dma_wait3A_132] : memref<16x64xi32, #tpu.memory_space<vmem>> -> memref<1x64xi32, #tpu.memory_space<vmem>>
      %dma_wait3A_134 = tpu.memref_squeeze %dma_wait3A_133 : memref<1x64xi32, #tpu.memory_space<vmem>> -> memref<64xi32, #tpu.memory_space<vmem>>
      %dma_wait3A_135 = arith.constant 0 : i32
      %dma_wait3A_136 = arith.constant 0 : i32
      %dma_wait3A_137 = tpu.memref_slice %arg7[%dma_wait3A_135, %dma_wait3A_136] : memref<10112x128xf32, #tpu.memory_space<vmem_shared>> -> memref<10112x128xf32, #tpu.memory_space<vmem_shared>>
      tpu.wait_indirect_dma semaphore(%arg20 : memref<!tpu.dma_semaphore, #tpu.memory_space<semaphore_mem>>) src(%arg12 : memref<64x128xf32, #tpu.memory_space<vmem>>) dst(%dma_wait3A_137 : memref<10112x128xf32, #tpu.memory_space<vmem_shared>>)
      %dma_start3A_138 = arith.constant 6 : i32
      %dma_start3A_139 = arith.constant 0 : i32
      %dma_start3A_140 = tpu.memref_slice %arg8[%dma_start3A_138, %dma_start3A_139] : memref<16x64xi32, #tpu.memory_space<vmem>> -> memref<1x64xi32, #tpu.memory_space<vmem>>
      %dma_start3A_141 = tpu.memref_squeeze %dma_start3A_140 : memref<1x64xi32, #tpu.memory_space<vmem>> -> memref<64xi32, #tpu.memory_space<vmem>>
      %dma_start3A_142 = arith.constant 0 : i32
      %dma_start3A_143 = arith.constant 0 : i32
      %dma_start3A_144 = tpu.memref_slice %arg2[%dma_start3A_142, %dma_start3A_143] : memref<10000x128xf32, #tpu.memory_space<hbm>> -> memref<10000x128xf32, #tpu.memory_space<hbm>>
      tpu.enqueue_indirect_dma source(%dma_start3A_144 : memref<10000x128xf32, #tpu.memory_space<hbm>>) target(%arg12 : memref<64x128xf32, #tpu.memory_space<vmem>>) offsets(%dma_start3A_141 : memref<64xi32, #tpu.memory_space<vmem>>) semaphore(%arg16 : memref<!tpu.dma_semaphore, #tpu.memory_space<semaphore_mem>>)
      %dma_start3A_145 = arith.constant 3 : i32
      %dma_start3A_146 = arith.constant 0 : i32
      %dma_start3A_147 = tpu.memref_slice %arg9[%dma_start3A_145, %dma_start3A_146] : memref<16x64xi32, #tpu.memory_space<vmem>> -> memref<1x64xi32, #tpu.memory_space<vmem>>
      %dma_start3A_148 = tpu.memref_squeeze %dma_start3A_147 : memref<1x64xi32, #tpu.memory_space<vmem>> -> memref<64xi32, #tpu.memory_space<vmem>>
      %dma_start3A_149 = arith.constant 0 : i32
      %dma_start3A_150 = arith.constant 0 : i32
      %dma_start3A_151 = tpu.memref_slice %arg7[%dma_start3A_149, %dma_start3A_150] : memref<10112x128xf32, #tpu.memory_space<vmem_shared>> -> memref<10112x128xf32, #tpu.memory_space<vmem_shared>>
      tpu.enqueue_indirect_dma source(%arg13 : memref<64x128xf32, #tpu.memory_space<vmem>>) target(%dma_start3A_151 : memref<10112x128xf32, #tpu.memory_space<vmem_shared>>) offsets(%dma_start3A_148 : memref<64xi32, #tpu.memory_space<vmem>>) semaphore(%arg21 : memref<!tpu.dma_semaphore, #tpu.memory_space<semaphore_mem>>) {add = true}
      %dma_wait3A_152 = arith.constant 4 : i32
      %dma_wait3A_153 = arith.constant 0 : i32
      %dma_wait3A_154 = tpu.memref_slice %arg8[%dma_wait3A_152, %dma_wait3A_153] : memref<16x64xi32, #tpu.memory_space<vmem>> -> memref<1x64xi32, #tpu.memory_space<vmem>>
      %dma_wait3A_155 = tpu.memref_squeeze %dma_wait3A_154 : memref<1x64xi32, #tpu.memory_space<vmem>> -> memref<64xi32, #tpu.memory_space<vmem>>
      %dma_wait3A_156 = arith.constant 0 : i32
      %dma_wait3A_157 = arith.constant 0 : i32
      %dma_wait3A_158 = tpu.memref_slice %arg2[%dma_wait3A_156, %dma_wait3A_157] : memref<10000x128xf32, #tpu.memory_space<hbm>> -> memref<10000x128xf32, #tpu.memory_space<hbm>>
      tpu.wait_indirect_dma semaphore(%arg14 : memref<!tpu.dma_semaphore, #tpu.memory_space<semaphore_mem>>) src(%dma_wait3A_158 : memref<10000x128xf32, #tpu.memory_space<hbm>>) dst(%arg10 : memref<64x128xf32, #tpu.memory_space<vmem>>)
      %dma_wait3A_159 = arith.constant 3 : i32
      %dma_wait3A_160 = arith.constant 0 : i32
      %dma_wait3A_161 = tpu.memref_slice %arg9[%dma_wait3A_159, %dma_wait3A_160] : memref<16x64xi32, #tpu.memory_space<vmem>> -> memref<1x64xi32, #tpu.memory_space<vmem>>
      %dma_wait3A_162 = tpu.memref_squeeze %dma_wait3A_161 : memref<1x64xi32, #tpu.memory_space<vmem>> -> memref<64xi32, #tpu.memory_space<vmem>>
      %dma_wait3A_163 = arith.constant 0 : i32
      %dma_wait3A_164 = arith.constant 0 : i32
      %dma_wait3A_165 = tpu.memref_slice %arg7[%dma_wait3A_163, %dma_wait3A_164] : memref<10112x128xf32, #tpu.memory_space<vmem_shared>> -> memref<10112x128xf32, #tpu.memory_space<vmem_shared>>
      tpu.wait_indirect_dma semaphore(%arg21 : memref<!tpu.dma_semaphore, #tpu.memory_space<semaphore_mem>>) src(%arg13 : memref<64x128xf32, #tpu.memory_space<vmem>>) dst(%dma_wait3A_165 : memref<10112x128xf32, #tpu.memory_space<vmem_shared>>)
      %dma_start3A_166 = arith.constant 7 : i32
      %dma_start3A_167 = arith.constant 0 : i32
      %dma_start3A_168 = tpu.memref_slice %arg8[%dma_start3A_166, %dma_start3A_167] : memref<16x64xi32, #tpu.memory_space<vmem>> -> memref<1x64xi32, #tpu.memory_space<vmem>>
      %dma_start3A_169 = tpu.memref_squeeze %dma_start3A_168 : memref<1x64xi32, #tpu.memory_space<vmem>> -> memref<64xi32, #tpu.memory_space<vmem>>
      %dma_start3A_170 = arith.constant 0 : i32
      %dma_start3A_171 = arith.constant 0 : i32
      %dma_start3A_172 = tpu.memref_slice %arg2[%dma_start3A_170, %dma_start3A_171] : memref<10000x128xf32, #tpu.memory_space<hbm>> -> memref<10000x128xf32, #tpu.memory_space<hbm>>
      tpu.enqueue_indirect_dma source(%dma_start3A_172 : memref<10000x128xf32, #tpu.memory_space<hbm>>) target(%arg13 : memref<64x128xf32, #tpu.memory_space<vmem>>) offsets(%dma_start3A_169 : memref<64xi32, #tpu.memory_space<vmem>>) semaphore(%arg17 : memref<!tpu.dma_semaphore, #tpu.memory_space<semaphore_mem>>)
      %dma_start3A_173 = arith.constant 4 : i32
      %dma_start3A_174 = arith.constant 0 : i32
      %dma_start3A_175 = tpu.memref_slice %arg9[%dma_start3A_173, %dma_start3A_174] : memref<16x64xi32, #tpu.memory_space<vmem>> -> memref<1x64xi32, #tpu.memory_space<vmem>>
      %dma_start3A_176 = tpu.memref_squeeze %dma_start3A_175 : memref<1x64xi32, #tpu.memory_space<vmem>> -> memref<64xi32, #tpu.memory_space<vmem>>
      %dma_start3A_177 = arith.constant 0 : i32
      %dma_start3A_178 = arith.constant 0 : i32
      %dma_start3A_179 = tpu.memref_slice %arg7[%dma_start3A_177, %dma_start3A_178] : memref<10112x128xf32, #tpu.memory_space<vmem_shared>> -> memref<10112x128xf32, #tpu.memory_space<vmem_shared>>
      tpu.enqueue_indirect_dma source(%arg10 : memref<64x128xf32, #tpu.memory_space<vmem>>) target(%dma_start3A_179 : memref<10112x128xf32, #tpu.memory_space<vmem_shared>>) offsets(%dma_start3A_176 : memref<64xi32, #tpu.memory_space<vmem>>) semaphore(%arg18 : memref<!tpu.dma_semaphore, #tpu.memory_space<semaphore_mem>>) {add = true}
      %dma_wait3A_180 = arith.constant 5 : i32
      %dma_wait3A_181 = arith.constant 0 : i32
      %dma_wait3A_182 = tpu.memref_slice %arg8[%dma_wait3A_180, %dma_wait3A_181] : memref<16x64xi32, #tpu.memory_space<vmem>> -> memref<1x64xi32, #tpu.memory_space<vmem>>
      %dma_wait3A_183 = tpu.memref_squeeze %dma_wait3A_182 : memref<1x64xi32, #tpu.memory_space<vmem>> -> memref<64xi32, #tpu.memory_space<vmem>>
      %dma_wait3A_184 = arith.constant 0 : i32
      %dma_wait3A_185 = arith.constant 0 : i32
      %dma_wait3A_186 = tpu.memref_slice %arg2[%dma_wait3A_184, %dma_wait3A_185] : memref<10000x128xf32, #tpu.memory_space<hbm>> -> memref<10000x128xf32, #tpu.memory_space<hbm>>
      tpu.wait_indirect_dma semaphore(%arg15 : memref<!tpu.dma_semaphore, #tpu.memory_space<semaphore_mem>>) src(%dma_wait3A_186 : memref<10000x128xf32, #tpu.memory_space<hbm>>) dst(%arg11 : memref<64x128xf32, #tpu.memory_space<vmem>>)
      %dma_wait3A_187 = arith.constant 4 : i32
      %dma_wait3A_188 = arith.constant 0 : i32
      %dma_wait3A_189 = tpu.memref_slice %arg9[%dma_wait3A_187, %dma_wait3A_188] : memref<16x64xi32, #tpu.memory_space<vmem>> -> memref<1x64xi32, #tpu.memory_space<vmem>>
      %dma_wait3A_190 = tpu.memref_squeeze %dma_wait3A_189 : memref<1x64xi32, #tpu.memory_space<vmem>> -> memref<64xi32, #tpu.memory_space<vmem>>
      %dma_wait3A_191 = arith.constant 0 : i32
      %dma_wait3A_192 = arith.constant 0 : i32
      %dma_wait3A_193 = tpu.memref_slice %arg7[%dma_wait3A_191, %dma_wait3A_192] : memref<10112x128xf32, #tpu.memory_space<vmem_shared>> -> memref<10112x128xf32, #tpu.memory_space<vmem_shared>>
      tpu.wait_indirect_dma semaphore(%arg18 : memref<!tpu.dma_semaphore, #tpu.memory_space<semaphore_mem>>) src(%arg10 : memref<64x128xf32, #tpu.memory_space<vmem>>) dst(%dma_wait3A_193 : memref<10112x128xf32, #tpu.memory_space<vmem_shared>>)
      %dma_start3A_194 = arith.constant 8 : i32
      %dma_start3A_195 = arith.constant 0 : i32
      %dma_start3A_196 = tpu.memref_slice %arg8[%dma_start3A_194, %dma_start3A_195] : memref<16x64xi32, #tpu.memory_space<vmem>> -> memref<1x64xi32, #tpu.memory_space<vmem>>
      %dma_start3A_197 = tpu.memref_squeeze %dma_start3A_196 : memref<1x64xi32, #tpu.memory_space<vmem>> -> memref<64xi32, #tpu.memory_space<vmem>>
      %dma_start3A_198 = arith.constant 0 : i32
      %dma_start3A_199 = arith.constant 0 : i32
      %dma_start3A_200 = tpu.memref_slice %arg2[%dma_start3A_198, %dma_start3A_199] : memref<10000x128xf32, #tpu.memory_space<hbm>> -> memref<10000x128xf32, #tpu.memory_space<hbm>>
      tpu.enqueue_indirect_dma source(%dma_start3A_200 : memref<10000x128xf32, #tpu.memory_space<hbm>>) target(%arg10 : memref<64x128xf32, #tpu.memory_space<vmem>>) offsets(%dma_start3A_197 : memref<64xi32, #tpu.memory_space<vmem>>) semaphore(%arg14 : memref<!tpu.dma_semaphore, #tpu.memory_space<semaphore_mem>>)
      %dma_start3A_201 = arith.constant 5 : i32
      %dma_start3A_202 = arith.constant 0 : i32
      %dma_start3A_203 = tpu.memref_slice %arg9[%dma_start3A_201, %dma_start3A_202] : memref<16x64xi32, #tpu.memory_space<vmem>> -> memref<1x64xi32, #tpu.memory_space<vmem>>
      %dma_start3A_204 = tpu.memref_squeeze %dma_start3A_203 : memref<1x64xi32, #tpu.memory_space<vmem>> -> memref<64xi32, #tpu.memory_space<vmem>>
      %dma_start3A_205 = arith.constant 0 : i32
      %dma_start3A_206 = arith.constant 0 : i32
      %dma_start3A_207 = tpu.memref_slice %arg7[%dma_start3A_205, %dma_start3A_206] : memref<10112x128xf32, #tpu.memory_space<vmem_shared>> -> memref<10112x128xf32, #tpu.memory_space<vmem_shared>>
      tpu.enqueue_indirect_dma source(%arg11 : memref<64x128xf32, #tpu.memory_space<vmem>>) target(%dma_start3A_207 : memref<10112x128xf32, #tpu.memory_space<vmem_shared>>) offsets(%dma_start3A_204 : memref<64xi32, #tpu.memory_space<vmem>>) semaphore(%arg19 : memref<!tpu.dma_semaphore, #tpu.memory_space<semaphore_mem>>) {add = true}
      %dma_wait3A_208 = arith.constant 6 : i32
      %dma_wait3A_209 = arith.constant 0 : i32
      %dma_wait3A_210 = tpu.memref_slice %arg8[%dma_wait3A_208, %dma_wait3A_209] : memref<16x64xi32, #tpu.memory_space<vmem>> -> memref<1x64xi32, #tpu.memory_space<vmem>>
      %dma_wait3A_211 = tpu.memref_squeeze %dma_wait3A_210 : memref<1x64xi32, #tpu.memory_space<vmem>> -> memref<64xi32, #tpu.memory_space<vmem>>
      %dma_wait3A_212 = arith.constant 0 : i32
      %dma_wait3A_213 = arith.constant 0 : i32
      %dma_wait3A_214 = tpu.memref_slice %arg2[%dma_wait3A_212, %dma_wait3A_213] : memref<10000x128xf32, #tpu.memory_space<hbm>> -> memref<10000x128xf32, #tpu.memory_space<hbm>>
      tpu.wait_indirect_dma semaphore(%arg16 : memref<!tpu.dma_semaphore, #tpu.memory_space<semaphore_mem>>) src(%dma_wait3A_214 : memref<10000x128xf32, #tpu.memory_space<hbm>>) dst(%arg12 : memref<64x128xf32, #tpu.memory_space<vmem>>)
      %dma_wait3A_215 = arith.constant 5 : i32
      %dma_wait3A_216 = arith.constant 0 : i32
      %dma_wait3A_217 = tpu.memref_slice %arg9[%dma_wait3A_215, %dma_wait3A_216] : memref<16x64xi32, #tpu.memory_space<vmem>> -> memref<1x64xi32, #tpu.memory_space<vmem>>
      %dma_wait3A_218 = tpu.memref_squeeze %dma_wait3A_217 : memref<1x64xi32, #tpu.memory_space<vmem>> -> memref<64xi32, #tpu.memory_space<vmem>>
      %dma_wait3A_219 = arith.constant 0 : i32
      %dma_wait3A_220 = arith.constant 0 : i32
      %dma_wait3A_221 = tpu.memref_slice %arg7[%dma_wait3A_219, %dma_wait3A_220] : memref<10112x128xf32, #tpu.memory_space<vmem_shared>> -> memref<10112x128xf32, #tpu.memory_space<vmem_shared>>
      tpu.wait_indirect_dma semaphore(%arg19 : memref<!tpu.dma_semaphore, #tpu.memory_space<semaphore_mem>>) src(%arg11 : memref<64x128xf32, #tpu.memory_space<vmem>>) dst(%dma_wait3A_221 : memref<10112x128xf32, #tpu.memory_space<vmem_shared>>)
      %dma_start3A_222 = arith.constant 9 : i32
      %dma_start3A_223 = arith.constant 0 : i32
      %dma_start3A_224 = tpu.memref_slice %arg8[%dma_start3A_222, %dma_start3A_223] : memref<16x64xi32, #tpu.memory_space<vmem>> -> memref<1x64xi32, #tpu.memory_space<vmem>>
      %dma_start3A_225 = tpu.memref_squeeze %dma_start3A_224 : memref<1x64xi32, #tpu.memory_space<vmem>> -> memref<64xi32, #tpu.memory_space<vmem>>
      %dma_start3A_226 = arith.constant 0 : i32
      %dma_start3A_227 = arith.constant 0 : i32
      %dma_start3A_228 = tpu.memref_slice %arg2[%dma_start3A_226, %dma_start3A_227] : memref<10000x128xf32, #tpu.memory_space<hbm>> -> memref<10000x128xf32, #tpu.memory_space<hbm>>
      tpu.enqueue_indirect_dma source(%dma_start3A_228 : memref<10000x128xf32, #tpu.memory_space<hbm>>) target(%arg11 : memref<64x128xf32, #tpu.memory_space<vmem>>) offsets(%dma_start3A_225 : memref<64xi32, #tpu.memory_space<vmem>>) semaphore(%arg15 : memref<!tpu.dma_semaphore, #tpu.memory_space<semaphore_mem>>)
      %dma_start3A_229 = arith.constant 6 : i32
      %dma_start3A_230 = arith.constant 0 : i32
      %dma_start3A_231 = tpu.memref_slice %arg9[%dma_start3A_229, %dma_start3A_230] : memref<16x64xi32, #tpu.memory_space<vmem>> -> memref<1x64xi32, #tpu.memory_space<vmem>>
      %dma_start3A_232 = tpu.memref_squeeze %dma_start3A_231 : memref<1x64xi32, #tpu.memory_space<vmem>> -> memref<64xi32, #tpu.memory_space<vmem>>
      %dma_start3A_233 = arith.constant 0 : i32
      %dma_start3A_234 = arith.constant 0 : i32
      %dma_start3A_235 = tpu.memref_slice %arg7[%dma_start3A_233, %dma_start3A_234] : memref<10112x128xf32, #tpu.memory_space<vmem_shared>> -> memref<10112x128xf32, #tpu.memory_space<vmem_shared>>
      tpu.enqueue_indirect_dma source(%arg12 : memref<64x128xf32, #tpu.memory_space<vmem>>) target(%dma_start3A_235 : memref<10112x128xf32, #tpu.memory_space<vmem_shared>>) offsets(%dma_start3A_232 : memref<64xi32, #tpu.memory_space<vmem>>) semaphore(%arg20 : memref<!tpu.dma_semaphore, #tpu.memory_space<semaphore_mem>>) {add = true}
      %dma_wait3A_236 = arith.constant 7 : i32
      %dma_wait3A_237 = arith.constant 0 : i32
      %dma_wait3A_238 = tpu.memref_slice %arg8[%dma_wait3A_236, %dma_wait3A_237] : memref<16x64xi32, #tpu.memory_space<vmem>> -> memref<1x64xi32, #tpu.memory_space<vmem>>
      %dma_wait3A_239 = tpu.memref_squeeze %dma_wait3A_238 : memref<1x64xi32, #tpu.memory_space<vmem>> -> memref<64xi32, #tpu.memory_space<vmem>>
      %dma_wait3A_240 = arith.constant 0 : i32
      %dma_wait3A_241 = arith.constant 0 : i32
      %dma_wait3A_242 = tpu.memref_slice %arg2[%dma_wait3A_240, %dma_wait3A_241] : memref<10000x128xf32, #tpu.memory_space<hbm>> -> memref<10000x128xf32, #tpu.memory_space<hbm>>
      tpu.wait_indirect_dma semaphore(%arg17 : memref<!tpu.dma_semaphore, #tpu.memory_space<semaphore_mem>>) src(%dma_wait3A_242 : memref<10000x128xf32, #tpu.memory_space<hbm>>) dst(%arg13 : memref<64x128xf32, #tpu.memory_space<vmem>>)
      %dma_wait3A_243 = arith.constant 6 : i32
      %dma_wait3A_244 = arith.constant 0 : i32
      %dma_wait3A_245 = tpu.memref_slice %arg9[%dma_wait3A_243, %dma_wait3A_244] : memref<16x64xi32, #tpu.memory_space<vmem>> -> memref<1x64xi32, #tpu.memory_space<vmem>>
      %dma_wait3A_246 = tpu.memref_squeeze %dma_wait3A_245 : memref<1x64xi32, #tpu.memory_space<vmem>> -> memref<64xi32, #tpu.memory_space<vmem>>
      %dma_wait3A_247 = arith.constant 0 : i32
      %dma_wait3A_248 = arith.constant 0 : i32
      %dma_wait3A_249 = tpu.memref_slice %arg7[%dma_wait3A_247, %dma_wait3A_248] : memref<10112x128xf32, #tpu.memory_space<vmem_shared>> -> memref<10112x128xf32, #tpu.memory_space<vmem_shared>>
      tpu.wait_indirect_dma semaphore(%arg20 : memref<!tpu.dma_semaphore, #tpu.memory_space<semaphore_mem>>) src(%arg12 : memref<64x128xf32, #tpu.memory_space<vmem>>) dst(%dma_wait3A_249 : memref<10112x128xf32, #tpu.memory_space<vmem_shared>>)
      %dma_start3A_250 = arith.constant 10 : i32
      %dma_start3A_251 = arith.constant 0 : i32
      %dma_start3A_252 = tpu.memref_slice %arg8[%dma_start3A_250, %dma_start3A_251] : memref<16x64xi32, #tpu.memory_space<vmem>> -> memref<1x64xi32, #tpu.memory_space<vmem>>
      %dma_start3A_253 = tpu.memref_squeeze %dma_start3A_252 : memref<1x64xi32, #tpu.memory_space<vmem>> -> memref<64xi32, #tpu.memory_space<vmem>>
      %dma_start3A_254 = arith.constant 0 : i32
      %dma_start3A_255 = arith.constant 0 : i32
      %dma_start3A_256 = tpu.memref_slice %arg2[%dma_start3A_254, %dma_start3A_255] : memref<10000x128xf32, #tpu.memory_space<hbm>> -> memref<10000x128xf32, #tpu.memory_space<hbm>>
      tpu.enqueue_indirect_dma source(%dma_start3A_256 : memref<10000x128xf32, #tpu.memory_space<hbm>>) target(%arg12 : memref<64x128xf32, #tpu.memory_space<vmem>>) offsets(%dma_start3A_253 : memref<64xi32, #tpu.memory_space<vmem>>) semaphore(%arg16 : memref<!tpu.dma_semaphore, #tpu.memory_space<semaphore_mem>>)
      %dma_start3A_257 = arith.constant 7 : i32
      %dma_start3A_258 = arith.constant 0 : i32
      %dma_start3A_259 = tpu.memref_slice %arg9[%dma_start3A_257, %dma_start3A_258] : memref<16x64xi32, #tpu.memory_space<vmem>> -> memref<1x64xi32, #tpu.memory_space<vmem>>
      %dma_start3A_260 = tpu.memref_squeeze %dma_start3A_259 : memref<1x64xi32, #tpu.memory_space<vmem>> -> memref<64xi32, #tpu.memory_space<vmem>>
      %dma_start3A_261 = arith.constant 0 : i32
      %dma_start3A_262 = arith.constant 0 : i32
      %dma_start3A_263 = tpu.memref_slice %arg7[%dma_start3A_261, %dma_start3A_262] : memref<10112x128xf32, #tpu.memory_space<vmem_shared>> -> memref<10112x128xf32, #tpu.memory_space<vmem_shared>>
      tpu.enqueue_indirect_dma source(%arg13 : memref<64x128xf32, #tpu.memory_space<vmem>>) target(%dma_start3A_263 : memref<10112x128xf32, #tpu.memory_space<vmem_shared>>) offsets(%dma_start3A_260 : memref<64xi32, #tpu.memory_space<vmem>>) semaphore(%arg21 : memref<!tpu.dma_semaphore, #tpu.memory_space<semaphore_mem>>) {add = true}
      %dma_wait3A_264 = arith.constant 8 : i32
      %dma_wait3A_265 = arith.constant 0 : i32
      %dma_wait3A_266 = tpu.memref_slice %arg8[%dma_wait3A_264, %dma_wait3A_265] : memref<16x64xi32, #tpu.memory_space<vmem>> -> memref<1x64xi32, #tpu.memory_space<vmem>>
      %dma_wait3A_267 = tpu.memref_squeeze %dma_wait3A_266 : memref<1x64xi32, #tpu.memory_space<vmem>> -> memref<64xi32, #tpu.memory_space<vmem>>
      %dma_wait3A_268 = arith.constant 0 : i32
      %dma_wait3A_269 = arith.constant 0 : i32
      %dma_wait3A_270 = tpu.memref_slice %arg2[%dma_wait3A_268, %dma_wait3A_269] : memref<10000x128xf32, #tpu.memory_space<hbm>> -> memref<10000x128xf32, #tpu.memory_space<hbm>>
      tpu.wait_indirect_dma semaphore(%arg14 : memref<!tpu.dma_semaphore, #tpu.memory_space<semaphore_mem>>) src(%dma_wait3A_270 : memref<10000x128xf32, #tpu.memory_space<hbm>>) dst(%arg10 : memref<64x128xf32, #tpu.memory_space<vmem>>)
      %dma_wait3A_271 = arith.constant 7 : i32
      %dma_wait3A_272 = arith.constant 0 : i32
      %dma_wait3A_273 = tpu.memref_slice %arg9[%dma_wait3A_271, %dma_wait3A_272] : memref<16x64xi32, #tpu.memory_space<vmem>> -> memref<1x64xi32, #tpu.memory_space<vmem>>
      %dma_wait3A_274 = tpu.memref_squeeze %dma_wait3A_273 : memref<1x64xi32, #tpu.memory_space<vmem>> -> memref<64xi32, #tpu.memory_space<vmem>>
      %dma_wait3A_275 = arith.constant 0 : i32
      %dma_wait3A_276 = arith.constant 0 : i32
      %dma_wait3A_277 = tpu.memref_slice %arg7[%dma_wait3A_275, %dma_wait3A_276] : memref<10112x128xf32, #tpu.memory_space<vmem_shared>> -> memref<10112x128xf32, #tpu.memory_space<vmem_shared>>
      tpu.wait_indirect_dma semaphore(%arg21 : memref<!tpu.dma_semaphore, #tpu.memory_space<semaphore_mem>>) src(%arg13 : memref<64x128xf32, #tpu.memory_space<vmem>>) dst(%dma_wait3A_277 : memref<10112x128xf32, #tpu.memory_space<vmem_shared>>)
      %dma_start3A_278 = arith.constant 11 : i32
      %dma_start3A_279 = arith.constant 0 : i32
      %dma_start3A_280 = tpu.memref_slice %arg8[%dma_start3A_278, %dma_start3A_279] : memref<16x64xi32, #tpu.memory_space<vmem>> -> memref<1x64xi32, #tpu.memory_space<vmem>>
      %dma_start3A_281 = tpu.memref_squeeze %dma_start3A_280 : memref<1x64xi32, #tpu.memory_space<vmem>> -> memref<64xi32, #tpu.memory_space<vmem>>
      %dma_start3A_282 = arith.constant 0 : i32
      %dma_start3A_283 = arith.constant 0 : i32
      %dma_start3A_284 = tpu.memref_slice %arg2[%dma_start3A_282, %dma_start3A_283] : memref<10000x128xf32, #tpu.memory_space<hbm>> -> memref<10000x128xf32, #tpu.memory_space<hbm>>
      tpu.enqueue_indirect_dma source(%dma_start3A_284 : memref<10000x128xf32, #tpu.memory_space<hbm>>) target(%arg13 : memref<64x128xf32, #tpu.memory_space<vmem>>) offsets(%dma_start3A_281 : memref<64xi32, #tpu.memory_space<vmem>>) semaphore(%arg17 : memref<!tpu.dma_semaphore, #tpu.memory_space<semaphore_mem>>)
      %dma_start3A_285 = arith.constant 8 : i32
      %dma_start3A_286 = arith.constant 0 : i32
      %dma_start3A_287 = tpu.memref_slice %arg9[%dma_start3A_285, %dma_start3A_286] : memref<16x64xi32, #tpu.memory_space<vmem>> -> memref<1x64xi32, #tpu.memory_space<vmem>>
      %dma_start3A_288 = tpu.memref_squeeze %dma_start3A_287 : memref<1x64xi32, #tpu.memory_space<vmem>> -> memref<64xi32, #tpu.memory_space<vmem>>
      %dma_start3A_289 = arith.constant 0 : i32
      %dma_start3A_290 = arith.constant 0 : i32
      %dma_start3A_291 = tpu.memref_slice %arg7[%dma_start3A_289, %dma_start3A_290] : memref<10112x128xf32, #tpu.memory_space<vmem_shared>> -> memref<10112x128xf32, #tpu.memory_space<vmem_shared>>
      tpu.enqueue_indirect_dma source(%arg10 : memref<64x128xf32, #tpu.memory_space<vmem>>) target(%dma_start3A_291 : memref<10112x128xf32, #tpu.memory_space<vmem_shared>>) offsets(%dma_start3A_288 : memref<64xi32, #tpu.memory_space<vmem>>) semaphore(%arg18 : memref<!tpu.dma_semaphore, #tpu.memory_space<semaphore_mem>>) {add = true}
      %dma_wait3A_292 = arith.constant 9 : i32
      %dma_wait3A_293 = arith.constant 0 : i32
      %dma_wait3A_294 = tpu.memref_slice %arg8[%dma_wait3A_292, %dma_wait3A_293] : memref<16x64xi32, #tpu.memory_space<vmem>> -> memref<1x64xi32, #tpu.memory_space<vmem>>
      %dma_wait3A_295 = tpu.memref_squeeze %dma_wait3A_294 : memref<1x64xi32, #tpu.memory_space<vmem>> -> memref<64xi32, #tpu.memory_space<vmem>>
      %dma_wait3A_296 = arith.constant 0 : i32
      %dma_wait3A_297 = arith.constant 0 : i32
      %dma_wait3A_298 = tpu.memref_slice %arg2[%dma_wait3A_296, %dma_wait3A_297] : memref<10000x128xf32, #tpu.memory_space<hbm>> -> memref<10000x128xf32, #tpu.memory_space<hbm>>
      tpu.wait_indirect_dma semaphore(%arg15 : memref<!tpu.dma_semaphore, #tpu.memory_space<semaphore_mem>>) src(%dma_wait3A_298 : memref<10000x128xf32, #tpu.memory_space<hbm>>) dst(%arg11 : memref<64x128xf32, #tpu.memory_space<vmem>>)
      %dma_wait3A_299 = arith.constant 8 : i32
      %dma_wait3A_300 = arith.constant 0 : i32
      %dma_wait3A_301 = tpu.memref_slice %arg9[%dma_wait3A_299, %dma_wait3A_300] : memref<16x64xi32, #tpu.memory_space<vmem>> -> memref<1x64xi32, #tpu.memory_space<vmem>>
      %dma_wait3A_302 = tpu.memref_squeeze %dma_wait3A_301 : memref<1x64xi32, #tpu.memory_space<vmem>> -> memref<64xi32, #tpu.memory_space<vmem>>
      %dma_wait3A_303 = arith.constant 0 : i32
      %dma_wait3A_304 = arith.constant 0 : i32
      %dma_wait3A_305 = tpu.memref_slice %arg7[%dma_wait3A_303, %dma_wait3A_304] : memref<10112x128xf32, #tpu.memory_space<vmem_shared>> -> memref<10112x128xf32, #tpu.memory_space<vmem_shared>>
      tpu.wait_indirect_dma semaphore(%arg18 : memref<!tpu.dma_semaphore, #tpu.memory_space<semaphore_mem>>) src(%arg10 : memref<64x128xf32, #tpu.memory_space<vmem>>) dst(%dma_wait3A_305 : memref<10112x128xf32, #tpu.memory_space<vmem_shared>>)
      %dma_start3A_306 = arith.constant 12 : i32
      %dma_start3A_307 = arith.constant 0 : i32
      %dma_start3A_308 = tpu.memref_slice %arg8[%dma_start3A_306, %dma_start3A_307] : memref<16x64xi32, #tpu.memory_space<vmem>> -> memref<1x64xi32, #tpu.memory_space<vmem>>
      %dma_start3A_309 = tpu.memref_squeeze %dma_start3A_308 : memref<1x64xi32, #tpu.memory_space<vmem>> -> memref<64xi32, #tpu.memory_space<vmem>>
      %dma_start3A_310 = arith.constant 0 : i32
      %dma_start3A_311 = arith.constant 0 : i32
      %dma_start3A_312 = tpu.memref_slice %arg2[%dma_start3A_310, %dma_start3A_311] : memref<10000x128xf32, #tpu.memory_space<hbm>> -> memref<10000x128xf32, #tpu.memory_space<hbm>>
      tpu.enqueue_indirect_dma source(%dma_start3A_312 : memref<10000x128xf32, #tpu.memory_space<hbm>>) target(%arg10 : memref<64x128xf32, #tpu.memory_space<vmem>>) offsets(%dma_start3A_309 : memref<64xi32, #tpu.memory_space<vmem>>) semaphore(%arg14 : memref<!tpu.dma_semaphore, #tpu.memory_space<semaphore_mem>>)
      %dma_start3A_313 = arith.constant 9 : i32
      %dma_start3A_314 = arith.constant 0 : i32
      %dma_start3A_315 = tpu.memref_slice %arg9[%dma_start3A_313, %dma_start3A_314] : memref<16x64xi32, #tpu.memory_space<vmem>> -> memref<1x64xi32, #tpu.memory_space<vmem>>
      %dma_start3A_316 = tpu.memref_squeeze %dma_start3A_315 : memref<1x64xi32, #tpu.memory_space<vmem>> -> memref<64xi32, #tpu.memory_space<vmem>>
      %dma_start3A_317 = arith.constant 0 : i32
      %dma_start3A_318 = arith.constant 0 : i32
      %dma_start3A_319 = tpu.memref_slice %arg7[%dma_start3A_317, %dma_start3A_318] : memref<10112x128xf32, #tpu.memory_space<vmem_shared>> -> memref<10112x128xf32, #tpu.memory_space<vmem_shared>>
      tpu.enqueue_indirect_dma source(%arg11 : memref<64x128xf32, #tpu.memory_space<vmem>>) target(%dma_start3A_319 : memref<10112x128xf32, #tpu.memory_space<vmem_shared>>) offsets(%dma_start3A_316 : memref<64xi32, #tpu.memory_space<vmem>>) semaphore(%arg19 : memref<!tpu.dma_semaphore, #tpu.memory_space<semaphore_mem>>) {add = true}
      %dma_wait3A_320 = arith.constant 10 : i32
      %dma_wait3A_321 = arith.constant 0 : i32
      %dma_wait3A_322 = tpu.memref_slice %arg8[%dma_wait3A_320, %dma_wait3A_321] : memref<16x64xi32, #tpu.memory_space<vmem>> -> memref<1x64xi32, #tpu.memory_space<vmem>>
      %dma_wait3A_323 = tpu.memref_squeeze %dma_wait3A_322 : memref<1x64xi32, #tpu.memory_space<vmem>> -> memref<64xi32, #tpu.memory_space<vmem>>
      %dma_wait3A_324 = arith.constant 0 : i32
      %dma_wait3A_325 = arith.constant 0 : i32
      %dma_wait3A_326 = tpu.memref_slice %arg2[%dma_wait3A_324, %dma_wait3A_325] : memref<10000x128xf32, #tpu.memory_space<hbm>> -> memref<10000x128xf32, #tpu.memory_space<hbm>>
      tpu.wait_indirect_dma semaphore(%arg16 : memref<!tpu.dma_semaphore, #tpu.memory_space<semaphore_mem>>) src(%dma_wait3A_326 : memref<10000x128xf32, #tpu.memory_space<hbm>>) dst(%arg12 : memref<64x128xf32, #tpu.memory_space<vmem>>)
      %dma_wait3A_327 = arith.constant 9 : i32
      %dma_wait3A_328 = arith.constant 0 : i32
      %dma_wait3A_329 = tpu.memref_slice %arg9[%dma_wait3A_327, %dma_wait3A_328] : memref<16x64xi32, #tpu.memory_space<vmem>> -> memref<1x64xi32, #tpu.memory_space<vmem>>
      %dma_wait3A_330 = tpu.memref_squeeze %dma_wait3A_329 : memref<1x64xi32, #tpu.memory_space<vmem>> -> memref<64xi32, #tpu.memory_space<vmem>>
      %dma_wait3A_331 = arith.constant 0 : i32
      %dma_wait3A_332 = arith.constant 0 : i32
      %dma_wait3A_333 = tpu.memref_slice %arg7[%dma_wait3A_331, %dma_wait3A_332] : memref<10112x128xf32, #tpu.memory_space<vmem_shared>> -> memref<10112x128xf32, #tpu.memory_space<vmem_shared>>
      tpu.wait_indirect_dma semaphore(%arg19 : memref<!tpu.dma_semaphore, #tpu.memory_space<semaphore_mem>>) src(%arg11 : memref<64x128xf32, #tpu.memory_space<vmem>>) dst(%dma_wait3A_333 : memref<10112x128xf32, #tpu.memory_space<vmem_shared>>)
      %dma_start3A_334 = arith.constant 13 : i32
      %dma_start3A_335 = arith.constant 0 : i32
      %dma_start3A_336 = tpu.memref_slice %arg8[%dma_start3A_334, %dma_start3A_335] : memref<16x64xi32, #tpu.memory_space<vmem>> -> memref<1x64xi32, #tpu.memory_space<vmem>>
      %dma_start3A_337 = tpu.memref_squeeze %dma_start3A_336 : memref<1x64xi32, #tpu.memory_space<vmem>> -> memref<64xi32, #tpu.memory_space<vmem>>
      %dma_start3A_338 = arith.constant 0 : i32
      %dma_start3A_339 = arith.constant 0 : i32
      %dma_start3A_340 = tpu.memref_slice %arg2[%dma_start3A_338, %dma_start3A_339] : memref<10000x128xf32, #tpu.memory_space<hbm>> -> memref<10000x128xf32, #tpu.memory_space<hbm>>
      tpu.enqueue_indirect_dma source(%dma_start3A_340 : memref<10000x128xf32, #tpu.memory_space<hbm>>) target(%arg11 : memref<64x128xf32, #tpu.memory_space<vmem>>) offsets(%dma_start3A_337 : memref<64xi32, #tpu.memory_space<vmem>>) semaphore(%arg15 : memref<!tpu.dma_semaphore, #tpu.memory_space<semaphore_mem>>)
      %dma_start3A_341 = arith.constant 10 : i32
      %dma_start3A_342 = arith.constant 0 : i32
      %dma_start3A_343 = tpu.memref_slice %arg9[%dma_start3A_341, %dma_start3A_342] : memref<16x64xi32, #tpu.memory_space<vmem>> -> memref<1x64xi32, #tpu.memory_space<vmem>>
      %dma_start3A_344 = tpu.memref_squeeze %dma_start3A_343 : memref<1x64xi32, #tpu.memory_space<vmem>> -> memref<64xi32, #tpu.memory_space<vmem>>
      %dma_start3A_345 = arith.constant 0 : i32
      %dma_start3A_346 = arith.constant 0 : i32
      %dma_start3A_347 = tpu.memref_slice %arg7[%dma_start3A_345, %dma_start3A_346] : memref<10112x128xf32, #tpu.memory_space<vmem_shared>> -> memref<10112x128xf32, #tpu.memory_space<vmem_shared>>
      tpu.enqueue_indirect_dma source(%arg12 : memref<64x128xf32, #tpu.memory_space<vmem>>) target(%dma_start3A_347 : memref<10112x128xf32, #tpu.memory_space<vmem_shared>>) offsets(%dma_start3A_344 : memref<64xi32, #tpu.memory_space<vmem>>) semaphore(%arg20 : memref<!tpu.dma_semaphore, #tpu.memory_space<semaphore_mem>>) {add = true}
      %dma_wait3A_348 = arith.constant 11 : i32
      %dma_wait3A_349 = arith.constant 0 : i32
      %dma_wait3A_350 = tpu.memref_slice %arg8[%dma_wait3A_348, %dma_wait3A_349] : memref<16x64xi32, #tpu.memory_space<vmem>> -> memref<1x64xi32, #tpu.memory_space<vmem>>
      %dma_wait3A_351 = tpu.memref_squeeze %dma_wait3A_350 : memref<1x64xi32, #tpu.memory_space<vmem>> -> memref<64xi32, #tpu.memory_space<vmem>>
      %dma_wait3A_352 = arith.constant 0 : i32
      %dma_wait3A_353 = arith.constant 0 : i32
      %dma_wait3A_354 = tpu.memref_slice %arg2[%dma_wait3A_352, %dma_wait3A_353] : memref<10000x128xf32, #tpu.memory_space<hbm>> -> memref<10000x128xf32, #tpu.memory_space<hbm>>
      tpu.wait_indirect_dma semaphore(%arg17 : memref<!tpu.dma_semaphore, #tpu.memory_space<semaphore_mem>>) src(%dma_wait3A_354 : memref<10000x128xf32, #tpu.memory_space<hbm>>) dst(%arg13 : memref<64x128xf32, #tpu.memory_space<vmem>>)
      %dma_wait3A_355 = arith.constant 10 : i32
      %dma_wait3A_356 = arith.constant 0 : i32
      %dma_wait3A_357 = tpu.memref_slice %arg9[%dma_wait3A_355, %dma_wait3A_356] : memref<16x64xi32, #tpu.memory_space<vmem>> -> memref<1x64xi32, #tpu.memory_space<vmem>>
      %dma_wait3A_358 = tpu.memref_squeeze %dma_wait3A_357 : memref<1x64xi32, #tpu.memory_space<vmem>> -> memref<64xi32, #tpu.memory_space<vmem>>
      %dma_wait3A_359 = arith.constant 0 : i32
      %dma_wait3A_360 = arith.constant 0 : i32
      %dma_wait3A_361 = tpu.memref_slice %arg7[%dma_wait3A_359, %dma_wait3A_360] : memref<10112x128xf32, #tpu.memory_space<vmem_shared>> -> memref<10112x128xf32, #tpu.memory_space<vmem_shared>>
      tpu.wait_indirect_dma semaphore(%arg20 : memref<!tpu.dma_semaphore, #tpu.memory_space<semaphore_mem>>) src(%arg12 : memref<64x128xf32, #tpu.memory_space<vmem>>) dst(%dma_wait3A_361 : memref<10112x128xf32, #tpu.memory_space<vmem_shared>>)
      %dma_start3A_362 = arith.constant 14 : i32
      %dma_start3A_363 = arith.constant 0 : i32
      %dma_start3A_364 = tpu.memref_slice %arg8[%dma_start3A_362, %dma_start3A_363] : memref<16x64xi32, #tpu.memory_space<vmem>> -> memref<1x64xi32, #tpu.memory_space<vmem>>
      %dma_start3A_365 = tpu.memref_squeeze %dma_start3A_364 : memref<1x64xi32, #tpu.memory_space<vmem>> -> memref<64xi32, #tpu.memory_space<vmem>>
      %dma_start3A_366 = arith.constant 0 : i32
      %dma_start3A_367 = arith.constant 0 : i32
      %dma_start3A_368 = tpu.memref_slice %arg2[%dma_start3A_366, %dma_start3A_367] : memref<10000x128xf32, #tpu.memory_space<hbm>> -> memref<10000x128xf32, #tpu.memory_space<hbm>>
      tpu.enqueue_indirect_dma source(%dma_start3A_368 : memref<10000x128xf32, #tpu.memory_space<hbm>>) target(%arg12 : memref<64x128xf32, #tpu.memory_space<vmem>>) offsets(%dma_start3A_365 : memref<64xi32, #tpu.memory_space<vmem>>) semaphore(%arg16 : memref<!tpu.dma_semaphore, #tpu.memory_space<semaphore_mem>>)
      %dma_start3A_369 = arith.constant 11 : i32
      %dma_start3A_370 = arith.constant 0 : i32
      %dma_start3A_371 = tpu.memref_slice %arg9[%dma_start3A_369, %dma_start3A_370] : memref<16x64xi32, #tpu.memory_space<vmem>> -> memref<1x64xi32, #tpu.memory_space<vmem>>
      %dma_start3A_372 = tpu.memref_squeeze %dma_start3A_371 : memref<1x64xi32, #tpu.memory_space<vmem>> -> memref<64xi32, #tpu.memory_space<vmem>>
      %dma_start3A_373 = arith.constant 0 : i32
      %dma_start3A_374 = arith.constant 0 : i32
      %dma_start3A_375 = tpu.memref_slice %arg7[%dma_start3A_373, %dma_start3A_374] : memref<10112x128xf32, #tpu.memory_space<vmem_shared>> -> memref<10112x128xf32, #tpu.memory_space<vmem_shared>>
      tpu.enqueue_indirect_dma source(%arg13 : memref<64x128xf32, #tpu.memory_space<vmem>>) target(%dma_start3A_375 : memref<10112x128xf32, #tpu.memory_space<vmem_shared>>) offsets(%dma_start3A_372 : memref<64xi32, #tpu.memory_space<vmem>>) semaphore(%arg21 : memref<!tpu.dma_semaphore, #tpu.memory_space<semaphore_mem>>) {add = true}
      %dma_wait3A_376 = arith.constant 12 : i32
      %dma_wait3A_377 = arith.constant 0 : i32
      %dma_wait3A_378 = tpu.memref_slice %arg8[%dma_wait3A_376, %dma_wait3A_377] : memref<16x64xi32, #tpu.memory_space<vmem>> -> memref<1x64xi32, #tpu.memory_space<vmem>>
      %dma_wait3A_379 = tpu.memref_squeeze %dma_wait3A_378 : memref<1x64xi32, #tpu.memory_space<vmem>> -> memref<64xi32, #tpu.memory_space<vmem>>
      %dma_wait3A_380 = arith.constant 0 : i32
      %dma_wait3A_381 = arith.constant 0 : i32
      %dma_wait3A_382 = tpu.memref_slice %arg2[%dma_wait3A_380, %dma_wait3A_381] : memref<10000x128xf32, #tpu.memory_space<hbm>> -> memref<10000x128xf32, #tpu.memory_space<hbm>>
      tpu.wait_indirect_dma semaphore(%arg14 : memref<!tpu.dma_semaphore, #tpu.memory_space<semaphore_mem>>) src(%dma_wait3A_382 : memref<10000x128xf32, #tpu.memory_space<hbm>>) dst(%arg10 : memref<64x128xf32, #tpu.memory_space<vmem>>)
      %dma_wait3A_383 = arith.constant 11 : i32
      %dma_wait3A_384 = arith.constant 0 : i32
      %dma_wait3A_385 = tpu.memref_slice %arg9[%dma_wait3A_383, %dma_wait3A_384] : memref<16x64xi32, #tpu.memory_space<vmem>> -> memref<1x64xi32, #tpu.memory_space<vmem>>
      %dma_wait3A_386 = tpu.memref_squeeze %dma_wait3A_385 : memref<1x64xi32, #tpu.memory_space<vmem>> -> memref<64xi32, #tpu.memory_space<vmem>>
      %dma_wait3A_387 = arith.constant 0 : i32
      %dma_wait3A_388 = arith.constant 0 : i32
      %dma_wait3A_389 = tpu.memref_slice %arg7[%dma_wait3A_387, %dma_wait3A_388] : memref<10112x128xf32, #tpu.memory_space<vmem_shared>> -> memref<10112x128xf32, #tpu.memory_space<vmem_shared>>
      tpu.wait_indirect_dma semaphore(%arg21 : memref<!tpu.dma_semaphore, #tpu.memory_space<semaphore_mem>>) src(%arg13 : memref<64x128xf32, #tpu.memory_space<vmem>>) dst(%dma_wait3A_389 : memref<10112x128xf32, #tpu.memory_space<vmem_shared>>)
      %dma_start3A_390 = arith.constant 15 : i32
      %dma_start3A_391 = arith.constant 0 : i32
      %dma_start3A_392 = tpu.memref_slice %arg8[%dma_start3A_390, %dma_start3A_391] : memref<16x64xi32, #tpu.memory_space<vmem>> -> memref<1x64xi32, #tpu.memory_space<vmem>>
      %dma_start3A_393 = tpu.memref_squeeze %dma_start3A_392 : memref<1x64xi32, #tpu.memory_space<vmem>> -> memref<64xi32, #tpu.memory_space<vmem>>
      %dma_start3A_394 = arith.constant 0 : i32
      %dma_start3A_395 = arith.constant 0 : i32
      %dma_start3A_396 = tpu.memref_slice %arg2[%dma_start3A_394, %dma_start3A_395] : memref<10000x128xf32, #tpu.memory_space<hbm>> -> memref<10000x128xf32, #tpu.memory_space<hbm>>
      tpu.enqueue_indirect_dma source(%dma_start3A_396 : memref<10000x128xf32, #tpu.memory_space<hbm>>) target(%arg13 : memref<64x128xf32, #tpu.memory_space<vmem>>) offsets(%dma_start3A_393 : memref<64xi32, #tpu.memory_space<vmem>>) semaphore(%arg17 : memref<!tpu.dma_semaphore, #tpu.memory_space<semaphore_mem>>)
      %dma_start3A_397 = arith.constant 12 : i32
      %dma_start3A_398 = arith.constant 0 : i32
      %dma_start3A_399 = tpu.memref_slice %arg9[%dma_start3A_397, %dma_start3A_398] : memref<16x64xi32, #tpu.memory_space<vmem>> -> memref<1x64xi32, #tpu.memory_space<vmem>>
      %dma_start3A_400 = tpu.memref_squeeze %dma_start3A_399 : memref<1x64xi32, #tpu.memory_space<vmem>> -> memref<64xi32, #tpu.memory_space<vmem>>
      %dma_start3A_401 = arith.constant 0 : i32
      %dma_start3A_402 = arith.constant 0 : i32
      %dma_start3A_403 = tpu.memref_slice %arg7[%dma_start3A_401, %dma_start3A_402] : memref<10112x128xf32, #tpu.memory_space<vmem_shared>> -> memref<10112x128xf32, #tpu.memory_space<vmem_shared>>
      tpu.enqueue_indirect_dma source(%arg10 : memref<64x128xf32, #tpu.memory_space<vmem>>) target(%dma_start3A_403 : memref<10112x128xf32, #tpu.memory_space<vmem_shared>>) offsets(%dma_start3A_400 : memref<64xi32, #tpu.memory_space<vmem>>) semaphore(%arg18 : memref<!tpu.dma_semaphore, #tpu.memory_space<semaphore_mem>>) {add = true}
      %dma_wait3A_404 = arith.constant 13 : i32
      %dma_wait3A_405 = arith.constant 0 : i32
      %dma_wait3A_406 = tpu.memref_slice %arg8[%dma_wait3A_404, %dma_wait3A_405] : memref<16x64xi32, #tpu.memory_space<vmem>> -> memref<1x64xi32, #tpu.memory_space<vmem>>
      %dma_wait3A_407 = tpu.memref_squeeze %dma_wait3A_406 : memref<1x64xi32, #tpu.memory_space<vmem>> -> memref<64xi32, #tpu.memory_space<vmem>>
      %dma_wait3A_408 = arith.constant 0 : i32
      %dma_wait3A_409 = arith.constant 0 : i32
      %dma_wait3A_410 = tpu.memref_slice %arg2[%dma_wait3A_408, %dma_wait3A_409] : memref<10000x128xf32, #tpu.memory_space<hbm>> -> memref<10000x128xf32, #tpu.memory_space<hbm>>
      tpu.wait_indirect_dma semaphore(%arg15 : memref<!tpu.dma_semaphore, #tpu.memory_space<semaphore_mem>>) src(%dma_wait3A_410 : memref<10000x128xf32, #tpu.memory_space<hbm>>) dst(%arg11 : memref<64x128xf32, #tpu.memory_space<vmem>>)
      %dma_start3A_411 = arith.constant 13 : i32
      %dma_start3A_412 = arith.constant 0 : i32
      %dma_start3A_413 = tpu.memref_slice %arg9[%dma_start3A_411, %dma_start3A_412] : memref<16x64xi32, #tpu.memory_space<vmem>> -> memref<1x64xi32, #tpu.memory_space<vmem>>
      %dma_start3A_414 = tpu.memref_squeeze %dma_start3A_413 : memref<1x64xi32, #tpu.memory_space<vmem>> -> memref<64xi32, #tpu.memory_space<vmem>>
      %dma_start3A_415 = arith.constant 0 : i32
      %dma_start3A_416 = arith.constant 0 : i32
      %dma_start3A_417 = tpu.memref_slice %arg7[%dma_start3A_415, %dma_start3A_416] : memref<10112x128xf32, #tpu.memory_space<vmem_shared>> -> memref<10112x128xf32, #tpu.memory_space<vmem_shared>>
      tpu.enqueue_indirect_dma source(%arg11 : memref<64x128xf32, #tpu.memory_space<vmem>>) target(%dma_start3A_417 : memref<10112x128xf32, #tpu.memory_space<vmem_shared>>) offsets(%dma_start3A_414 : memref<64xi32, #tpu.memory_space<vmem>>) semaphore(%arg19 : memref<!tpu.dma_semaphore, #tpu.memory_space<semaphore_mem>>) {add = true}
      %dma_wait3A_418 = arith.constant 14 : i32
      %dma_wait3A_419 = arith.constant 0 : i32
      %dma_wait3A_420 = tpu.memref_slice %arg8[%dma_wait3A_418, %dma_wait3A_419] : memref<16x64xi32, #tpu.memory_space<vmem>> -> memref<1x64xi32, #tpu.memory_space<vmem>>
      %dma_wait3A_421 = tpu.memref_squeeze %dma_wait3A_420 : memref<1x64xi32, #tpu.memory_space<vmem>> -> memref<64xi32, #tpu.memory_space<vmem>>
      %dma_wait3A_422 = arith.constant 0 : i32
      %dma_wait3A_423 = arith.constant 0 : i32
      %dma_wait3A_424 = tpu.memref_slice %arg2[%dma_wait3A_422, %dma_wait3A_423] : memref<10000x128xf32, #tpu.memory_space<hbm>> -> memref<10000x128xf32, #tpu.memory_space<hbm>>
      tpu.wait_indirect_dma semaphore(%arg16 : memref<!tpu.dma_semaphore, #tpu.memory_space<semaphore_mem>>) src(%dma_wait3A_424 : memref<10000x128xf32, #tpu.memory_space<hbm>>) dst(%arg12 : memref<64x128xf32, #tpu.memory_space<vmem>>)
      %dma_start3A_425 = arith.constant 14 : i32
      %dma_start3A_426 = arith.constant 0 : i32
      %dma_start3A_427 = tpu.memref_slice %arg9[%dma_start3A_425, %dma_start3A_426] : memref<16x64xi32, #tpu.memory_space<vmem>> -> memref<1x64xi32, #tpu.memory_space<vmem>>
      %dma_start3A_428 = tpu.memref_squeeze %dma_start3A_427 : memref<1x64xi32, #tpu.memory_space<vmem>> -> memref<64xi32, #tpu.memory_space<vmem>>
      %dma_start3A_429 = arith.constant 0 : i32
      %dma_start3A_430 = arith.constant 0 : i32
      %dma_start3A_431 = tpu.memref_slice %arg7[%dma_start3A_429, %dma_start3A_430] : memref<10112x128xf32, #tpu.memory_space<vmem_shared>> -> memref<10112x128xf32, #tpu.memory_space<vmem_shared>>
      tpu.enqueue_indirect_dma source(%arg12 : memref<64x128xf32, #tpu.memory_space<vmem>>) target(%dma_start3A_431 : memref<10112x128xf32, #tpu.memory_space<vmem_shared>>) offsets(%dma_start3A_428 : memref<64xi32, #tpu.memory_space<vmem>>) semaphore(%arg20 : memref<!tpu.dma_semaphore, #tpu.memory_space<semaphore_mem>>) {add = true}
      %dma_wait3A_432 = arith.constant 15 : i32
      %dma_wait3A_433 = arith.constant 0 : i32
      %dma_wait3A_434 = tpu.memref_slice %arg8[%dma_wait3A_432, %dma_wait3A_433] : memref<16x64xi32, #tpu.memory_space<vmem>> -> memref<1x64xi32, #tpu.memory_space<vmem>>
      %dma_wait3A_435 = tpu.memref_squeeze %dma_wait3A_434 : memref<1x64xi32, #tpu.memory_space<vmem>> -> memref<64xi32, #tpu.memory_space<vmem>>
      %dma_wait3A_436 = arith.constant 0 : i32
      %dma_wait3A_437 = arith.constant 0 : i32
      %dma_wait3A_438 = tpu.memref_slice %arg2[%dma_wait3A_436, %dma_wait3A_437] : memref<10000x128xf32, #tpu.memory_space<hbm>> -> memref<10000x128xf32, #tpu.memory_space<hbm>>
      tpu.wait_indirect_dma semaphore(%arg17 : memref<!tpu.dma_semaphore, #tpu.memory_space<semaphore_mem>>) src(%dma_wait3A_438 : memref<10000x128xf32, #tpu.memory_space<hbm>>) dst(%arg13 : memref<64x128xf32, #tpu.memory_space<vmem>>)
      %dma_start3A_439 = arith.constant 15 : i32
      %dma_start3A_440 = arith.constant 0 : i32
      %dma_start3A_441 = tpu.memref_slice %arg9[%dma_start3A_439, %dma_start3A_440] : memref<16x64xi32, #tpu.memory_space<vmem>> -> memref<1x64xi32, #tpu.memory_space<vmem>>
      %dma_start3A_442 = tpu.memref_squeeze %dma_start3A_441 : memref<1x64xi32, #tpu.memory_space<vmem>> -> memref<64xi32, #tpu.memory_space<vmem>>
      %dma_start3A_443 = arith.constant 0 : i32
      %dma_start3A_444 = arith.constant 0 : i32
      %dma_start3A_445 = tpu.memref_slice %arg7[%dma_start3A_443, %dma_start3A_444] : memref<10112x128xf32, #tpu.memory_space<vmem_shared>> -> memref<10112x128xf32, #tpu.memory_space<vmem_shared>>
      tpu.enqueue_indirect_dma source(%arg13 : memref<64x128xf32, #tpu.memory_space<vmem>>) target(%dma_start3A_445 : memref<10112x128xf32, #tpu.memory_space<vmem_shared>>) offsets(%dma_start3A_442 : memref<64xi32, #tpu.memory_space<vmem>>) semaphore(%arg21 : memref<!tpu.dma_semaphore, #tpu.memory_space<semaphore_mem>>) {add = true}
      %dma_wait3A_446 = arith.constant 12 : i32
      %dma_wait3A_447 = arith.constant 0 : i32
      %dma_wait3A_448 = tpu.memref_slice %arg9[%dma_wait3A_446, %dma_wait3A_447] : memref<16x64xi32, #tpu.memory_space<vmem>> -> memref<1x64xi32, #tpu.memory_space<vmem>>
      %dma_wait3A_449 = tpu.memref_squeeze %dma_wait3A_448 : memref<1x64xi32, #tpu.memory_space<vmem>> -> memref<64xi32, #tpu.memory_space<vmem>>
      %dma_wait3A_450 = arith.constant 0 : i32
      %dma_wait3A_451 = arith.constant 0 : i32
      %dma_wait3A_452 = tpu.memref_slice %arg7[%dma_wait3A_450, %dma_wait3A_451] : memref<10112x128xf32, #tpu.memory_space<vmem_shared>> -> memref<10112x128xf32, #tpu.memory_space<vmem_shared>>
      tpu.wait_indirect_dma semaphore(%arg18 : memref<!tpu.dma_semaphore, #tpu.memory_space<semaphore_mem>>) src(%arg10 : memref<64x128xf32, #tpu.memory_space<vmem>>) dst(%dma_wait3A_452 : memref<10112x128xf32, #tpu.memory_space<vmem_shared>>)
      %dma_wait3A_453 = arith.constant 13 : i32
      %dma_wait3A_454 = arith.constant 0 : i32
      %dma_wait3A_455 = tpu.memref_slice %arg9[%dma_wait3A_453, %dma_wait3A_454] : memref<16x64xi32, #tpu.memory_space<vmem>> -> memref<1x64xi32, #tpu.memory_space<vmem>>
      %dma_wait3A_456 = tpu.memref_squeeze %dma_wait3A_455 : memref<1x64xi32, #tpu.memory_space<vmem>> -> memref<64xi32, #tpu.memory_space<vmem>>
      %dma_wait3A_457 = arith.constant 0 : i32
      %dma_wait3A_458 = arith.constant 0 : i32
      %dma_wait3A_459 = tpu.memref_slice %arg7[%dma_wait3A_457, %dma_wait3A_458] : memref<10112x128xf32, #tpu.memory_space<vmem_shared>> -> memref<10112x128xf32, #tpu.memory_space<vmem_shared>>
      tpu.wait_indirect_dma semaphore(%arg19 : memref<!tpu.dma_semaphore, #tpu.memory_space<semaphore_mem>>) src(%arg11 : memref<64x128xf32, #tpu.memory_space<vmem>>) dst(%dma_wait3A_459 : memref<10112x128xf32, #tpu.memory_space<vmem_shared>>)
      %dma_wait3A_460 = arith.constant 14 : i32
      %dma_wait3A_461 = arith.constant 0 : i32
      %dma_wait3A_462 = tpu.memref_slice %arg9[%dma_wait3A_460, %dma_wait3A_461] : memref<16x64xi32, #tpu.memory_space<vmem>> -> memref<1x64xi32, #tpu.memory_space<vmem>>
      %dma_wait3A_463 = tpu.memref_squeeze %dma_wait3A_462 : memref<1x64xi32, #tpu.memory_space<vmem>> -> memref<64xi32, #tpu.memory_space<vmem>>
      %dma_wait3A_464 = arith.constant 0 : i32
      %dma_wait3A_465 = arith.constant 0 : i32
      %dma_wait3A_466 = tpu.memref_slice %arg7[%dma_wait3A_464, %dma_wait3A_465] : memref<10112x128xf32, #tpu.memory_space<vmem_shared>> -> memref<10112x128xf32, #tpu.memory_space<vmem_shared>>
      tpu.wait_indirect_dma semaphore(%arg20 : memref<!tpu.dma_semaphore, #tpu.memory_space<semaphore_mem>>) src(%arg12 : memref<64x128xf32, #tpu.memory_space<vmem>>) dst(%dma_wait3A_466 : memref<10112x128xf32, #tpu.memory_space<vmem_shared>>)
      %dma_wait3A_467 = arith.constant 15 : i32
      %dma_wait3A_468 = arith.constant 0 : i32
      %dma_wait3A_469 = tpu.memref_slice %arg9[%dma_wait3A_467, %dma_wait3A_468] : memref<16x64xi32, #tpu.memory_space<vmem>> -> memref<1x64xi32, #tpu.memory_space<vmem>>
      %dma_wait3A_470 = tpu.memref_squeeze %dma_wait3A_469 : memref<1x64xi32, #tpu.memory_space<vmem>> -> memref<64xi32, #tpu.memory_space<vmem>>
      %dma_wait3A_471 = arith.constant 0 : i32
      %dma_wait3A_472 = arith.constant 0 : i32
      %dma_wait3A_473 = tpu.memref_slice %arg7[%dma_wait3A_471, %dma_wait3A_472] : memref<10112x128xf32, #tpu.memory_space<vmem_shared>> -> memref<10112x128xf32, #tpu.memory_space<vmem_shared>>
      tpu.wait_indirect_dma semaphore(%arg21 : memref<!tpu.dma_semaphore, #tpu.memory_space<semaphore_mem>>) src(%arg13 : memref<64x128xf32, #tpu.memory_space<vmem>>) dst(%dma_wait3A_473 : memref<10112x128xf32, #tpu.memory_space<vmem_shared>>)
    }
    %barrier3A_20 = arith.constant 0 : index
    tpu.barrier barrier_id(%barrier3A_20)
    "tpu.region"() ({
      %run_scoped3A = tpu.sem_alloc : memref<!tpu.dma_semaphore, #tpu.memory_space<semaphore_mem>>
      %dma_start3A = arith.constant 0 : i32
      %dma_start3A_21 = tpu.memref_slice %arg6[%arg0, %mul3A_0, %dma_start3A] : memref<2x10112x128xf32, #tpu.memory_space<hbm>> -> memref<1x632x128xf32, #tpu.memory_space<hbm>>
      %dma_start3A_22 = tpu.memref_squeeze %dma_start3A_21 : memref<1x632x128xf32, #tpu.memory_space<hbm>> -> memref<632x128xf32, #tpu.memory_space<hbm>>
      %dma_start3A_23 = arith.constant 0 : i32
      %dma_start3A_24 = tpu.memref_slice %arg7[%mul3A_0, %dma_start3A_23] : memref<10112x128xf32, #tpu.memory_space<vmem_shared>> -> memref<632x128xf32, #tpu.memory_space<vmem_shared>>
      tpu.enqueue_dma source(%dma_start3A_24 : memref<632x128xf32, #tpu.memory_space<vmem_shared>>) target(%dma_start3A_22 : memref<632x128xf32, #tpu.memory_space<hbm>>) target_semaphore(%run_scoped3A : memref<!tpu.dma_semaphore, #tpu.memory_space<semaphore_mem>>)
      %dma_wait3A = arith.constant 0 : i32
      %dma_wait3A_25 = tpu.memref_slice %arg6[%arg0, %mul3A_0, %dma_wait3A] : memref<2x10112x128xf32, #tpu.memory_space<hbm>> -> memref<1x632x128xf32, #tpu.memory_space<hbm>>
      %dma_wait3A_26 = tpu.memref_squeeze %dma_wait3A_25 : memref<1x632x128xf32, #tpu.memory_space<hbm>> -> memref<632x128xf32, #tpu.memory_space<hbm>>
      %dma_wait3A_27 = arith.constant 0 : i32
      %dma_wait3A_28 = tpu.memref_slice %arg7[%mul3A_0, %dma_wait3A_27] : memref<10112x128xf32, #tpu.memory_space<vmem_shared>> -> memref<632x128xf32, #tpu.memory_space<vmem_shared>>
      tpu.wait_dma2 semaphore(%run_scoped3A : memref<!tpu.dma_semaphore, #tpu.memory_space<semaphore_mem>>) src(%dma_wait3A_28 : memref<632x128xf32, #tpu.memory_space<vmem_shared>>) dst(%dma_wait3A_26 : memref<632x128xf32, #tpu.memory_space<hbm>>)
      tpu.yield
    }) : () -> ()
    return
  }
}

module attributes {stable_mosaic.version = 14 : i64} {
  func.func @_tc_layer_body(%arg0: i32, %arg1: memref<2000x128xf32, #tpu.memory_space<vmem>>, %arg2: memref<2x2000x128xf32, #tpu.memory_space<vmem>>, %arg3: memref<2x2000x128xf32, #tpu.memory_space<vmem>>, %arg4: memref<128x128xf32, #tpu.memory_space<vmem>>, %arg5: memref<128x128xf32, #tpu.memory_space<vmem>>, %arg6: memref<1x128xf32, #tpu.memory_space<vmem>>, %arg7: memref<2000x128xf32, #tpu.memory_space<vmem>>) attributes {dimension_semantics = [#tpu.dimension_semantics<arbitrary>], iteration_bounds = array<i64: 5>, scalar_prefetch = 0 : i64, scratch_operands = 0 : i64, tpu.core_type = #tpu.core_type<tc>, window_params = [{transform_indices = @transform_0, window_bounds = array<i64: 2000, 128>}, {transform_indices = @transform_1, window_bounds = array<i64: 2, 2000, 128>}, {transform_indices = @transform_2, window_bounds = array<i64: 2, 2000, 128>}, {pipeline_mode = #tpu.pipeline_mode<synchronous>, transform_indices = @transform_3, window_bounds = array<i64: 128, 128>}, {pipeline_mode = #tpu.pipeline_mode<synchronous>, transform_indices = @transform_4, window_bounds = array<i64: 128, 128>}, {pipeline_mode = #tpu.pipeline_mode<synchronous>, transform_indices = @transform_5, window_bounds = array<i64: 1, 128>}, {transform_indices = @transform_6, window_bounds = array<i64: 2000, 128>}]} {
    %get3A = arith.constant 0 : index
    %get3A_0 = arith.constant 0 : index
    %get3A_1 = arith.constant 0 : index
    %get3A_2 = vector.load %arg2[%get3A, %get3A_0, %get3A_1] : memref<2x2000x128xf32, #tpu.memory_space<vmem>>, vector<1x2000x128xf32>
    %get3A_3 = vector.shape_cast %get3A_2 : vector<1x2000x128xf32> to vector<2000x128xf32>
    %get3A_4 = arith.constant 1 : index
    %get3A_5 = arith.constant 0 : index
    %get3A_6 = arith.constant 0 : index
    %get3A_7 = vector.load %arg2[%get3A_4, %get3A_5, %get3A_6] : memref<2x2000x128xf32, #tpu.memory_space<vmem>>, vector<1x2000x128xf32>
    %get3A_8 = vector.shape_cast %get3A_7 : vector<1x2000x128xf32> to vector<2000x128xf32>
    %add3A = arith.addf %get3A_3, %get3A_8 : vector<2000x128xf32>
    %get3A_9 = arith.constant 0 : index
    %get3A_10 = arith.constant 0 : index
    %get3A_11 = arith.constant 0 : index
    %get3A_12 = vector.load %arg3[%get3A_9, %get3A_10, %get3A_11] : memref<2x2000x128xf32, #tpu.memory_space<vmem>>, vector<1x2000x1xf32>
    %get3A_13 = vector.shape_cast %get3A_12 : vector<1x2000x1xf32> to vector<2000x1xf32>
    %get3A_14 = arith.constant 1 : index
    %get3A_15 = arith.constant 0 : index
    %get3A_16 = arith.constant 0 : index
    %get3A_17 = vector.load %arg3[%get3A_14, %get3A_15, %get3A_16] : memref<2x2000x128xf32, #tpu.memory_space<vmem>>, vector<1x2000x1xf32>
    %get3A_18 = vector.shape_cast %get3A_17 : vector<1x2000x1xf32> to vector<2000x1xf32>
    %add3A_19 = arith.addf %get3A_13, %get3A_18 : vector<2000x1xf32>
    %max3A = arith.constant 1.000000e+00 : f32
    %max3A_20 = vector.broadcast %max3A : f32 to vector<2000x1xf32>
    %max3A_21 = arith.maximumf %add3A_19, %max3A_20 : vector<2000x1xf32>
    %div3A = arith.constant 1.000000e+00 : f32
    %div3A_22 = vector.broadcast %div3A : f32 to vector<2000x1xf32>
    %div3A_23 = arith.divf %div3A_22, %max3A_21 : vector<2000x1xf32>
    %mul3A = vector.broadcast %div3A_23 : vector<2000x1xf32> to vector<2000x128xf32>
    %mul3A_24 = arith.mulf %add3A, %mul3A : vector<2000x128xf32>
    %get3A_25 = arith.constant 0 : index
    %get3A_26 = arith.constant 0 : index
    %get3A_27 = vector.load %arg1[%get3A_25, %get3A_26] : memref<2000x128xf32, #tpu.memory_space<vmem>>, vector<2000x128xf32>
    %get3A_28 = arith.constant 0 : index
    %get3A_29 = arith.constant 0 : index
    %get3A_30 = vector.load %arg4[%get3A_28, %get3A_29] : memref<128x128xf32, #tpu.memory_space<vmem>>, vector<128x128xf32>
    %dot_general3A = arith.constant dense<0.000000e+00> : vector<2000x128xf32>
    %dot_general3A_31 = tpu.matmul %get3A_27, %get3A_30, %dot_general3A {dimension_numbers = #tpu.dot_dimension_numbers<[1], [0], [0], [1], [0, 0, 1, 1], [], []>, precision = #tpu.contract_precision<fp32>, transpose_lhs_hint = false} : vector<2000x128xf32>, vector<128x128xf32>, vector<2000x128xf32> -> vector<2000x128xf32>
    %get3A_32 = arith.constant 0 : index
    %get3A_33 = arith.constant 0 : index
    %get3A_34 = vector.load %arg5[%get3A_32, %get3A_33] : memref<128x128xf32, #tpu.memory_space<vmem>>, vector<128x128xf32>
    %dot_general3A_35 = arith.constant dense<0.000000e+00> : vector<2000x128xf32>
    %dot_general3A_36 = tpu.matmul %mul3A_24, %get3A_34, %dot_general3A_35 {dimension_numbers = #tpu.dot_dimension_numbers<[1], [0], [0], [1], [0, 0, 1, 1], [], []>, precision = #tpu.contract_precision<fp32>, transpose_lhs_hint = false} : vector<2000x128xf32>, vector<128x128xf32>, vector<2000x128xf32> -> vector<2000x128xf32>
    %add3A_37 = arith.addf %dot_general3A_31, %dot_general3A_36 : vector<2000x128xf32>
    %get3A_38 = arith.constant 0 : index
    %get3A_39 = arith.constant 0 : index
    %get3A_40 = vector.load %arg6[%get3A_38, %get3A_39] : memref<1x128xf32, #tpu.memory_space<vmem>>, vector<1x128xf32>
    %add3A_41 = vector.broadcast %get3A_40 : vector<1x128xf32> to vector<2000x128xf32>
    %add3A_42 = arith.addf %add3A_37, %add3A_41 : vector<2000x128xf32>
    %max3A_43 = arith.constant 0.000000e+00 : f32
    %max3A_44 = vector.broadcast %max3A_43 : f32 to vector<2000x128xf32>
    %max3A_45 = arith.maximumf %add3A_42, %max3A_44 : vector<2000x128xf32>
    %swap3A = arith.constant 0 : index
    %swap3A_46 = arith.constant 0 : index
    %swap3A_47 = vector.load %arg7[%swap3A, %swap3A_46] : memref<2000x128xf32, #tpu.memory_space<vmem>>, vector<2000x128xf32>
    tpu.vector_store %arg7[%swap3A, %swap3A_46], %max3A_45 {strides = array<i32>} : memref<2000x128xf32, #tpu.memory_space<vmem>>, vector<2000x128xf32>,
    return
  }
  func.func @transform_0(%arg0: i32) -> (i32, i32) {
    %c0_i32 = arith.constant 0 : i32
    %c0_i32_0 = arith.constant 0 : i32
    return %arg0, %c0_i32 : i32, i32
  }
  func.func @transform_1(%arg0: i32) -> (i32, i32, i32) {
    %c0_i32 = arith.constant 0 : i32
    %c0_i32_0 = arith.constant 0 : i32
    %c0_i32_1 = arith.constant 0 : i32
    return %c0_i32, %arg0, %c0_i32_0 : i32, i32, i32
  }
  func.func @transform_2(%arg0: i32) -> (i32, i32, i32) {
    %c0_i32 = arith.constant 0 : i32
    %c0_i32_0 = arith.constant 0 : i32
    %c0_i32_1 = arith.constant 0 : i32
    return %c0_i32, %arg0, %c0_i32_0 : i32, i32, i32
  }
  func.func @transform_3(%arg0: i32) -> (i32, i32) {
    %c0_i32 = arith.constant 0 : i32
    %c0_i32_0 = arith.constant 0 : i32
    %c0_i32_1 = arith.constant 0 : i32
    return %c0_i32, %c0_i32_0 : i32, i32
  }
  func.func @transform_4(%arg0: i32) -> (i32, i32) {
    %c0_i32 = arith.constant 0 : i32
    %c0_i32_0 = arith.constant 0 : i32
    %c0_i32_1 = arith.constant 0 : i32
    return %c0_i32, %c0_i32_0 : i32, i32
  }
  func.func @transform_5(%arg0: i32) -> (i32, i32) {
    %c0_i32 = arith.constant 0 : i32
    %c0_i32_0 = arith.constant 0 : i32
    %c0_i32_1 = arith.constant 0 : i32
    return %c0_i32, %c0_i32_0 : i32, i32
  }
  func.func @transform_6(%arg0: i32) -> (i32, i32) {
    %c0_i32 = arith.constant 0 : i32
    %c0_i32_0 = arith.constant 0 : i32
    return %arg0, %c0_i32 : i32, i32
  }
}

module attributes {stable_mosaic.version = 14 : i64} {
  func.func @_tc_layer_body(%arg0: i32, %arg1: memref<2000x128xf32, #tpu.memory_space<vmem>>, %arg2: memref<2x2000x128xf32, #tpu.memory_space<vmem>>, %arg3: memref<2x2000x128xf32, #tpu.memory_space<vmem>>, %arg4: memref<128x128xf32, #tpu.memory_space<vmem>>, %arg5: memref<128x128xf32, #tpu.memory_space<vmem>>, %arg6: memref<1x128xf32, #tpu.memory_space<vmem>>, %arg7: memref<2000x128xf32, #tpu.memory_space<vmem>>) attributes {dimension_semantics = [#tpu.dimension_semantics<arbitrary>], iteration_bounds = array<i64: 5>, scalar_prefetch = 0 : i64, scratch_operands = 0 : i64, tpu.core_type = #tpu.core_type<tc>, window_params = [{transform_indices = @transform_0, window_bounds = array<i64: 2000, 128>}, {transform_indices = @transform_1, window_bounds = array<i64: 2, 2000, 128>}, {transform_indices = @transform_2, window_bounds = array<i64: 2, 2000, 128>}, {pipeline_mode = #tpu.pipeline_mode<synchronous>, transform_indices = @transform_3, window_bounds = array<i64: 128, 128>}, {pipeline_mode = #tpu.pipeline_mode<synchronous>, transform_indices = @transform_4, window_bounds = array<i64: 128, 128>}, {pipeline_mode = #tpu.pipeline_mode<synchronous>, transform_indices = @transform_5, window_bounds = array<i64: 1, 128>}, {transform_indices = @transform_6, window_bounds = array<i64: 2000, 128>}]} {
    %get3A = arith.constant 0 : index
    %get3A_0 = arith.constant 0 : index
    %get3A_1 = arith.constant 0 : index
    %get3A_2 = vector.load %arg2[%get3A, %get3A_0, %get3A_1] : memref<2x2000x128xf32, #tpu.memory_space<vmem>>, vector<1x2000x128xf32>
    %get3A_3 = vector.shape_cast %get3A_2 : vector<1x2000x128xf32> to vector<2000x128xf32>
    %get3A_4 = arith.constant 1 : index
    %get3A_5 = arith.constant 0 : index
    %get3A_6 = arith.constant 0 : index
    %get3A_7 = vector.load %arg2[%get3A_4, %get3A_5, %get3A_6] : memref<2x2000x128xf32, #tpu.memory_space<vmem>>, vector<1x2000x128xf32>
    %get3A_8 = vector.shape_cast %get3A_7 : vector<1x2000x128xf32> to vector<2000x128xf32>
    %add3A = arith.addf %get3A_3, %get3A_8 : vector<2000x128xf32>
    %get3A_9 = arith.constant 0 : index
    %get3A_10 = arith.constant 0 : index
    %get3A_11 = arith.constant 0 : index
    %get3A_12 = vector.load %arg3[%get3A_9, %get3A_10, %get3A_11] : memref<2x2000x128xf32, #tpu.memory_space<vmem>>, vector<1x2000x1xf32>
    %get3A_13 = vector.shape_cast %get3A_12 : vector<1x2000x1xf32> to vector<2000x1xf32>
    %get3A_14 = arith.constant 1 : index
    %get3A_15 = arith.constant 0 : index
    %get3A_16 = arith.constant 0 : index
    %get3A_17 = vector.load %arg3[%get3A_14, %get3A_15, %get3A_16] : memref<2x2000x128xf32, #tpu.memory_space<vmem>>, vector<1x2000x1xf32>
    %get3A_18 = vector.shape_cast %get3A_17 : vector<1x2000x1xf32> to vector<2000x1xf32>
    %add3A_19 = arith.addf %get3A_13, %get3A_18 : vector<2000x1xf32>
    %max3A = arith.constant 1.000000e+00 : f32
    %max3A_20 = vector.broadcast %max3A : f32 to vector<2000x1xf32>
    %max3A_21 = arith.maximumf %add3A_19, %max3A_20 : vector<2000x1xf32>
    %div3A = arith.constant 1.000000e+00 : f32
    %div3A_22 = vector.broadcast %div3A : f32 to vector<2000x1xf32>
    %div3A_23 = arith.divf %div3A_22, %max3A_21 : vector<2000x1xf32>
    %mul3A = vector.broadcast %div3A_23 : vector<2000x1xf32> to vector<2000x128xf32>
    %mul3A_24 = arith.mulf %add3A, %mul3A : vector<2000x128xf32>
    %get3A_25 = arith.constant 0 : index
    %get3A_26 = arith.constant 0 : index
    %get3A_27 = vector.load %arg1[%get3A_25, %get3A_26] : memref<2000x128xf32, #tpu.memory_space<vmem>>, vector<2000x128xf32>
    %get3A_28 = arith.constant 0 : index
    %get3A_29 = arith.constant 0 : index
    %get3A_30 = vector.load %arg4[%get3A_28, %get3A_29] : memref<128x128xf32, #tpu.memory_space<vmem>>, vector<128x128xf32>
    %dot_general3A = arith.constant dense<0.000000e+00> : vector<2000x128xf32>
    %dot_general3A_31 = tpu.matmul %get3A_27, %get3A_30, %dot_general3A {dimension_numbers = #tpu.dot_dimension_numbers<[1], [0], [0], [1], [0, 0, 1, 1], [], []>, precision = #tpu.contract_precision<fp32>, transpose_lhs_hint = false} : vector<2000x128xf32>, vector<128x128xf32>, vector<2000x128xf32> -> vector<2000x128xf32>
    %get3A_32 = arith.constant 0 : index
    %get3A_33 = arith.constant 0 : index
    %get3A_34 = vector.load %arg5[%get3A_32, %get3A_33] : memref<128x128xf32, #tpu.memory_space<vmem>>, vector<128x128xf32>
    %dot_general3A_35 = arith.constant dense<0.000000e+00> : vector<2000x128xf32>
    %dot_general3A_36 = tpu.matmul %mul3A_24, %get3A_34, %dot_general3A_35 {dimension_numbers = #tpu.dot_dimension_numbers<[1], [0], [0], [1], [0, 0, 1, 1], [], []>, precision = #tpu.contract_precision<fp32>, transpose_lhs_hint = false} : vector<2000x128xf32>, vector<128x128xf32>, vector<2000x128xf32> -> vector<2000x128xf32>
    %add3A_37 = arith.addf %dot_general3A_31, %dot_general3A_36 : vector<2000x128xf32>
    %get3A_38 = arith.constant 0 : index
    %get3A_39 = arith.constant 0 : index
    %get3A_40 = vector.load %arg6[%get3A_38, %get3A_39] : memref<1x128xf32, #tpu.memory_space<vmem>>, vector<1x128xf32>
    %add3A_41 = vector.broadcast %get3A_40 : vector<1x128xf32> to vector<2000x128xf32>
    %add3A_42 = arith.addf %add3A_37, %add3A_41 : vector<2000x128xf32>
    %swap3A = arith.constant 0 : index
    %swap3A_43 = arith.constant 0 : index
    %swap3A_44 = vector.load %arg7[%swap3A, %swap3A_43] : memref<2000x128xf32, #tpu.memory_space<vmem>>, vector<2000x128xf32>
    tpu.vector_store %arg7[%swap3A, %swap3A_43], %add3A_42 {strides = array<i32>} : memref<2000x128xf32, #tpu.memory_space<vmem>>, vector<2000x128xf32>,
    return
  }
  func.func @transform_0(%arg0: i32) -> (i32, i32) {
    %c0_i32 = arith.constant 0 : i32
    %c0_i32_0 = arith.constant 0 : i32
    return %arg0, %c0_i32 : i32, i32
  }
  func.func @transform_1(%arg0: i32) -> (i32, i32, i32) {
    %c0_i32 = arith.constant 0 : i32
    %c0_i32_0 = arith.constant 0 : i32
    %c0_i32_1 = arith.constant 0 : i32
    return %c0_i32, %arg0, %c0_i32_0 : i32, i32, i32
  }
  func.func @transform_2(%arg0: i32) -> (i32, i32, i32) {
    %c0_i32 = arith.constant 0 : i32
    %c0_i32_0 = arith.constant 0 : i32
    %c0_i32_1 = arith.constant 0 : i32
    return %c0_i32, %arg0, %c0_i32_0 : i32, i32, i32
  }
  func.func @transform_3(%arg0: i32) -> (i32, i32) {
    %c0_i32 = arith.constant 0 : i32
    %c0_i32_0 = arith.constant 0 : i32
    %c0_i32_1 = arith.constant 0 : i32
    return %c0_i32, %c0_i32_0 : i32, i32
  }
  func.func @transform_4(%arg0: i32) -> (i32, i32) {
    %c0_i32 = arith.constant 0 : i32
    %c0_i32_0 = arith.constant 0 : i32
    %c0_i32_1 = arith.constant 0 : i32
    return %c0_i32, %c0_i32_0 : i32, i32
  }
  func.func @transform_5(%arg0: i32) -> (i32, i32) {
    %c0_i32 = arith.constant 0 : i32
    %c0_i32_0 = arith.constant 0 : i32
    %c0_i32_1 = arith.constant 0 : i32
    return %c0_i32, %c0_i32_0 : i32, i32
  }
  func.func @transform_6(%arg0: i32) -> (i32, i32) {
    %c0_i32 = arith.constant 0 : i32
    %c0_i32_0 = arith.constant 0 : i32
    return %arg0, %c0_i32 : i32, i32
  }
}

</mosaic_0001>

<sc_bundles>
// kernel: kernel.10.cloned.1.call-start
scs
__scs_entry_jumppad:
0x0: {  	(pc) =	sbr.rel $0x88, $3  }
0x1: {  	(tag) =	ssettag $0x0;
	lr =	simm.s32 $0x1  }
0x2: {  	[smem:$0x3F99] =	sst lr;
	_ =	strace $0xD0000000  }
0x3: {  	_ = 	snop  }
0x4: {  	_ = 	snop  }
0x5: {  	_ = 	snop  }
0x6: {  	_ = 	snop  }
0x7: {  	_ = 	snop  }
__scs_overlays_trampoline_lowered:
0x8: {  	[smem:$0x3FA8] =	sst s0  }
0x9: {  	[smem:$0x3FA9] =	sst s1  }
0xa: {  	[smem:$0x3FAA] =	sst s2  }
0xb: {  	[smem:$0x3FAB] =	sst s3  }
0xc: {  	[smem:$0x3FAC] =	sst s4  }
0xd: {  	[smem:$0x3FAD] =	sst s5  }
0xe: {  	[smem:$0x3FAE] =	sst s6  }
0xf: {  	[smem:$0x3FAF] =	sst s7  }
0x10: {  	[smem:$0x3FB0] =	sst s8  }
0x11: {  	[smem:$0x3FB1] =	sst s9;
	s0 =	simm.s32 @!p0 $0x0  }
0x12: {  	s1 =	sld [smem:$0x3F97];
	s0 =	simm.s32 @p0 $0x1  }
0x13: {  	[smem:$0x3FB2] =	sst s0;
	s0 =	simm.s32 @!p1 $0x0  }
0x14: {  	s2 =	sld [smem:$0x3F96];
	s0 =	simm.s32 @p1 $0x1  }
0x15: {  	[smem:$0x3FB3] =	sst s0;
	s0 =	simm.s32 @!p2 $0x0  }
0x16: {  	s3 =	sld [smem:$0x3FDB];
	s0 =	simm.s32 @p2 $0x1  }
0x17: {  	s4 =	simm.s32 $0x1BF5;
	[smem:$0x3FB5] =	sst s0  }
0x18: {  	s0 =	sld [smem:$0x3F98];
	_ =	swait.ge [sflag:s4], $0x0  }
0x19: {  	s7 =	sld [smem:$0x3F99]  }
0x1a: {  	s8 =	sadd.s32 $0xFFFFE003, lr  }
0x1b: {  	s9 =	sadd.s32 $0xFFFFFEF7, lr;
	s5 =	simm.s32 $0xFFFFFFFF;
	p2 =	slt.u32 s8, $0xFFFFF086  }
0x1c: {  	p1 =	slt.u32 s9, $0xF7A;
	s5 =	simm.s32 @!p2 $0x0  }
0x1d: {  	s5 =	simm.s32 @p1 $0x1;
	p0 =	seq.s32 s7, s2  }
0x1e: {  	s7 =	smul.u32 @!p0 $0xF7A, s2;
	p2 =	seq.s32 @!p0 s5, $0x0  }
0x1f: {  	s9 =	smul.u32 $0xF7A, s1;
	s8 =	simm.s32 @!p0 $0x1BF5;
	p2 =	por !p2, p0  }
0x20: {  	[sflag:s8] =	ssyncset.s32 @!p0 $0xFFFFF086;
	s6 =	sadd.s32 @!p0 s3, s7;
	s7 =	simm.s32 @!p0 $0x108  }
0x21: {  	s3 =	sadd.s32 s3, s9;
	s6 =	sadd.s32 @!p0 $0x88, s6;
	s7 =	simm.s32 @p2 $0x1082  }
0x22: {  	[simem:s7], [sflag:s8] =	dma.local @!p0 [hbm:s6], $0xF7A  }
0x23: {  	s9 =	sor.u32 $0xD0000000, s2;
	s6 =	simm.s32 $0x108;
	_ =	swait.ge @!p0 [sflag:s8], $0x0  }
0x24: {  	s3 =	sadd.s32 $0x88, s3;
	s6 =	simm.s32 @!p1 $0x1082;
	[sflag:s4] =	ssyncset.s32 $0xFFFFF086  }
0x25: {  	[simem:s6], [sflag:s4] =	dma.local [hbm:s3], $0xF7A  }
0x26: {  	[smem:$0x3F99] =	sst s1;
	(tag) =	ssettag s2;
	_ =	strace s9  }
0x27: {  	s1 =	sld [smem:$0x3FA9]  }
0x28: {  	s2 =	sld [smem:$0x3FAA]  }
0x29: {  	s4 =	sld [smem:$0x3FAC]  }
0x2a: {  	p0 =	seq.s32 s5, $0x0;
	s5 =	sld [smem:$0x3FAD]  }
0x2b: {  	s6 =	sld [smem:$0x3FAE]  }
0x2c: {  	s7 =	sld [smem:$0x3FAF]  }
0x2d: {  	s3 =	simm.s32 $0x108;
	s8 =	sld [smem:$0x3FB0]  }
0x2e: {  	s3 =	simm.s32 @!p0 $0x1082;
	s9 =	sld [smem:$0x3FB1]  }
0x2f: {  	lr =	sadd.s32 s0, s3;
	s0 =	sld [smem:$0x3FA8]  }
0x30: {  	s3 =	sld [smem:$0x3FAB]  }
0x31: {  	[smem:$0x3FB4] =	sst s10  }
0x32: {  	s10 =	sld [smem:$0x3FB2];
	_ =	sdelay $0x3  }
0x33: {  	p0 =	seq.s32 s10, $0x1;
	s10 =	sld [smem:$0x3FB4];
	_ =	sdelay $0x3  }
0x34: {  	[smem:$0x3FB4] =	sst s10  }
0x35: {  	s10 =	sld [smem:$0x3FB3];
	_ =	sdelay $0x3  }
0x36: {  	p1 =	seq.s32 s10, $0x1;
	s10 =	sld [smem:$0x3FB4];
	_ =	sdelay $0x3  }
0x37: {  	[smem:$0x3FB4] =	sst s10  }
0x38: {  	s10 =	sld [smem:$0x3FB5]  }
0x39: {  	_ = 	snop;
	(pc) =	sbr.ind lr, $3  }
0x3a: {  	_ = 	snop  }
0x3b: {  	_ = 	snop  }
0x3c: {  	p2 =	seq.s32 s10, $0x1;
	s10 =	sld [smem:$0x3FB4]  }
0x3d: {  	_ =	shalt  }
0x3e: {  	_ =	shalt  }
0x3f: {  	_ =	shalt  }
0x40: {  	_ =	shalt  }
0x41: {  	_ =	shalt  }
0x42: {  	_ =	shalt  }
0x43: {  	_ =	shalt  }
0x44: {  	_ =	shalt  }
0x45: {  	_ =	shalt  }
0x46: {  	_ =	shalt  }
0x47: {  	_ =	shalt  }
0x48: {  	_ =	shalt  }
0x49: {  	_ =	shalt  }
0x4a: {  	_ =	shalt  }
0x4b: {  	_ =	shalt  }
0x4c: {  	_ =	shalt  }
0x4d: {  	_ =	shalt  }
0x4e: {  	_ =	shalt  }
0x4f: {  	_ =	shalt  }
0x50: {  	_ =	shalt  }
0x51: {  	_ =	shalt  }
0x52: {  	_ =	shalt  }
0x53: {  	_ =	shalt  }
0x54: {  	_ =	shalt  }
0x55: {  	_ =	shalt  }
0x56: {  	_ =	shalt  }
0x57: {  	_ =	shalt  }
0x58: {  	_ =	shalt  }
0x59: {  	_ =	shalt  }
0x5a: {  	_ =	shalt  }
0x5b: {  	_ =	shalt  }
0x5c: {  	_ =	shalt  }
0x5d: {  	_ =	shalt  }
0x5e: {  	_ =	shalt  }
0x5f: {  	_ =	shalt  }
0x60: {  	_ =	shalt  }
0x61: {  	_ =	shalt  }
0x62: {  	_ =	shalt  }
0x63: {  	_ =	shalt  }
0x64: {  	_ =	shalt  }
0x65: {  	_ =	shalt  }
0x66: {  	_ =	shalt  }
0x67: {  	_ =	shalt  }
0x68: {  	_ =	shalt  }
0x69: {  	_ =	shalt  }
0x6a: {  	_ =	shalt  }
0x6b: {  	_ =	shalt  }
0x6c: {  	_ =	shalt  }
0x6d: {  	_ =	shalt  }
0x6e: {  	_ =	shalt  }
0x6f: {  	_ =	shalt  }
0x70: {  	_ =	shalt  }
0x71: {  	_ =	shalt  }
0x72: {  	_ =	shalt  }
0x73: {  	_ =	shalt  }
0x74: {  	_ =	shalt  }
0x75: {  	_ =	shalt  }
0x76: {  	_ =	shalt  }
0x77: {  	_ =	shalt  }
0x78: {  	_ =	shalt  }
0x79: {  	_ =	shalt  }
0x7a: {  	_ =	shalt  }
0x7b: {  	_ =	shalt  }
0x7c: {  	_ =	shalt  }
0x7d: {  	_ =	shalt  }
0x7e: {  	_ =	shalt  }
0x7f: {  	_ =	shalt  }
0x80: {  	_ =	shalt  }
0x81: {  	_ =	shalt  }
0x82: {  	_ =	shalt  }
0x83: {  	_ =	shalt  }
0x84: {  	_ =	shalt  }
0x85: {  	_ =	shalt  }
0x86: {  	_ =	shalt  }
0x87: {  	_ =	shalt  }
.Lfunc_end0:
.L_simem_size_0:
called_computation.1_lowered:
.L_overlay_start_0:
0x88: {  	s2 =	sld [smem:$0x3FD9]  }
0x89: {  	s3 =	sld [smem:$0x3FFE];
	_ =	sdelay $0x1  }
0x8a: {  	s1 =	srdreg.scid  }
0x8b: {  	s0 =	sand.u32 $0x1, s1  }
0x8c: {  	s17 =	sshll.u32 s0, $0xA;
	s2 =	sadd.s32 s3, s2  }
0x8d: {  	s2 =	sadd.s32 s2, s17  }
0x8e: {  	[smem:$0x3FC0] =	sst s2  }
0x8f: {  	_ = 	snop  }
0x90: {  	s2 =	sld [smem:$0x3FC9];
	(tm) =	ssettm $0x1  }
0x91: {  	s18 =	sld [smem:$0x3FFB];
	_ =	sdelay $0x3  }
0x92: {  	_ =	strace s18  }
0x93: {  	s3 =	sld [smem:$0x3FFC];
	_ =	sdelay $0x3  }
0x94: {  	_ =	strace s3  }
0x95: {  	s3 =	sld [smem:$0x3FFD];
	_ =	sdelay $0x3  }
0x96: {  	_ =	strace s3  }
0x97: {  	_ =	strace $0x8FFFFFFF  }
0x98: {  	s19 =	sld [smem:$0x3FDB];
	_ =	sdelay $0x1  }
0x99: {  	s4 =	simm.s32 $_scs_section_size  }
0x9a: {  	s5 =	simm.s32 $_size__tile_overlayer_lowered;
	s6 =	simm.s32 $_tile_overlayer_lowered  }
0x9b: {  	s22 =	simm.s32 $0x1BFF;
	s21 =	sshll.u32 s6, $0x1;
	s3 =	sadd.s32 s4, s19  }
0x9c: {  	s7 =	simm.s32 $0x0;
	s20 =	sshll.u32 s5, $0x1;
	s5 =	sadd.s32 s21, s3  }
0x9d: {  	[timem:s7], [sflag:s22] =	dma.local [hbm:s5], s20  }
0x9e: {  	_ =	swait.ge [sflag:s22], s20  }
0x9f: {  	s4 =	ssub.s32 $0x0, s20;
	[sflag:s22] =	ssyncset.done $0x0  }
0xa0: {  	[sflag:s22] =	ssyncadd.s32 s4;
	_ =	sdelay $0x1  }
0xa1: {  	s23 =	simm.s32 $0x1B8B  }
0xa2: {  	_ =	swait.ge [sflag:s23], $0x1  }
0xa3: {  	[sflag:s23] =	ssyncset.done $0x0  }
0xa4: {  	s25 =	simm.s32 $0x1B8E;
	s24 =	sld [smem:$0x3FFE];
	[sflag:s23] =	ssyncadd.s32 $0xFFFFFFFF  }
0xa5: {  	s26 =	simm.s32 $execute0_lowered;
	[smem:$0x3FD2] =	sst s25  }
0xa6: {  	s5 =	sshll.u32 s26, $0x1;
	_ =	strace $0x80000049;
	[dreg:$0x1] =	wrdreg $0xFFFFFFFF  }
0xa7: {  	s28 =	simm.s32 $_size_execute0_lowered;
	s3 =	sadd.s32 s3, s5;
	[dreg:$0x0] =	wrdreg $0x0  }
0xa8: {  	s5 =	sshll.u32 s28, $0x1;
	[dreg:$0x2] =	wrdreg s3  }
0xa9: {  	[dreg:$0x3] =	wrdreg s5  }
0xaa: {  	[dreg:$0x4] =	wrdreg $0xC0  }
0xab: {  	_ =	task [dreg:s7], $0x5FFFF  }
0xac: {  	[dreg:$0x1] =	wrdreg $0xFFFFFFFF  }
0xad: {  	[dreg:$0x0] =	wrdreg $0x60  }
0xae: {  	[dreg:$0x2] =	wrdreg s2  }
0xaf: {  	[dreg:$0x3] =	wrdreg s24  }
0xb0: {  	[dreg:$0x4] =	wrdreg $0x0  }
0xb1: {  	[dreg:$0x5] =	wrdreg $0x9  }
0xb2: {  	_ =	task.clear_ibuf [dreg:s7], $0x6FFFF;
	_ =	strace $0x90000049  }
0xb3: {  	s29 =	simm.s32 $0x9;
	_ =	strace $0x8000004B  }
0xb4: {  	_ =	swait.ge [sflag:s29], $0x1  }
0xb5: {  	[sflag:s29] =	ssyncadd.s32 $0xFFFFFFFF  }
0xb6: {  	_ =	strace $0x9000004B  }
0xb7: {  	_ =	sfence  }
0xb8: {  	s30 =	sld [smem:$0x0];
	_ =	sdelay $0x2  }
0xb9: {  	s31 =	sshll.u32 s1, $0xD;
	s1 =	sshrl.u32 s1, $0x2  }
0xba: {  	s3 =	sand.u32 $0x4000, s31;
	s1 =	sadd.s32 s1, s30  }
0xbb: {  	s0 =	sor.u32 s3, s0;
	s1 =	sshll.u32 s1, $0x11  }
0xbc: {  	s0 =	sor.u32 s1, s0  }
0xbd: {  	s0 =	sadd.s32 $0x8F2B, s0  }
0xbe: {  	[sflag:s0] =	ssyncadd.remote.s32 $0x1  }
0xbf: {  	_ =	sfence.sel $0xFFFF  }
0xc0: {  	[dreg:$0x0] =	wrdreg $0xFFFFFFFF;
	(pc) =	sbr.abs _section_cstart, $3  }
0xc1: {  	[dreg:$0x1] =	wrdreg $0xFFFFFFFF  }
0xc2: {  	_ =	task.clear_ibuf [dreg:s7], $0x2FFFF;
	_ =	strace $0x9FFFFFFF  }
0xc3: {  	(tm) =	ssettm $0x7FFFFFFF  }
tec
execute0_lowered:
.L_overlay_start_1:
0x0: {  	(tag) =	ssettag $0x1  }
0x1: {  	s1 =	rddreg [dreg:$0x0]  }
0x2: {  	s0 =	rddreg [dreg:$0x1]  }
0x3: {  	s2 =	rddreg [dreg:$0x2];
	s4 =	simm.s32 $0x0  }
0x4: {  	s3 =	srdreg.scid;
	s9 =	stileid.u32;
	s12 =	simm.s32 $0x9  }
0x5: {  	s13 =	simm.s32 $0x13C00;
	s14 =	simm.s32 $0x14400;
	s15 =	simm.s32 $0x40  }
0x6: {  	s16 =	simm.s32 $0x14C00;
	s18 =	simm.s32 $0x16C00;
	s29 =	simm.s32 $0x3  }
0x7: {  	s30 =	simm.s32 $0x6;
	s28 =	simm.s32 $0x14380;
	s31 =	simm.s32 $0x14A00  }
0x8: {  	s10 =	simm.s32 $0x14A80;
	s11 =	simm.s32 $0x14B80;
	s5 =	smul.u32 $0x130, s9  }
0x9: {  	[smem:$0x7FF] =	sst s4;
	s3 =	sand.u32 $0x1, s3;
	s19 =	smul.u32 $0x13C00, s9  }
0xa: {  	s6 =	sshll.u32 s9, $0x4;
	s20 =	smul.u32 $0x4F000, s9;
	s8 =	sadd.s32 $0x16000, s0  }
0xb: {  	s23 =	sshll.u32 s9, $0x6;
	s9 =	simm.s32 $0x8;
	p0 =	seq.s32 s3, $0x0  }
0xc: {  	s6 =	sor.u32 $0x1300, s6;
	s7 =	smul.u32 $0x13C000, s3;
	_ =	strace $0x8000004A  }
0xd: {  	[dreg:$0x4] =	wrdreg s8;
	s21 =	ssub.s32 $0x2, s3;
	s8 =	sor.u32 $0x1C09, s23  }
0xe: {  	s23 =	simm.s32 $0x1AC00;
	s6 =	smov.u32 @p0 s5;
	s22 =	sshrl.u32 s21, $0x1  }
0xf: {  	p0 =	sne.s32 s3, $0x0;
	s3 =	simm.s32 $0x4;
	[dreg:$0x5] =	wrdreg s8  }
0x10: {  	s6 =	sshll.u32 s6, $0x4;
	s5 =	sadd.s32 s19, s7;
	s7 =	sshrl.u32 s20, $0x2  }
0x11: {  	s20 =	simm.s32 $0x18C00;
	s19 =	simm.s32 $0x14900;
	s5 =	sshrl.u32 s5, $0x3  }
0x12: {  	s6 =	sadd.s32 s6, s0;
	s7 =	sadd.s32 s7, s2;
	s0 =	sadd.s32 s5, s0  }
0x13: {  	s5 =	ssub.s32 s21, s22;
	s25 =	sadd.s32 $0x2000, s6;
	s26 =	sadd.s32 $0x67800, s6  }
0x14: {  	s7 =	sshrl.u32 s7, $0x3;
	s21 =	simm.s32 $0x1;
	[dreg:$0x8] =	wrdreg s25  }
0x15: {  	s6 =	simm.s32 $0x0;
	s22 =	simm.s32 $0x14300;
	[dreg:$0x9] =	wrdreg s26  }
0x16: {  	s0 =	sadd.s32 $0x7B800, s0;
	s24 =	smax.u32 s5, $0x1;
	[dreg:$0xa] =	wrdreg s7  }
0x17: {  	s25 =	simm.s32 $0x5;
	s5 =	simm.s32 $0x7;
	[dreg:$0x6] =	wrdreg s0  }
0x18: {  	s26 =	simm.s32 $0x14980;
	[dreg:$0x7] =	wrdreg s24;
	s24 =	simm.s32 $0x2  }
.LBB2_1:
0x19: {  	[dreg:$0xb] =	wrdreg s6  }
0x1a: {  	s0 =	rddreg [dreg:$0x4]  }
0x1b: {  	[spmem:s7], [sflag:s8] =	dma.local [hbm:s0], $0x2780  }
0x1c: {  	_ =	swait.ge [sflag:s12], $0x2780  }
0x1d: {  	[sflag:s12] =	ssyncset.done $0x0  }
0x1e: {  	[sflag:s12] =	ssyncadd.s32 $0xFFFFD880  }
0x1f: {  	[bflag:$0x0] =	sbarrier.arrive $0xFFFF  }
0x20: {  	s0 =	rddreg [dreg:$0x9]  }
0x21: {  	s6 =	simm.s32 $0x14B00;
	s8 =	simm.s32 $0x0;
	s7 =	rddreg [dreg:$0x8]  }
.LBB2_2:
0x22: {  	[tilespmem:s13], [sflag:$0x9] =	stream.linear.gather [hbm4b:s0+s4], $0x800, $0x38;
	[tilespmem:$0x1CC00] =	vst v63  }
0x23: {  	_ =	swait.ge [sflag:s12], $0x800  }
0x24: {  	[sflag:s12] =	ssyncset.done $0x0  }
0x25: {  	[sflag:s12] =	ssyncadd.s32 $0xFFFFF800  }
0x26: {  	[tilespmem:s14], [sflag:$0x9] =	stream.linear.gather [hbm4b:s7+s4], $0x800, $0x38;
	[tilespmem:$0x1CC00] =	vst v63  }
0x27: {  	_ =	swait.ge [sflag:s12], $0x800  }
0x28: {  	[sflag:s12] =	ssyncset.done $0x0  }
0x29: {  	[sflag:s12] =	ssyncadd.s32 $0xFFFFF800  }
0x2a: {  	[tilespmem:s16], [sflag:$0x1] =	stream.indirect.gather [hbm4b:s1+s15], $0x80, s13, s15, $0xb8;
	[tilespmem:$0x1CC00] =	vst v63  }
0x2b: {  	s17 =	simm.s32 $0x13C80  }
0x2c: {  	[tilespmem:s18], [sflag:$0x2] =	stream.indirect.gather [hbm4b:s1+s15], $0x80, s17, s15, $0xb8;
	[tilespmem:$0x1CC00] =	vst v63  }
0x2d: {  	s17 =	simm.s32 $0x13D00  }
0x2e: {  	[tilespmem:s20], [sflag:$0x3] =	stream.indirect.gather [hbm4b:s1+s15], $0x80, s17, s15, $0xb8;
	[tilespmem:$0x1CC00] =	vst v63  }
0x2f: {  	_ =	swait.ge [sflag:s21], $0x2000  }
0x30: {  	[sflag:s21] =	ssyncset.done $0x0  }
0x31: {  	s17 =	simm.s32 $0x13D80;
	[sflag:s21] =	ssyncadd.s32 $0xFFFFE000  }
0x32: {  	[tilespmem:s23], [sflag:$0x4] =	stream.indirect.gather [hbm4b:s1+s15], $0x80, s17, s15, $0xb8;
	[tilespmem:$0x1CC00] =	vst v63  }
0x33: {  	_ = 	snop  }
0x34: {  	[spmem:s2] =	stream.indirect.scatter.add.f32 [tilespmem:s16], [sflag:$0x5], $0x80, s14, s15, $0xb8;
	[tilespmem:$0x1CC00] =	vst v63  }
0x35: {  	_ =	swait.ge [sflag:s24], $0x2000  }
0x36: {  	[sflag:s24] =	ssyncset.done $0x0  }
0x37: {  	[sflag:s24] =	ssyncadd.s32 $0xFFFFE000  }
0x38: {  	_ =	swait.ge [sflag:s25], $0x2000  }
0x39: {  	[sflag:s25] =	ssyncset.done $0x0  }
0x3a: {  	s17 =	simm.s32 $0x13E00;
	[sflag:s25] =	ssyncadd.s32 $0xFFFFE000  }
0x3b: {  	[tilespmem:s16], [sflag:$0x1] =	stream.indirect.gather [hbm4b:s1+s15], $0x80, s17, s15, $0xb8;
	[tilespmem:$0x1CC00] =	vst v63  }
0x3c: {  	s17 =	simm.s32 $0x14480  }
0x3d: {  	[spmem:s2] =	stream.indirect.scatter.add.f32 [tilespmem:s18], [sflag:$0x6], $0x80, s17, s15, $0xb8;
	[tilespmem:$0x1CC00] =	vst v63  }
0x3e: {  	_ =	swait.ge [sflag:s29], $0x2000  }
0x3f: {  	[sflag:s29] =	ssyncset.done $0x0  }
0x40: {  	[sflag:s29] =	ssyncadd.s32 $0xFFFFE000  }
0x41: {  	_ =	swait.ge [sflag:s30], $0x2000  }
0x42: {  	[sflag:s30] =	ssyncset.done $0x0  }
0x43: {  	s17 =	simm.s32 $0x13E80;
	[sflag:s30] =	ssyncadd.s32 $0xFFFFE000  }
0x44: {  	[tilespmem:s18], [sflag:$0x2] =	stream.indirect.gather [hbm4b:s1+s15], $0x80, s17, s15, $0xb8;
	[tilespmem:$0x1CC00] =	vst v63  }
0x45: {  	s17 =	simm.s32 $0x14500  }
0x46: {  	[spmem:s2] =	stream.indirect.scatter.add.f32 [tilespmem:s20], [sflag:$0x7], $0x80, s17, s15, $0xb8;
	[tilespmem:$0x1CC00] =	vst v63  }
0x47: {  	_ =	swait.ge [sflag:s3], $0x2000  }
0x48: {  	[sflag:s3] =	ssyncset.done $0x0  }
0x49: {  	[sflag:s3] =	ssyncadd.s32 $0xFFFFE000  }
0x4a: {  	_ =	swait.ge [sflag:s5], $0x2000  }
0x4b: {  	[sflag:s5] =	ssyncset.done $0x0  }
0x4c: {  	s17 =	simm.s32 $0x13F00;
	[sflag:s5] =	ssyncadd.s32 $0xFFFFE000  }
0x4d: {  	[tilespmem:s20], [sflag:$0x3] =	stream.indirect.gather [hbm4b:s1+s15], $0x80, s17, s15, $0xb8;
	[tilespmem:$0x1CC00] =	vst v63  }
0x4e: {  	s17 =	simm.s32 $0x14580  }
0x4f: {  	[spmem:s2] =	stream.indirect.scatter.add.f32 [tilespmem:s23], [sflag:$0x8], $0x80, s17, s15, $0xb8;
	[tilespmem:$0x1CC00] =	vst v63  }
0x50: {  	_ =	swait.ge [sflag:s21], $0x2000  }
0x51: {  	[sflag:s21] =	ssyncset.done $0x0  }
0x52: {  	[sflag:s21] =	ssyncadd.s32 $0xFFFFE000  }
0x53: {  	_ =	swait.ge [sflag:s9], $0x2000  }
0x54: {  	[sflag:s9] =	ssyncset.done $0x0  }
0x55: {  	s17 =	simm.s32 $0x13F80;
	[sflag:s9] =	ssyncadd.s32 $0xFFFFE000  }
0x56: {  	[tilespmem:s23], [sflag:$0x4] =	stream.indirect.gather [hbm4b:s1+s15], $0x80, s17, s15, $0xb8;
	[tilespmem:$0x1CC00] =	vst v63  }
0x57: {  	s17 =	simm.s32 $0x14600  }
0x58: {  	[spmem:s2] =	stream.indirect.scatter.add.f32 [tilespmem:s16], [sflag:$0x5], $0x80, s17, s15, $0xb8;
	[tilespmem:$0x1CC00] =	vst v63  }
0x59: {  	_ =	swait.ge [sflag:s24], $0x2000  }
0x5a: {  	[sflag:s24] =	ssyncset.done $0x0  }
0x5b: {  	[sflag:s24] =	ssyncadd.s32 $0xFFFFE000  }
0x5c: {  	_ =	swait.ge [sflag:s25], $0x2000  }
0x5d: {  	[sflag:s25] =	ssyncset.done $0x0  }
0x5e: {  	s17 =	simm.s32 $0x14000;
	[sflag:s25] =	ssyncadd.s32 $0xFFFFE000  }
0x5f: {  	[tilespmem:s16], [sflag:$0x1] =	stream.indirect.gather [hbm4b:s1+s15], $0x80, s17, s15, $0xb8;
	[tilespmem:$0x1CC00] =	vst v63  }
0x60: {  	s17 =	simm.s32 $0x14680  }
0x61: {  	[spmem:s2] =	stream.indirect.scatter.add.f32 [tilespmem:s18], [sflag:$0x6], $0x80, s17, s15, $0xb8;
	[tilespmem:$0x1CC00] =	vst v63  }
0x62: {  	_ =	swait.ge [sflag:s29], $0x2000  }
0x63: {  	[sflag:s29] =	ssyncset.done $0x0  }
0x64: {  	[sflag:s29] =	ssyncadd.s32 $0xFFFFE000  }
0x65: {  	_ =	swait.ge [sflag:s30], $0x2000  }
0x66: {  	[sflag:s30] =	ssyncset.done $0x0  }
0x67: {  	s17 =	simm.s32 $0x14080;
	[sflag:s30] =	ssyncadd.s32 $0xFFFFE000  }
0x68: {  	[tilespmem:s18], [sflag:$0x2] =	stream.indirect.gather [hbm4b:s1+s15], $0x80, s17, s15, $0xb8;
	[tilespmem:$0x1CC00] =	vst v63  }
0x69: {  	s17 =	simm.s32 $0x14700  }
0x6a: {  	[spmem:s2] =	stream.indirect.scatter.add.f32 [tilespmem:s20], [sflag:$0x7], $0x80, s17, s15, $0xb8;
	[tilespmem:$0x1CC00] =	vst v63  }
0x6b: {  	_ =	swait.ge [sflag:s3], $0x2000  }
0x6c: {  	[sflag:s3] =	ssyncset.done $0x0  }
0x6d: {  	[sflag:s3] =	ssyncadd.s32 $0xFFFFE000  }
0x6e: {  	_ =	swait.ge [sflag:s5], $0x2000  }
0x6f: {  	[sflag:s5] =	ssyncset.done $0x0  }
0x70: {  	s17 =	simm.s32 $0x14100;
	[sflag:s5] =	ssyncadd.s32 $0xFFFFE000  }
0x71: {  	[tilespmem:s20], [sflag:$0x3] =	stream.indirect.gather [hbm4b:s1+s15], $0x80, s17, s15, $0xb8;
	[tilespmem:$0x1CC00] =	vst v63  }
0x72: {  	s17 =	simm.s32 $0x14780  }
0x73: {  	[spmem:s2] =	stream.indirect.scatter.add.f32 [tilespmem:s23], [sflag:$0x8], $0x80, s17, s15, $0xb8;
	[tilespmem:$0x1CC00] =	vst v63  }
0x74: {  	_ =	swait.ge [sflag:s21], $0x2000  }
0x75: {  	[sflag:s21] =	ssyncset.done $0x0  }
0x76: {  	[sflag:s21] =	ssyncadd.s32 $0xFFFFE000  }
0x77: {  	_ =	swait.ge [sflag:s9], $0x2000  }
0x78: {  	[sflag:s9] =	ssyncset.done $0x0  }
0x79: {  	s17 =	simm.s32 $0x14180;
	[sflag:s9] =	ssyncadd.s32 $0xFFFFE000  }
0x7a: {  	[tilespmem:s23], [sflag:$0x4] =	stream.indirect.gather [hbm4b:s1+s15], $0x80, s17, s15, $0xb8;
	[tilespmem:$0x1CC00] =	vst v63  }
0x7b: {  	s17 =	simm.s32 $0x14800  }
0x7c: {  	[spmem:s2] =	stream.indirect.scatter.add.f32 [tilespmem:s16], [sflag:$0x5], $0x80, s17, s15, $0xb8;
	[tilespmem:$0x1CC00] =	vst v63  }
0x7d: {  	_ =	swait.ge [sflag:s24], $0x2000  }
0x7e: {  	[sflag:s24] =	ssyncset.done $0x0  }
0x7f: {  	[sflag:s24] =	ssyncadd.s32 $0xFFFFE000  }
0x80: {  	_ =	swait.ge [sflag:s25], $0x2000  }
0x81: {  	[sflag:s25] =	ssyncset.done $0x0  }
0x82: {  	s17 =	simm.s32 $0x14200;
	[sflag:s25] =	ssyncadd.s32 $0xFFFFE000  }
0x83: {  	[tilespmem:s16], [sflag:$0x1] =	stream.indirect.gather [hbm4b:s1+s15], $0x80, s17, s15, $0xb8;
	[tilespmem:$0x1CC00] =	vst v63  }
0x84: {  	s17 =	simm.s32 $0x14880  }
0x85: {  	[spmem:s2] =	stream.indirect.scatter.add.f32 [tilespmem:s18], [sflag:$0x6], $0x80, s17, s15, $0xb8;
	[tilespmem:$0x1CC00] =	vst v63  }
0x86: {  	_ =	swait.ge [sflag:s29], $0x2000  }
0x87: {  	[sflag:s29] =	ssyncset.done $0x0  }
0x88: {  	[sflag:s29] =	ssyncadd.s32 $0xFFFFE000  }
0x89: {  	_ =	swait.ge [sflag:s30], $0x2000  }
0x8a: {  	[sflag:s30] =	ssyncset.done $0x0  }
0x8b: {  	s17 =	simm.s32 $0x14280;
	[sflag:s30] =	ssyncadd.s32 $0xFFFFE000  }
0x8c: {  	[tilespmem:s18], [sflag:$0x2] =	stream.indirect.gather [hbm4b:s1+s15], $0x80, s17, s15, $0xb8;
	[tilespmem:$0x1CC00] =	vst v63  }
0x8d: {  	_ = 	snop  }
0x8e: {  	[spmem:s2] =	stream.indirect.scatter.add.f32 [tilespmem:s20], [sflag:$0x7], $0x80, s19, s15, $0xb8;
	[tilespmem:$0x1CC00] =	vst v63  }
0x8f: {  	_ =	swait.ge [sflag:s3], $0x2000  }
0x90: {  	[sflag:s3] =	ssyncset.done $0x0  }
0x91: {  	[sflag:s3] =	ssyncadd.s32 $0xFFFFE000  }
0x92: {  	_ =	swait.ge [sflag:s5], $0x2000  }
0x93: {  	[sflag:s5] =	ssyncset.done $0x0  }
0x94: {  	[sflag:s5] =	ssyncadd.s32 $0xFFFFE000  }
0x95: {  	[tilespmem:s20], [sflag:$0x3] =	stream.indirect.gather [hbm4b:s1+s15], $0x80, s22, s15, $0xb8;
	[tilespmem:$0x1CC00] =	vst v63  }
0x96: {  	_ = 	snop  }
0x97: {  	[spmem:s2] =	stream.indirect.scatter.add.f32 [tilespmem:s23], [sflag:$0x8], $0x80, s26, s15, $0xb8;
	[tilespmem:$0x1CC00] =	vst v63  }
0x98: {  	_ =	swait.ge [sflag:s21], $0x2000  }
0x99: {  	[sflag:s21] =	ssyncset.done $0x0  }
0x9a: {  	[sflag:s21] =	ssyncadd.s32 $0xFFFFE000  }
0x9b: {  	_ =	swait.ge [sflag:s9], $0x2000  }
0x9c: {  	[sflag:s9] =	ssyncset.done $0x0  }
0x9d: {  	[sflag:s9] =	ssyncadd.s32 $0xFFFFE000  }
0x9e: {  	[tilespmem:s23], [sflag:$0x4] =	stream.indirect.gather [hbm4b:s1+s15], $0x80, s28, s15, $0xb8;
	[tilespmem:$0x1CC00] =	vst v63  }
0x9f: {  	_ = 	snop  }
0xa0: {  	[spmem:s2] =	stream.indirect.scatter.add.f32 [tilespmem:s16], [sflag:$0x5], $0x80, s31, s15, $0xb8;
	[tilespmem:$0x1CC00] =	vst v63  }
0xa1: {  	_ =	swait.ge [sflag:s24], $0x2000  }
0xa2: {  	[sflag:s24] =	ssyncset.done $0x0  }
0xa3: {  	[sflag:s24] =	ssyncadd.s32 $0xFFFFE000  }
0xa4: {  	[spmem:s2] =	stream.indirect.scatter.add.f32 [tilespmem:s18], [sflag:$0x6], $0x80, s10, s15, $0xb8;
	[tilespmem:$0x1CC00] =	vst v63  }
0xa5: {  	_ =	swait.ge [sflag:s29], $0x2000  }
0xa6: {  	[sflag:s29] =	ssyncset.done $0x0  }
0xa7: {  	[sflag:s29] =	ssyncadd.s32 $0xFFFFE000  }
0xa8: {  	[spmem:s2] =	stream.indirect.scatter.add.f32 [tilespmem:s20], [sflag:$0x7], $0x80, s6, s15, $0xb8;
	[tilespmem:$0x1CC00] =	vst v63  }
0xa9: {  	_ =	swait.ge [sflag:s3], $0x2000  }
0xaa: {  	[sflag:s3] =	ssyncset.done $0x0  }
0xab: {  	[sflag:s3] =	ssyncadd.s32 $0xFFFFE000  }
0xac: {  	[spmem:s2] =	stream.indirect.scatter.add.f32 [tilespmem:s23], [sflag:$0x8], $0x80, s11, s15, $0xb8;
	[tilespmem:$0x1CC00] =	vst v63  }
0xad: {  	_ =	swait.ge [sflag:s25], $0x2000  }
0xae: {  	[sflag:s25] =	ssyncset.done $0x0  }
0xaf: {  	[sflag:s25] =	ssyncadd.s32 $0xFFFFE000  }
0xb0: {  	_ =	swait.ge [sflag:s30], $0x2000  }
0xb1: {  	[sflag:s30] =	ssyncset.done $0x0  }
0xb2: {  	p1 =	slt.u32 @!p0 s8, $0x12;
	[sflag:s30] =	ssyncadd.s32 $0xFFFFE000  }
0xb3: {  	p1 =	por p0, !p1;
	_ =	swait.ge [sflag:s5], $0x2000  }
.Ltmp0:
0xb4: {  	[sflag:s5] =	ssyncset.done $0x0;
	(pc) =	sbr.rel @!p1 .LBB2_2-.Ltmp0, $4  }
0xb5: {  	[sflag:s5] =	ssyncadd.s32 $0xFFFFE000  }
0xb6: {  	_ =	swait.ge [sflag:s9], $0x2000  }
0xb7: {  	s8 =	sadd.s32 $0x1, s8;
	[sflag:s9] =	ssyncset.done $0x0  }
0xb8: {  	s0 =	sadd.s32 $0x100, s0;
	s7 =	sadd.s32 $0x100, s7;
	[sflag:s9] =	ssyncadd.s32 $0xFFFFE000  }
0xb9: {  	[bflag:$0x0] =	sbarrier.arrive $0xFFFF  }
0xba: {  	s8 =	rddreg [dreg:$0x5]  }
0xbb: {  	s0 =	rddreg [dreg:$0x6]  }
0xbc: {  	s7 =	rddreg [dreg:$0xa]  }
0xbd: {  	[hbm:s0], [sflag:s8] =	dma.local [spmem:s7], $0x2780  }
0xbe: {  	_ =	swait.ge [sflag:s12], $0x2780  }
0xbf: {  	s6 =	rddreg [dreg:$0xb]  }
0xc0: {  	s17 =	rddreg [dreg:$0x7];
	s6 =	sadd.s32 $0x1, s6  }
0xc1: {  	p1 =	sne.s32 s6, s17  }
.Ltmp1:
0xc2: {  	_ = 	snop;
	(pc) =	sbr.rel @p1 .LBB2_1-.Ltmp1, $3  }
0xc3: {  	_ =	sdelay $0x1  }
0xc4: {  	[sflag:s12] =	ssyncset.done $0x0  }
0xc5: {  	[sflag:s12] =	ssyncadd.s32 $0xFFFFD880  }
0xc6: {  	_ =	sfence.sel $0x180000  }
0xc7: {  	[bflag:$0x0] =	sbarrier.arrive $0xFFFF  }
0xc8: {  	_ =	strace $0x9000004A  }
0xc9: {  	s0 =	stileid.u32;
	[bflag:$0x2] =	sbarrier.arrive $0xFFFF  }
0xca: {  	p0 =	sne.s32 s0, $0x0;
	s0 =	rddreg [dreg:$0x3]  }
0xcb: {  	s0 =	sadd.s32 @!p0 $0x100000, s0  }
0xcc: {  	[sflag:s0] =	ssyncadd.tile.s32 @!p0 $0x1;
	_ =	shalt  }
.Lfunc_end2:
_tile_overlayer_lowered:
.L_overlay_start_2:
0xcd: {  	(tag) =	ssettag $0x2  }
0xce: {  	s0 =	rddreg [dreg:$0x0];
	s2 =	stileid.u32  }
0xcf: {  	s1 =	rddreg [dreg:$0x1];
	p0 =	sne.s32 s2, $0x0  }
0xd0: {  	s3 =	rddreg [dreg:$0x2];
	[bflag:$0x3] =	sbarrier.arrive $0xFFFF;
	s2 =	simm.s32 @!p0 $0x1C09  }
0xd1: {  	[timem:s3], [sflag:s2] =	dma.local @!p0 [hbm:s0], s1  }
0xd2: {  	s0 =	simm.s32 @!p0 $0x9  }
0xd3: {  	_ =	swait.ge @!p0 [sflag:s0], s1  }
0xd4: {  	s1 =	ssub.s32 @!p0 $0x0, s1;
	[sflag:s0] =	ssyncset.done @!p0 $0x0  }
0xd5: {  	[sflag:s0] =	ssyncadd.s32 @!p0 s1  }
0xd6: {  	[bflag:$0x3] =	sbarrier.arrive $0xFFFF  }
0xd7: {  	_ =	shalt  }

// kernel: kernel.13.cloned.1.call-start
scs
__scs_entry_jumppad:
0x0: {  	(pc) =	sbr.rel $0x88, $3  }
0x1: {  	(tag) =	ssettag $0x0;
	lr =	simm.s32 $0x1  }
0x2: {  	[smem:$0x3F99] =	sst lr;
	_ =	strace $0xD0000000  }
0x3: {  	_ = 	snop  }
0x4: {  	_ = 	snop  }
0x5: {  	_ = 	snop  }
0x6: {  	_ = 	snop  }
0x7: {  	_ = 	snop  }
__scs_overlays_trampoline_lowered:
0x8: {  	[smem:$0x3FA8] =	sst s0  }
0x9: {  	[smem:$0x3FA9] =	sst s1  }
0xa: {  	[smem:$0x3FAA] =	sst s2  }
0xb: {  	[smem:$0x3FAB] =	sst s3  }
0xc: {  	[smem:$0x3FAC] =	sst s4  }
0xd: {  	[smem:$0x3FAD] =	sst s5  }
0xe: {  	[smem:$0x3FAE] =	sst s6  }
0xf: {  	[smem:$0x3FAF] =	sst s7  }
0x10: {  	[smem:$0x3FB0] =	sst s8  }
0x11: {  	[smem:$0x3FB1] =	sst s9;
	s0 =	simm.s32 @!p0 $0x0  }
0x12: {  	s1 =	sld [smem:$0x3F97];
	s0 =	simm.s32 @p0 $0x1  }
0x13: {  	[smem:$0x3FB2] =	sst s0;
	s0 =	simm.s32 @!p1 $0x0  }
0x14: {  	s2 =	sld [smem:$0x3F96];
	s0 =	simm.s32 @p1 $0x1  }
0x15: {  	[smem:$0x3FB3] =	sst s0;
	s0 =	simm.s32 @!p2 $0x0  }
0x16: {  	s3 =	sld [smem:$0x3FDB];
	s0 =	simm.s32 @p2 $0x1  }
0x17: {  	s4 =	simm.s32 $0x1BF5;
	[smem:$0x3FB5] =	sst s0  }
0x18: {  	s0 =	sld [smem:$0x3F98];
	_ =	swait.ge [sflag:s4], $0x0  }
0x19: {  	s7 =	sld [smem:$0x3F99]  }
0x1a: {  	s8 =	sadd.s32 $0xFFFFE003, lr  }
0x1b: {  	s9 =	sadd.s32 $0xFFFFFEF7, lr;
	s5 =	simm.s32 $0xFFFFFFFF;
	p2 =	slt.u32 s8, $0xFFFFF086  }
0x1c: {  	p1 =	slt.u32 s9, $0xF7A;
	s5 =	simm.s32 @!p2 $0x0  }
0x1d: {  	s5 =	simm.s32 @p1 $0x1;
	p0 =	seq.s32 s7, s2  }
0x1e: {  	s7 =	smul.u32 @!p0 $0xF7A, s2;
	p2 =	seq.s32 @!p0 s5, $0x0  }
0x1f: {  	s9 =	smul.u32 $0xF7A, s1;
	s8 =	simm.s32 @!p0 $0x1BF5;
	p2 =	por !p2, p0  }
0x20: {  	[sflag:s8] =	ssyncset.s32 @!p0 $0xFFFFF086;
	s6 =	sadd.s32 @!p0 s3, s7;
	s7 =	simm.s32 @!p0 $0x108  }
0x21: {  	s3 =	sadd.s32 s3, s9;
	s6 =	sadd.s32 @!p0 $0x88, s6;
	s7 =	simm.s32 @p2 $0x1082  }
0x22: {  	[simem:s7], [sflag:s8] =	dma.local @!p0 [hbm:s6], $0xF7A  }
0x23: {  	s9 =	sor.u32 $0xD0000000, s2;
	s6 =	simm.s32 $0x108;
	_ =	swait.ge @!p0 [sflag:s8], $0x0  }
0x24: {  	s3 =	sadd.s32 $0x88, s3;
	s6 =	simm.s32 @!p1 $0x1082;
	[sflag:s4] =	ssyncset.s32 $0xFFFFF086  }
0x25: {  	[simem:s6], [sflag:s4] =	dma.local [hbm:s3], $0xF7A  }
0x26: {  	[smem:$0x3F99] =	sst s1;
	(tag) =	ssettag s2;
	_ =	strace s9  }
0x27: {  	s1 =	sld [smem:$0x3FA9]  }
0x28: {  	s2 =	sld [smem:$0x3FAA]  }
0x29: {  	s4 =	sld [smem:$0x3FAC]  }
0x2a: {  	p0 =	seq.s32 s5, $0x0;
	s5 =	sld [smem:$0x3FAD]  }
0x2b: {  	s6 =	sld [smem:$0x3FAE]  }
0x2c: {  	s7 =	sld [smem:$0x3FAF]  }
0x2d: {  	s3 =	simm.s32 $0x108;
	s8 =	sld [smem:$0x3FB0]  }
0x2e: {  	s3 =	simm.s32 @!p0 $0x1082;
	s9 =	sld [smem:$0x3FB1]  }
0x2f: {  	lr =	sadd.s32 s0, s3;
	s0 =	sld [smem:$0x3FA8]  }
0x30: {  	s3 =	sld [smem:$0x3FAB]  }
0x31: {  	[smem:$0x3FB4] =	sst s10  }
0x32: {  	s10 =	sld [smem:$0x3FB2];
	_ =	sdelay $0x3  }
0x33: {  	p0 =	seq.s32 s10, $0x1;
	s10 =	sld [smem:$0x3FB4];
	_ =	sdelay $0x3  }
0x34: {  	[smem:$0x3FB4] =	sst s10  }
0x35: {  	s10 =	sld [smem:$0x3FB3];
	_ =	sdelay $0x3  }
0x36: {  	p1 =	seq.s32 s10, $0x1;
	s10 =	sld [smem:$0x3FB4];
	_ =	sdelay $0x3  }
0x37: {  	[smem:$0x3FB4] =	sst s10  }
0x38: {  	s10 =	sld [smem:$0x3FB5]  }
0x39: {  	_ = 	snop;
	(pc) =	sbr.ind lr, $3  }
0x3a: {  	_ = 	snop  }
0x3b: {  	_ = 	snop  }
0x3c: {  	p2 =	seq.s32 s10, $0x1;
	s10 =	sld [smem:$0x3FB4]  }
0x3d: {  	_ =	shalt  }
0x3e: {  	_ =	shalt  }
0x3f: {  	_ =	shalt  }
0x40: {  	_ =	shalt  }
0x41: {  	_ =	shalt  }
0x42: {  	_ =	shalt  }
0x43: {  	_ =	shalt  }
0x44: {  	_ =	shalt  }
0x45: {  	_ =	shalt  }
0x46: {  	_ =	shalt  }
0x47: {  	_ =	shalt  }
0x48: {  	_ =	shalt  }
0x49: {  	_ =	shalt  }
0x4a: {  	_ =	shalt  }
0x4b: {  	_ =	shalt  }
0x4c: {  	_ =	shalt  }
0x4d: {  	_ =	shalt  }
0x4e: {  	_ =	shalt  }
0x4f: {  	_ =	shalt  }
0x50: {  	_ =	shalt  }
0x51: {  	_ =	shalt  }
0x52: {  	_ =	shalt  }
0x53: {  	_ =	shalt  }
0x54: {  	_ =	shalt  }
0x55: {  	_ =	shalt  }
0x56: {  	_ =	shalt  }
0x57: {  	_ =	shalt  }
0x58: {  	_ =	shalt  }
0x59: {  	_ =	shalt  }
0x5a: {  	_ =	shalt  }
0x5b: {  	_ =	shalt  }
0x5c: {  	_ =	shalt  }
0x5d: {  	_ =	shalt  }
0x5e: {  	_ =	shalt  }
0x5f: {  	_ =	shalt  }
0x60: {  	_ =	shalt  }
0x61: {  	_ =	shalt  }
0x62: {  	_ =	shalt  }
0x63: {  	_ =	shalt  }
0x64: {  	_ =	shalt  }
0x65: {  	_ =	shalt  }
0x66: {  	_ =	shalt  }
0x67: {  	_ =	shalt  }
0x68: {  	_ =	shalt  }
0x69: {  	_ =	shalt  }
0x6a: {  	_ =	shalt  }
0x6b: {  	_ =	shalt  }
0x6c: {  	_ =	shalt  }
0x6d: {  	_ =	shalt  }
0x6e: {  	_ =	shalt  }
0x6f: {  	_ =	shalt  }
0x70: {  	_ =	shalt  }
0x71: {  	_ =	shalt  }
0x72: {  	_ =	shalt  }
0x73: {  	_ =	shalt  }
0x74: {  	_ =	shalt  }
0x75: {  	_ =	shalt  }
0x76: {  	_ =	shalt  }
0x77: {  	_ =	shalt  }
0x78: {  	_ =	shalt  }
0x79: {  	_ =	shalt  }
0x7a: {  	_ =	shalt  }
0x7b: {  	_ =	shalt  }
0x7c: {  	_ =	shalt  }
0x7d: {  	_ =	shalt  }
0x7e: {  	_ =	shalt  }
0x7f: {  	_ =	shalt  }
0x80: {  	_ =	shalt  }
0x81: {  	_ =	shalt  }
0x82: {  	_ =	shalt  }
0x83: {  	_ =	shalt  }
0x84: {  	_ =	shalt  }
0x85: {  	_ =	shalt  }
0x86: {  	_ =	shalt  }
0x87: {  	_ =	shalt  }
.Lfunc_end0:
.L_simem_size_0:
called_computation.2_lowered:
.L_overlay_start_0:
0x88: {  	s2 =	sld [smem:$0x3FD9]  }
0x89: {  	s3 =	sld [smem:$0x3FFE];
	_ =	sdelay $0x1  }
0x8a: {  	s1 =	srdreg.scid  }
0x8b: {  	s0 =	sand.u32 $0x1, s1  }
0x8c: {  	s17 =	sshll.u32 s0, $0xA;
	s2 =	sadd.s32 s3, s2  }
0x8d: {  	s2 =	sadd.s32 s2, s17  }
0x8e: {  	[smem:$0x3FC0] =	sst s2  }
0x8f: {  	_ = 	snop  }
0x90: {  	s2 =	sld [smem:$0x3FD0];
	(tm) =	ssettm $0x1  }
0x91: {  	s18 =	sld [smem:$0x3FFB];
	_ =	sdelay $0x3  }
0x92: {  	_ =	strace s18  }
0x93: {  	s3 =	sld [smem:$0x3FFC];
	_ =	sdelay $0x3  }
0x94: {  	_ =	strace s3  }
0x95: {  	s3 =	sld [smem:$0x3FFD];
	_ =	sdelay $0x3  }
0x96: {  	_ =	strace s3  }
0x97: {  	_ =	strace $0x8FFFFFFF  }
0x98: {  	s19 =	sld [smem:$0x3FDB];
	_ =	sdelay $0x1  }
0x99: {  	s4 =	simm.s32 $_scs_section_size  }
0x9a: {  	s5 =	simm.s32 $_size__tile_overlayer_lowered;
	s6 =	simm.s32 $_tile_overlayer_lowered  }
0x9b: {  	s22 =	simm.s32 $0x1BFF;
	s21 =	sshll.u32 s6, $0x1;
	s3 =	sadd.s32 s4, s19  }
0x9c: {  	s7 =	simm.s32 $0x0;
	s20 =	sshll.u32 s5, $0x1;
	s5 =	sadd.s32 s21, s3  }
0x9d: {  	[timem:s7], [sflag:s22] =	dma.local [hbm:s5], s20  }
0x9e: {  	_ =	swait.ge [sflag:s22], s20  }
0x9f: {  	s4 =	ssub.s32 $0x0, s20;
	[sflag:s22] =	ssyncset.done $0x0  }
0xa0: {  	[sflag:s22] =	ssyncadd.s32 s4;
	_ =	sdelay $0x1  }
0xa1: {  	s23 =	simm.s32 $0x1B8B  }
0xa2: {  	_ =	swait.ge [sflag:s23], $0x1  }
0xa3: {  	[sflag:s23] =	ssyncset.done $0x0  }
0xa4: {  	s25 =	simm.s32 $0x1B8E;
	s24 =	sld [smem:$0x3FFE];
	[sflag:s23] =	ssyncadd.s32 $0xFFFFFFFF  }
0xa5: {  	s26 =	simm.s32 $execute0_lowered;
	[smem:$0x3FD2] =	sst s25  }
0xa6: {  	s5 =	sshll.u32 s26, $0x1;
	_ =	strace $0x8000004C;
	[dreg:$0x1] =	wrdreg $0xFFFFFFFF  }
0xa7: {  	s28 =	simm.s32 $_size_execute0_lowered;
	s3 =	sadd.s32 s3, s5;
	[dreg:$0x0] =	wrdreg $0x0  }
0xa8: {  	s5 =	sshll.u32 s28, $0x1;
	[dreg:$0x2] =	wrdreg s3  }
0xa9: {  	[dreg:$0x3] =	wrdreg s5  }
0xaa: {  	[dreg:$0x4] =	wrdreg $0xC0  }
0xab: {  	_ =	task [dreg:s7], $0x5FFFF  }
0xac: {  	[dreg:$0x1] =	wrdreg $0xFFFFFFFF  }
0xad: {  	[dreg:$0x0] =	wrdreg $0x60  }
0xae: {  	[dreg:$0x2] =	wrdreg s2  }
0xaf: {  	[dreg:$0x3] =	wrdreg s24  }
0xb0: {  	[dreg:$0x4] =	wrdreg $0x0  }
0xb1: {  	[dreg:$0x5] =	wrdreg $0x9  }
0xb2: {  	_ =	task.clear_ibuf [dreg:s7], $0x6FFFF;
	_ =	strace $0x9000004C  }
0xb3: {  	s29 =	simm.s32 $0x9;
	_ =	strace $0x8000004E  }
0xb4: {  	_ =	swait.ge [sflag:s29], $0x1  }
0xb5: {  	[sflag:s29] =	ssyncadd.s32 $0xFFFFFFFF  }
0xb6: {  	_ =	strace $0x9000004E  }
0xb7: {  	_ =	sfence  }
0xb8: {  	s30 =	sld [smem:$0x0];
	_ =	sdelay $0x2  }
0xb9: {  	s31 =	sshll.u32 s1, $0xD;
	s1 =	sshrl.u32 s1, $0x2  }
0xba: {  	s3 =	sand.u32 $0x4000, s31;
	s1 =	sadd.s32 s1, s30  }
0xbb: {  	s0 =	sor.u32 s3, s0;
	s1 =	sshll.u32 s1, $0x11  }
0xbc: {  	s0 =	sor.u32 s1, s0  }
0xbd: {  	s0 =	sadd.s32 $0x8F2B, s0  }
0xbe: {  	[sflag:s0] =	ssyncadd.remote.s32 $0x1  }
0xbf: {  	_ =	sfence.sel $0xFFFF  }
0xc0: {  	[dreg:$0x0] =	wrdreg $0xFFFFFFFF;
	(pc) =	sbr.abs _section_cstart, $3  }
0xc1: {  	[dreg:$0x1] =	wrdreg $0xFFFFFFFF  }
0xc2: {  	_ =	task.clear_ibuf [dreg:s7], $0x2FFFF;
	_ =	strace $0x9FFFFFFF  }
0xc3: {  	(tm) =	ssettm $0x7FFFFFFF  }
tec
execute0_lowered:
.L_overlay_start_1:
0x0: {  	(tag) =	ssettag $0x1  }
0x1: {  	s1 =	rddreg [dreg:$0x0]  }
0x2: {  	s0 =	rddreg [dreg:$0x1]  }
0x3: {  	s2 =	rddreg [dreg:$0x2];
	s4 =	simm.s32 $0x0  }
0x4: {  	s3 =	srdreg.scid;
	s9 =	stileid.u32;
	s12 =	simm.s32 $0x9  }
0x5: {  	s13 =	simm.s32 $0x13C00;
	s14 =	simm.s32 $0x14400;
	s15 =	simm.s32 $0x40  }
0x6: {  	s16 =	simm.s32 $0x14C00;
	s18 =	simm.s32 $0x16C00;
	s29 =	simm.s32 $0x3  }
0x7: {  	s30 =	simm.s32 $0x6;
	s28 =	simm.s32 $0x14380;
	s31 =	simm.s32 $0x14A00  }
0x8: {  	s10 =	simm.s32 $0x14A80;
	s11 =	simm.s32 $0x14B80;
	s5 =	smul.u32 $0x130, s9  }
0x9: {  	[smem:$0x7FF] =	sst s4;
	s3 =	sand.u32 $0x1, s3;
	s19 =	smul.u32 $0x13C00, s9  }
0xa: {  	s6 =	sshll.u32 s9, $0x4;
	s20 =	smul.u32 $0x4F000, s9;
	s8 =	sadd.s32 $0x16000, s0  }
0xb: {  	s23 =	sshll.u32 s9, $0x6;
	s9 =	simm.s32 $0x8;
	p0 =	seq.s32 s3, $0x0  }
0xc: {  	s6 =	sor.u32 $0x1300, s6;
	s7 =	smul.u32 $0x13C000, s3;
	_ =	strace $0x8000004D  }
0xd: {  	[dreg:$0x4] =	wrdreg s8;
	s21 =	ssub.s32 $0x2, s3;
	s8 =	sor.u32 $0x1C09, s23  }
0xe: {  	s23 =	simm.s32 $0x1AC00;
	s6 =	smov.u32 @p0 s5;
	s22 =	sshrl.u32 s21, $0x1  }
0xf: {  	p0 =	sne.s32 s3, $0x0;
	s3 =	simm.s32 $0x4;
	[dreg:$0x5] =	wrdreg s8  }
0x10: {  	s6 =	sshll.u32 s6, $0x4;
	s5 =	sadd.s32 s19, s7;
	s7 =	sshrl.u32 s20, $0x2  }
0x11: {  	s20 =	simm.s32 $0x18C00;
	s19 =	simm.s32 $0x14900;
	s5 =	sshrl.u32 s5, $0x3  }
0x12: {  	s6 =	sadd.s32 s6, s0;
	s7 =	sadd.s32 s7, s2;
	s0 =	sadd.s32 s5, s0  }
0x13: {  	s5 =	ssub.s32 s21, s22;
	s25 =	sadd.s32 $0x2000, s6;
	s26 =	sadd.s32 $0x67800, s6  }
0x14: {  	s7 =	sshrl.u32 s7, $0x3;
	s21 =	simm.s32 $0x1;
	[dreg:$0x8] =	wrdreg s25  }
0x15: {  	s6 =	simm.s32 $0x0;
	s22 =	simm.s32 $0x14300;
	[dreg:$0x9] =	wrdreg s26  }
0x16: {  	s0 =	sadd.s32 $0x7B800, s0;
	s24 =	smax.u32 s5, $0x1;
	[dreg:$0xa] =	wrdreg s7  }
0x17: {  	s25 =	simm.s32 $0x5;
	s5 =	simm.s32 $0x7;
	[dreg:$0x6] =	wrdreg s0  }
0x18: {  	s26 =	simm.s32 $0x14980;
	[dreg:$0x7] =	wrdreg s24;
	s24 =	simm.s32 $0x2  }
.LBB2_1:
0x19: {  	[dreg:$0xb] =	wrdreg s6  }
0x1a: {  	s0 =	rddreg [dreg:$0x4]  }
0x1b: {  	[spmem:s7], [sflag:s8] =	dma.local [hbm:s0], $0x2780  }
0x1c: {  	_ =	swait.ge [sflag:s12], $0x2780  }
0x1d: {  	[sflag:s12] =	ssyncset.done $0x0  }
0x1e: {  	[sflag:s12] =	ssyncadd.s32 $0xFFFFD880  }
0x1f: {  	[bflag:$0x0] =	sbarrier.arrive $0xFFFF  }
0x20: {  	s0 =	rddreg [dreg:$0x9]  }
0x21: {  	s6 =	simm.s32 $0x14B00;
	s8 =	simm.s32 $0x0;
	s7 =	rddreg [dreg:$0x8]  }
.LBB2_2:
0x22: {  	[tilespmem:s13], [sflag:$0x9] =	stream.linear.gather [hbm4b:s0+s4], $0x800, $0x38;
	[tilespmem:$0x1CC00] =	vst v63  }
0x23: {  	_ =	swait.ge [sflag:s12], $0x800  }
0x24: {  	[sflag:s12] =	ssyncset.done $0x0  }
0x25: {  	[sflag:s12] =	ssyncadd.s32 $0xFFFFF800  }
0x26: {  	[tilespmem:s14], [sflag:$0x9] =	stream.linear.gather [hbm4b:s7+s4], $0x800, $0x38;
	[tilespmem:$0x1CC00] =	vst v63  }
0x27: {  	_ =	swait.ge [sflag:s12], $0x800  }
0x28: {  	[sflag:s12] =	ssyncset.done $0x0  }
0x29: {  	[sflag:s12] =	ssyncadd.s32 $0xFFFFF800  }
0x2a: {  	[tilespmem:s16], [sflag:$0x1] =	stream.indirect.gather [hbm4b:s1+s15], $0x80, s13, s15, $0xb8;
	[tilespmem:$0x1CC00] =	vst v63  }
0x2b: {  	s17 =	simm.s32 $0x13C80  }
0x2c: {  	[tilespmem:s18], [sflag:$0x2] =	stream.indirect.gather [hbm4b:s1+s15], $0x80, s17, s15, $0xb8;
	[tilespmem:$0x1CC00] =	vst v63  }
0x2d: {  	s17 =	simm.s32 $0x13D00  }
0x2e: {  	[tilespmem:s20], [sflag:$0x3] =	stream.indirect.gather [hbm4b:s1+s15], $0x80, s17, s15, $0xb8;
	[tilespmem:$0x1CC00] =	vst v63  }
0x2f: {  	_ =	swait.ge [sflag:s21], $0x2000  }
0x30: {  	[sflag:s21] =	ssyncset.done $0x0  }
0x31: {  	s17 =	simm.s32 $0x13D80;
	[sflag:s21] =	ssyncadd.s32 $0xFFFFE000  }
0x32: {  	[tilespmem:s23], [sflag:$0x4] =	stream.indirect.gather [hbm4b:s1+s15], $0x80, s17, s15, $0xb8;
	[tilespmem:$0x1CC00] =	vst v63  }
0x33: {  	_ = 	snop  }
0x34: {  	[spmem:s2] =	stream.indirect.scatter.add.f32 [tilespmem:s16], [sflag:$0x5], $0x80, s14, s15, $0xb8;
	[tilespmem:$0x1CC00] =	vst v63  }
0x35: {  	_ =	swait.ge [sflag:s24], $0x2000  }
0x36: {  	[sflag:s24] =	ssyncset.done $0x0  }
0x37: {  	[sflag:s24] =	ssyncadd.s32 $0xFFFFE000  }
0x38: {  	_ =	swait.ge [sflag:s25], $0x2000  }
0x39: {  	[sflag:s25] =	ssyncset.done $0x0  }
0x3a: {  	s17 =	simm.s32 $0x13E00;
	[sflag:s25] =	ssyncadd.s32 $0xFFFFE000  }
0x3b: {  	[tilespmem:s16], [sflag:$0x1] =	stream.indirect.gather [hbm4b:s1+s15], $0x80, s17, s15, $0xb8;
	[tilespmem:$0x1CC00] =	vst v63  }
0x3c: {  	s17 =	simm.s32 $0x14480  }
0x3d: {  	[spmem:s2] =	stream.indirect.scatter.add.f32 [tilespmem:s18], [sflag:$0x6], $0x80, s17, s15, $0xb8;
	[tilespmem:$0x1CC00] =	vst v63  }
0x3e: {  	_ =	swait.ge [sflag:s29], $0x2000  }
0x3f: {  	[sflag:s29] =	ssyncset.done $0x0  }
0x40: {  	[sflag:s29] =	ssyncadd.s32 $0xFFFFE000  }
0x41: {  	_ =	swait.ge [sflag:s30], $0x2000  }
0x42: {  	[sflag:s30] =	ssyncset.done $0x0  }
0x43: {  	s17 =	simm.s32 $0x13E80;
	[sflag:s30] =	ssyncadd.s32 $0xFFFFE000  }
0x44: {  	[tilespmem:s18], [sflag:$0x2] =	stream.indirect.gather [hbm4b:s1+s15], $0x80, s17, s15, $0xb8;
	[tilespmem:$0x1CC00] =	vst v63  }
0x45: {  	s17 =	simm.s32 $0x14500  }
0x46: {  	[spmem:s2] =	stream.indirect.scatter.add.f32 [tilespmem:s20], [sflag:$0x7], $0x80, s17, s15, $0xb8;
	[tilespmem:$0x1CC00] =	vst v63  }
0x47: {  	_ =	swait.ge [sflag:s3], $0x2000  }
0x48: {  	[sflag:s3] =	ssyncset.done $0x0  }
0x49: {  	[sflag:s3] =	ssyncadd.s32 $0xFFFFE000  }
0x4a: {  	_ =	swait.ge [sflag:s5], $0x2000  }
0x4b: {  	[sflag:s5] =	ssyncset.done $0x0  }
0x4c: {  	s17 =	simm.s32 $0x13F00;
	[sflag:s5] =	ssyncadd.s32 $0xFFFFE000  }
0x4d: {  	[tilespmem:s20], [sflag:$0x3] =	stream.indirect.gather [hbm4b:s1+s15], $0x80, s17, s15, $0xb8;
	[tilespmem:$0x1CC00] =	vst v63  }
0x4e: {  	s17 =	simm.s32 $0x14580  }
0x4f: {  	[spmem:s2] =	stream.indirect.scatter.add.f32 [tilespmem:s23], [sflag:$0x8], $0x80, s17, s15, $0xb8;
	[tilespmem:$0x1CC00] =	vst v63  }
0x50: {  	_ =	swait.ge [sflag:s21], $0x2000  }
0x51: {  	[sflag:s21] =	ssyncset.done $0x0  }
0x52: {  	[sflag:s21] =	ssyncadd.s32 $0xFFFFE000  }
0x53: {  	_ =	swait.ge [sflag:s9], $0x2000  }
0x54: {  	[sflag:s9] =	ssyncset.done $0x0  }
0x55: {  	s17 =	simm.s32 $0x13F80;
	[sflag:s9] =	ssyncadd.s32 $0xFFFFE000  }
0x56: {  	[tilespmem:s23], [sflag:$0x4] =	stream.indirect.gather [hbm4b:s1+s15], $0x80, s17, s15, $0xb8;
	[tilespmem:$0x1CC00] =	vst v63  }
0x57: {  	s17 =	simm.s32 $0x14600  }
0x58: {  	[spmem:s2] =	stream.indirect.scatter.add.f32 [tilespmem:s16], [sflag:$0x5], $0x80, s17, s15, $0xb8;
	[tilespmem:$0x1CC00] =	vst v63  }
0x59: {  	_ =	swait.ge [sflag:s24], $0x2000  }
0x5a: {  	[sflag:s24] =	ssyncset.done $0x0  }
0x5b: {  	[sflag:s24] =	ssyncadd.s32 $0xFFFFE000  }
0x5c: {  	_ =	swait.ge [sflag:s25], $0x2000  }
0x5d: {  	[sflag:s25] =	ssyncset.done $0x0  }
0x5e: {  	s17 =	simm.s32 $0x14000;
	[sflag:s25] =	ssyncadd.s32 $0xFFFFE000  }
0x5f: {  	[tilespmem:s16], [sflag:$0x1] =	stream.indirect.gather [hbm4b:s1+s15], $0x80, s17, s15, $0xb8;
	[tilespmem:$0x1CC00] =	vst v63  }
0x60: {  	s17 =	simm.s32 $0x14680  }
0x61: {  	[spmem:s2] =	stream.indirect.scatter.add.f32 [tilespmem:s18], [sflag:$0x6], $0x80, s17, s15, $0xb8;
	[tilespmem:$0x1CC00] =	vst v63  }
0x62: {  	_ =	swait.ge [sflag:s29], $0x2000  }
0x63: {  	[sflag:s29] =	ssyncset.done $0x0  }
0x64: {  	[sflag:s29] =	ssyncadd.s32 $0xFFFFE000  }
0x65: {  	_ =	swait.ge [sflag:s30], $0x2000  }
0x66: {  	[sflag:s30] =	ssyncset.done $0x0  }
0x67: {  	s17 =	simm.s32 $0x14080;
	[sflag:s30] =	ssyncadd.s32 $0xFFFFE000  }
0x68: {  	[tilespmem:s18], [sflag:$0x2] =	stream.indirect.gather [hbm4b:s1+s15], $0x80, s17, s15, $0xb8;
	[tilespmem:$0x1CC00] =	vst v63  }
0x69: {  	s17 =	simm.s32 $0x14700  }
0x6a: {  	[spmem:s2] =	stream.indirect.scatter.add.f32 [tilespmem:s20], [sflag:$0x7], $0x80, s17, s15, $0xb8;
	[tilespmem:$0x1CC00] =	vst v63  }
0x6b: {  	_ =	swait.ge [sflag:s3], $0x2000  }
0x6c: {  	[sflag:s3] =	ssyncset.done $0x0  }
0x6d: {  	[sflag:s3] =	ssyncadd.s32 $0xFFFFE000  }
0x6e: {  	_ =	swait.ge [sflag:s5], $0x2000  }
0x6f: {  	[sflag:s5] =	ssyncset.done $0x0  }
0x70: {  	s17 =	simm.s32 $0x14100;
	[sflag:s5] =	ssyncadd.s32 $0xFFFFE000  }
0x71: {  	[tilespmem:s20], [sflag:$0x3] =	stream.indirect.gather [hbm4b:s1+s15], $0x80, s17, s15, $0xb8;
	[tilespmem:$0x1CC00] =	vst v63  }
0x72: {  	s17 =	simm.s32 $0x14780  }
0x73: {  	[spmem:s2] =	stream.indirect.scatter.add.f32 [tilespmem:s23], [sflag:$0x8], $0x80, s17, s15, $0xb8;
	[tilespmem:$0x1CC00] =	vst v63  }
0x74: {  	_ =	swait.ge [sflag:s21], $0x2000  }
0x75: {  	[sflag:s21] =	ssyncset.done $0x0  }
0x76: {  	[sflag:s21] =	ssyncadd.s32 $0xFFFFE000  }
0x77: {  	_ =	swait.ge [sflag:s9], $0x2000  }
0x78: {  	[sflag:s9] =	ssyncset.done $0x0  }
0x79: {  	s17 =	simm.s32 $0x14180;
	[sflag:s9] =	ssyncadd.s32 $0xFFFFE000  }
0x7a: {  	[tilespmem:s23], [sflag:$0x4] =	stream.indirect.gather [hbm4b:s1+s15], $0x80, s17, s15, $0xb8;
	[tilespmem:$0x1CC00] =	vst v63  }
0x7b: {  	s17 =	simm.s32 $0x14800  }
0x7c: {  	[spmem:s2] =	stream.indirect.scatter.add.f32 [tilespmem:s16], [sflag:$0x5], $0x80, s17, s15, $0xb8;
	[tilespmem:$0x1CC00] =	vst v63  }
0x7d: {  	_ =	swait.ge [sflag:s24], $0x2000  }
0x7e: {  	[sflag:s24] =	ssyncset.done $0x0  }
0x7f: {  	[sflag:s24] =	ssyncadd.s32 $0xFFFFE000  }
0x80: {  	_ =	swait.ge [sflag:s25], $0x2000  }
0x81: {  	[sflag:s25] =	ssyncset.done $0x0  }
0x82: {  	s17 =	simm.s32 $0x14200;
	[sflag:s25] =	ssyncadd.s32 $0xFFFFE000  }
0x83: {  	[tilespmem:s16], [sflag:$0x1] =	stream.indirect.gather [hbm4b:s1+s15], $0x80, s17, s15, $0xb8;
	[tilespmem:$0x1CC00] =	vst v63  }
0x84: {  	s17 =	simm.s32 $0x14880  }
0x85: {  	[spmem:s2] =	stream.indirect.scatter.add.f32 [tilespmem:s18], [sflag:$0x6], $0x80, s17, s15, $0xb8;
	[tilespmem:$0x1CC00] =	vst v63  }
0x86: {  	_ =	swait.ge [sflag:s29], $0x2000  }
0x87: {  	[sflag:s29] =	ssyncset.done $0x0  }
0x88: {  	[sflag:s29] =	ssyncadd.s32 $0xFFFFE000  }
0x89: {  	_ =	swait.ge [sflag:s30], $0x2000  }
0x8a: {  	[sflag:s30] =	ssyncset.done $0x0  }
0x8b: {  	s17 =	simm.s32 $0x14280;
	[sflag:s30] =	ssyncadd.s32 $0xFFFFE000  }
0x8c: {  	[tilespmem:s18], [sflag:$0x2] =	stream.indirect.gather [hbm4b:s1+s15], $0x80, s17, s15, $0xb8;
	[tilespmem:$0x1CC00] =	vst v63  }
0x8d: {  	_ = 	snop  }
0x8e: {  	[spmem:s2] =	stream.indirect.scatter.add.f32 [tilespmem:s20], [sflag:$0x7], $0x80, s19, s15, $0xb8;
	[tilespmem:$0x1CC00] =	vst v63  }
0x8f: {  	_ =	swait.ge [sflag:s3], $0x2000  }
0x90: {  	[sflag:s3] =	ssyncset.done $0x0  }
0x91: {  	[sflag:s3] =	ssyncadd.s32 $0xFFFFE000  }
0x92: {  	_ =	swait.ge [sflag:s5], $0x2000  }
0x93: {  	[sflag:s5] =	ssyncset.done $0x0  }
0x94: {  	[sflag:s5] =	ssyncadd.s32 $0xFFFFE000  }
0x95: {  	[tilespmem:s20], [sflag:$0x3] =	stream.indirect.gather [hbm4b:s1+s15], $0x80, s22, s15, $0xb8;
	[tilespmem:$0x1CC00] =	vst v63  }
0x96: {  	_ = 	snop  }
0x97: {  	[spmem:s2] =	stream.indirect.scatter.add.f32 [tilespmem:s23], [sflag:$0x8], $0x80, s26, s15, $0xb8;
	[tilespmem:$0x1CC00] =	vst v63  }
0x98: {  	_ =	swait.ge [sflag:s21], $0x2000  }
0x99: {  	[sflag:s21] =	ssyncset.done $0x0  }
0x9a: {  	[sflag:s21] =	ssyncadd.s32 $0xFFFFE000  }
0x9b: {  	_ =	swait.ge [sflag:s9], $0x2000  }
0x9c: {  	[sflag:s9] =	ssyncset.done $0x0  }
0x9d: {  	[sflag:s9] =	ssyncadd.s32 $0xFFFFE000  }
0x9e: {  	[tilespmem:s23], [sflag:$0x4] =	stream.indirect.gather [hbm4b:s1+s15], $0x80, s28, s15, $0xb8;
	[tilespmem:$0x1CC00] =	vst v63  }
0x9f: {  	_ = 	snop  }
0xa0: {  	[spmem:s2] =	stream.indirect.scatter.add.f32 [tilespmem:s16], [sflag:$0x5], $0x80, s31, s15, $0xb8;
	[tilespmem:$0x1CC00] =	vst v63  }
0xa1: {  	_ =	swait.ge [sflag:s24], $0x2000  }
0xa2: {  	[sflag:s24] =	ssyncset.done $0x0  }
0xa3: {  	[sflag:s24] =	ssyncadd.s32 $0xFFFFE000  }
0xa4: {  	[spmem:s2] =	stream.indirect.scatter.add.f32 [tilespmem:s18], [sflag:$0x6], $0x80, s10, s15, $0xb8;
	[tilespmem:$0x1CC00] =	vst v63  }
0xa5: {  	_ =	swait.ge [sflag:s29], $0x2000  }
0xa6: {  	[sflag:s29] =	ssyncset.done $0x0  }
0xa7: {  	[sflag:s29] =	ssyncadd.s32 $0xFFFFE000  }
0xa8: {  	[spmem:s2] =	stream.indirect.scatter.add.f32 [tilespmem:s20], [sflag:$0x7], $0x80, s6, s15, $0xb8;
	[tilespmem:$0x1CC00] =	vst v63  }
0xa9: {  	_ =	swait.ge [sflag:s3], $0x2000  }
0xaa: {  	[sflag:s3] =	ssyncset.done $0x0  }
0xab: {  	[sflag:s3] =	ssyncadd.s32 $0xFFFFE000  }
0xac: {  	[spmem:s2] =	stream.indirect.scatter.add.f32 [tilespmem:s23], [sflag:$0x8], $0x80, s11, s15, $0xb8;
	[tilespmem:$0x1CC00] =	vst v63  }
0xad: {  	_ =	swait.ge [sflag:s25], $0x2000  }
0xae: {  	[sflag:s25] =	ssyncset.done $0x0  }
0xaf: {  	[sflag:s25] =	ssyncadd.s32 $0xFFFFE000  }
0xb0: {  	_ =	swait.ge [sflag:s30], $0x2000  }
0xb1: {  	[sflag:s30] =	ssyncset.done $0x0  }
0xb2: {  	p1 =	slt.u32 @!p0 s8, $0x12;
	[sflag:s30] =	ssyncadd.s32 $0xFFFFE000  }
0xb3: {  	p1 =	por p0, !p1;
	_ =	swait.ge [sflag:s5], $0x2000  }
.Ltmp0:
0xb4: {  	[sflag:s5] =	ssyncset.done $0x0;
	(pc) =	sbr.rel @!p1 .LBB2_2-.Ltmp0, $4  }
0xb5: {  	[sflag:s5] =	ssyncadd.s32 $0xFFFFE000  }
0xb6: {  	_ =	swait.ge [sflag:s9], $0x2000  }
0xb7: {  	s8 =	sadd.s32 $0x1, s8;
	[sflag:s9] =	ssyncset.done $0x0  }
0xb8: {  	s0 =	sadd.s32 $0x100, s0;
	s7 =	sadd.s32 $0x100, s7;
	[sflag:s9] =	ssyncadd.s32 $0xFFFFE000  }
0xb9: {  	[bflag:$0x0] =	sbarrier.arrive $0xFFFF  }
0xba: {  	s8 =	rddreg [dreg:$0x5]  }
0xbb: {  	s0 =	rddreg [dreg:$0x6]  }
0xbc: {  	s7 =	rddreg [dreg:$0xa]  }
0xbd: {  	[hbm:s0], [sflag:s8] =	dma.local [spmem:s7], $0x2780  }
0xbe: {  	_ =	swait.ge [sflag:s12], $0x2780  }
0xbf: {  	s6 =	rddreg [dreg:$0xb]  }
0xc0: {  	s17 =	rddreg [dreg:$0x7];
	s6 =	sadd.s32 $0x1, s6  }
0xc1: {  	p1 =	sne.s32 s6, s17  }
.Ltmp1:
0xc2: {  	_ = 	snop;
	(pc) =	sbr.rel @p1 .LBB2_1-.Ltmp1, $3  }
0xc3: {  	_ =	sdelay $0x1  }
0xc4: {  	[sflag:s12] =	ssyncset.done $0x0  }
0xc5: {  	[sflag:s12] =	ssyncadd.s32 $0xFFFFD880  }
0xc6: {  	_ =	sfence.sel $0x180000  }
0xc7: {  	[bflag:$0x0] =	sbarrier.arrive $0xFFFF  }
0xc8: {  	_ =	strace $0x9000004D  }
0xc9: {  	s0 =	stileid.u32;
	[bflag:$0x2] =	sbarrier.arrive $0xFFFF  }
0xca: {  	p0 =	sne.s32 s0, $0x0;
	s0 =	rddreg [dreg:$0x3]  }
0xcb: {  	s0 =	sadd.s32 @!p0 $0x100000, s0  }
0xcc: {  	[sflag:s0] =	ssyncadd.tile.s32 @!p0 $0x1;
	_ =	shalt  }
.Lfunc_end2:
_tile_overlayer_lowered:
.L_overlay_start_2:
0xcd: {  	(tag) =	ssettag $0x2  }
0xce: {  	s0 =	rddreg [dreg:$0x0];
	s2 =	stileid.u32  }
0xcf: {  	s1 =	rddreg [dreg:$0x1];
	p0 =	sne.s32 s2, $0x0  }
0xd0: {  	s3 =	rddreg [dreg:$0x2];
	[bflag:$0x3] =	sbarrier.arrive $0xFFFF;
	s2 =	simm.s32 @!p0 $0x1C09  }
0xd1: {  	[timem:s3], [sflag:s2] =	dma.local @!p0 [hbm:s0], s1  }
0xd2: {  	s0 =	simm.s32 @!p0 $0x9  }
0xd3: {  	_ =	swait.ge @!p0 [sflag:s0], s1  }
0xd4: {  	s1 =	ssub.s32 @!p0 $0x0, s1;
	[sflag:s0] =	ssyncset.done @!p0 $0x0  }
0xd5: {  	[sflag:s0] =	ssyncadd.s32 @!p0 s1  }
0xd6: {  	[bflag:$0x3] =	sbarrier.arrive $0xFFFF  }
0xd7: {  	_ =	shalt  }

// kernel: kernel.7.cloned.1.call-start
scs
__scs_entry_jumppad:
0x0: {  	(pc) =	sbr.rel $0x88, $3  }
0x1: {  	(tag) =	ssettag $0x0;
	lr =	simm.s32 $0x1  }
0x2: {  	[smem:$0x3F99] =	sst lr;
	_ =	strace $0xD0000000  }
0x3: {  	_ = 	snop  }
0x4: {  	_ = 	snop  }
0x5: {  	_ = 	snop  }
0x6: {  	_ = 	snop  }
0x7: {  	_ = 	snop  }
__scs_overlays_trampoline_lowered:
0x8: {  	[smem:$0x3FA8] =	sst s0  }
0x9: {  	[smem:$0x3FA9] =	sst s1  }
0xa: {  	[smem:$0x3FAA] =	sst s2  }
0xb: {  	[smem:$0x3FAB] =	sst s3  }
0xc: {  	[smem:$0x3FAC] =	sst s4  }
0xd: {  	[smem:$0x3FAD] =	sst s5  }
0xe: {  	[smem:$0x3FAE] =	sst s6  }
0xf: {  	[smem:$0x3FAF] =	sst s7  }
0x10: {  	[smem:$0x3FB0] =	sst s8  }
0x11: {  	[smem:$0x3FB1] =	sst s9;
	s0 =	simm.s32 @!p0 $0x0  }
0x12: {  	s1 =	sld [smem:$0x3F97];
	s0 =	simm.s32 @p0 $0x1  }
0x13: {  	[smem:$0x3FB2] =	sst s0;
	s0 =	simm.s32 @!p1 $0x0  }
0x14: {  	s2 =	sld [smem:$0x3F96];
	s0 =	simm.s32 @p1 $0x1  }
0x15: {  	[smem:$0x3FB3] =	sst s0;
	s0 =	simm.s32 @!p2 $0x0  }
0x16: {  	s3 =	sld [smem:$0x3FDB];
	s0 =	simm.s32 @p2 $0x1  }
0x17: {  	s4 =	simm.s32 $0x1BF5;
	[smem:$0x3FB5] =	sst s0  }
0x18: {  	s0 =	sld [smem:$0x3F98];
	_ =	swait.ge [sflag:s4], $0x0  }
0x19: {  	s7 =	sld [smem:$0x3F99]  }
0x1a: {  	s8 =	sadd.s32 $0xFFFFE003, lr  }
0x1b: {  	s9 =	sadd.s32 $0xFFFFFEF7, lr;
	s5 =	simm.s32 $0xFFFFFFFF;
	p2 =	slt.u32 s8, $0xFFFFF086  }
0x1c: {  	p1 =	slt.u32 s9, $0xF7A;
	s5 =	simm.s32 @!p2 $0x0  }
0x1d: {  	s5 =	simm.s32 @p1 $0x1;
	p0 =	seq.s32 s7, s2  }
0x1e: {  	s7 =	smul.u32 @!p0 $0xF7A, s2;
	p2 =	seq.s32 @!p0 s5, $0x0  }
0x1f: {  	s9 =	smul.u32 $0xF7A, s1;
	s8 =	simm.s32 @!p0 $0x1BF5;
	p2 =	por !p2, p0  }
0x20: {  	[sflag:s8] =	ssyncset.s32 @!p0 $0xFFFFF086;
	s6 =	sadd.s32 @!p0 s3, s7;
	s7 =	simm.s32 @!p0 $0x108  }
0x21: {  	s3 =	sadd.s32 s3, s9;
	s6 =	sadd.s32 @!p0 $0x88, s6;
	s7 =	simm.s32 @p2 $0x1082  }
0x22: {  	[simem:s7], [sflag:s8] =	dma.local @!p0 [hbm:s6], $0xF7A  }
0x23: {  	s9 =	sor.u32 $0xD0000000, s2;
	s6 =	simm.s32 $0x108;
	_ =	swait.ge @!p0 [sflag:s8], $0x0  }
0x24: {  	s3 =	sadd.s32 $0x88, s3;
	s6 =	simm.s32 @!p1 $0x1082;
	[sflag:s4] =	ssyncset.s32 $0xFFFFF086  }
0x25: {  	[simem:s6], [sflag:s4] =	dma.local [hbm:s3], $0xF7A  }
0x26: {  	[smem:$0x3F99] =	sst s1;
	(tag) =	ssettag s2;
	_ =	strace s9  }
0x27: {  	s1 =	sld [smem:$0x3FA9]  }
0x28: {  	s2 =	sld [smem:$0x3FAA]  }
0x29: {  	s4 =	sld [smem:$0x3FAC]  }
0x2a: {  	p0 =	seq.s32 s5, $0x0;
	s5 =	sld [smem:$0x3FAD]  }
0x2b: {  	s6 =	sld [smem:$0x3FAE]  }
0x2c: {  	s7 =	sld [smem:$0x3FAF]  }
0x2d: {  	s3 =	simm.s32 $0x108;
	s8 =	sld [smem:$0x3FB0]  }
0x2e: {  	s3 =	simm.s32 @!p0 $0x1082;
	s9 =	sld [smem:$0x3FB1]  }
0x2f: {  	lr =	sadd.s32 s0, s3;
	s0 =	sld [smem:$0x3FA8]  }
0x30: {  	s3 =	sld [smem:$0x3FAB]  }
0x31: {  	[smem:$0x3FB4] =	sst s10  }
0x32: {  	s10 =	sld [smem:$0x3FB2];
	_ =	sdelay $0x3  }
0x33: {  	p0 =	seq.s32 s10, $0x1;
	s10 =	sld [smem:$0x3FB4];
	_ =	sdelay $0x3  }
0x34: {  	[smem:$0x3FB4] =	sst s10  }
0x35: {  	s10 =	sld [smem:$0x3FB3];
	_ =	sdelay $0x3  }
0x36: {  	p1 =	seq.s32 s10, $0x1;
	s10 =	sld [smem:$0x3FB4];
	_ =	sdelay $0x3  }
0x37: {  	[smem:$0x3FB4] =	sst s10  }
0x38: {  	s10 =	sld [smem:$0x3FB5]  }
0x39: {  	_ = 	snop;
	(pc) =	sbr.ind lr, $3  }
0x3a: {  	_ = 	snop  }
0x3b: {  	_ = 	snop  }
0x3c: {  	p2 =	seq.s32 s10, $0x1;
	s10 =	sld [smem:$0x3FB4]  }
0x3d: {  	_ =	shalt  }
0x3e: {  	_ =	shalt  }
0x3f: {  	_ =	shalt  }
0x40: {  	_ =	shalt  }
0x41: {  	_ =	shalt  }
0x42: {  	_ =	shalt  }
0x43: {  	_ =	shalt  }
0x44: {  	_ =	shalt  }
0x45: {  	_ =	shalt  }
0x46: {  	_ =	shalt  }
0x47: {  	_ =	shalt  }
0x48: {  	_ =	shalt  }
0x49: {  	_ =	shalt  }
0x4a: {  	_ =	shalt  }
0x4b: {  	_ =	shalt  }
0x4c: {  	_ =	shalt  }
0x4d: {  	_ =	shalt  }
0x4e: {  	_ =	shalt  }
0x4f: {  	_ =	shalt  }
0x50: {  	_ =	shalt  }
0x51: {  	_ =	shalt  }
0x52: {  	_ =	shalt  }
0x53: {  	_ =	shalt  }
0x54: {  	_ =	shalt  }
0x55: {  	_ =	shalt  }
0x56: {  	_ =	shalt  }
0x57: {  	_ =	shalt  }
0x58: {  	_ =	shalt  }
0x59: {  	_ =	shalt  }
0x5a: {  	_ =	shalt  }
0x5b: {  	_ =	shalt  }
0x5c: {  	_ =	shalt  }
0x5d: {  	_ =	shalt  }
0x5e: {  	_ =	shalt  }
0x5f: {  	_ =	shalt  }
0x60: {  	_ =	shalt  }
0x61: {  	_ =	shalt  }
0x62: {  	_ =	shalt  }
0x63: {  	_ =	shalt  }
0x64: {  	_ =	shalt  }
0x65: {  	_ =	shalt  }
0x66: {  	_ =	shalt  }
0x67: {  	_ =	shalt  }
0x68: {  	_ =	shalt  }
0x69: {  	_ =	shalt  }
0x6a: {  	_ =	shalt  }
0x6b: {  	_ =	shalt  }
0x6c: {  	_ =	shalt  }
0x6d: {  	_ =	shalt  }
0x6e: {  	_ =	shalt  }
0x6f: {  	_ =	shalt  }
0x70: {  	_ =	shalt  }
0x71: {  	_ =	shalt  }
0x72: {  	_ =	shalt  }
0x73: {  	_ =	shalt  }
0x74: {  	_ =	shalt  }
0x75: {  	_ =	shalt  }
0x76: {  	_ =	shalt  }
0x77: {  	_ =	shalt  }
0x78: {  	_ =	shalt  }
0x79: {  	_ =	shalt  }
0x7a: {  	_ =	shalt  }
0x7b: {  	_ =	shalt  }
0x7c: {  	_ =	shalt  }
0x7d: {  	_ =	shalt  }
0x7e: {  	_ =	shalt  }
0x7f: {  	_ =	shalt  }
0x80: {  	_ =	shalt  }
0x81: {  	_ =	shalt  }
0x82: {  	_ =	shalt  }
0x83: {  	_ =	shalt  }
0x84: {  	_ =	shalt  }
0x85: {  	_ =	shalt  }
0x86: {  	_ =	shalt  }
0x87: {  	_ =	shalt  }
.Lfunc_end0:
.L_simem_size_0:
called_computation_lowered:
.L_overlay_start_0:
0x88: {  	s2 =	sld [smem:$0x3FD9]  }
0x89: {  	s3 =	sld [smem:$0x3FFE];
	_ =	sdelay $0x1  }
0x8a: {  	s1 =	srdreg.scid  }
0x8b: {  	s0 =	sand.u32 $0x1, s1  }
0x8c: {  	s17 =	sshll.u32 s0, $0xA;
	s2 =	sadd.s32 s3, s2  }
0x8d: {  	s2 =	sadd.s32 s2, s17  }
0x8e: {  	[smem:$0x3FC0] =	sst s2  }
0x8f: {  	_ = 	snop  }
0x90: {  	s2 =	sld [smem:$0x3FD0];
	(tm) =	ssettm $0x1  }
0x91: {  	s18 =	sld [smem:$0x3FFB];
	_ =	sdelay $0x3  }
0x92: {  	_ =	strace s18  }
0x93: {  	s3 =	sld [smem:$0x3FFC];
	_ =	sdelay $0x3  }
0x94: {  	_ =	strace s3  }
0x95: {  	s3 =	sld [smem:$0x3FFD];
	_ =	sdelay $0x3  }
0x96: {  	_ =	strace s3  }
0x97: {  	_ =	strace $0x8FFFFFFF  }
0x98: {  	s19 =	sld [smem:$0x3FDB];
	_ =	sdelay $0x1  }
0x99: {  	s4 =	simm.s32 $_scs_section_size  }
0x9a: {  	s5 =	simm.s32 $_size__tile_overlayer_lowered;
	s6 =	simm.s32 $_tile_overlayer_lowered  }
0x9b: {  	s22 =	simm.s32 $0x1BFF;
	s21 =	sshll.u32 s6, $0x1;
	s3 =	sadd.s32 s4, s19  }
0x9c: {  	s7 =	simm.s32 $0x0;
	s20 =	sshll.u32 s5, $0x1;
	s5 =	sadd.s32 s21, s3  }
0x9d: {  	[timem:s7], [sflag:s22] =	dma.local [hbm:s5], s20  }
0x9e: {  	_ =	swait.ge [sflag:s22], s20  }
0x9f: {  	s4 =	ssub.s32 $0x0, s20;
	[sflag:s22] =	ssyncset.done $0x0  }
0xa0: {  	[sflag:s22] =	ssyncadd.s32 s4;
	_ =	sdelay $0x1  }
0xa1: {  	s23 =	simm.s32 $0x1B8B  }
0xa2: {  	_ =	swait.ge [sflag:s23], $0x1  }
0xa3: {  	[sflag:s23] =	ssyncset.done $0x0  }
0xa4: {  	s25 =	simm.s32 $0x1B8E;
	s24 =	sld [smem:$0x3FFE];
	[sflag:s23] =	ssyncadd.s32 $0xFFFFFFFF  }
0xa5: {  	s26 =	simm.s32 $execute0_lowered;
	[smem:$0x3FD2] =	sst s25  }
0xa6: {  	s5 =	sshll.u32 s26, $0x1;
	_ =	strace $0x80000046;
	[dreg:$0x1] =	wrdreg $0xFFFFFFFF  }
0xa7: {  	s28 =	simm.s32 $_size_execute0_lowered;
	s3 =	sadd.s32 s3, s5;
	[dreg:$0x0] =	wrdreg $0x0  }
0xa8: {  	s5 =	sshll.u32 s28, $0x1;
	[dreg:$0x2] =	wrdreg s3  }
0xa9: {  	[dreg:$0x3] =	wrdreg s5  }
0xaa: {  	[dreg:$0x4] =	wrdreg $0xC0  }
0xab: {  	_ =	task [dreg:s7], $0x5FFFF  }
0xac: {  	[dreg:$0x1] =	wrdreg $0xFFFFFFFF  }
0xad: {  	[dreg:$0x0] =	wrdreg $0x60  }
0xae: {  	[dreg:$0x2] =	wrdreg s24  }
0xaf: {  	[dreg:$0x3] =	wrdreg s2  }
0xb0: {  	[dreg:$0x4] =	wrdreg $0x0  }
0xb1: {  	[dreg:$0x5] =	wrdreg $0x9  }
0xb2: {  	_ =	task.clear_ibuf [dreg:s7], $0x6FFFF;
	_ =	strace $0x90000046  }
0xb3: {  	s29 =	simm.s32 $0x9;
	_ =	strace $0x80000048  }
0xb4: {  	_ =	swait.ge [sflag:s29], $0x1  }
0xb5: {  	[sflag:s29] =	ssyncadd.s32 $0xFFFFFFFF  }
0xb6: {  	_ =	strace $0x90000048  }
0xb7: {  	_ =	sfence  }
0xb8: {  	s30 =	sld [smem:$0x0];
	_ =	sdelay $0x2  }
0xb9: {  	s31 =	sshll.u32 s1, $0xD;
	s1 =	sshrl.u32 s1, $0x2  }
0xba: {  	s3 =	sand.u32 $0x4000, s31;
	s1 =	sadd.s32 s1, s30  }
0xbb: {  	s0 =	sor.u32 s3, s0;
	s1 =	sshll.u32 s1, $0x11  }
0xbc: {  	s0 =	sor.u32 s1, s0  }
0xbd: {  	s0 =	sadd.s32 $0x8F2B, s0  }
0xbe: {  	[sflag:s0] =	ssyncadd.remote.s32 $0x1  }
0xbf: {  	_ =	sfence.sel $0xFFFF  }
0xc0: {  	[dreg:$0x0] =	wrdreg $0xFFFFFFFF;
	(pc) =	sbr.abs _section_cstart, $3  }
0xc1: {  	[dreg:$0x1] =	wrdreg $0xFFFFFFFF  }
0xc2: {  	_ =	task.clear_ibuf [dreg:s7], $0x2FFFF;
	_ =	strace $0x9FFFFFFF  }
0xc3: {  	(tm) =	ssettm $0x7FFFFFFF  }
tec
execute0_lowered:
.L_overlay_start_1:
0x0: {  	(tag) =	ssettag $0x1  }
0x1: {  	s0 =	rddreg [dreg:$0x0]  }
0x2: {  	s1 =	srdreg.scid;
	s7 =	stileid.u32  }
0x3: {  	s3 =	rddreg [dreg:$0x2];
	s4 =	simm.s32 $0x0;
	s11 =	simm.s32 $0x2  }
0x4: {  	s12 =	simm.s32 $0x14400;
	s13 =	simm.s32 $0x13C00;
	s14 =	simm.s32 $0x40  }
0x5: {  	s15 =	simm.s32 $0x13C80;
	s16 =	simm.s32 $0x13D00;
	s17 =	simm.s32 $0x13D80  }
0x6: {  	s18 =	simm.s32 $0x13E00;
	s19 =	simm.s32 $0x13E80;
	s20 =	simm.s32 $0x13F00  }
0x7: {  	s21 =	simm.s32 $0x13F80;
	s28 =	simm.s32 $0x14280;
	s5 =	smul.u32 $0x5000, s7  }
0x8: {  	s29 =	simm.s32 $0x14300;
	s30 =	simm.s32 $0x14380;
	s22 =	smul.u32 $0x13C00, s7  }
0x9: {  	s31 =	simm.s32 $0x1;
	s1 =	sand.u32 $0x1, s1;
	s23 =	smul.u32 $0x4F000, s7  }
0xa: {  	[smem:$0x7FF] =	sst s4;
	s8 =	sadd.s32 $0x16000, s0;
	s2 =	smul.u32 $0x50000, s1  }
0xb: {  	s26 =	sshll.u32 s7, $0x6;
	s6 =	smul.u32 $0x13C000, s1;
	s1 =	ssub.s32 $0x2, s1  }
0xc: {  	_ =	strace $0x80000047;
	[dreg:$0x4] =	wrdreg s8;
	s24 =	sshrl.u32 s1, $0x1  }
0xd: {  	s25 =	sshrl.u32 s23, $0x2;
	s23 =	simm.s32 $0x14080;
	s2 =	sadd.s32 s5, s2  }
0xe: {  	s5 =	sadd.s32 s22, s6;
	s1 =	ssub.s32 s1, s24;
	s6 =	sor.u32 $0x1C02, s26  }
0xf: {  	s22 =	simm.s32 $0x14000;
	s24 =	simm.s32 $0x14100;
	s26 =	simm.s32 $0x14200  }
0x10: {  	s2 =	sshrl.u32 s2, $0x3;
	s5 =	sshrl.u32 s5, $0x3;
	s8 =	smax.u32 s1, $0x1  }
0x11: {  	s1 =	simm.s32 $0x0;
	s2 =	sadd.s32 s2, s0;
	s0 =	sadd.s32 s5, s0  }
0x12: {  	s5 =	sadd.s32 s25, s3;
	s25 =	simm.s32 $0x14180;
	s0 =	sadd.s32 $0x18800, s0  }
0x13: {  	s9 =	sadd.s32 $0x2000, s2;
	s10 =	sshrl.u32 s5, $0x3;
	[dreg:$0x5] =	wrdreg s0  }
.LBB2_1:
0x14: {  	s0 =	rddreg [dreg:$0x4]  }
0x15: {  	[spmem:s10], [sflag:s6] =	dma.local [hbm:s0], $0x2780  }
0x16: {  	_ =	swait.ge [sflag:s11], $0x2780  }
0x17: {  	[sflag:s11] =	ssyncset.done $0x0  }
0x18: {  	[sflag:s11] =	ssyncadd.s32 $0xFFFFD880  }
0x19: {  	s5 =	rddreg [dreg:$0x1]  }
0x1a: {  	[tilespmem:s12], [sflag:$0x2] =	stream.linear.gather [hbm4b:s5+s4], $0x2000, $0x38;
	[tilespmem:$0x16400] =	vst v63  }
0x1b: {  	_ =	swait.ge [sflag:s11], $0x2000  }
0x1c: {  	[sflag:s11] =	ssyncset.done $0x0  }
0x1d: {  	[sflag:s11] =	ssyncadd.s32 $0xFFFFE000  }
0x1e: {  	s7 =	sadd.s32 $0x0, s9;
	[bflag:$0x0] =	sbarrier.arrive $0xFFFF  }
0x1f: {  	[tilespmem:s13], [sflag:$0x2] =	stream.linear.gather [hbm4b:s7+s4], $0x800, $0x38;
	[tilespmem:$0x16400] =	vst v63  }
0x20: {  	_ =	swait.ge [sflag:s11], $0x800  }
0x21: {  	[sflag:s11] =	ssyncset.done $0x0  }
0x22: {  	[sflag:s11] =	ssyncadd.s32 $0xFFFFF800  }
0x23: {  	[spmem:s3] =	stream.indirect.scatter.add.f32 [tilespmem:s12], [sflag:$0x1], $0x80, s13, s14, $0xb8;
	[tilespmem:$0x16400] =	vst v63  }
0x24: {  	_ = 	snop  }
0x25: {  	[spmem:s3] =	stream.indirect.scatter.add.f32 [tilespmem:s12], [sflag:$0x1], $0x80, s15, s14, $0xb8;
	[tilespmem:$0x16400] =	vst v63  }
0x26: {  	_ = 	snop  }
0x27: {  	[spmem:s3] =	stream.indirect.scatter.add.f32 [tilespmem:s12], [sflag:$0x1], $0x80, s16, s14, $0xb8;
	[tilespmem:$0x16400] =	vst v63  }
0x28: {  	_ = 	snop  }
0x29: {  	[spmem:s3] =	stream.indirect.scatter.add.f32 [tilespmem:s12], [sflag:$0x1], $0x80, s17, s14, $0xb8;
	[tilespmem:$0x16400] =	vst v63  }
0x2a: {  	_ = 	snop  }
0x2b: {  	[spmem:s3] =	stream.indirect.scatter.add.f32 [tilespmem:s12], [sflag:$0x1], $0x80, s18, s14, $0xb8;
	[tilespmem:$0x16400] =	vst v63  }
0x2c: {  	_ = 	snop  }
0x2d: {  	[spmem:s3] =	stream.indirect.scatter.add.f32 [tilespmem:s12], [sflag:$0x1], $0x80, s19, s14, $0xb8;
	[tilespmem:$0x16400] =	vst v63  }
0x2e: {  	_ = 	snop  }
0x2f: {  	[spmem:s3] =	stream.indirect.scatter.add.f32 [tilespmem:s12], [sflag:$0x1], $0x80, s20, s14, $0xb8;
	[tilespmem:$0x16400] =	vst v63  }
0x30: {  	_ = 	snop  }
0x31: {  	[spmem:s3] =	stream.indirect.scatter.add.f32 [tilespmem:s12], [sflag:$0x1], $0x80, s21, s14, $0xb8;
	[tilespmem:$0x16400] =	vst v63  }
0x32: {  	_ = 	snop  }
0x33: {  	[spmem:s3] =	stream.indirect.scatter.add.f32 [tilespmem:s12], [sflag:$0x1], $0x80, s22, s14, $0xb8;
	[tilespmem:$0x16400] =	vst v63  }
0x34: {  	_ = 	snop  }
0x35: {  	[spmem:s3] =	stream.indirect.scatter.add.f32 [tilespmem:s12], [sflag:$0x1], $0x80, s23, s14, $0xb8;
	[tilespmem:$0x16400] =	vst v63  }
0x36: {  	_ = 	snop  }
0x37: {  	[spmem:s3] =	stream.indirect.scatter.add.f32 [tilespmem:s12], [sflag:$0x1], $0x80, s24, s14, $0xb8;
	[tilespmem:$0x16400] =	vst v63  }
0x38: {  	_ = 	snop  }
0x39: {  	[spmem:s3] =	stream.indirect.scatter.add.f32 [tilespmem:s12], [sflag:$0x1], $0x80, s25, s14, $0xb8;
	[tilespmem:$0x16400] =	vst v63  }
0x3a: {  	_ = 	snop  }
0x3b: {  	[spmem:s3] =	stream.indirect.scatter.add.f32 [tilespmem:s12], [sflag:$0x1], $0x80, s26, s14, $0xb8;
	[tilespmem:$0x16400] =	vst v63  }
0x3c: {  	_ = 	snop  }
0x3d: {  	[spmem:s3] =	stream.indirect.scatter.add.f32 [tilespmem:s12], [sflag:$0x1], $0x80, s28, s14, $0xb8;
	[tilespmem:$0x16400] =	vst v63  }
0x3e: {  	_ = 	snop  }
0x3f: {  	[spmem:s3] =	stream.indirect.scatter.add.f32 [tilespmem:s12], [sflag:$0x1], $0x80, s29, s14, $0xb8;
	[tilespmem:$0x16400] =	vst v63  }
0x40: {  	_ = 	snop  }
0x41: {  	[spmem:s3] =	stream.indirect.scatter.add.f32 [tilespmem:s12], [sflag:$0x1], $0x80, s30, s14, $0xb8;
	[tilespmem:$0x16400] =	vst v63  }
0x42: {  	_ =	swait.ge [sflag:s31], $0x2000  }
0x43: {  	[sflag:s31] =	ssyncset.done $0x0  }
0x44: {  	[sflag:s31] =	ssyncadd.s32 $0xFFFFE000  }
0x45: {  	_ =	swait.ge [sflag:s31], $0x2000  }
0x46: {  	[sflag:s31] =	ssyncset.done $0x0  }
0x47: {  	[sflag:s31] =	ssyncadd.s32 $0xFFFFE000  }
0x48: {  	_ =	swait.ge [sflag:s31], $0x2000  }
0x49: {  	[sflag:s31] =	ssyncset.done $0x0  }
0x4a: {  	[sflag:s31] =	ssyncadd.s32 $0xFFFFE000  }
0x4b: {  	_ =	swait.ge [sflag:s31], $0x2000  }
0x4c: {  	[sflag:s31] =	ssyncset.done $0x0  }
0x4d: {  	[sflag:s31] =	ssyncadd.s32 $0xFFFFE000  }
0x4e: {  	_ =	swait.ge [sflag:s31], $0x2000  }
0x4f: {  	[sflag:s31] =	ssyncset.done $0x0  }
0x50: {  	[sflag:s31] =	ssyncadd.s32 $0xFFFFE000  }
0x51: {  	_ =	swait.ge [sflag:s31], $0x2000  }
0x52: {  	[sflag:s31] =	ssyncset.done $0x0  }
0x53: {  	[sflag:s31] =	ssyncadd.s32 $0xFFFFE000  }
0x54: {  	_ =	swait.ge [sflag:s31], $0x2000  }
0x55: {  	[sflag:s31] =	ssyncset.done $0x0  }
0x56: {  	[sflag:s31] =	ssyncadd.s32 $0xFFFFE000  }
0x57: {  	_ =	swait.ge [sflag:s31], $0x2000  }
0x58: {  	[sflag:s31] =	ssyncset.done $0x0  }
0x59: {  	[sflag:s31] =	ssyncadd.s32 $0xFFFFE000  }
0x5a: {  	_ =	swait.ge [sflag:s31], $0x2000  }
0x5b: {  	[sflag:s31] =	ssyncset.done $0x0  }
0x5c: {  	[sflag:s31] =	ssyncadd.s32 $0xFFFFE000  }
0x5d: {  	_ =	swait.ge [sflag:s31], $0x2000  }
0x5e: {  	[sflag:s31] =	ssyncset.done $0x0  }
0x5f: {  	[sflag:s31] =	ssyncadd.s32 $0xFFFFE000  }
0x60: {  	_ =	swait.ge [sflag:s31], $0x2000  }
0x61: {  	[sflag:s31] =	ssyncset.done $0x0  }
0x62: {  	[sflag:s31] =	ssyncadd.s32 $0xFFFFE000  }
0x63: {  	_ =	swait.ge [sflag:s31], $0x2000  }
0x64: {  	[sflag:s31] =	ssyncset.done $0x0  }
0x65: {  	[sflag:s31] =	ssyncadd.s32 $0xFFFFE000  }
0x66: {  	_ =	swait.ge [sflag:s31], $0x2000  }
0x67: {  	[sflag:s31] =	ssyncset.done $0x0  }
0x68: {  	[sflag:s31] =	ssyncadd.s32 $0xFFFFE000  }
0x69: {  	_ =	swait.ge [sflag:s31], $0x2000  }
0x6a: {  	[sflag:s31] =	ssyncset.done $0x0  }
0x6b: {  	[sflag:s31] =	ssyncadd.s32 $0xFFFFE000  }
0x6c: {  	_ =	swait.ge [sflag:s31], $0x2000  }
0x6d: {  	[sflag:s31] =	ssyncset.done $0x0  }
0x6e: {  	[sflag:s31] =	ssyncadd.s32 $0xFFFFE000  }
0x6f: {  	_ =	swait.ge [sflag:s31], $0x2000  }
0x70: {  	s2 =	simm.s32 $0x200;
	s0 =	simm.s32 $0x100;
	[sflag:s31] =	ssyncset.done $0x0  }
.LBB2_2:
0x71: {  	s7 =	sadd.s32 s0, s9  }
0x72: {  	[sflag:s31] =	ssyncadd.s32 $0xFFFFE000;
	s0 =	smov.u32 s2;
	s5 =	sadd.s32 $0x100, s2  }
0x73: {  	[tilespmem:s13], [sflag:$0x2] =	stream.linear.gather [hbm4b:s7+s4], $0x800, $0x38;
	[tilespmem:$0x16400] =	vst v63  }
0x74: {  	p0 =	sne.s32 s2, $0x900;
	_ =	swait.ge [sflag:s11], $0x800  }
0x75: {  	[sflag:s11] =	ssyncset.done $0x0  }
0x76: {  	[sflag:s11] =	ssyncadd.s32 $0xFFFFF800  }
0x77: {  	[spmem:s3] =	stream.indirect.scatter.add.f32 [tilespmem:s12], [sflag:$0x1], $0x80, s13, s14, $0xb8;
	[tilespmem:$0x16400] =	vst v63  }
0x78: {  	_ = 	snop  }
0x79: {  	[spmem:s3] =	stream.indirect.scatter.add.f32 [tilespmem:s12], [sflag:$0x1], $0x80, s15, s14, $0xb8;
	[tilespmem:$0x16400] =	vst v63  }
0x7a: {  	_ = 	snop  }
0x7b: {  	[spmem:s3] =	stream.indirect.scatter.add.f32 [tilespmem:s12], [sflag:$0x1], $0x80, s16, s14, $0xb8;
	[tilespmem:$0x16400] =	vst v63  }
0x7c: {  	_ = 	snop  }
0x7d: {  	[spmem:s3] =	stream.indirect.scatter.add.f32 [tilespmem:s12], [sflag:$0x1], $0x80, s17, s14, $0xb8;
	[tilespmem:$0x16400] =	vst v63  }
0x7e: {  	_ = 	snop  }
0x7f: {  	[spmem:s3] =	stream.indirect.scatter.add.f32 [tilespmem:s12], [sflag:$0x1], $0x80, s18, s14, $0xb8;
	[tilespmem:$0x16400] =	vst v63  }
0x80: {  	_ = 	snop  }
0x81: {  	[spmem:s3] =	stream.indirect.scatter.add.f32 [tilespmem:s12], [sflag:$0x1], $0x80, s19, s14, $0xb8;
	[tilespmem:$0x16400] =	vst v63  }
0x82: {  	_ = 	snop  }
0x83: {  	[spmem:s3] =	stream.indirect.scatter.add.f32 [tilespmem:s12], [sflag:$0x1], $0x80, s20, s14, $0xb8;
	[tilespmem:$0x16400] =	vst v63  }
0x84: {  	_ = 	snop  }
0x85: {  	[spmem:s3] =	stream.indirect.scatter.add.f32 [tilespmem:s12], [sflag:$0x1], $0x80, s21, s14, $0xb8;
	[tilespmem:$0x16400] =	vst v63  }
0x86: {  	_ = 	snop  }
0x87: {  	[spmem:s3] =	stream.indirect.scatter.add.f32 [tilespmem:s12], [sflag:$0x1], $0x80, s22, s14, $0xb8;
	[tilespmem:$0x16400] =	vst v63  }
0x88: {  	_ = 	snop  }
0x89: {  	[spmem:s3] =	stream.indirect.scatter.add.f32 [tilespmem:s12], [sflag:$0x1], $0x80, s23, s14, $0xb8;
	[tilespmem:$0x16400] =	vst v63  }
0x8a: {  	_ = 	snop  }
0x8b: {  	[spmem:s3] =	stream.indirect.scatter.add.f32 [tilespmem:s12], [sflag:$0x1], $0x80, s24, s14, $0xb8;
	[tilespmem:$0x16400] =	vst v63  }
0x8c: {  	_ = 	snop  }
0x8d: {  	[spmem:s3] =	stream.indirect.scatter.add.f32 [tilespmem:s12], [sflag:$0x1], $0x80, s25, s14, $0xb8;
	[tilespmem:$0x16400] =	vst v63  }
0x8e: {  	_ = 	snop  }
0x8f: {  	[spmem:s3] =	stream.indirect.scatter.add.f32 [tilespmem:s12], [sflag:$0x1], $0x80, s26, s14, $0xb8;
	[tilespmem:$0x16400] =	vst v63  }
0x90: {  	_ = 	snop  }
0x91: {  	[spmem:s3] =	stream.indirect.scatter.add.f32 [tilespmem:s12], [sflag:$0x1], $0x80, s28, s14, $0xb8;
	[tilespmem:$0x16400] =	vst v63  }
0x92: {  	_ = 	snop  }
0x93: {  	[spmem:s3] =	stream.indirect.scatter.add.f32 [tilespmem:s12], [sflag:$0x1], $0x80, s29, s14, $0xb8;
	[tilespmem:$0x16400] =	vst v63  }
0x94: {  	_ = 	snop  }
0x95: {  	[spmem:s3] =	stream.indirect.scatter.add.f32 [tilespmem:s12], [sflag:$0x1], $0x80, s30, s14, $0xb8;
	[tilespmem:$0x16400] =	vst v63  }
0x96: {  	_ =	swait.ge [sflag:s31], $0x2000  }
0x97: {  	[sflag:s31] =	ssyncset.done $0x0  }
0x98: {  	[sflag:s31] =	ssyncadd.s32 $0xFFFFE000  }
0x99: {  	_ =	swait.ge [sflag:s31], $0x2000  }
0x9a: {  	[sflag:s31] =	ssyncset.done $0x0  }
0x9b: {  	[sflag:s31] =	ssyncadd.s32 $0xFFFFE000  }
0x9c: {  	_ =	swait.ge [sflag:s31], $0x2000  }
0x9d: {  	[sflag:s31] =	ssyncset.done $0x0  }
0x9e: {  	[sflag:s31] =	ssyncadd.s32 $0xFFFFE000  }
0x9f: {  	_ =	swait.ge [sflag:s31], $0x2000  }
0xa0: {  	[sflag:s31] =	ssyncset.done $0x0  }
0xa1: {  	[sflag:s31] =	ssyncadd.s32 $0xFFFFE000  }
0xa2: {  	_ =	swait.ge [sflag:s31], $0x2000  }
0xa3: {  	[sflag:s31] =	ssyncset.done $0x0  }
0xa4: {  	[sflag:s31] =	ssyncadd.s32 $0xFFFFE000  }
0xa5: {  	_ =	swait.ge [sflag:s31], $0x2000  }
0xa6: {  	[sflag:s31] =	ssyncset.done $0x0  }
0xa7: {  	[sflag:s31] =	ssyncadd.s32 $0xFFFFE000  }
0xa8: {  	_ =	swait.ge [sflag:s31], $0x2000  }
0xa9: {  	[sflag:s31] =	ssyncset.done $0x0  }
0xaa: {  	[sflag:s31] =	ssyncadd.s32 $0xFFFFE000  }
0xab: {  	_ =	swait.ge [sflag:s31], $0x2000  }
0xac: {  	[sflag:s31] =	ssyncset.done $0x0  }
0xad: {  	[sflag:s31] =	ssyncadd.s32 $0xFFFFE000  }
0xae: {  	_ =	swait.ge [sflag:s31], $0x2000  }
0xaf: {  	[sflag:s31] =	ssyncset.done $0x0  }
0xb0: {  	[sflag:s31] =	ssyncadd.s32 $0xFFFFE000  }
0xb1: {  	_ =	swait.ge [sflag:s31], $0x2000  }
0xb2: {  	[sflag:s31] =	ssyncset.done $0x0  }
0xb3: {  	[sflag:s31] =	ssyncadd.s32 $0xFFFFE000  }
0xb4: {  	_ =	swait.ge [sflag:s31], $0x2000  }
0xb5: {  	[sflag:s31] =	ssyncset.done $0x0  }
0xb6: {  	[sflag:s31] =	ssyncadd.s32 $0xFFFFE000  }
0xb7: {  	_ =	swait.ge [sflag:s31], $0x2000  }
0xb8: {  	[sflag:s31] =	ssyncset.done $0x0  }
0xb9: {  	[sflag:s31] =	ssyncadd.s32 $0xFFFFE000  }
0xba: {  	_ =	swait.ge [sflag:s31], $0x2000  }
0xbb: {  	[sflag:s31] =	ssyncset.done $0x0  }
0xbc: {  	[sflag:s31] =	ssyncadd.s32 $0xFFFFE000  }
0xbd: {  	_ =	swait.ge [sflag:s31], $0x2000  }
0xbe: {  	[sflag:s31] =	ssyncset.done $0x0  }
0xbf: {  	[sflag:s31] =	ssyncadd.s32 $0xFFFFE000  }
.Ltmp0:
0xc0: {  	_ =	swait.ge [sflag:s31], $0x2000;
	(pc) =	sbr.rel @p0 .LBB2_2-.Ltmp0, $4  }
0xc1: {  	[sflag:s31] =	ssyncset.done $0x0  }
0xc2: {  	[sflag:s31] =	ssyncadd.s32 $0xFFFFE000  }
0xc3: {  	_ =	swait.ge [sflag:s31], $0x2000  }
0xc4: {  	s2 =	smov.u32 s5;
	[sflag:s31] =	ssyncset.done $0x0  }
0xc5: {  	s0 =	sadd.s32 s0, s9;
	[sflag:s31] =	ssyncadd.s32 $0xFFFFE000  }
0xc6: {  	[tilespmem:s13], [sflag:$0x2] =	stream.linear.gather [hbm4b:s0+s4], $0x800, $0x38;
	[tilespmem:$0x16400] =	vst v63  }
0xc7: {  	_ =	swait.ge [sflag:s11], $0x800  }
0xc8: {  	[sflag:s11] =	ssyncset.done $0x0  }
0xc9: {  	[sflag:s11] =	ssyncadd.s32 $0xFFFFF800  }
0xca: {  	[spmem:s3] =	stream.indirect.scatter.add.f32 [tilespmem:s12], [sflag:$0x1], $0x80, s13, s14, $0xb8;
	[tilespmem:$0x16400] =	vst v63  }
0xcb: {  	_ = 	snop  }
0xcc: {  	[spmem:s3] =	stream.indirect.scatter.add.f32 [tilespmem:s12], [sflag:$0x1], $0x80, s15, s14, $0xb8;
	[tilespmem:$0x16400] =	vst v63  }
0xcd: {  	_ = 	snop  }
0xce: {  	[spmem:s3] =	stream.indirect.scatter.add.f32 [tilespmem:s12], [sflag:$0x1], $0x80, s16, s14, $0xb8;
	[tilespmem:$0x16400] =	vst v63  }
0xcf: {  	_ = 	snop  }
0xd0: {  	[spmem:s3] =	stream.indirect.scatter.add.f32 [tilespmem:s12], [sflag:$0x1], $0x80, s17, s14, $0xb8;
	[tilespmem:$0x16400] =	vst v63  }
0xd1: {  	_ = 	snop  }
0xd2: {  	[spmem:s3] =	stream.indirect.scatter.add.f32 [tilespmem:s12], [sflag:$0x1], $0x80, s18, s14, $0xb8;
	[tilespmem:$0x16400] =	vst v63  }
0xd3: {  	_ = 	snop  }
0xd4: {  	[spmem:s3] =	stream.indirect.scatter.add.f32 [tilespmem:s12], [sflag:$0x1], $0x80, s19, s14, $0xb8;
	[tilespmem:$0x16400] =	vst v63  }
0xd5: {  	_ = 	snop  }
0xd6: {  	[spmem:s3] =	stream.indirect.scatter.add.f32 [tilespmem:s12], [sflag:$0x1], $0x80, s20, s14, $0xb8;
	[tilespmem:$0x16400] =	vst v63  }
0xd7: {  	_ = 	snop  }
0xd8: {  	[spmem:s3] =	stream.indirect.scatter.add.f32 [tilespmem:s12], [sflag:$0x1], $0x80, s21, s14, $0xb8;
	[tilespmem:$0x16400] =	vst v63  }
0xd9: {  	_ = 	snop  }
0xda: {  	[spmem:s3] =	stream.indirect.scatter.add.f32 [tilespmem:s12], [sflag:$0x1], $0x80, s22, s14, $0xb8;
	[tilespmem:$0x16400] =	vst v63  }
0xdb: {  	_ = 	snop  }
0xdc: {  	[spmem:s3] =	stream.indirect.scatter.add.f32 [tilespmem:s12], [sflag:$0x1], $0x80, s23, s14, $0xb8;
	[tilespmem:$0x16400] =	vst v63  }
0xdd: {  	_ = 	snop  }
0xde: {  	[spmem:s3] =	stream.indirect.scatter.add.f32 [tilespmem:s12], [sflag:$0x1], $0x80, s24, s14, $0xb8;
	[tilespmem:$0x16400] =	vst v63  }
0xdf: {  	_ = 	snop  }
0xe0: {  	[spmem:s3] =	stream.indirect.scatter.add.f32 [tilespmem:s12], [sflag:$0x1], $0x80, s25, s14, $0xb8;
	[tilespmem:$0x16400] =	vst v63  }
0xe1: {  	_ = 	snop  }
0xe2: {  	[spmem:s3] =	stream.indirect.scatter.add.f32 [tilespmem:s12], [sflag:$0x1], $0x80, s26, s14, $0xb8;
	[tilespmem:$0x16400] =	vst v63  }
0xe3: {  	_ = 	snop  }
0xe4: {  	[spmem:s3] =	stream.indirect.scatter.add.f32 [tilespmem:s12], [sflag:$0x1], $0x80, s28, s14, $0xb8;
	[tilespmem:$0x16400] =	vst v63  }
0xe5: {  	_ = 	snop  }
0xe6: {  	[spmem:s3] =	stream.indirect.scatter.add.f32 [tilespmem:s12], [sflag:$0x1], $0x80, s29, s14, $0xb8;
	[tilespmem:$0x16400] =	vst v63  }
0xe7: {  	_ = 	snop  }
0xe8: {  	[spmem:s3] =	stream.indirect.scatter.add.f32 [tilespmem:s12], [sflag:$0x1], $0x80, s30, s14, $0xb8;
	[tilespmem:$0x16400] =	vst v63  }
0xe9: {  	_ =	swait.ge [sflag:s31], $0x2000  }
0xea: {  	[sflag:s31] =	ssyncset.done $0x0  }
0xeb: {  	[sflag:s31] =	ssyncadd.s32 $0xFFFFE000  }
0xec: {  	_ =	swait.ge [sflag:s31], $0x2000  }
0xed: {  	[sflag:s31] =	ssyncset.done $0x0  }
0xee: {  	[sflag:s31] =	ssyncadd.s32 $0xFFFFE000  }
0xef: {  	_ =	swait.ge [sflag:s31], $0x2000  }
0xf0: {  	[sflag:s31] =	ssyncset.done $0x0  }
0xf1: {  	[sflag:s31] =	ssyncadd.s32 $0xFFFFE000  }
0xf2: {  	_ =	swait.ge [sflag:s31], $0x2000  }
0xf3: {  	[sflag:s31] =	ssyncset.done $0x0  }
0xf4: {  	[sflag:s31] =	ssyncadd.s32 $0xFFFFE000  }
0xf5: {  	_ =	swait.ge [sflag:s31], $0x2000  }
0xf6: {  	[sflag:s31] =	ssyncset.done $0x0  }
0xf7: {  	[sflag:s31] =	ssyncadd.s32 $0xFFFFE000  }
0xf8: {  	_ =	swait.ge [sflag:s31], $0x2000  }
0xf9: {  	[sflag:s31] =	ssyncset.done $0x0  }
0xfa: {  	[sflag:s31] =	ssyncadd.s32 $0xFFFFE000  }
0xfb: {  	_ =	swait.ge [sflag:s31], $0x2000  }
0xfc: {  	[sflag:s31] =	ssyncset.done $0x0  }
0xfd: {  	[sflag:s31] =	ssyncadd.s32 $0xFFFFE000  }
0xfe: {  	_ =	swait.ge [sflag:s31], $0x2000  }
0xff: {  	[sflag:s31] =	ssyncset.done $0x0  }
0x100: {  	[sflag:s31] =	ssyncadd.s32 $0xFFFFE000  }
0x101: {  	_ =	swait.ge [sflag:s31], $0x2000  }
0x102: {  	[sflag:s31] =	ssyncset.done $0x0  }
0x103: {  	[sflag:s31] =	ssyncadd.s32 $0xFFFFE000  }
0x104: {  	_ =	swait.ge [sflag:s31], $0x2000  }
0x105: {  	[sflag:s31] =	ssyncset.done $0x0  }
0x106: {  	[sflag:s31] =	ssyncadd.s32 $0xFFFFE000  }
0x107: {  	_ =	swait.ge [sflag:s31], $0x2000  }
0x108: {  	[sflag:s31] =	ssyncset.done $0x0  }
0x109: {  	[sflag:s31] =	ssyncadd.s32 $0xFFFFE000  }
0x10a: {  	_ =	swait.ge [sflag:s31], $0x2000  }
0x10b: {  	[sflag:s31] =	ssyncset.done $0x0  }
0x10c: {  	[sflag:s31] =	ssyncadd.s32 $0xFFFFE000  }
0x10d: {  	_ =	swait.ge [sflag:s31], $0x2000  }
0x10e: {  	[sflag:s31] =	ssyncset.done $0x0  }
0x10f: {  	[sflag:s31] =	ssyncadd.s32 $0xFFFFE000  }
0x110: {  	_ =	swait.ge [sflag:s31], $0x2000  }
0x111: {  	[sflag:s31] =	ssyncset.done $0x0  }
0x112: {  	[sflag:s31] =	ssyncadd.s32 $0xFFFFE000  }
0x113: {  	_ =	swait.ge [sflag:s31], $0x2000  }
0x114: {  	[sflag:s31] =	ssyncset.done $0x0  }
0x115: {  	[sflag:s31] =	ssyncadd.s32 $0xFFFFE000  }
0x116: {  	_ =	swait.ge [sflag:s31], $0x2000  }
0x117: {  	[sflag:s31] =	ssyncset.done $0x0  }
0x118: {  	s1 =	sadd.s32 $0x1, s1;
	[sflag:s31] =	ssyncadd.s32 $0xFFFFE000  }
0x119: {  	p0 =	sne.s32 s1, s8;
	[bflag:$0x0] =	sbarrier.arrive $0xFFFF  }
.Ltmp1:
0x11a: {  	s7 =	rddreg [dreg:$0x5];
	(pc) =	sbr.rel @p0 .LBB2_1-.Ltmp1, $4  }
0x11b: {  	[hbm:s7], [sflag:s6] =	dma.local [spmem:s10], $0x2780  }
0x11c: {  	_ =	swait.ge [sflag:s11], $0x2780  }
0x11d: {  	[sflag:s11] =	ssyncset.done $0x0  }
0x11e: {  	[sflag:s11] =	ssyncadd.s32 $0xFFFFD880  }
0x11f: {  	_ =	sfence.sel $0x180000  }
0x120: {  	[bflag:$0x0] =	sbarrier.arrive $0xFFFF  }
0x121: {  	_ =	strace $0x90000047  }
0x122: {  	s0 =	stileid.u32;
	[bflag:$0x2] =	sbarrier.arrive $0xFFFF  }
0x123: {  	p0 =	sne.s32 s0, $0x0;
	s0 =	rddreg [dreg:$0x3]  }
0x124: {  	s0 =	sadd.s32 @!p0 $0x100000, s0  }
0x125: {  	[sflag:s0] =	ssyncadd.tile.s32 @!p0 $0x1;
	_ =	shalt  }
.Lfunc_end2:
_tile_overlayer_lowered:
.L_overlay_start_2:
0x126: {  	(tag) =	ssettag $0x2  }
0x127: {  	s0 =	rddreg [dreg:$0x0];
	s2 =	stileid.u32  }
0x128: {  	s1 =	rddreg [dreg:$0x1];
	p0 =	sne.s32 s2, $0x0  }
0x129: {  	s3 =	rddreg [dreg:$0x2];
	[bflag:$0x3] =	sbarrier.arrive $0xFFFF;
	s2 =	simm.s32 @!p0 $0x1C02  }
0x12a: {  	[timem:s3], [sflag:s2] =	dma.local @!p0 [hbm:s0], s1  }
0x12b: {  	s0 =	simm.s32 @!p0 $0x2  }
0x12c: {  	_ =	swait.ge @!p0 [sflag:s0], s1  }
0x12d: {  	s1 =	ssub.s32 @!p0 $0x0, s1;
	[sflag:s0] =	ssyncset.done @!p0 $0x0  }
0x12e: {  	[sflag:s0] =	ssyncadd.s32 @!p0 s1  }
0x12f: {  	[bflag:$0x3] =	sbarrier.arrive $0xFFFF  }
0x130: {  	_ =	shalt  }

</sc_bundles>
